<compile_context>
chip_gen: v7x
topology: tpu7x:2x2x1
jax: 0.10.2.dev20260603
libtpu: 0.0.44.dev20260713+nightly
codegen_flags: <defaults>
</compile_context>

<pallas_src>
import jax
import jax.numpy as jnp
from jax import lax
from jax.experimental import pallas as pl
from jax.experimental.pallas import tpu as pltpu
from jax.experimental.pallas import tpu_sc as plsc

N = 10000
E = 320000
D_IN = 9
H = 128
G = 8

NC = 2
NS = 16
NW = NC * NS

NPAD = 10240
RPT = NPAD // NS
CH = 128
NCHUNK = 80
EPW = NCHUNK * CH
EPAD = NW * EPW

BLK = 2048
NBLK = NPAD // BLK

_f32 = jnp.float32



def _make_sc_agg_body(w_cols, fill_ones):
    def body(h_hbm, src_hbm, dst_hbm, dep_hbm, out_hbm,
             src_v, dst_v, rows_v, acc_sh, sem0, sem1):
        del dep_hbm
        c = lax.axis_index("c")
        s = lax.axis_index("s")
        w = c * NS + s

        def zrow(j, _):
            for k in range(w_cols // 16):
                rows_v[0, j, pl.ds(k * 16, 16)] = jnp.zeros((16,), _f32)
            return 0
        lax.fori_loop(0, CH, zrow, 0)
        for k in range(RPT // CH):
            pltpu.sync_copy(rows_v.at[0],
                            acc_sh.at[pl.ds(s * RPT + k * CH, CH)])

        plsc.subcore_barrier()

        HALF = NCHUNK // 2
        if fill_ones:
            def orow(j, _):
                for k in range(w_cols // 16):
                    rows_v[0, j, pl.ds(k * 16, 16)] = jnp.ones((16,), _f32)
                return 0
            lax.fori_loop(0, CH, orow, 0)

        for half in range(2):
            pltpu.sync_copy(src_hbm.at[w, pl.ds(half * HALF, HALF)], src_v)
            pltpu.sync_copy(dst_hbm.at[w, pl.ds(half * HALF, HALF)], dst_v)

            if fill_ones:
                def step1(j, _):
                    pltpu.sync_copy(rows_v.at[0], acc_sh.at[dst_v.at[j]],
                                    add=True)
                    return 0
                lax.fori_loop(0, HALF, step1, 0)
                continue

            pltpu.async_copy(h_hbm.at[src_v.at[0]], rows_v.at[0], sem0)

            def step(jj, _):
                j0 = 2 * jj
                j1 = j0 + 1
                pltpu.async_copy(h_hbm.at[src_v.at[j1]], rows_v.at[1], sem1)
                pltpu.make_async_copy(
                    h_hbm.at[src_v.at[j0]], rows_v.at[0], sem0).wait()
                pltpu.sync_copy(rows_v.at[0], acc_sh.at[dst_v.at[j0]],
                                add=True)

                @pl.when(jj < HALF // 2 - 1)
                def _():
                    pltpu.async_copy(h_hbm.at[src_v.at[j0 + 2]],
                                     rows_v.at[0], sem0)

                pltpu.make_async_copy(
                    h_hbm.at[src_v.at[j1]], rows_v.at[1], sem1).wait()
                pltpu.sync_copy(rows_v.at[1], acc_sh.at[dst_v.at[j1]],
                                add=True)
                return 0

            lax.fori_loop(0, HALF // 2, step, 0)

        plsc.subcore_barrier()

        for k in range(RPT // CH):
            rows = pl.ds(s * RPT + k * CH, CH)
            pltpu.sync_copy(acc_sh.at[rows], out_hbm.at[c, rows])

    return body


def _sc_agg(table, src_slabs, dst_slabs, dep, w_cols, fill_ones=False):
    mesh = plsc.VectorSubcoreMesh(
        core_axis_name="c", subcore_axis_name="s", num_cores=NC,
        num_subcores=NS)
    kern = pl.kernel(
        _make_sc_agg_body(w_cols, fill_ones),
        out_type=jax.ShapeDtypeStruct((NC, NPAD, w_cols), _f32),
        mesh=mesh,
        scratch_types=[
            pltpu.VMEM((NCHUNK // 2, CH), jnp.int32),
            pltpu.VMEM((NCHUNK // 2, CH), jnp.int32),
            pltpu.VMEM((2, CH, w_cols), _f32),
            pltpu.VMEM_SHARED((NPAD, w_cols), _f32),
            pltpu.SemaphoreType.DMA,
            pltpu.SemaphoreType.DMA,
        ],
    )
    return kern(table, src_slabs, dst_slabs, dep)



def _ln_relu(y, g, be):
    mu = jnp.mean(y, axis=1, keepdims=True)
    var = jnp.mean((y - mu) ** 2, axis=1, keepdims=True)
    yn = (y - mu) * lax.rsqrt(var + 1e-5) * g + be
    return jnp.maximum(yn, 0.0)


def _tc_in_body(x_ref, w_ref, b_ref, g_ref, be_ref, o_ref):
    y = jnp.dot(x_ref[...], w_ref[...], preferred_element_type=_f32)
    o_ref[...] = _ln_relu(y + b_ref[...], g_ref[...], be_ref[...])


def _tc_input(x_pad, w0t, b0, g0, be0):
    row = lambda i: (i, 0)
    fixed = lambda i: (0, 0)
    return pl.pallas_call(
        _tc_in_body,
        grid=(NBLK,),
        in_specs=[
            pl.BlockSpec((BLK, H), row),
            pl.BlockSpec((H, H), fixed),
            pl.BlockSpec((1, H), fixed),
            pl.BlockSpec((1, H), fixed),
            pl.BlockSpec((1, H), fixed),
        ],
        out_specs=pl.BlockSpec((BLK, H), row),
        out_shape=jax.ShapeDtypeStruct((NPAD, H), _f32),
    )(x_pad, w0t, b0, g0, be0)


def _tc_layer_body(p_ref, deg_ref, h_ref, wl_ref, wr_ref, b_ref, g_ref,
                   be_ref, o_ref):
    rdeg = 1.0 / jnp.maximum(deg_ref[0, :, :1] + deg_ref[1, :, :1], 1.0)
    agg = (p_ref[0] + p_ref[1]) * rdeg
    y = (jnp.dot(agg, wl_ref[...], preferred_element_type=_f32)
         + jnp.dot(h_ref[...].astype(_f32), wr_ref[...],
                   preferred_element_type=_f32)
         + b_ref[...])
    o_ref[...] = _ln_relu(y, g_ref[...], be_ref[...])


def _tc_layer(p, deg16, h, wlt, wrt, b, g, be):
    row = lambda i: (i, 0)
    fixed = lambda i: (0, 0)
    return pl.pallas_call(
        _tc_layer_body,
        grid=(NBLK,),
        in_specs=[
            pl.BlockSpec((NC, BLK, H), lambda i: (0, i, 0)),
            pl.BlockSpec((NC, BLK, 16), lambda i: (0, i, 0)),
            pl.BlockSpec((BLK, H), row),
            pl.BlockSpec((H, H), fixed),
            pl.BlockSpec((H, H), fixed),
            pl.BlockSpec((1, H), fixed),
            pl.BlockSpec((1, H), fixed),
            pl.BlockSpec((1, H), fixed),
        ],
        out_specs=pl.BlockSpec((BLK, H), row),
        out_shape=jax.ShapeDtypeStruct((NPAD, H), _f32),
    )(p, deg16, h, wlt, wrt, b, g, be)


def _tc_final_body(p_ref, deg_ref, h_ref, wl_ref, wr_ref, b_ref, g_ref,
                   be_ref, batch_ref, o_ref, mean_ref, max_ref, cnt_ref):
    rdeg = 1.0 / jnp.maximum(deg_ref[0, :, :1] + deg_ref[1, :, :1], 1.0)
    agg = (p_ref[0] + p_ref[1]) * rdeg
    y = (jnp.dot(agg, wl_ref[...], preferred_element_type=_f32)
         + jnp.dot(h_ref[...].astype(_f32), wr_ref[...],
                   preferred_element_type=_f32)
         + b_ref[...])
    ne = _ln_relu(y, g_ref[...], be_ref[...])
    o_ref[...] = ne

    i = pl.program_id(0)

    @pl.when(i == 0)
    def _():
        mean_ref[...] = jnp.zeros((G, H), _f32)
        cnt_ref[...] = jnp.zeros((G, H), _f32)
        max_ref[...] = jnp.full((G, H), -jnp.inf, _f32)

    b_ids = batch_ref[...]
    oh = (lax.broadcasted_iota(jnp.int32, (BLK, G), 1) == b_ids).astype(_f32)
    dn = (((0,), (0,)), ((), ()))
    mean_ref[...] += lax.dot_general(oh, ne, dn, preferred_element_type=_f32)
    cnt_ref[...] += lax.dot_general(oh, jnp.ones((BLK, H), _f32), dn,
                                    preferred_element_type=_f32)
    for gi in range(G):
        vg = jnp.where(b_ids == gi, ne, -jnp.inf)
        max_ref[gi:gi + 1, :] = jnp.maximum(
            max_ref[gi:gi + 1, :], jnp.max(vg, axis=0, keepdims=True))

    @pl.when(i == NBLK - 1)
    def _():
        mean_ref[...] = mean_ref[...] / jnp.maximum(cnt_ref[...], 1.0)


def _tc_final(p, deg16, h, wlt, wrt, b, g, be, batch_col):
    row = lambda i: (i, 0)
    fixed = lambda i: (0, 0)
    return pl.pallas_call(
        _tc_final_body,
        grid=(NBLK,),
        in_specs=[
            pl.BlockSpec((NC, BLK, H), lambda i: (0, i, 0)),
            pl.BlockSpec((NC, BLK, 16), lambda i: (0, i, 0)),
            pl.BlockSpec((BLK, H), row),
            pl.BlockSpec((H, H), fixed),
            pl.BlockSpec((H, H), fixed),
            pl.BlockSpec((1, H), fixed),
            pl.BlockSpec((1, H), fixed),
            pl.BlockSpec((1, H), fixed),
            pl.BlockSpec((BLK, 1), row),
        ],
        out_specs=[
            pl.BlockSpec((BLK, H), row),
            pl.BlockSpec((G, H), fixed),
            pl.BlockSpec((G, H), fixed),
        ],
        out_shape=[
            jax.ShapeDtypeStruct((NPAD, H), _f32),
            jax.ShapeDtypeStruct((G, H), _f32),
            jax.ShapeDtypeStruct((G, H), _f32),
        ],
        scratch_shapes=[pltpu.VMEM((G, H), _f32)],
    )(p, deg16, h, wlt, wrt, b, g, be, batch_col)



def kernel(x, edge_index, batch, params):
    src = edge_index[0]
    dst = edge_index[1]

    per_w = E // NW
    pad_per_w = EPW - per_w
    pad_idx = jnp.broadcast_to(
        N + jnp.arange(pad_per_w, dtype=jnp.int32)[None, :], (NW, pad_per_w))
    src_slabs = jnp.concatenate(
        [src.reshape(NW, per_w), pad_idx], axis=1).reshape(NW, NCHUNK, CH)
    dst_slabs = jnp.concatenate(
        [dst.reshape(NW, per_w), pad_idx], axis=1).reshape(NW, NCHUNK, CH)

    x_pad = jnp.zeros((NPAD, H), _f32).at[:N, :D_IN].set(x)
    batch_col = jnp.full((NPAD, 1), G, jnp.int32).at[:N, 0].set(batch)

    p = params
    w0t = jnp.zeros((H, H), _f32).at[:D_IN, :].set(p['W0'].T)
    r2 = lambda v: v.reshape(1, H)

    ones_tab = jnp.ones((NPAD, H), _f32)
    deg16 = _sc_agg(ones_tab, src_slabs, dst_slabs, dst_slabs, H,
                    fill_ones=True)[:, :, :16]

    h = _tc_input(x_pad, w0t, r2(p['b0']), r2(p['g0']), r2(p['be0']))

    for li in ('1', '2'):
        agg = _sc_agg(h, src_slabs, dst_slabs, deg16, H)
        h = _tc_layer(agg, deg16, h, p['Wl' + li].T, p['Wr' + li].T,
                      r2(p['bl' + li]), r2(p['g' + li]), r2(p['be' + li]))

    agg = _sc_agg(h, src_slabs, dst_slabs, deg16, H)
    node_pad, h_mean, h_max = _tc_final(
        agg, deg16, h, p['Wl3'].T, p['Wr3'].T,
        r2(p['bl3']), r2(p['g3']), r2(p['be3']), batch_col)

    node_embed = node_pad[:N]
    graph_embed = jnp.concatenate([h_mean, h_max], axis=-1)
    return node_embed, graph_embed

# --- scband reference (transcript-rebuilt; emitter-appended) ---
"""Pipeline reference for scband-graph-sageencoder-71098888618518 (READ-ONLY COPY).

The authoritative reference and input builder live on the scoring server;
editing this copy changes nothing except your own understanding.
"""

import jax, jax.numpy as jnp
import numpy as np

N = 10000
E = 320000
D_IN = 9
H = 128
D_OUT = 128
G = 8

def _glorot(key, shape):
    fan_in = shape[-1]
    return jax.random.normal(key, shape, dtype=jnp.float32) / jnp.sqrt(fan_in)

def layer_norm(x, gamma, beta, eps=1e-5):
    mu = jnp.mean(x, axis=-1, keepdims=True)
    var = jnp.var(x, axis=-1, keepdims=True)
    return (x - mu) / jnp.sqrt(var + eps) * gamma + beta

def sage_conv(x, src, dst, Wl, bl, Wr):
    # PyG SAGEConv (mean aggregation): out = lin_l(mean_{j in N(i)} x_j) + lin_r(x_i)
    msgs = jnp.take(x, src, axis=0)
    agg = jax.ops.segment_sum(msgs, dst, num_segments=N)
    deg = jax.ops.segment_sum(jnp.ones((src.shape[0],), dtype=x.dtype), dst, num_segments=N)
    agg = agg / jnp.maximum(deg, 1.0)[:, None]
    return agg @ Wl.T + bl + x @ Wr.T

def _forward(x, params, edge_index, batch):
    src = edge_index[0]
    dst = edge_index[1]
    # node_embedder: Linear -> LayerNorm -> ReLU
    h = x @ params['W0'].T + params['b0']
    h = jax.nn.relu(layer_norm(h, params['g0'], params['be0']))
    # conv1 -> norm1 -> relu (dropout is identity in eval mode)
    h = sage_conv(h, src, dst, params['Wl1'], params['bl1'], params['Wr1'])
    h = jax.nn.relu(layer_norm(h, params['g1'], params['be1']))
    # conv2 -> norm2 -> relu
    h = sage_conv(h, src, dst, params['Wl2'], params['bl2'], params['Wr2'])
    h = jax.nn.relu(layer_norm(h, params['g2'], params['be2']))
    # conv3 -> norm3 -> relu
    h = sage_conv(h, src, dst, params['Wl3'], params['bl3'], params['Wr3'])
    node_embed = jax.nn.relu(layer_norm(h, params['g3'], params['be3']))
    # global mean + max pooling over batch segments
    ones = jnp.ones((N,), dtype=node_embed.dtype)
    cnt = jax.ops.segment_sum(ones, batch, num_segments=G)
    h_mean = jax.ops.segment_sum(node_embed, batch, num_segments=G) / jnp.maximum(cnt, 1.0)[:, None]
    h_max = jax.ops.segment_max(node_embed, batch, num_segments=G)
    graph_embed = jnp.concatenate([h_mean, h_max], axis=-1)
    return node_embed, graph_embed

def setup_inputs(seed: int = 0):
    key = jax.random.key(seed)
    ks = jax.random.split(key, 12)
    x = jax.random.normal(ks[0], (N, D_IN), dtype=jnp.float32)
    edge_index = jax.random.randint(ks[1], (2, E), 0, N, dtype=jnp.int32)
    batch = jnp.sort(jax.random.randint(ks[2], (N,), 0, G, dtype=jnp.int32))
    params = {
        'W0': _glorot(ks[3], (H, D_IN)), 'b0': jnp.zeros((H,), jnp.float32),
        'g0': jnp.ones((H,), jnp.float32), 'be0': jnp.zeros((H,), jnp.float32),
        'Wl1': _glorot(ks[4], (H, H)), 'bl1': jnp.zeros((H,), jnp.float32), 'Wr1': _glorot(ks[5], (H, H)),
        'g1': jnp.ones((H,), jnp.float32), 'be1': jnp.zeros((H,), jnp.float32),
        'Wl2': _glorot(ks[6], (H, H)), 'bl2': jnp.zeros((H,), jnp.float32), 'Wr2': _glorot(ks[7], (H, H)),
        'g2': jnp.ones((H,), jnp.float32), 'be2': jnp.zeros((H,), jnp.float32),
        'Wl3': _glorot(ks[8], (D_OUT, H)), 'bl3': jnp.zeros((D_OUT,), jnp.float32), 'Wr3': _glorot(ks[9], (D_OUT, H)),
        'g3': jnp.ones((D_OUT,), jnp.float32), 'be3': jnp.zeros((D_OUT,), jnp.float32),
    }
    return {'x': x, 'edge_index': edge_index, 'batch': batch, 'params': params}

def reference(x, edge_index, batch, params):
    return _forward(x, params, edge_index, batch)

if __name__ == "__main__":
    import jax
    _d = setup_inputs()
    print(jax.jit(kernel)(*tuple(_d.values())))

</pallas_src>

<mosaic_0001>
#map = affine_map<(d0, d1) -> (0, 0)>
#map1 = affine_map<(d0, d1) -> (0, 0, 0)>
module attributes {stable_mosaic.version = 14 : i64} {
  func.func @body(%arg0: i32, %arg1: i32, %arg2: memref<10240x128xf32, #tpu.memory_space<hbm>>, %arg3: memref<32x80x128xi32, #tpu.memory_space<hbm>>, %arg4: memref<32x80x128xi32, #tpu.memory_space<hbm>>, %arg5: memref<2x10240x16xf32, #tpu.memory_space<hbm>>, %arg6: memref<2x10240x128xf32, #tpu.memory_space<hbm>>, %arg7: memref<40x128xi32, #tpu.memory_space<vmem>>, %arg8: memref<40x128xi32, #tpu.memory_space<vmem>>, %arg9: memref<2x128x128xf32, #tpu.memory_space<vmem>>, %arg10: memref<10240x128xf32, #tpu.memory_space<vmem_shared>>, %arg11: memref<!tpu.dma_semaphore, #tpu.memory_space<semaphore_mem>>, %arg12: memref<!tpu.dma_semaphore, #tpu.memory_space<semaphore_mem>>) attributes {dimension_semantics = [#tpu.dimension_semantics<core_parallel>, #tpu.dimension_semantics<subcore_parallel>], iteration_bounds = array<i64: 2, 16>, scalar_prefetch = 0 : i64, scratch_operands = 6 : i64, tpu.core_type = #tpu.core_type<sc_vector_subcore>, window_params = [{transform_indices = #map}, {transform_indices = #map1}, {transform_indices = #map1}, {transform_indices = #map1}, {transform_indices = #map1}]} {
    %mul3A = arith.constant 16 : i32
    %mul3A_0 = arith.muli %arg0, %mul3A : i32
    %add3A = arith.addi %mul3A_0, %arg1 : i32
    %scan3A = arith.constant 0 : i32
    %scan3A_1 = arith.constant 0 : i32
    %scan3A_2 = arith.constant 128 : i32
    %scan3A_3 = arith.addi %scan3A_1, %scan3A_2 : i32
    %scan3A_4 = arith.constant 1 : i32
    %scan3A_5 = scf.for %scan3A_89 = %scan3A_1 to %scan3A_3 step %scan3A_4 iter_args(%scan3A_90 = %scan3A) -> (i32)  : i32 {
      %broadcast_in_dim3A = arith.constant 0.000000e+00 : f32
      %broadcast_in_dim3A_91 = vector.broadcast %broadcast_in_dim3A : f32 to vector<16xf32>
      %swap3A = arith.constant 0 : i32
      %swap3A_92 = arith.index_cast %swap3A : i32 to index
      %swap3A_93 = arith.index_cast %scan3A_89 : i32 to index
      %swap3A_94 = arith.constant 0 : index
      %swap3A_95 = tpu.vector_load %arg9[%swap3A_92, %swap3A_93, %swap3A_94] {strides = array<i32>} : memref<2x128x128xf32, #tpu.memory_space<vmem>>, vector<1x1x16xf32>,
      %swap3A_96 = vector.shape_cast %swap3A_95 : vector<1x1x16xf32> to vector<16xf32>
      %swap3A_97 = vector.shape_cast %broadcast_in_dim3A_91 : vector<16xf32> to vector<1x1x16xf32>
      tpu.vector_store %arg9[%swap3A_92, %swap3A_93, %swap3A_94], %swap3A_97 {strides = array<i32>} : memref<2x128x128xf32, #tpu.memory_space<vmem>>, vector<1x1x16xf32>,
      %broadcast_in_dim3A_98 = arith.constant 0.000000e+00 : f32
      %broadcast_in_dim3A_99 = vector.broadcast %broadcast_in_dim3A_98 : f32 to vector<16xf32>
      %swap3A_100 = arith.constant 0 : i32
      %swap3A_101 = arith.index_cast %swap3A_100 : i32 to index
      %swap3A_102 = arith.index_cast %scan3A_89 : i32 to index
      %swap3A_103 = arith.constant 16 : index
      %swap3A_104 = tpu.vector_load %arg9[%swap3A_101, %swap3A_102, %swap3A_103] {strides = array<i32>} : memref<2x128x128xf32, #tpu.memory_space<vmem>>, vector<1x1x16xf32>,
      %swap3A_105 = vector.shape_cast %swap3A_104 : vector<1x1x16xf32> to vector<16xf32>
      %swap3A_106 = vector.shape_cast %broadcast_in_dim3A_99 : vector<16xf32> to vector<1x1x16xf32>
      tpu.vector_store %arg9[%swap3A_101, %swap3A_102, %swap3A_103], %swap3A_106 {strides = array<i32>} : memref<2x128x128xf32, #tpu.memory_space<vmem>>, vector<1x1x16xf32>,
      %broadcast_in_dim3A_107 = arith.constant 0.000000e+00 : f32
      %broadcast_in_dim3A_108 = vector.broadcast %broadcast_in_dim3A_107 : f32 to vector<16xf32>
      %swap3A_109 = arith.constant 0 : i32
      %swap3A_110 = arith.index_cast %swap3A_109 : i32 to index
      %swap3A_111 = arith.index_cast %scan3A_89 : i32 to index
      %swap3A_112 = arith.constant 32 : index
      %swap3A_113 = tpu.vector_load %arg9[%swap3A_110, %swap3A_111, %swap3A_112] {strides = array<i32>} : memref<2x128x128xf32, #tpu.memory_space<vmem>>, vector<1x1x16xf32>,
      %swap3A_114 = vector.shape_cast %swap3A_113 : vector<1x1x16xf32> to vector<16xf32>
      %swap3A_115 = vector.shape_cast %broadcast_in_dim3A_108 : vector<16xf32> to vector<1x1x16xf32>
      tpu.vector_store %arg9[%swap3A_110, %swap3A_111, %swap3A_112], %swap3A_115 {strides = array<i32>} : memref<2x128x128xf32, #tpu.memory_space<vmem>>, vector<1x1x16xf32>,
      %broadcast_in_dim3A_116 = arith.constant 0.000000e+00 : f32
      %broadcast_in_dim3A_117 = vector.broadcast %broadcast_in_dim3A_116 : f32 to vector<16xf32>
      %swap3A_118 = arith.constant 0 : i32
      %swap3A_119 = arith.index_cast %swap3A_118 : i32 to index
      %swap3A_120 = arith.index_cast %scan3A_89 : i32 to index
      %swap3A_121 = arith.constant 48 : index
      %swap3A_122 = tpu.vector_load %arg9[%swap3A_119, %swap3A_120, %swap3A_121] {strides = array<i32>} : memref<2x128x128xf32, #tpu.memory_space<vmem>>, vector<1x1x16xf32>,
      %swap3A_123 = vector.shape_cast %swap3A_122 : vector<1x1x16xf32> to vector<16xf32>
      %swap3A_124 = vector.shape_cast %broadcast_in_dim3A_117 : vector<16xf32> to vector<1x1x16xf32>
      tpu.vector_store %arg9[%swap3A_119, %swap3A_120, %swap3A_121], %swap3A_124 {strides = array<i32>} : memref<2x128x128xf32, #tpu.memory_space<vmem>>, vector<1x1x16xf32>,
      %broadcast_in_dim3A_125 = arith.constant 0.000000e+00 : f32
      %broadcast_in_dim3A_126 = vector.broadcast %broadcast_in_dim3A_125 : f32 to vector<16xf32>
      %swap3A_127 = arith.constant 0 : i32
      %swap3A_128 = arith.index_cast %swap3A_127 : i32 to index
      %swap3A_129 = arith.index_cast %scan3A_89 : i32 to index
      %swap3A_130 = arith.constant 64 : index
      %swap3A_131 = tpu.vector_load %arg9[%swap3A_128, %swap3A_129, %swap3A_130] {strides = array<i32>} : memref<2x128x128xf32, #tpu.memory_space<vmem>>, vector<1x1x16xf32>,
      %swap3A_132 = vector.shape_cast %swap3A_131 : vector<1x1x16xf32> to vector<16xf32>
      %swap3A_133 = vector.shape_cast %broadcast_in_dim3A_126 : vector<16xf32> to vector<1x1x16xf32>
      tpu.vector_store %arg9[%swap3A_128, %swap3A_129, %swap3A_130], %swap3A_133 {strides = array<i32>} : memref<2x128x128xf32, #tpu.memory_space<vmem>>, vector<1x1x16xf32>,
      %broadcast_in_dim3A_134 = arith.constant 0.000000e+00 : f32
      %broadcast_in_dim3A_135 = vector.broadcast %broadcast_in_dim3A_134 : f32 to vector<16xf32>
      %swap3A_136 = arith.constant 0 : i32
      %swap3A_137 = arith.index_cast %swap3A_136 : i32 to index
      %swap3A_138 = arith.index_cast %scan3A_89 : i32 to index
      %swap3A_139 = arith.constant 80 : index
      %swap3A_140 = tpu.vector_load %arg9[%swap3A_137, %swap3A_138, %swap3A_139] {strides = array<i32>} : memref<2x128x128xf32, #tpu.memory_space<vmem>>, vector<1x1x16xf32>,
      %swap3A_141 = vector.shape_cast %swap3A_140 : vector<1x1x16xf32> to vector<16xf32>
      %swap3A_142 = vector.shape_cast %broadcast_in_dim3A_135 : vector<16xf32> to vector<1x1x16xf32>
      tpu.vector_store %arg9[%swap3A_137, %swap3A_138, %swap3A_139], %swap3A_142 {strides = array<i32>} : memref<2x128x128xf32, #tpu.memory_space<vmem>>, vector<1x1x16xf32>,
      %broadcast_in_dim3A_143 = arith.constant 0.000000e+00 : f32
      %broadcast_in_dim3A_144 = vector.broadcast %broadcast_in_dim3A_143 : f32 to vector<16xf32>
      %swap3A_145 = arith.constant 0 : i32
      %swap3A_146 = arith.index_cast %swap3A_145 : i32 to index
      %swap3A_147 = arith.index_cast %scan3A_89 : i32 to index
      %swap3A_148 = arith.constant 96 : index
      %swap3A_149 = tpu.vector_load %arg9[%swap3A_146, %swap3A_147, %swap3A_148] {strides = array<i32>} : memref<2x128x128xf32, #tpu.memory_space<vmem>>, vector<1x1x16xf32>,
      %swap3A_150 = vector.shape_cast %swap3A_149 : vector<1x1x16xf32> to vector<16xf32>
      %swap3A_151 = vector.shape_cast %broadcast_in_dim3A_144 : vector<16xf32> to vector<1x1x16xf32>
      tpu.vector_store %arg9[%swap3A_146, %swap3A_147, %swap3A_148], %swap3A_151 {strides = array<i32>} : memref<2x128x128xf32, #tpu.memory_space<vmem>>, vector<1x1x16xf32>,
      %broadcast_in_dim3A_152 = arith.constant 0.000000e+00 : f32
      %broadcast_in_dim3A_153 = vector.broadcast %broadcast_in_dim3A_152 : f32 to vector<16xf32>
      %swap3A_154 = arith.constant 0 : i32
      %swap3A_155 = arith.index_cast %swap3A_154 : i32 to index
      %swap3A_156 = arith.index_cast %scan3A_89 : i32 to index
      %swap3A_157 = arith.constant 112 : index
      %swap3A_158 = tpu.vector_load %arg9[%swap3A_155, %swap3A_156, %swap3A_157] {strides = array<i32>} : memref<2x128x128xf32, #tpu.memory_space<vmem>>, vector<1x1x16xf32>,
      %swap3A_159 = vector.shape_cast %swap3A_158 : vector<1x1x16xf32> to vector<16xf32>
      %swap3A_160 = vector.shape_cast %broadcast_in_dim3A_153 : vector<16xf32> to vector<1x1x16xf32>
      tpu.vector_store %arg9[%swap3A_155, %swap3A_156, %swap3A_157], %swap3A_160 {strides = array<i32>} : memref<2x128x128xf32, #tpu.memory_space<vmem>>, vector<1x1x16xf32>,
      %scan3A_161 = arith.constant 0 : i32
      scf.yield %scan3A_161 : i32
    }
    %scan3A_6 = arith.constant 128 : i32
    %mul3A_7 = arith.constant 640 : i32
    %mul3A_8 = arith.muli %arg1, %mul3A_7 : i32
    %add3A_9 = arith.constant 0 : i32
    %add3A_10 = arith.addi %mul3A_8, %add3A_9 : i32
    %run_scoped3A = arith.constant 0 : i32
    "tpu.region"() ({
      %run_scoped3A_89 = tpu.sem_alloc : memref<!tpu.dma_semaphore, #tpu.memory_space<semaphore_mem>>
      %dma_start3A_90 = arith.constant 0 : i32
      %dma_start3A_91 = arith.constant 0 : i32
      %dma_start3A_92 = tpu.memref_slice %arg9[%run_scoped3A, %dma_start3A_90, %dma_start3A_91] : memref<2x128x128xf32, #tpu.memory_space<vmem>> -> memref<1x128x128xf32, #tpu.memory_space<vmem>>
      %dma_start3A_93 = tpu.memref_squeeze %dma_start3A_92 : memref<1x128x128xf32, #tpu.memory_space<vmem>> -> memref<128x128xf32, #tpu.memory_space<vmem>>
      %dma_start3A_94 = arith.constant 0 : i32
      %dma_start3A_95 = tpu.memref_slice %arg10[%add3A_10, %dma_start3A_94] : memref<10240x128xf32, #tpu.memory_space<vmem_shared>> -> memref<128x128xf32, #tpu.memory_space<vmem_shared>>
      %dma_start3A_96 = arith.constant 0 : i32
      %dma_start3A_97 = tpu.memref_slice %arg10[%add3A_10, %dma_start3A_96] : memref<10240x128xf32, #tpu.memory_space<vmem_shared>> -> memref<128x128xf32, #tpu.memory_space<vmem_shared>>
      %dma_start3A_98 = arith.constant 0 : i32
      %dma_start3A_99 = arith.constant 0 : i32
      %dma_start3A_100 = tpu.memref_slice %arg9[%run_scoped3A, %dma_start3A_98, %dma_start3A_99] : memref<2x128x128xf32, #tpu.memory_space<vmem>> -> memref<1x128x128xf32, #tpu.memory_space<vmem>>
      %dma_start3A_101 = tpu.memref_squeeze %dma_start3A_100 : memref<1x128x128xf32, #tpu.memory_space<vmem>> -> memref<128x128xf32, #tpu.memory_space<vmem>>
      tpu.enqueue_dma source(%dma_start3A_101 : memref<128x128xf32, #tpu.memory_space<vmem>>) target(%dma_start3A_97 : memref<128x128xf32, #tpu.memory_space<vmem_shared>>) target_semaphore(%run_scoped3A_89 : memref<!tpu.dma_semaphore, #tpu.memory_space<semaphore_mem>>)
      %dma_wait3A = arith.constant 0 : i32
      %dma_wait3A_102 = arith.constant 0 : i32
      %dma_wait3A_103 = tpu.memref_slice %arg9[%run_scoped3A, %dma_wait3A, %dma_wait3A_102] : memref<2x128x128xf32, #tpu.memory_space<vmem>> -> memref<1x128x128xf32, #tpu.memory_space<vmem>>
      %dma_wait3A_104 = tpu.memref_squeeze %dma_wait3A_103 : memref<1x128x128xf32, #tpu.memory_space<vmem>> -> memref<128x128xf32, #tpu.memory_space<vmem>>
      %dma_wait3A_105 = arith.constant 0 : i32
      %dma_wait3A_106 = tpu.memref_slice %arg10[%add3A_10, %dma_wait3A_105] : memref<10240x128xf32, #tpu.memory_space<vmem_shared>> -> memref<128x128xf32, #tpu.memory_space<vmem_shared>>
      %dma_wait3A_107 = arith.constant 0 : i32
      %dma_wait3A_108 = tpu.memref_slice %arg10[%add3A_10, %dma_wait3A_107] : memref<10240x128xf32, #tpu.memory_space<vmem_shared>> -> memref<128x128xf32, #tpu.memory_space<vmem_shared>>
      %dma_wait3A_109 = arith.constant 0 : i32
      %dma_wait3A_110 = arith.constant 0 : i32
      %dma_wait3A_111 = tpu.memref_slice %arg9[%run_scoped3A, %dma_wait3A_109, %dma_wait3A_110] : memref<2x128x128xf32, #tpu.memory_space<vmem>> -> memref<1x128x128xf32, #tpu.memory_space<vmem>>
      %dma_wait3A_112 = tpu.memref_squeeze %dma_wait3A_111 : memref<1x128x128xf32, #tpu.memory_space<vmem>> -> memref<128x128xf32, #tpu.memory_space<vmem>>
      tpu.wait_dma2 semaphore(%run_scoped3A_89 : memref<!tpu.dma_semaphore, #tpu.memory_space<semaphore_mem>>) src(%dma_wait3A_112 : memref<128x128xf32, #tpu.memory_space<vmem>>) dst(%dma_wait3A_108 : memref<128x128xf32, #tpu.memory_space<vmem_shared>>)
      tpu.yield
    }) : () -> ()
    %mul3A_11 = arith.constant 640 : i32
    %mul3A_12 = arith.muli %arg1, %mul3A_11 : i32
    %add3A_13 = arith.constant 128 : i32
    %add3A_14 = arith.addi %mul3A_12, %add3A_13 : i32
    %run_scoped3A_15 = arith.constant 0 : i32
    "tpu.region"() ({
      %run_scoped3A_89 = tpu.sem_alloc : memref<!tpu.dma_semaphore, #tpu.memory_space<semaphore_mem>>
      %dma_start3A_90 = arith.constant 0 : i32
      %dma_start3A_91 = arith.constant 0 : i32
      %dma_start3A_92 = tpu.memref_slice %arg9[%run_scoped3A_15, %dma_start3A_90, %dma_start3A_91] : memref<2x128x128xf32, #tpu.memory_space<vmem>> -> memref<1x128x128xf32, #tpu.memory_space<vmem>>
      %dma_start3A_93 = tpu.memref_squeeze %dma_start3A_92 : memref<1x128x128xf32, #tpu.memory_space<vmem>> -> memref<128x128xf32, #tpu.memory_space<vmem>>
      %dma_start3A_94 = arith.constant 0 : i32
      %dma_start3A_95 = tpu.memref_slice %arg10[%add3A_14, %dma_start3A_94] : memref<10240x128xf32, #tpu.memory_space<vmem_shared>> -> memref<128x128xf32, #tpu.memory_space<vmem_shared>>
      %dma_start3A_96 = arith.constant 0 : i32
      %dma_start3A_97 = tpu.memref_slice %arg10[%add3A_14, %dma_start3A_96] : memref<10240x128xf32, #tpu.memory_space<vmem_shared>> -> memref<128x128xf32, #tpu.memory_space<vmem_shared>>
      %dma_start3A_98 = arith.constant 0 : i32
      %dma_start3A_99 = arith.constant 0 : i32
      %dma_start3A_100 = tpu.memref_slice %arg9[%run_scoped3A_15, %dma_start3A_98, %dma_start3A_99] : memref<2x128x128xf32, #tpu.memory_space<vmem>> -> memref<1x128x128xf32, #tpu.memory_space<vmem>>
      %dma_start3A_101 = tpu.memref_squeeze %dma_start3A_100 : memref<1x128x128xf32, #tpu.memory_space<vmem>> -> memref<128x128xf32, #tpu.memory_space<vmem>>
      tpu.enqueue_dma source(%dma_start3A_101 : memref<128x128xf32, #tpu.memory_space<vmem>>) target(%dma_start3A_97 : memref<128x128xf32, #tpu.memory_space<vmem_shared>>) target_semaphore(%run_scoped3A_89 : memref<!tpu.dma_semaphore, #tpu.memory_space<semaphore_mem>>)
      %dma_wait3A = arith.constant 0 : i32
      %dma_wait3A_102 = arith.constant 0 : i32
      %dma_wait3A_103 = tpu.memref_slice %arg9[%run_scoped3A_15, %dma_wait3A, %dma_wait3A_102] : memref<2x128x128xf32, #tpu.memory_space<vmem>> -> memref<1x128x128xf32, #tpu.memory_space<vmem>>
      %dma_wait3A_104 = tpu.memref_squeeze %dma_wait3A_103 : memref<1x128x128xf32, #tpu.memory_space<vmem>> -> memref<128x128xf32, #tpu.memory_space<vmem>>
      %dma_wait3A_105 = arith.constant 0 : i32
      %dma_wait3A_106 = tpu.memref_slice %arg10[%add3A_14, %dma_wait3A_105] : memref<10240x128xf32, #tpu.memory_space<vmem_shared>> -> memref<128x128xf32, #tpu.memory_space<vmem_shared>>
      %dma_wait3A_107 = arith.constant 0 : i32
      %dma_wait3A_108 = tpu.memref_slice %arg10[%add3A_14, %dma_wait3A_107] : memref<10240x128xf32, #tpu.memory_space<vmem_shared>> -> memref<128x128xf32, #tpu.memory_space<vmem_shared>>
      %dma_wait3A_109 = arith.constant 0 : i32
      %dma_wait3A_110 = arith.constant 0 : i32
      %dma_wait3A_111 = tpu.memref_slice %arg9[%run_scoped3A_15, %dma_wait3A_109, %dma_wait3A_110] : memref<2x128x128xf32, #tpu.memory_space<vmem>> -> memref<1x128x128xf32, #tpu.memory_space<vmem>>
      %dma_wait3A_112 = tpu.memref_squeeze %dma_wait3A_111 : memref<1x128x128xf32, #tpu.memory_space<vmem>> -> memref<128x128xf32, #tpu.memory_space<vmem>>
      tpu.wait_dma2 semaphore(%run_scoped3A_89 : memref<!tpu.dma_semaphore, #tpu.memory_space<semaphore_mem>>) src(%dma_wait3A_112 : memref<128x128xf32, #tpu.memory_space<vmem>>) dst(%dma_wait3A_108 : memref<128x128xf32, #tpu.memory_space<vmem_shared>>)
      tpu.yield
    }) : () -> ()
    %mul3A_16 = arith.constant 640 : i32
    %mul3A_17 = arith.muli %arg1, %mul3A_16 : i32
    %add3A_18 = arith.constant 256 : i32
    %add3A_19 = arith.addi %mul3A_17, %add3A_18 : i32
    %run_scoped3A_20 = arith.constant 0 : i32
    "tpu.region"() ({
      %run_scoped3A_89 = tpu.sem_alloc : memref<!tpu.dma_semaphore, #tpu.memory_space<semaphore_mem>>
      %dma_start3A_90 = arith.constant 0 : i32
      %dma_start3A_91 = arith.constant 0 : i32
      %dma_start3A_92 = tpu.memref_slice %arg9[%run_scoped3A_20, %dma_start3A_90, %dma_start3A_91] : memref<2x128x128xf32, #tpu.memory_space<vmem>> -> memref<1x128x128xf32, #tpu.memory_space<vmem>>
      %dma_start3A_93 = tpu.memref_squeeze %dma_start3A_92 : memref<1x128x128xf32, #tpu.memory_space<vmem>> -> memref<128x128xf32, #tpu.memory_space<vmem>>
      %dma_start3A_94 = arith.constant 0 : i32
      %dma_start3A_95 = tpu.memref_slice %arg10[%add3A_19, %dma_start3A_94] : memref<10240x128xf32, #tpu.memory_space<vmem_shared>> -> memref<128x128xf32, #tpu.memory_space<vmem_shared>>
      %dma_start3A_96 = arith.constant 0 : i32
      %dma_start3A_97 = tpu.memref_slice %arg10[%add3A_19, %dma_start3A_96] : memref<10240x128xf32, #tpu.memory_space<vmem_shared>> -> memref<128x128xf32, #tpu.memory_space<vmem_shared>>
      %dma_start3A_98 = arith.constant 0 : i32
      %dma_start3A_99 = arith.constant 0 : i32
      %dma_start3A_100 = tpu.memref_slice %arg9[%run_scoped3A_20, %dma_start3A_98, %dma_start3A_99] : memref<2x128x128xf32, #tpu.memory_space<vmem>> -> memref<1x128x128xf32, #tpu.memory_space<vmem>>
      %dma_start3A_101 = tpu.memref_squeeze %dma_start3A_100 : memref<1x128x128xf32, #tpu.memory_space<vmem>> -> memref<128x128xf32, #tpu.memory_space<vmem>>
      tpu.enqueue_dma source(%dma_start3A_101 : memref<128x128xf32, #tpu.memory_space<vmem>>) target(%dma_start3A_97 : memref<128x128xf32, #tpu.memory_space<vmem_shared>>) target_semaphore(%run_scoped3A_89 : memref<!tpu.dma_semaphore, #tpu.memory_space<semaphore_mem>>)
      %dma_wait3A = arith.constant 0 : i32
      %dma_wait3A_102 = arith.constant 0 : i32
      %dma_wait3A_103 = tpu.memref_slice %arg9[%run_scoped3A_20, %dma_wait3A, %dma_wait3A_102] : memref<2x128x128xf32, #tpu.memory_space<vmem>> -> memref<1x128x128xf32, #tpu.memory_space<vmem>>
      %dma_wait3A_104 = tpu.memref_squeeze %dma_wait3A_103 : memref<1x128x128xf32, #tpu.memory_space<vmem>> -> memref<128x128xf32, #tpu.memory_space<vmem>>
      %dma_wait3A_105 = arith.constant 0 : i32
      %dma_wait3A_106 = tpu.memref_slice %arg10[%add3A_19, %dma_wait3A_105] : memref<10240x128xf32, #tpu.memory_space<vmem_shared>> -> memref<128x128xf32, #tpu.memory_space<vmem_shared>>
      %dma_wait3A_107 = arith.constant 0 : i32
      %dma_wait3A_108 = tpu.memref_slice %arg10[%add3A_19, %dma_wait3A_107] : memref<10240x128xf32, #tpu.memory_space<vmem_shared>> -> memref<128x128xf32, #tpu.memory_space<vmem_shared>>
      %dma_wait3A_109 = arith.constant 0 : i32
      %dma_wait3A_110 = arith.constant 0 : i32
      %dma_wait3A_111 = tpu.memref_slice %arg9[%run_scoped3A_20, %dma_wait3A_109, %dma_wait3A_110] : memref<2x128x128xf32, #tpu.memory_space<vmem>> -> memref<1x128x128xf32, #tpu.memory_space<vmem>>
      %dma_wait3A_112 = tpu.memref_squeeze %dma_wait3A_111 : memref<1x128x128xf32, #tpu.memory_space<vmem>> -> memref<128x128xf32, #tpu.memory_space<vmem>>
      tpu.wait_dma2 semaphore(%run_scoped3A_89 : memref<!tpu.dma_semaphore, #tpu.memory_space<semaphore_mem>>) src(%dma_wait3A_112 : memref<128x128xf32, #tpu.memory_space<vmem>>) dst(%dma_wait3A_108 : memref<128x128xf32, #tpu.memory_space<vmem_shared>>)
      tpu.yield
    }) : () -> ()
    %mul3A_21 = arith.constant 640 : i32
    %mul3A_22 = arith.muli %arg1, %mul3A_21 : i32
    %add3A_23 = arith.constant 384 : i32
    %add3A_24 = arith.addi %mul3A_22, %add3A_23 : i32
    %run_scoped3A_25 = arith.constant 0 : i32
    "tpu.region"() ({
      %run_scoped3A_89 = tpu.sem_alloc : memref<!tpu.dma_semaphore, #tpu.memory_space<semaphore_mem>>
      %dma_start3A_90 = arith.constant 0 : i32
      %dma_start3A_91 = arith.constant 0 : i32
      %dma_start3A_92 = tpu.memref_slice %arg9[%run_scoped3A_25, %dma_start3A_90, %dma_start3A_91] : memref<2x128x128xf32, #tpu.memory_space<vmem>> -> memref<1x128x128xf32, #tpu.memory_space<vmem>>
      %dma_start3A_93 = tpu.memref_squeeze %dma_start3A_92 : memref<1x128x128xf32, #tpu.memory_space<vmem>> -> memref<128x128xf32, #tpu.memory_space<vmem>>
      %dma_start3A_94 = arith.constant 0 : i32
      %dma_start3A_95 = tpu.memref_slice %arg10[%add3A_24, %dma_start3A_94] : memref<10240x128xf32, #tpu.memory_space<vmem_shared>> -> memref<128x128xf32, #tpu.memory_space<vmem_shared>>
      %dma_start3A_96 = arith.constant 0 : i32
      %dma_start3A_97 = tpu.memref_slice %arg10[%add3A_24, %dma_start3A_96] : memref<10240x128xf32, #tpu.memory_space<vmem_shared>> -> memref<128x128xf32, #tpu.memory_space<vmem_shared>>
      %dma_start3A_98 = arith.constant 0 : i32
      %dma_start3A_99 = arith.constant 0 : i32
      %dma_start3A_100 = tpu.memref_slice %arg9[%run_scoped3A_25, %dma_start3A_98, %dma_start3A_99] : memref<2x128x128xf32, #tpu.memory_space<vmem>> -> memref<1x128x128xf32, #tpu.memory_space<vmem>>
      %dma_start3A_101 = tpu.memref_squeeze %dma_start3A_100 : memref<1x128x128xf32, #tpu.memory_space<vmem>> -> memref<128x128xf32, #tpu.memory_space<vmem>>
      tpu.enqueue_dma source(%dma_start3A_101 : memref<128x128xf32, #tpu.memory_space<vmem>>) target(%dma_start3A_97 : memref<128x128xf32, #tpu.memory_space<vmem_shared>>) target_semaphore(%run_scoped3A_89 : memref<!tpu.dma_semaphore, #tpu.memory_space<semaphore_mem>>)
      %dma_wait3A = arith.constant 0 : i32
      %dma_wait3A_102 = arith.constant 0 : i32
      %dma_wait3A_103 = tpu.memref_slice %arg9[%run_scoped3A_25, %dma_wait3A, %dma_wait3A_102] : memref<2x128x128xf32, #tpu.memory_space<vmem>> -> memref<1x128x128xf32, #tpu.memory_space<vmem>>
      %dma_wait3A_104 = tpu.memref_squeeze %dma_wait3A_103 : memref<1x128x128xf32, #tpu.memory_space<vmem>> -> memref<128x128xf32, #tpu.memory_space<vmem>>
      %dma_wait3A_105 = arith.constant 0 : i32
      %dma_wait3A_106 = tpu.memref_slice %arg10[%add3A_24, %dma_wait3A_105] : memref<10240x128xf32, #tpu.memory_space<vmem_shared>> -> memref<128x128xf32, #tpu.memory_space<vmem_shared>>
      %dma_wait3A_107 = arith.constant 0 : i32
      %dma_wait3A_108 = tpu.memref_slice %arg10[%add3A_24, %dma_wait3A_107] : memref<10240x128xf32, #tpu.memory_space<vmem_shared>> -> memref<128x128xf32, #tpu.memory_space<vmem_shared>>
      %dma_wait3A_109 = arith.constant 0 : i32
      %dma_wait3A_110 = arith.constant 0 : i32
      %dma_wait3A_111 = tpu.memref_slice %arg9[%run_scoped3A_25, %dma_wait3A_109, %dma_wait3A_110] : memref<2x128x128xf32, #tpu.memory_space<vmem>> -> memref<1x128x128xf32, #tpu.memory_space<vmem>>
      %dma_wait3A_112 = tpu.memref_squeeze %dma_wait3A_111 : memref<1x128x128xf32, #tpu.memory_space<vmem>> -> memref<128x128xf32, #tpu.memory_space<vmem>>
      tpu.wait_dma2 semaphore(%run_scoped3A_89 : memref<!tpu.dma_semaphore, #tpu.memory_space<semaphore_mem>>) src(%dma_wait3A_112 : memref<128x128xf32, #tpu.memory_space<vmem>>) dst(%dma_wait3A_108 : memref<128x128xf32, #tpu.memory_space<vmem_shared>>)
      tpu.yield
    }) : () -> ()
    %mul3A_26 = arith.constant 640 : i32
    %mul3A_27 = arith.muli %arg1, %mul3A_26 : i32
    %add3A_28 = arith.constant 512 : i32
    %add3A_29 = arith.addi %mul3A_27, %add3A_28 : i32
    %run_scoped3A_30 = arith.constant 0 : i32
    "tpu.region"() ({
      %run_scoped3A_89 = tpu.sem_alloc : memref<!tpu.dma_semaphore, #tpu.memory_space<semaphore_mem>>
      %dma_start3A_90 = arith.constant 0 : i32
      %dma_start3A_91 = arith.constant 0 : i32
      %dma_start3A_92 = tpu.memref_slice %arg9[%run_scoped3A_30, %dma_start3A_90, %dma_start3A_91] : memref<2x128x128xf32, #tpu.memory_space<vmem>> -> memref<1x128x128xf32, #tpu.memory_space<vmem>>
      %dma_start3A_93 = tpu.memref_squeeze %dma_start3A_92 : memref<1x128x128xf32, #tpu.memory_space<vmem>> -> memref<128x128xf32, #tpu.memory_space<vmem>>
      %dma_start3A_94 = arith.constant 0 : i32
      %dma_start3A_95 = tpu.memref_slice %arg10[%add3A_29, %dma_start3A_94] : memref<10240x128xf32, #tpu.memory_space<vmem_shared>> -> memref<128x128xf32, #tpu.memory_space<vmem_shared>>
      %dma_start3A_96 = arith.constant 0 : i32
      %dma_start3A_97 = tpu.memref_slice %arg10[%add3A_29, %dma_start3A_96] : memref<10240x128xf32, #tpu.memory_space<vmem_shared>> -> memref<128x128xf32, #tpu.memory_space<vmem_shared>>
      %dma_start3A_98 = arith.constant 0 : i32
      %dma_start3A_99 = arith.constant 0 : i32
      %dma_start3A_100 = tpu.memref_slice %arg9[%run_scoped3A_30, %dma_start3A_98, %dma_start3A_99] : memref<2x128x128xf32, #tpu.memory_space<vmem>> -> memref<1x128x128xf32, #tpu.memory_space<vmem>>
      %dma_start3A_101 = tpu.memref_squeeze %dma_start3A_100 : memref<1x128x128xf32, #tpu.memory_space<vmem>> -> memref<128x128xf32, #tpu.memory_space<vmem>>
      tpu.enqueue_dma source(%dma_start3A_101 : memref<128x128xf32, #tpu.memory_space<vmem>>) target(%dma_start3A_97 : memref<128x128xf32, #tpu.memory_space<vmem_shared>>) target_semaphore(%run_scoped3A_89 : memref<!tpu.dma_semaphore, #tpu.memory_space<semaphore_mem>>)
      %dma_wait3A = arith.constant 0 : i32
      %dma_wait3A_102 = arith.constant 0 : i32
      %dma_wait3A_103 = tpu.memref_slice %arg9[%run_scoped3A_30, %dma_wait3A, %dma_wait3A_102] : memref<2x128x128xf32, #tpu.memory_space<vmem>> -> memref<1x128x128xf32, #tpu.memory_space<vmem>>
      %dma_wait3A_104 = tpu.memref_squeeze %dma_wait3A_103 : memref<1x128x128xf32, #tpu.memory_space<vmem>> -> memref<128x128xf32, #tpu.memory_space<vmem>>
      %dma_wait3A_105 = arith.constant 0 : i32
      %dma_wait3A_106 = tpu.memref_slice %arg10[%add3A_29, %dma_wait3A_105] : memref<10240x128xf32, #tpu.memory_space<vmem_shared>> -> memref<128x128xf32, #tpu.memory_space<vmem_shared>>
      %dma_wait3A_107 = arith.constant 0 : i32
      %dma_wait3A_108 = tpu.memref_slice %arg10[%add3A_29, %dma_wait3A_107] : memref<10240x128xf32, #tpu.memory_space<vmem_shared>> -> memref<128x128xf32, #tpu.memory_space<vmem_shared>>
      %dma_wait3A_109 = arith.constant 0 : i32
      %dma_wait3A_110 = arith.constant 0 : i32
      %dma_wait3A_111 = tpu.memref_slice %arg9[%run_scoped3A_30, %dma_wait3A_109, %dma_wait3A_110] : memref<2x128x128xf32, #tpu.memory_space<vmem>> -> memref<1x128x128xf32, #tpu.memory_space<vmem>>
      %dma_wait3A_112 = tpu.memref_squeeze %dma_wait3A_111 : memref<1x128x128xf32, #tpu.memory_space<vmem>> -> memref<128x128xf32, #tpu.memory_space<vmem>>
      tpu.wait_dma2 semaphore(%run_scoped3A_89 : memref<!tpu.dma_semaphore, #tpu.memory_space<semaphore_mem>>) src(%dma_wait3A_112 : memref<128x128xf32, #tpu.memory_space<vmem>>) dst(%dma_wait3A_108 : memref<128x128xf32, #tpu.memory_space<vmem_shared>>)
      tpu.yield
    }) : () -> ()
    %barrier3A = arith.constant 0 : index
    tpu.barrier barrier_id(%barrier3A)
    "tpu.region"() ({
      %run_scoped3A_89 = tpu.sem_alloc : memref<!tpu.dma_semaphore, #tpu.memory_space<semaphore_mem>>
      %dma_start3A_90 = arith.constant 0 : i32
      %dma_start3A_91 = arith.constant 0 : i32
      %dma_start3A_92 = tpu.memref_slice %arg3[%add3A, %dma_start3A_90, %dma_start3A_91] : memref<32x80x128xi32, #tpu.memory_space<hbm>> -> memref<1x40x128xi32, #tpu.memory_space<hbm>>
      %dma_start3A_93 = tpu.memref_squeeze %dma_start3A_92 : memref<1x40x128xi32, #tpu.memory_space<hbm>> -> memref<40x128xi32, #tpu.memory_space<hbm>>
      %dma_start3A_94 = arith.constant 0 : i32
      %dma_start3A_95 = arith.constant 0 : i32
      %dma_start3A_96 = tpu.memref_slice %arg3[%add3A, %dma_start3A_94, %dma_start3A_95] : memref<32x80x128xi32, #tpu.memory_space<hbm>> -> memref<1x40x128xi32, #tpu.memory_space<hbm>>
      %dma_start3A_97 = tpu.memref_squeeze %dma_start3A_96 : memref<1x40x128xi32, #tpu.memory_space<hbm>> -> memref<40x128xi32, #tpu.memory_space<hbm>>
      tpu.enqueue_dma source(%dma_start3A_97 : memref<40x128xi32, #tpu.memory_space<hbm>>) target(%arg7 : memref<40x128xi32, #tpu.memory_space<vmem>>) target_semaphore(%run_scoped3A_89 : memref<!tpu.dma_semaphore, #tpu.memory_space<semaphore_mem>>)
      %dma_wait3A = arith.constant 0 : i32
      %dma_wait3A_98 = arith.constant 0 : i32
      %dma_wait3A_99 = tpu.memref_slice %arg3[%add3A, %dma_wait3A, %dma_wait3A_98] : memref<32x80x128xi32, #tpu.memory_space<hbm>> -> memref<1x40x128xi32, #tpu.memory_space<hbm>>
      %dma_wait3A_100 = tpu.memref_squeeze %dma_wait3A_99 : memref<1x40x128xi32, #tpu.memory_space<hbm>> -> memref<40x128xi32, #tpu.memory_space<hbm>>
      %dma_wait3A_101 = arith.constant 0 : i32
      %dma_wait3A_102 = arith.constant 0 : i32
      %dma_wait3A_103 = tpu.memref_slice %arg3[%add3A, %dma_wait3A_101, %dma_wait3A_102] : memref<32x80x128xi32, #tpu.memory_space<hbm>> -> memref<1x40x128xi32, #tpu.memory_space<hbm>>
      %dma_wait3A_104 = tpu.memref_squeeze %dma_wait3A_103 : memref<1x40x128xi32, #tpu.memory_space<hbm>> -> memref<40x128xi32, #tpu.memory_space<hbm>>
      tpu.wait_dma2 semaphore(%run_scoped3A_89 : memref<!tpu.dma_semaphore, #tpu.memory_space<semaphore_mem>>) src(%dma_wait3A_104 : memref<40x128xi32, #tpu.memory_space<hbm>>) dst(%arg7 : memref<40x128xi32, #tpu.memory_space<vmem>>)
      tpu.yield
    }) : () -> ()
    "tpu.region"() ({
      %run_scoped3A_89 = tpu.sem_alloc : memref<!tpu.dma_semaphore, #tpu.memory_space<semaphore_mem>>
      %dma_start3A_90 = arith.constant 0 : i32
      %dma_start3A_91 = arith.constant 0 : i32
      %dma_start3A_92 = tpu.memref_slice %arg4[%add3A, %dma_start3A_90, %dma_start3A_91] : memref<32x80x128xi32, #tpu.memory_space<hbm>> -> memref<1x40x128xi32, #tpu.memory_space<hbm>>
      %dma_start3A_93 = tpu.memref_squeeze %dma_start3A_92 : memref<1x40x128xi32, #tpu.memory_space<hbm>> -> memref<40x128xi32, #tpu.memory_space<hbm>>
      %dma_start3A_94 = arith.constant 0 : i32
      %dma_start3A_95 = arith.constant 0 : i32
      %dma_start3A_96 = tpu.memref_slice %arg4[%add3A, %dma_start3A_94, %dma_start3A_95] : memref<32x80x128xi32, #tpu.memory_space<hbm>> -> memref<1x40x128xi32, #tpu.memory_space<hbm>>
      %dma_start3A_97 = tpu.memref_squeeze %dma_start3A_96 : memref<1x40x128xi32, #tpu.memory_space<hbm>> -> memref<40x128xi32, #tpu.memory_space<hbm>>
      tpu.enqueue_dma source(%dma_start3A_97 : memref<40x128xi32, #tpu.memory_space<hbm>>) target(%arg8 : memref<40x128xi32, #tpu.memory_space<vmem>>) target_semaphore(%run_scoped3A_89 : memref<!tpu.dma_semaphore, #tpu.memory_space<semaphore_mem>>)
      %dma_wait3A = arith.constant 0 : i32
      %dma_wait3A_98 = arith.constant 0 : i32
      %dma_wait3A_99 = tpu.memref_slice %arg4[%add3A, %dma_wait3A, %dma_wait3A_98] : memref<32x80x128xi32, #tpu.memory_space<hbm>> -> memref<1x40x128xi32, #tpu.memory_space<hbm>>
      %dma_wait3A_100 = tpu.memref_squeeze %dma_wait3A_99 : memref<1x40x128xi32, #tpu.memory_space<hbm>> -> memref<40x128xi32, #tpu.memory_space<hbm>>
      %dma_wait3A_101 = arith.constant 0 : i32
      %dma_wait3A_102 = arith.constant 0 : i32
      %dma_wait3A_103 = tpu.memref_slice %arg4[%add3A, %dma_wait3A_101, %dma_wait3A_102] : memref<32x80x128xi32, #tpu.memory_space<hbm>> -> memref<1x40x128xi32, #tpu.memory_space<hbm>>
      %dma_wait3A_104 = tpu.memref_squeeze %dma_wait3A_103 : memref<1x40x128xi32, #tpu.memory_space<hbm>> -> memref<40x128xi32, #tpu.memory_space<hbm>>
      tpu.wait_dma2 semaphore(%run_scoped3A_89 : memref<!tpu.dma_semaphore, #tpu.memory_space<semaphore_mem>>) src(%dma_wait3A_104 : memref<40x128xi32, #tpu.memory_space<hbm>>) dst(%arg8 : memref<40x128xi32, #tpu.memory_space<vmem>>)
      tpu.yield
    }) : () -> ()
    %dma_start3A = arith.constant 0 : i32
    %dma_start3A_31 = arith.constant 0 : i32
    %dma_start3A_32 = arith.constant 0 : i32
    %dma_start3A_33 = arith.constant 0 : i32
    %dma_start3A_34 = tpu.memref_slice %arg9[%dma_start3A_31, %dma_start3A_32, %dma_start3A_33] : memref<2x128x128xf32, #tpu.memory_space<vmem>> -> memref<1x128x128xf32, #tpu.memory_space<vmem>>
    %dma_start3A_35 = tpu.memref_squeeze %dma_start3A_34 : memref<1x128x128xf32, #tpu.memory_space<vmem>> -> memref<128x128xf32, #tpu.memory_space<vmem>>
    %dma_start3A_36 = arith.constant 0 : i32
    %dma_start3A_37 = tpu.memref_slice %arg7[%dma_start3A, %dma_start3A_36] : memref<40x128xi32, #tpu.memory_space<vmem>> -> memref<1x128xi32, #tpu.memory_space<vmem>>
    %dma_start3A_38 = tpu.memref_squeeze %dma_start3A_37 : memref<1x128xi32, #tpu.memory_space<vmem>> -> memref<128xi32, #tpu.memory_space<vmem>>
    %dma_start3A_39 = arith.constant 0 : i32
    %dma_start3A_40 = arith.constant 0 : i32
    %dma_start3A_41 = tpu.memref_slice %arg2[%dma_start3A_39, %dma_start3A_40] : memref<10240x128xf32, #tpu.memory_space<hbm>> -> memref<10240x128xf32, #tpu.memory_space<hbm>>
    tpu.enqueue_indirect_dma source(%dma_start3A_41 : memref<10240x128xf32, #tpu.memory_space<hbm>>) target(%dma_start3A_35 : memref<128x128xf32, #tpu.memory_space<vmem>>) offsets(%dma_start3A_38 : memref<128xi32, #tpu.memory_space<vmem>>) semaphore(%arg11 : memref<!tpu.dma_semaphore, #tpu.memory_space<semaphore_mem>>)
    %scan3A_42 = arith.constant 0 : i32
    %scan3A_43 = arith.constant 0 : i32
    %scan3A_44 = arith.constant 20 : i32
    %scan3A_45 = arith.addi %scan3A_43, %scan3A_44 : i32
    %scan3A_46 = arith.constant 1 : i32
    %scan3A_47 = scf.for %scan3A_89 = %scan3A_43 to %scan3A_45 step %scan3A_46 iter_args(%scan3A_90 = %scan3A_42) -> (i32)  : i32 {
      %mul3A_91 = arith.constant 2 : i32
      %mul3A_92 = arith.muli %mul3A_91, %scan3A_89 : i32
      %add3A_93 = arith.constant 1 : i32
      %add3A_94 = arith.addi %mul3A_92, %add3A_93 : i32
      %dma_start3A_95 = arith.constant 1 : i32
      %dma_start3A_96 = arith.constant 0 : i32
      %dma_start3A_97 = arith.constant 0 : i32
      %dma_start3A_98 = tpu.memref_slice %arg9[%dma_start3A_95, %dma_start3A_96, %dma_start3A_97] : memref<2x128x128xf32, #tpu.memory_space<vmem>> -> memref<1x128x128xf32, #tpu.memory_space<vmem>>
      %dma_start3A_99 = tpu.memref_squeeze %dma_start3A_98 : memref<1x128x128xf32, #tpu.memory_space<vmem>> -> memref<128x128xf32, #tpu.memory_space<vmem>>
      %dma_start3A_100 = arith.constant 0 : i32
      %dma_start3A_101 = tpu.memref_slice %arg7[%add3A_94, %dma_start3A_100] : memref<40x128xi32, #tpu.memory_space<vmem>> -> memref<1x128xi32, #tpu.memory_space<vmem>>
      %dma_start3A_102 = tpu.memref_squeeze %dma_start3A_101 : memref<1x128xi32, #tpu.memory_space<vmem>> -> memref<128xi32, #tpu.memory_space<vmem>>
      %dma_start3A_103 = arith.constant 0 : i32
      %dma_start3A_104 = arith.constant 0 : i32
      %dma_start3A_105 = tpu.memref_slice %arg2[%dma_start3A_103, %dma_start3A_104] : memref<10240x128xf32, #tpu.memory_space<hbm>> -> memref<10240x128xf32, #tpu.memory_space<hbm>>
      tpu.enqueue_indirect_dma source(%dma_start3A_105 : memref<10240x128xf32, #tpu.memory_space<hbm>>) target(%dma_start3A_99 : memref<128x128xf32, #tpu.memory_space<vmem>>) offsets(%dma_start3A_102 : memref<128xi32, #tpu.memory_space<vmem>>) semaphore(%arg12 : memref<!tpu.dma_semaphore, #tpu.memory_space<semaphore_mem>>)
      %dma_wait3A = arith.constant 0 : i32
      %dma_wait3A_106 = arith.constant 0 : i32
      %dma_wait3A_107 = arith.constant 0 : i32
      %dma_wait3A_108 = tpu.memref_slice %arg9[%dma_wait3A, %dma_wait3A_106, %dma_wait3A_107] : memref<2x128x128xf32, #tpu.memory_space<vmem>> -> memref<1x128x128xf32, #tpu.memory_space<vmem>>
      %dma_wait3A_109 = tpu.memref_squeeze %dma_wait3A_108 : memref<1x128x128xf32, #tpu.memory_space<vmem>> -> memref<128x128xf32, #tpu.memory_space<vmem>>
      %dma_wait3A_110 = arith.constant 0 : i32
      %dma_wait3A_111 = tpu.memref_slice %arg7[%mul3A_92, %dma_wait3A_110] : memref<40x128xi32, #tpu.memory_space<vmem>> -> memref<1x128xi32, #tpu.memory_space<vmem>>
      %dma_wait3A_112 = tpu.memref_squeeze %dma_wait3A_111 : memref<1x128xi32, #tpu.memory_space<vmem>> -> memref<128xi32, #tpu.memory_space<vmem>>
      %dma_wait3A_113 = arith.constant 0 : i32
      %dma_wait3A_114 = arith.constant 0 : i32
      %dma_wait3A_115 = tpu.memref_slice %arg2[%dma_wait3A_113, %dma_wait3A_114] : memref<10240x128xf32, #tpu.memory_space<hbm>> -> memref<10240x128xf32, #tpu.memory_space<hbm>>
      tpu.wait_indirect_dma semaphore(%arg11 : memref<!tpu.dma_semaphore, #tpu.memory_space<semaphore_mem>>) src(%dma_wait3A_115 : memref<10240x128xf32, #tpu.memory_space<hbm>>) dst(%dma_wait3A_109 : memref<128x128xf32, #tpu.memory_space<vmem>>)
      %run_scoped3A_116 = arith.constant 0 : i32
      "tpu.region"() ({
        %run_scoped3A_132 = tpu.sem_alloc : memref<!tpu.dma_semaphore, #tpu.memory_space<semaphore_mem>>
        %dma_start3A_133 = arith.constant 0 : i32
        %dma_start3A_134 = arith.constant 0 : i32
        %dma_start3A_135 = tpu.memref_slice %arg9[%run_scoped3A_116, %dma_start3A_133, %dma_start3A_134] : memref<2x128x128xf32, #tpu.memory_space<vmem>> -> memref<1x128x128xf32, #tpu.memory_space<vmem>>
        %dma_start3A_136 = tpu.memref_squeeze %dma_start3A_135 : memref<1x128x128xf32, #tpu.memory_space<vmem>> -> memref<128x128xf32, #tpu.memory_space<vmem>>
        %dma_start3A_137 = arith.constant 0 : i32
        %dma_start3A_138 = tpu.memref_slice %arg8[%mul3A_92, %dma_start3A_137] : memref<40x128xi32, #tpu.memory_space<vmem>> -> memref<1x128xi32, #tpu.memory_space<vmem>>
        %dma_start3A_139 = tpu.memref_squeeze %dma_start3A_138 : memref<1x128xi32, #tpu.memory_space<vmem>> -> memref<128xi32, #tpu.memory_space<vmem>>
        %dma_start3A_140 = arith.constant 0 : i32
        %dma_start3A_141 = arith.constant 0 : i32
        %dma_start3A_142 = tpu.memref_slice %arg10[%dma_start3A_140, %dma_start3A_141] : memref<10240x128xf32, #tpu.memory_space<vmem_shared>> -> memref<10240x128xf32, #tpu.memory_space<vmem_shared>>
        tpu.enqueue_indirect_dma source(%dma_start3A_136 : memref<128x128xf32, #tpu.memory_space<vmem>>) target(%dma_start3A_142 : memref<10240x128xf32, #tpu.memory_space<vmem_shared>>) offsets(%dma_start3A_139 : memref<128xi32, #tpu.memory_space<vmem>>) semaphore(%run_scoped3A_132 : memref<!tpu.dma_semaphore, #tpu.memory_space<semaphore_mem>>) {add = true}
        %dma_wait3A_143 = arith.constant 0 : i32
        %dma_wait3A_144 = arith.constant 0 : i32
        %dma_wait3A_145 = tpu.memref_slice %arg9[%run_scoped3A_116, %dma_wait3A_143, %dma_wait3A_144] : memref<2x128x128xf32, #tpu.memory_space<vmem>> -> memref<1x128x128xf32, #tpu.memory_space<vmem>>
        %dma_wait3A_146 = tpu.memref_squeeze %dma_wait3A_145 : memref<1x128x128xf32, #tpu.memory_space<vmem>> -> memref<128x128xf32, #tpu.memory_space<vmem>>
        %dma_wait3A_147 = arith.constant 0 : i32
        %dma_wait3A_148 = tpu.memref_slice %arg8[%mul3A_92, %dma_wait3A_147] : memref<40x128xi32, #tpu.memory_space<vmem>> -> memref<1x128xi32, #tpu.memory_space<vmem>>
        %dma_wait3A_149 = tpu.memref_squeeze %dma_wait3A_148 : memref<1x128xi32, #tpu.memory_space<vmem>> -> memref<128xi32, #tpu.memory_space<vmem>>
        %dma_wait3A_150 = arith.constant 0 : i32
        %dma_wait3A_151 = arith.constant 0 : i32
        %dma_wait3A_152 = tpu.memref_slice %arg10[%dma_wait3A_150, %dma_wait3A_151] : memref<10240x128xf32, #tpu.memory_space<vmem_shared>> -> memref<10240x128xf32, #tpu.memory_space<vmem_shared>>
        tpu.wait_indirect_dma semaphore(%run_scoped3A_132 : memref<!tpu.dma_semaphore, #tpu.memory_space<semaphore_mem>>) src(%dma_wait3A_146 : memref<128x128xf32, #tpu.memory_space<vmem>>) dst(%dma_wait3A_152 : memref<10240x128xf32, #tpu.memory_space<vmem_shared>>)
        tpu.yield
      }) : () -> ()
      %lt3A = arith.constant 19 : i32
      %lt3A_117 = arith.cmpi slt, %scan3A_89, %lt3A : i32
      %convert_element_type3A = arith.extui %lt3A_117 : i1 to i32
      %cond3A = arith.constant 0 : i32
      %cond3A_118 = arith.cmpi ne, %convert_element_type3A, %cond3A : i32
      scf.if %cond3A_118 {
        %add3A_132 = arith.constant 2 : i32
        %add3A_133 = arith.addi %mul3A_92, %add3A_132 : i32
        %dma_start3A_134 = arith.constant 0 : i32
        %dma_start3A_135 = arith.constant 0 : i32
        %dma_start3A_136 = arith.constant 0 : i32
        %dma_start3A_137 = tpu.memref_slice %arg9[%dma_start3A_134, %dma_start3A_135, %dma_start3A_136] : memref<2x128x128xf32, #tpu.memory_space<vmem>> -> memref<1x128x128xf32, #tpu.memory_space<vmem>>
        %dma_start3A_138 = tpu.memref_squeeze %dma_start3A_137 : memref<1x128x128xf32, #tpu.memory_space<vmem>> -> memref<128x128xf32, #tpu.memory_space<vmem>>
        %dma_start3A_139 = arith.constant 0 : i32
        %dma_start3A_140 = tpu.memref_slice %arg7[%add3A_133, %dma_start3A_139] : memref<40x128xi32, #tpu.memory_space<vmem>> -> memref<1x128xi32, #tpu.memory_space<vmem>>
        %dma_start3A_141 = tpu.memref_squeeze %dma_start3A_140 : memref<1x128xi32, #tpu.memory_space<vmem>> -> memref<128xi32, #tpu.memory_space<vmem>>
        %dma_start3A_142 = arith.constant 0 : i32
        %dma_start3A_143 = arith.constant 0 : i32
        %dma_start3A_144 = tpu.memref_slice %arg2[%dma_start3A_142, %dma_start3A_143] : memref<10240x128xf32, #tpu.memory_space<hbm>> -> memref<10240x128xf32, #tpu.memory_space<hbm>>
        tpu.enqueue_indirect_dma source(%dma_start3A_144 : memref<10240x128xf32, #tpu.memory_space<hbm>>) target(%dma_start3A_138 : memref<128x128xf32, #tpu.memory_space<vmem>>) offsets(%dma_start3A_141 : memref<128xi32, #tpu.memory_space<vmem>>) semaphore(%arg11 : memref<!tpu.dma_semaphore, #tpu.memory_space<semaphore_mem>>)
      } else {
      }
      %dma_wait3A_119 = arith.constant 1 : i32
      %dma_wait3A_120 = arith.constant 0 : i32
      %dma_wait3A_121 = arith.constant 0 : i32
      %dma_wait3A_122 = tpu.memref_slice %arg9[%dma_wait3A_119, %dma_wait3A_120, %dma_wait3A_121] : memref<2x128x128xf32, #tpu.memory_space<vmem>> -> memref<1x128x128xf32, #tpu.memory_space<vmem>>
      %dma_wait3A_123 = tpu.memref_squeeze %dma_wait3A_122 : memref<1x128x128xf32, #tpu.memory_space<vmem>> -> memref<128x128xf32, #tpu.memory_space<vmem>>
      %dma_wait3A_124 = arith.constant 0 : i32
      %dma_wait3A_125 = tpu.memref_slice %arg7[%add3A_94, %dma_wait3A_124] : memref<40x128xi32, #tpu.memory_space<vmem>> -> memref<1x128xi32, #tpu.memory_space<vmem>>
      %dma_wait3A_126 = tpu.memref_squeeze %dma_wait3A_125 : memref<1x128xi32, #tpu.memory_space<vmem>> -> memref<128xi32, #tpu.memory_space<vmem>>
      %dma_wait3A_127 = arith.constant 0 : i32
      %dma_wait3A_128 = arith.constant 0 : i32
      %dma_wait3A_129 = tpu.memref_slice %arg2[%dma_wait3A_127, %dma_wait3A_128] : memref<10240x128xf32, #tpu.memory_space<hbm>> -> memref<10240x128xf32, #tpu.memory_space<hbm>>
      tpu.wait_indirect_dma semaphore(%arg12 : memref<!tpu.dma_semaphore, #tpu.memory_space<semaphore_mem>>) src(%dma_wait3A_129 : memref<10240x128xf32, #tpu.memory_space<hbm>>) dst(%dma_wait3A_123 : memref<128x128xf32, #tpu.memory_space<vmem>>)
      %run_scoped3A_130 = arith.constant 1 : i32
      "tpu.region"() ({
        %run_scoped3A_132 = tpu.sem_alloc : memref<!tpu.dma_semaphore, #tpu.memory_space<semaphore_mem>>
        %dma_start3A_133 = arith.constant 0 : i32
        %dma_start3A_134 = arith.constant 0 : i32
        %dma_start3A_135 = tpu.memref_slice %arg9[%run_scoped3A_130, %dma_start3A_133, %dma_start3A_134] : memref<2x128x128xf32, #tpu.memory_space<vmem>> -> memref<1x128x128xf32, #tpu.memory_space<vmem>>
        %dma_start3A_136 = tpu.memref_squeeze %dma_start3A_135 : memref<1x128x128xf32, #tpu.memory_space<vmem>> -> memref<128x128xf32, #tpu.memory_space<vmem>>
        %dma_start3A_137 = arith.constant 0 : i32
        %dma_start3A_138 = tpu.memref_slice %arg8[%add3A_94, %dma_start3A_137] : memref<40x128xi32, #tpu.memory_space<vmem>> -> memref<1x128xi32, #tpu.memory_space<vmem>>
        %dma_start3A_139 = tpu.memref_squeeze %dma_start3A_138 : memref<1x128xi32, #tpu.memory_space<vmem>> -> memref<128xi32, #tpu.memory_space<vmem>>
        %dma_start3A_140 = arith.constant 0 : i32
        %dma_start3A_141 = arith.constant 0 : i32
        %dma_start3A_142 = tpu.memref_slice %arg10[%dma_start3A_140, %dma_start3A_141] : memref<10240x128xf32, #tpu.memory_space<vmem_shared>> -> memref<10240x128xf32, #tpu.memory_space<vmem_shared>>
        tpu.enqueue_indirect_dma source(%dma_start3A_136 : memref<128x128xf32, #tpu.memory_space<vmem>>) target(%dma_start3A_142 : memref<10240x128xf32, #tpu.memory_space<vmem_shared>>) offsets(%dma_start3A_139 : memref<128xi32, #tpu.memory_space<vmem>>) semaphore(%run_scoped3A_132 : memref<!tpu.dma_semaphore, #tpu.memory_space<semaphore_mem>>) {add = true}
        %dma_wait3A_143 = arith.constant 0 : i32
        %dma_wait3A_144 = arith.constant 0 : i32
        %dma_wait3A_145 = tpu.memref_slice %arg9[%run_scoped3A_130, %dma_wait3A_143, %dma_wait3A_144] : memref<2x128x128xf32, #tpu.memory_space<vmem>> -> memref<1x128x128xf32, #tpu.memory_space<vmem>>
        %dma_wait3A_146 = tpu.memref_squeeze %dma_wait3A_145 : memref<1x128x128xf32, #tpu.memory_space<vmem>> -> memref<128x128xf32, #tpu.memory_space<vmem>>
        %dma_wait3A_147 = arith.constant 0 : i32
        %dma_wait3A_148 = tpu.memref_slice %arg8[%add3A_94, %dma_wait3A_147] : memref<40x128xi32, #tpu.memory_space<vmem>> -> memref<1x128xi32, #tpu.memory_space<vmem>>
        %dma_wait3A_149 = tpu.memref_squeeze %dma_wait3A_148 : memref<1x128xi32, #tpu.memory_space<vmem>> -> memref<128xi32, #tpu.memory_space<vmem>>
        %dma_wait3A_150 = arith.constant 0 : i32
        %dma_wait3A_151 = arith.constant 0 : i32
        %dma_wait3A_152 = tpu.memref_slice %arg10[%dma_wait3A_150, %dma_wait3A_151] : memref<10240x128xf32, #tpu.memory_space<vmem_shared>> -> memref<10240x128xf32, #tpu.memory_space<vmem_shared>>
        tpu.wait_indirect_dma semaphore(%run_scoped3A_132 : memref<!tpu.dma_semaphore, #tpu.memory_space<semaphore_mem>>) src(%dma_wait3A_146 : memref<128x128xf32, #tpu.memory_space<vmem>>) dst(%dma_wait3A_152 : memref<10240x128xf32, #tpu.memory_space<vmem_shared>>)
        tpu.yield
      }) : () -> ()
      %scan3A_131 = arith.constant 0 : i32
      scf.yield %scan3A_131 : i32
    }
    %scan3A_48 = arith.constant 20 : i32
    "tpu.region"() ({
      %run_scoped3A_89 = tpu.sem_alloc : memref<!tpu.dma_semaphore, #tpu.memory_space<semaphore_mem>>
      %dma_start3A_90 = arith.constant 40 : i32
      %dma_start3A_91 = arith.constant 0 : i32
      %dma_start3A_92 = tpu.memref_slice %arg3[%add3A, %dma_start3A_90, %dma_start3A_91] : memref<32x80x128xi32, #tpu.memory_space<hbm>> -> memref<1x40x128xi32, #tpu.memory_space<hbm>>
      %dma_start3A_93 = tpu.memref_squeeze %dma_start3A_92 : memref<1x40x128xi32, #tpu.memory_space<hbm>> -> memref<40x128xi32, #tpu.memory_space<hbm>>
      %dma_start3A_94 = arith.constant 40 : i32
      %dma_start3A_95 = arith.constant 0 : i32
      %dma_start3A_96 = tpu.memref_slice %arg3[%add3A, %dma_start3A_94, %dma_start3A_95] : memref<32x80x128xi32, #tpu.memory_space<hbm>> -> memref<1x40x128xi32, #tpu.memory_space<hbm>>
      %dma_start3A_97 = tpu.memref_squeeze %dma_start3A_96 : memref<1x40x128xi32, #tpu.memory_space<hbm>> -> memref<40x128xi32, #tpu.memory_space<hbm>>
      tpu.enqueue_dma source(%dma_start3A_97 : memref<40x128xi32, #tpu.memory_space<hbm>>) target(%arg7 : memref<40x128xi32, #tpu.memory_space<vmem>>) target_semaphore(%run_scoped3A_89 : memref<!tpu.dma_semaphore, #tpu.memory_space<semaphore_mem>>)
      %dma_wait3A = arith.constant 40 : i32
      %dma_wait3A_98 = arith.constant 0 : i32
      %dma_wait3A_99 = tpu.memref_slice %arg3[%add3A, %dma_wait3A, %dma_wait3A_98] : memref<32x80x128xi32, #tpu.memory_space<hbm>> -> memref<1x40x128xi32, #tpu.memory_space<hbm>>
      %dma_wait3A_100 = tpu.memref_squeeze %dma_wait3A_99 : memref<1x40x128xi32, #tpu.memory_space<hbm>> -> memref<40x128xi32, #tpu.memory_space<hbm>>
      %dma_wait3A_101 = arith.constant 40 : i32
      %dma_wait3A_102 = arith.constant 0 : i32
      %dma_wait3A_103 = tpu.memref_slice %arg3[%add3A, %dma_wait3A_101, %dma_wait3A_102] : memref<32x80x128xi32, #tpu.memory_space<hbm>> -> memref<1x40x128xi32, #tpu.memory_space<hbm>>
      %dma_wait3A_104 = tpu.memref_squeeze %dma_wait3A_103 : memref<1x40x128xi32, #tpu.memory_space<hbm>> -> memref<40x128xi32, #tpu.memory_space<hbm>>
      tpu.wait_dma2 semaphore(%run_scoped3A_89 : memref<!tpu.dma_semaphore, #tpu.memory_space<semaphore_mem>>) src(%dma_wait3A_104 : memref<40x128xi32, #tpu.memory_space<hbm>>) dst(%arg7 : memref<40x128xi32, #tpu.memory_space<vmem>>)
      tpu.yield
    }) : () -> ()
    "tpu.region"() ({
      %run_scoped3A_89 = tpu.sem_alloc : memref<!tpu.dma_semaphore, #tpu.memory_space<semaphore_mem>>
      %dma_start3A_90 = arith.constant 40 : i32
      %dma_start3A_91 = arith.constant 0 : i32
      %dma_start3A_92 = tpu.memref_slice %arg4[%add3A, %dma_start3A_90, %dma_start3A_91] : memref<32x80x128xi32, #tpu.memory_space<hbm>> -> memref<1x40x128xi32, #tpu.memory_space<hbm>>
      %dma_start3A_93 = tpu.memref_squeeze %dma_start3A_92 : memref<1x40x128xi32, #tpu.memory_space<hbm>> -> memref<40x128xi32, #tpu.memory_space<hbm>>
      %dma_start3A_94 = arith.constant 40 : i32
      %dma_start3A_95 = arith.constant 0 : i32
      %dma_start3A_96 = tpu.memref_slice %arg4[%add3A, %dma_start3A_94, %dma_start3A_95] : memref<32x80x128xi32, #tpu.memory_space<hbm>> -> memref<1x40x128xi32, #tpu.memory_space<hbm>>
      %dma_start3A_97 = tpu.memref_squeeze %dma_start3A_96 : memref<1x40x128xi32, #tpu.memory_space<hbm>> -> memref<40x128xi32, #tpu.memory_space<hbm>>
      tpu.enqueue_dma source(%dma_start3A_97 : memref<40x128xi32, #tpu.memory_space<hbm>>) target(%arg8 : memref<40x128xi32, #tpu.memory_space<vmem>>) target_semaphore(%run_scoped3A_89 : memref<!tpu.dma_semaphore, #tpu.memory_space<semaphore_mem>>)
      %dma_wait3A = arith.constant 40 : i32
      %dma_wait3A_98 = arith.constant 0 : i32
      %dma_wait3A_99 = tpu.memref_slice %arg4[%add3A, %dma_wait3A, %dma_wait3A_98] : memref<32x80x128xi32, #tpu.memory_space<hbm>> -> memref<1x40x128xi32, #tpu.memory_space<hbm>>
      %dma_wait3A_100 = tpu.memref_squeeze %dma_wait3A_99 : memref<1x40x128xi32, #tpu.memory_space<hbm>> -> memref<40x128xi32, #tpu.memory_space<hbm>>
      %dma_wait3A_101 = arith.constant 40 : i32
      %dma_wait3A_102 = arith.constant 0 : i32
      %dma_wait3A_103 = tpu.memref_slice %arg4[%add3A, %dma_wait3A_101, %dma_wait3A_102] : memref<32x80x128xi32, #tpu.memory_space<hbm>> -> memref<1x40x128xi32, #tpu.memory_space<hbm>>
      %dma_wait3A_104 = tpu.memref_squeeze %dma_wait3A_103 : memref<1x40x128xi32, #tpu.memory_space<hbm>> -> memref<40x128xi32, #tpu.memory_space<hbm>>
      tpu.wait_dma2 semaphore(%run_scoped3A_89 : memref<!tpu.dma_semaphore, #tpu.memory_space<semaphore_mem>>) src(%dma_wait3A_104 : memref<40x128xi32, #tpu.memory_space<hbm>>) dst(%arg8 : memref<40x128xi32, #tpu.memory_space<vmem>>)
      tpu.yield
    }) : () -> ()
    %dma_start3A_49 = arith.constant 0 : i32
    %dma_start3A_50 = arith.constant 0 : i32
    %dma_start3A_51 = arith.constant 0 : i32
    %dma_start3A_52 = arith.constant 0 : i32
    %dma_start3A_53 = tpu.memref_slice %arg9[%dma_start3A_50, %dma_start3A_51, %dma_start3A_52] : memref<2x128x128xf32, #tpu.memory_space<vmem>> -> memref<1x128x128xf32, #tpu.memory_space<vmem>>
    %dma_start3A_54 = tpu.memref_squeeze %dma_start3A_53 : memref<1x128x128xf32, #tpu.memory_space<vmem>> -> memref<128x128xf32, #tpu.memory_space<vmem>>
    %dma_start3A_55 = arith.constant 0 : i32
    %dma_start3A_56 = tpu.memref_slice %arg7[%dma_start3A_49, %dma_start3A_55] : memref<40x128xi32, #tpu.memory_space<vmem>> -> memref<1x128xi32, #tpu.memory_space<vmem>>
    %dma_start3A_57 = tpu.memref_squeeze %dma_start3A_56 : memref<1x128xi32, #tpu.memory_space<vmem>> -> memref<128xi32, #tpu.memory_space<vmem>>
    %dma_start3A_58 = arith.constant 0 : i32
    %dma_start3A_59 = arith.constant 0 : i32
    %dma_start3A_60 = tpu.memref_slice %arg2[%dma_start3A_58, %dma_start3A_59] : memref<10240x128xf32, #tpu.memory_space<hbm>> -> memref<10240x128xf32, #tpu.memory_space<hbm>>
    tpu.enqueue_indirect_dma source(%dma_start3A_60 : memref<10240x128xf32, #tpu.memory_space<hbm>>) target(%dma_start3A_54 : memref<128x128xf32, #tpu.memory_space<vmem>>) offsets(%dma_start3A_57 : memref<128xi32, #tpu.memory_space<vmem>>) semaphore(%arg11 : memref<!tpu.dma_semaphore, #tpu.memory_space<semaphore_mem>>)
    %scan3A_61 = arith.constant 0 : i32
    %scan3A_62 = arith.constant 0 : i32
    %scan3A_63 = arith.constant 20 : i32
    %scan3A_64 = arith.addi %scan3A_62, %scan3A_63 : i32
    %scan3A_65 = arith.constant 1 : i32
    %scan3A_66 = scf.for %scan3A_89 = %scan3A_62 to %scan3A_64 step %scan3A_65 iter_args(%scan3A_90 = %scan3A_61) -> (i32)  : i32 {
      %mul3A_91 = arith.constant 2 : i32
      %mul3A_92 = arith.muli %mul3A_91, %scan3A_89 : i32
      %add3A_93 = arith.constant 1 : i32
      %add3A_94 = arith.addi %mul3A_92, %add3A_93 : i32
      %dma_start3A_95 = arith.constant 1 : i32
      %dma_start3A_96 = arith.constant 0 : i32
      %dma_start3A_97 = arith.constant 0 : i32
      %dma_start3A_98 = tpu.memref_slice %arg9[%dma_start3A_95, %dma_start3A_96, %dma_start3A_97] : memref<2x128x128xf32, #tpu.memory_space<vmem>> -> memref<1x128x128xf32, #tpu.memory_space<vmem>>
      %dma_start3A_99 = tpu.memref_squeeze %dma_start3A_98 : memref<1x128x128xf32, #tpu.memory_space<vmem>> -> memref<128x128xf32, #tpu.memory_space<vmem>>
      %dma_start3A_100 = arith.constant 0 : i32
      %dma_start3A_101 = tpu.memref_slice %arg7[%add3A_94, %dma_start3A_100] : memref<40x128xi32, #tpu.memory_space<vmem>> -> memref<1x128xi32, #tpu.memory_space<vmem>>
      %dma_start3A_102 = tpu.memref_squeeze %dma_start3A_101 : memref<1x128xi32, #tpu.memory_space<vmem>> -> memref<128xi32, #tpu.memory_space<vmem>>
      %dma_start3A_103 = arith.constant 0 : i32
      %dma_start3A_104 = arith.constant 0 : i32
      %dma_start3A_105 = tpu.memref_slice %arg2[%dma_start3A_103, %dma_start3A_104] : memref<10240x128xf32, #tpu.memory_space<hbm>> -> memref<10240x128xf32, #tpu.memory_space<hbm>>
      tpu.enqueue_indirect_dma source(%dma_start3A_105 : memref<10240x128xf32, #tpu.memory_space<hbm>>) target(%dma_start3A_99 : memref<128x128xf32, #tpu.memory_space<vmem>>) offsets(%dma_start3A_102 : memref<128xi32, #tpu.memory_space<vmem>>) semaphore(%arg12 : memref<!tpu.dma_semaphore, #tpu.memory_space<semaphore_mem>>)
      %dma_wait3A = arith.constant 0 : i32
      %dma_wait3A_106 = arith.constant 0 : i32
      %dma_wait3A_107 = arith.constant 0 : i32
      %dma_wait3A_108 = tpu.memref_slice %arg9[%dma_wait3A, %dma_wait3A_106, %dma_wait3A_107] : memref<2x128x128xf32, #tpu.memory_space<vmem>> -> memref<1x128x128xf32, #tpu.memory_space<vmem>>
      %dma_wait3A_109 = tpu.memref_squeeze %dma_wait3A_108 : memref<1x128x128xf32, #tpu.memory_space<vmem>> -> memref<128x128xf32, #tpu.memory_space<vmem>>
      %dma_wait3A_110 = arith.constant 0 : i32
      %dma_wait3A_111 = tpu.memref_slice %arg7[%mul3A_92, %dma_wait3A_110] : memref<40x128xi32, #tpu.memory_space<vmem>> -> memref<1x128xi32, #tpu.memory_space<vmem>>
      %dma_wait3A_112 = tpu.memref_squeeze %dma_wait3A_111 : memref<1x128xi32, #tpu.memory_space<vmem>> -> memref<128xi32, #tpu.memory_space<vmem>>
      %dma_wait3A_113 = arith.constant 0 : i32
      %dma_wait3A_114 = arith.constant 0 : i32
      %dma_wait3A_115 = tpu.memref_slice %arg2[%dma_wait3A_113, %dma_wait3A_114] : memref<10240x128xf32, #tpu.memory_space<hbm>> -> memref<10240x128xf32, #tpu.memory_space<hbm>>
      tpu.wait_indirect_dma semaphore(%arg11 : memref<!tpu.dma_semaphore, #tpu.memory_space<semaphore_mem>>) src(%dma_wait3A_115 : memref<10240x128xf32, #tpu.memory_space<hbm>>) dst(%dma_wait3A_109 : memref<128x128xf32, #tpu.memory_space<vmem>>)
      %run_scoped3A_116 = arith.constant 0 : i32
      "tpu.region"() ({
        %run_scoped3A_132 = tpu.sem_alloc : memref<!tpu.dma_semaphore, #tpu.memory_space<semaphore_mem>>
        %dma_start3A_133 = arith.constant 0 : i32
        %dma_start3A_134 = arith.constant 0 : i32
        %dma_start3A_135 = tpu.memref_slice %arg9[%run_scoped3A_116, %dma_start3A_133, %dma_start3A_134] : memref<2x128x128xf32, #tpu.memory_space<vmem>> -> memref<1x128x128xf32, #tpu.memory_space<vmem>>
        %dma_start3A_136 = tpu.memref_squeeze %dma_start3A_135 : memref<1x128x128xf32, #tpu.memory_space<vmem>> -> memref<128x128xf32, #tpu.memory_space<vmem>>
        %dma_start3A_137 = arith.constant 0 : i32
        %dma_start3A_138 = tpu.memref_slice %arg8[%mul3A_92, %dma_start3A_137] : memref<40x128xi32, #tpu.memory_space<vmem>> -> memref<1x128xi32, #tpu.memory_space<vmem>>
        %dma_start3A_139 = tpu.memref_squeeze %dma_start3A_138 : memref<1x128xi32, #tpu.memory_space<vmem>> -> memref<128xi32, #tpu.memory_space<vmem>>
        %dma_start3A_140 = arith.constant 0 : i32
        %dma_start3A_141 = arith.constant 0 : i32
        %dma_start3A_142 = tpu.memref_slice %arg10[%dma_start3A_140, %dma_start3A_141] : memref<10240x128xf32, #tpu.memory_space<vmem_shared>> -> memref<10240x128xf32, #tpu.memory_space<vmem_shared>>
        tpu.enqueue_indirect_dma source(%dma_start3A_136 : memref<128x128xf32, #tpu.memory_space<vmem>>) target(%dma_start3A_142 : memref<10240x128xf32, #tpu.memory_space<vmem_shared>>) offsets(%dma_start3A_139 : memref<128xi32, #tpu.memory_space<vmem>>) semaphore(%run_scoped3A_132 : memref<!tpu.dma_semaphore, #tpu.memory_space<semaphore_mem>>) {add = true}
        %dma_wait3A_143 = arith.constant 0 : i32
        %dma_wait3A_144 = arith.constant 0 : i32
        %dma_wait3A_145 = tpu.memref_slice %arg9[%run_scoped3A_116, %dma_wait3A_143, %dma_wait3A_144] : memref<2x128x128xf32, #tpu.memory_space<vmem>> -> memref<1x128x128xf32, #tpu.memory_space<vmem>>
        %dma_wait3A_146 = tpu.memref_squeeze %dma_wait3A_145 : memref<1x128x128xf32, #tpu.memory_space<vmem>> -> memref<128x128xf32, #tpu.memory_space<vmem>>
        %dma_wait3A_147 = arith.constant 0 : i32
        %dma_wait3A_148 = tpu.memref_slice %arg8[%mul3A_92, %dma_wait3A_147] : memref<40x128xi32, #tpu.memory_space<vmem>> -> memref<1x128xi32, #tpu.memory_space<vmem>>
        %dma_wait3A_149 = tpu.memref_squeeze %dma_wait3A_148 : memref<1x128xi32, #tpu.memory_space<vmem>> -> memref<128xi32, #tpu.memory_space<vmem>>
        %dma_wait3A_150 = arith.constant 0 : i32
        %dma_wait3A_151 = arith.constant 0 : i32
        %dma_wait3A_152 = tpu.memref_slice %arg10[%dma_wait3A_150, %dma_wait3A_151] : memref<10240x128xf32, #tpu.memory_space<vmem_shared>> -> memref<10240x128xf32, #tpu.memory_space<vmem_shared>>
        tpu.wait_indirect_dma semaphore(%run_scoped3A_132 : memref<!tpu.dma_semaphore, #tpu.memory_space<semaphore_mem>>) src(%dma_wait3A_146 : memref<128x128xf32, #tpu.memory_space<vmem>>) dst(%dma_wait3A_152 : memref<10240x128xf32, #tpu.memory_space<vmem_shared>>)
        tpu.yield
      }) : () -> ()
      %lt3A = arith.constant 19 : i32
      %lt3A_117 = arith.cmpi slt, %scan3A_89, %lt3A : i32
      %convert_element_type3A = arith.extui %lt3A_117 : i1 to i32
      %cond3A = arith.constant 0 : i32
      %cond3A_118 = arith.cmpi ne, %convert_element_type3A, %cond3A : i32
      scf.if %cond3A_118 {
        %add3A_132 = arith.constant 2 : i32
        %add3A_133 = arith.addi %mul3A_92, %add3A_132 : i32
        %dma_start3A_134 = arith.constant 0 : i32
        %dma_start3A_135 = arith.constant 0 : i32
        %dma_start3A_136 = arith.constant 0 : i32
        %dma_start3A_137 = tpu.memref_slice %arg9[%dma_start3A_134, %dma_start3A_135, %dma_start3A_136] : memref<2x128x128xf32, #tpu.memory_space<vmem>> -> memref<1x128x128xf32, #tpu.memory_space<vmem>>
        %dma_start3A_138 = tpu.memref_squeeze %dma_start3A_137 : memref<1x128x128xf32, #tpu.memory_space<vmem>> -> memref<128x128xf32, #tpu.memory_space<vmem>>
        %dma_start3A_139 = arith.constant 0 : i32
        %dma_start3A_140 = tpu.memref_slice %arg7[%add3A_133, %dma_start3A_139] : memref<40x128xi32, #tpu.memory_space<vmem>> -> memref<1x128xi32, #tpu.memory_space<vmem>>
        %dma_start3A_141 = tpu.memref_squeeze %dma_start3A_140 : memref<1x128xi32, #tpu.memory_space<vmem>> -> memref<128xi32, #tpu.memory_space<vmem>>
        %dma_start3A_142 = arith.constant 0 : i32
        %dma_start3A_143 = arith.constant 0 : i32
        %dma_start3A_144 = tpu.memref_slice %arg2[%dma_start3A_142, %dma_start3A_143] : memref<10240x128xf32, #tpu.memory_space<hbm>> -> memref<10240x128xf32, #tpu.memory_space<hbm>>
        tpu.enqueue_indirect_dma source(%dma_start3A_144 : memref<10240x128xf32, #tpu.memory_space<hbm>>) target(%dma_start3A_138 : memref<128x128xf32, #tpu.memory_space<vmem>>) offsets(%dma_start3A_141 : memref<128xi32, #tpu.memory_space<vmem>>) semaphore(%arg11 : memref<!tpu.dma_semaphore, #tpu.memory_space<semaphore_mem>>)
      } else {
      }
      %dma_wait3A_119 = arith.constant 1 : i32
      %dma_wait3A_120 = arith.constant 0 : i32
      %dma_wait3A_121 = arith.constant 0 : i32
      %dma_wait3A_122 = tpu.memref_slice %arg9[%dma_wait3A_119, %dma_wait3A_120, %dma_wait3A_121] : memref<2x128x128xf32, #tpu.memory_space<vmem>> -> memref<1x128x128xf32, #tpu.memory_space<vmem>>
      %dma_wait3A_123 = tpu.memref_squeeze %dma_wait3A_122 : memref<1x128x128xf32, #tpu.memory_space<vmem>> -> memref<128x128xf32, #tpu.memory_space<vmem>>
      %dma_wait3A_124 = arith.constant 0 : i32
      %dma_wait3A_125 = tpu.memref_slice %arg7[%add3A_94, %dma_wait3A_124] : memref<40x128xi32, #tpu.memory_space<vmem>> -> memref<1x128xi32, #tpu.memory_space<vmem>>
      %dma_wait3A_126 = tpu.memref_squeeze %dma_wait3A_125 : memref<1x128xi32, #tpu.memory_space<vmem>> -> memref<128xi32, #tpu.memory_space<vmem>>
      %dma_wait3A_127 = arith.constant 0 : i32
      %dma_wait3A_128 = arith.constant 0 : i32
      %dma_wait3A_129 = tpu.memref_slice %arg2[%dma_wait3A_127, %dma_wait3A_128] : memref<10240x128xf32, #tpu.memory_space<hbm>> -> memref<10240x128xf32, #tpu.memory_space<hbm>>
      tpu.wait_indirect_dma semaphore(%arg12 : memref<!tpu.dma_semaphore, #tpu.memory_space<semaphore_mem>>) src(%dma_wait3A_129 : memref<10240x128xf32, #tpu.memory_space<hbm>>) dst(%dma_wait3A_123 : memref<128x128xf32, #tpu.memory_space<vmem>>)
      %run_scoped3A_130 = arith.constant 1 : i32
      "tpu.region"() ({
        %run_scoped3A_132 = tpu.sem_alloc : memref<!tpu.dma_semaphore, #tpu.memory_space<semaphore_mem>>
        %dma_start3A_133 = arith.constant 0 : i32
        %dma_start3A_134 = arith.constant 0 : i32
        %dma_start3A_135 = tpu.memref_slice %arg9[%run_scoped3A_130, %dma_start3A_133, %dma_start3A_134] : memref<2x128x128xf32, #tpu.memory_space<vmem>> -> memref<1x128x128xf32, #tpu.memory_space<vmem>>
        %dma_start3A_136 = tpu.memref_squeeze %dma_start3A_135 : memref<1x128x128xf32, #tpu.memory_space<vmem>> -> memref<128x128xf32, #tpu.memory_space<vmem>>
        %dma_start3A_137 = arith.constant 0 : i32
        %dma_start3A_138 = tpu.memref_slice %arg8[%add3A_94, %dma_start3A_137] : memref<40x128xi32, #tpu.memory_space<vmem>> -> memref<1x128xi32, #tpu.memory_space<vmem>>
        %dma_start3A_139 = tpu.memref_squeeze %dma_start3A_138 : memref<1x128xi32, #tpu.memory_space<vmem>> -> memref<128xi32, #tpu.memory_space<vmem>>
        %dma_start3A_140 = arith.constant 0 : i32
        %dma_start3A_141 = arith.constant 0 : i32
        %dma_start3A_142 = tpu.memref_slice %arg10[%dma_start3A_140, %dma_start3A_141] : memref<10240x128xf32, #tpu.memory_space<vmem_shared>> -> memref<10240x128xf32, #tpu.memory_space<vmem_shared>>
        tpu.enqueue_indirect_dma source(%dma_start3A_136 : memref<128x128xf32, #tpu.memory_space<vmem>>) target(%dma_start3A_142 : memref<10240x128xf32, #tpu.memory_space<vmem_shared>>) offsets(%dma_start3A_139 : memref<128xi32, #tpu.memory_space<vmem>>) semaphore(%run_scoped3A_132 : memref<!tpu.dma_semaphore, #tpu.memory_space<semaphore_mem>>) {add = true}
        %dma_wait3A_143 = arith.constant 0 : i32
        %dma_wait3A_144 = arith.constant 0 : i32
        %dma_wait3A_145 = tpu.memref_slice %arg9[%run_scoped3A_130, %dma_wait3A_143, %dma_wait3A_144] : memref<2x128x128xf32, #tpu.memory_space<vmem>> -> memref<1x128x128xf32, #tpu.memory_space<vmem>>
        %dma_wait3A_146 = tpu.memref_squeeze %dma_wait3A_145 : memref<1x128x128xf32, #tpu.memory_space<vmem>> -> memref<128x128xf32, #tpu.memory_space<vmem>>
        %dma_wait3A_147 = arith.constant 0 : i32
        %dma_wait3A_148 = tpu.memref_slice %arg8[%add3A_94, %dma_wait3A_147] : memref<40x128xi32, #tpu.memory_space<vmem>> -> memref<1x128xi32, #tpu.memory_space<vmem>>
        %dma_wait3A_149 = tpu.memref_squeeze %dma_wait3A_148 : memref<1x128xi32, #tpu.memory_space<vmem>> -> memref<128xi32, #tpu.memory_space<vmem>>
        %dma_wait3A_150 = arith.constant 0 : i32
        %dma_wait3A_151 = arith.constant 0 : i32
        %dma_wait3A_152 = tpu.memref_slice %arg10[%dma_wait3A_150, %dma_wait3A_151] : memref<10240x128xf32, #tpu.memory_space<vmem_shared>> -> memref<10240x128xf32, #tpu.memory_space<vmem_shared>>
        tpu.wait_indirect_dma semaphore(%run_scoped3A_132 : memref<!tpu.dma_semaphore, #tpu.memory_space<semaphore_mem>>) src(%dma_wait3A_146 : memref<128x128xf32, #tpu.memory_space<vmem>>) dst(%dma_wait3A_152 : memref<10240x128xf32, #tpu.memory_space<vmem_shared>>)
        tpu.yield
      }) : () -> ()
      %scan3A_131 = arith.constant 0 : i32
      scf.yield %scan3A_131 : i32
    }
    %scan3A_67 = arith.constant 20 : i32
    %barrier3A_68 = arith.constant 0 : index
    tpu.barrier barrier_id(%barrier3A_68)
    %mul3A_69 = arith.constant 640 : i32
    %mul3A_70 = arith.muli %arg1, %mul3A_69 : i32
    %add3A_71 = arith.constant 0 : i32
    %add3A_72 = arith.addi %mul3A_70, %add3A_71 : i32
    "tpu.region"() ({
      %run_scoped3A_89 = tpu.sem_alloc : memref<!tpu.dma_semaphore, #tpu.memory_space<semaphore_mem>>
      %dma_start3A_90 = arith.constant 0 : i32
      %dma_start3A_91 = tpu.memref_slice %arg6[%arg0, %add3A_72, %dma_start3A_90] : memref<2x10240x128xf32, #tpu.memory_space<hbm>> -> memref<1x128x128xf32, #tpu.memory_space<hbm>>
      %dma_start3A_92 = tpu.memref_squeeze %dma_start3A_91 : memref<1x128x128xf32, #tpu.memory_space<hbm>> -> memref<128x128xf32, #tpu.memory_space<hbm>>
      %dma_start3A_93 = arith.constant 0 : i32
      %dma_start3A_94 = tpu.memref_slice %arg10[%add3A_72, %dma_start3A_93] : memref<10240x128xf32, #tpu.memory_space<vmem_shared>> -> memref<128x128xf32, #tpu.memory_space<vmem_shared>>
      tpu.enqueue_dma source(%dma_start3A_94 : memref<128x128xf32, #tpu.memory_space<vmem_shared>>) target(%dma_start3A_92 : memref<128x128xf32, #tpu.memory_space<hbm>>) target_semaphore(%run_scoped3A_89 : memref<!tpu.dma_semaphore, #tpu.memory_space<semaphore_mem>>)
      %dma_wait3A = arith.constant 0 : i32
      %dma_wait3A_95 = tpu.memref_slice %arg6[%arg0, %add3A_72, %dma_wait3A] : memref<2x10240x128xf32, #tpu.memory_space<hbm>> -> memref<1x128x128xf32, #tpu.memory_space<hbm>>
      %dma_wait3A_96 = tpu.memref_squeeze %dma_wait3A_95 : memref<1x128x128xf32, #tpu.memory_space<hbm>> -> memref<128x128xf32, #tpu.memory_space<hbm>>
      %dma_wait3A_97 = arith.constant 0 : i32
      %dma_wait3A_98 = tpu.memref_slice %arg10[%add3A_72, %dma_wait3A_97] : memref<10240x128xf32, #tpu.memory_space<vmem_shared>> -> memref<128x128xf32, #tpu.memory_space<vmem_shared>>
      tpu.wait_dma2 semaphore(%run_scoped3A_89 : memref<!tpu.dma_semaphore, #tpu.memory_space<semaphore_mem>>) src(%dma_wait3A_98 : memref<128x128xf32, #tpu.memory_space<vmem_shared>>) dst(%dma_wait3A_96 : memref<128x128xf32, #tpu.memory_space<hbm>>)
      tpu.yield
    }) : () -> ()
    %mul3A_73 = arith.constant 640 : i32
    %mul3A_74 = arith.muli %arg1, %mul3A_73 : i32
    %add3A_75 = arith.constant 128 : i32
    %add3A_76 = arith.addi %mul3A_74, %add3A_75 : i32
    "tpu.region"() ({
      %run_scoped3A_89 = tpu.sem_alloc : memref<!tpu.dma_semaphore, #tpu.memory_space<semaphore_mem>>
      %dma_start3A_90 = arith.constant 0 : i32
      %dma_start3A_91 = tpu.memref_slice %arg6[%arg0, %add3A_76, %dma_start3A_90] : memref<2x10240x128xf32, #tpu.memory_space<hbm>> -> memref<1x128x128xf32, #tpu.memory_space<hbm>>
      %dma_start3A_92 = tpu.memref_squeeze %dma_start3A_91 : memref<1x128x128xf32, #tpu.memory_space<hbm>> -> memref<128x128xf32, #tpu.memory_space<hbm>>
      %dma_start3A_93 = arith.constant 0 : i32
      %dma_start3A_94 = tpu.memref_slice %arg10[%add3A_76, %dma_start3A_93] : memref<10240x128xf32, #tpu.memory_space<vmem_shared>> -> memref<128x128xf32, #tpu.memory_space<vmem_shared>>
      tpu.enqueue_dma source(%dma_start3A_94 : memref<128x128xf32, #tpu.memory_space<vmem_shared>>) target(%dma_start3A_92 : memref<128x128xf32, #tpu.memory_space<hbm>>) target_semaphore(%run_scoped3A_89 : memref<!tpu.dma_semaphore, #tpu.memory_space<semaphore_mem>>)
      %dma_wait3A = arith.constant 0 : i32
      %dma_wait3A_95 = tpu.memref_slice %arg6[%arg0, %add3A_76, %dma_wait3A] : memref<2x10240x128xf32, #tpu.memory_space<hbm>> -> memref<1x128x128xf32, #tpu.memory_space<hbm>>
      %dma_wait3A_96 = tpu.memref_squeeze %dma_wait3A_95 : memref<1x128x128xf32, #tpu.memory_space<hbm>> -> memref<128x128xf32, #tpu.memory_space<hbm>>
      %dma_wait3A_97 = arith.constant 0 : i32
      %dma_wait3A_98 = tpu.memref_slice %arg10[%add3A_76, %dma_wait3A_97] : memref<10240x128xf32, #tpu.memory_space<vmem_shared>> -> memref<128x128xf32, #tpu.memory_space<vmem_shared>>
      tpu.wait_dma2 semaphore(%run_scoped3A_89 : memref<!tpu.dma_semaphore, #tpu.memory_space<semaphore_mem>>) src(%dma_wait3A_98 : memref<128x128xf32, #tpu.memory_space<vmem_shared>>) dst(%dma_wait3A_96 : memref<128x128xf32, #tpu.memory_space<hbm>>)
      tpu.yield
    }) : () -> ()
    %mul3A_77 = arith.constant 640 : i32
    %mul3A_78 = arith.muli %arg1, %mul3A_77 : i32
    %add3A_79 = arith.constant 256 : i32
    %add3A_80 = arith.addi %mul3A_78, %add3A_79 : i32
    "tpu.region"() ({
      %run_scoped3A_89 = tpu.sem_alloc : memref<!tpu.dma_semaphore, #tpu.memory_space<semaphore_mem>>
      %dma_start3A_90 = arith.constant 0 : i32
      %dma_start3A_91 = tpu.memref_slice %arg6[%arg0, %add3A_80, %dma_start3A_90] : memref<2x10240x128xf32, #tpu.memory_space<hbm>> -> memref<1x128x128xf32, #tpu.memory_space<hbm>>
      %dma_start3A_92 = tpu.memref_squeeze %dma_start3A_91 : memref<1x128x128xf32, #tpu.memory_space<hbm>> -> memref<128x128xf32, #tpu.memory_space<hbm>>
      %dma_start3A_93 = arith.constant 0 : i32
      %dma_start3A_94 = tpu.memref_slice %arg10[%add3A_80, %dma_start3A_93] : memref<10240x128xf32, #tpu.memory_space<vmem_shared>> -> memref<128x128xf32, #tpu.memory_space<vmem_shared>>
      tpu.enqueue_dma source(%dma_start3A_94 : memref<128x128xf32, #tpu.memory_space<vmem_shared>>) target(%dma_start3A_92 : memref<128x128xf32, #tpu.memory_space<hbm>>) target_semaphore(%run_scoped3A_89 : memref<!tpu.dma_semaphore, #tpu.memory_space<semaphore_mem>>)
      %dma_wait3A = arith.constant 0 : i32
      %dma_wait3A_95 = tpu.memref_slice %arg6[%arg0, %add3A_80, %dma_wait3A] : memref<2x10240x128xf32, #tpu.memory_space<hbm>> -> memref<1x128x128xf32, #tpu.memory_space<hbm>>
      %dma_wait3A_96 = tpu.memref_squeeze %dma_wait3A_95 : memref<1x128x128xf32, #tpu.memory_space<hbm>> -> memref<128x128xf32, #tpu.memory_space<hbm>>
      %dma_wait3A_97 = arith.constant 0 : i32
      %dma_wait3A_98 = tpu.memref_slice %arg10[%add3A_80, %dma_wait3A_97] : memref<10240x128xf32, #tpu.memory_space<vmem_shared>> -> memref<128x128xf32, #tpu.memory_space<vmem_shared>>
      tpu.wait_dma2 semaphore(%run_scoped3A_89 : memref<!tpu.dma_semaphore, #tpu.memory_space<semaphore_mem>>) src(%dma_wait3A_98 : memref<128x128xf32, #tpu.memory_space<vmem_shared>>) dst(%dma_wait3A_96 : memref<128x128xf32, #tpu.memory_space<hbm>>)
      tpu.yield
    }) : () -> ()
    %mul3A_81 = arith.constant 640 : i32
    %mul3A_82 = arith.muli %arg1, %mul3A_81 : i32
    %add3A_83 = arith.constant 384 : i32
    %add3A_84 = arith.addi %mul3A_82, %add3A_83 : i32
    "tpu.region"() ({
      %run_scoped3A_89 = tpu.sem_alloc : memref<!tpu.dma_semaphore, #tpu.memory_space<semaphore_mem>>
      %dma_start3A_90 = arith.constant 0 : i32
      %dma_start3A_91 = tpu.memref_slice %arg6[%arg0, %add3A_84, %dma_start3A_90] : memref<2x10240x128xf32, #tpu.memory_space<hbm>> -> memref<1x128x128xf32, #tpu.memory_space<hbm>>
      %dma_start3A_92 = tpu.memref_squeeze %dma_start3A_91 : memref<1x128x128xf32, #tpu.memory_space<hbm>> -> memref<128x128xf32, #tpu.memory_space<hbm>>
      %dma_start3A_93 = arith.constant 0 : i32
      %dma_start3A_94 = tpu.memref_slice %arg10[%add3A_84, %dma_start3A_93] : memref<10240x128xf32, #tpu.memory_space<vmem_shared>> -> memref<128x128xf32, #tpu.memory_space<vmem_shared>>
      tpu.enqueue_dma source(%dma_start3A_94 : memref<128x128xf32, #tpu.memory_space<vmem_shared>>) target(%dma_start3A_92 : memref<128x128xf32, #tpu.memory_space<hbm>>) target_semaphore(%run_scoped3A_89 : memref<!tpu.dma_semaphore, #tpu.memory_space<semaphore_mem>>)
      %dma_wait3A = arith.constant 0 : i32
      %dma_wait3A_95 = tpu.memref_slice %arg6[%arg0, %add3A_84, %dma_wait3A] : memref<2x10240x128xf32, #tpu.memory_space<hbm>> -> memref<1x128x128xf32, #tpu.memory_space<hbm>>
      %dma_wait3A_96 = tpu.memref_squeeze %dma_wait3A_95 : memref<1x128x128xf32, #tpu.memory_space<hbm>> -> memref<128x128xf32, #tpu.memory_space<hbm>>
      %dma_wait3A_97 = arith.constant 0 : i32
      %dma_wait3A_98 = tpu.memref_slice %arg10[%add3A_84, %dma_wait3A_97] : memref<10240x128xf32, #tpu.memory_space<vmem_shared>> -> memref<128x128xf32, #tpu.memory_space<vmem_shared>>
      tpu.wait_dma2 semaphore(%run_scoped3A_89 : memref<!tpu.dma_semaphore, #tpu.memory_space<semaphore_mem>>) src(%dma_wait3A_98 : memref<128x128xf32, #tpu.memory_space<vmem_shared>>) dst(%dma_wait3A_96 : memref<128x128xf32, #tpu.memory_space<hbm>>)
      tpu.yield
    }) : () -> ()
    %mul3A_85 = arith.constant 640 : i32
    %mul3A_86 = arith.muli %arg1, %mul3A_85 : i32
    %add3A_87 = arith.constant 512 : i32
    %add3A_88 = arith.addi %mul3A_86, %add3A_87 : i32
    "tpu.region"() ({
      %run_scoped3A_89 = tpu.sem_alloc : memref<!tpu.dma_semaphore, #tpu.memory_space<semaphore_mem>>
      %dma_start3A_90 = arith.constant 0 : i32
      %dma_start3A_91 = tpu.memref_slice %arg6[%arg0, %add3A_88, %dma_start3A_90] : memref<2x10240x128xf32, #tpu.memory_space<hbm>> -> memref<1x128x128xf32, #tpu.memory_space<hbm>>
      %dma_start3A_92 = tpu.memref_squeeze %dma_start3A_91 : memref<1x128x128xf32, #tpu.memory_space<hbm>> -> memref<128x128xf32, #tpu.memory_space<hbm>>
      %dma_start3A_93 = arith.constant 0 : i32
      %dma_start3A_94 = tpu.memref_slice %arg10[%add3A_88, %dma_start3A_93] : memref<10240x128xf32, #tpu.memory_space<vmem_shared>> -> memref<128x128xf32, #tpu.memory_space<vmem_shared>>
      tpu.enqueue_dma source(%dma_start3A_94 : memref<128x128xf32, #tpu.memory_space<vmem_shared>>) target(%dma_start3A_92 : memref<128x128xf32, #tpu.memory_space<hbm>>) target_semaphore(%run_scoped3A_89 : memref<!tpu.dma_semaphore, #tpu.memory_space<semaphore_mem>>)
      %dma_wait3A = arith.constant 0 : i32
      %dma_wait3A_95 = tpu.memref_slice %arg6[%arg0, %add3A_88, %dma_wait3A] : memref<2x10240x128xf32, #tpu.memory_space<hbm>> -> memref<1x128x128xf32, #tpu.memory_space<hbm>>
      %dma_wait3A_96 = tpu.memref_squeeze %dma_wait3A_95 : memref<1x128x128xf32, #tpu.memory_space<hbm>> -> memref<128x128xf32, #tpu.memory_space<hbm>>
      %dma_wait3A_97 = arith.constant 0 : i32
      %dma_wait3A_98 = tpu.memref_slice %arg10[%add3A_88, %dma_wait3A_97] : memref<10240x128xf32, #tpu.memory_space<vmem_shared>> -> memref<128x128xf32, #tpu.memory_space<vmem_shared>>
      tpu.wait_dma2 semaphore(%run_scoped3A_89 : memref<!tpu.dma_semaphore, #tpu.memory_space<semaphore_mem>>) src(%dma_wait3A_98 : memref<128x128xf32, #tpu.memory_space<vmem_shared>>) dst(%dma_wait3A_96 : memref<128x128xf32, #tpu.memory_space<hbm>>)
      tpu.yield
    }) : () -> ()
    return
  }
}

#map = affine_map<(d0, d1) -> (0, 0)>
#map1 = affine_map<(d0, d1) -> (0, 0, 0)>
module attributes {stable_mosaic.version = 14 : i64} {
  func.func @body(%arg0: i32, %arg1: i32, %arg2: memref<10240x128xf32, #tpu.memory_space<hbm>>, %arg3: memref<32x80x128xi32, #tpu.memory_space<hbm>>, %arg4: memref<32x80x128xi32, #tpu.memory_space<hbm>>, %arg5: memref<32x80x128xi32, #tpu.memory_space<hbm>>, %arg6: memref<2x10240x128xf32, #tpu.memory_space<hbm>>, %arg7: memref<40x128xi32, #tpu.memory_space<vmem>>, %arg8: memref<40x128xi32, #tpu.memory_space<vmem>>, %arg9: memref<2x128x128xf32, #tpu.memory_space<vmem>>, %arg10: memref<10240x128xf32, #tpu.memory_space<vmem_shared>>, %arg11: memref<!tpu.dma_semaphore, #tpu.memory_space<semaphore_mem>>, %arg12: memref<!tpu.dma_semaphore, #tpu.memory_space<semaphore_mem>>) attributes {dimension_semantics = [#tpu.dimension_semantics<core_parallel>, #tpu.dimension_semantics<subcore_parallel>], iteration_bounds = array<i64: 2, 16>, scalar_prefetch = 0 : i64, scratch_operands = 6 : i64, tpu.core_type = #tpu.core_type<sc_vector_subcore>, window_params = [{transform_indices = #map}, {transform_indices = #map1}, {transform_indices = #map1}, {transform_indices = #map1}, {transform_indices = #map1}]} {
    %mul3A = arith.constant 16 : i32
    %mul3A_0 = arith.muli %arg0, %mul3A : i32
    %add3A = arith.addi %mul3A_0, %arg1 : i32
    %scan3A = arith.constant 0 : i32
    %scan3A_1 = arith.constant 0 : i32
    %scan3A_2 = arith.constant 128 : i32
    %scan3A_3 = arith.addi %scan3A_1, %scan3A_2 : i32
    %scan3A_4 = arith.constant 1 : i32
    %scan3A_5 = scf.for %scan3A_73 = %scan3A_1 to %scan3A_3 step %scan3A_4 iter_args(%scan3A_74 = %scan3A) -> (i32)  : i32 {
      %broadcast_in_dim3A = arith.constant 0.000000e+00 : f32
      %broadcast_in_dim3A_75 = vector.broadcast %broadcast_in_dim3A : f32 to vector<16xf32>
      %swap3A = arith.constant 0 : i32
      %swap3A_76 = arith.index_cast %swap3A : i32 to index
      %swap3A_77 = arith.index_cast %scan3A_73 : i32 to index
      %swap3A_78 = arith.constant 0 : index
      %swap3A_79 = tpu.vector_load %arg9[%swap3A_76, %swap3A_77, %swap3A_78] {strides = array<i32>} : memref<2x128x128xf32, #tpu.memory_space<vmem>>, vector<1x1x16xf32>,
      %swap3A_80 = vector.shape_cast %swap3A_79 : vector<1x1x16xf32> to vector<16xf32>
      %swap3A_81 = vector.shape_cast %broadcast_in_dim3A_75 : vector<16xf32> to vector<1x1x16xf32>
      tpu.vector_store %arg9[%swap3A_76, %swap3A_77, %swap3A_78], %swap3A_81 {strides = array<i32>} : memref<2x128x128xf32, #tpu.memory_space<vmem>>, vector<1x1x16xf32>,
      %broadcast_in_dim3A_82 = arith.constant 0.000000e+00 : f32
      %broadcast_in_dim3A_83 = vector.broadcast %broadcast_in_dim3A_82 : f32 to vector<16xf32>
      %swap3A_84 = arith.constant 0 : i32
      %swap3A_85 = arith.index_cast %swap3A_84 : i32 to index
      %swap3A_86 = arith.index_cast %scan3A_73 : i32 to index
      %swap3A_87 = arith.constant 16 : index
      %swap3A_88 = tpu.vector_load %arg9[%swap3A_85, %swap3A_86, %swap3A_87] {strides = array<i32>} : memref<2x128x128xf32, #tpu.memory_space<vmem>>, vector<1x1x16xf32>,
      %swap3A_89 = vector.shape_cast %swap3A_88 : vector<1x1x16xf32> to vector<16xf32>
      %swap3A_90 = vector.shape_cast %broadcast_in_dim3A_83 : vector<16xf32> to vector<1x1x16xf32>
      tpu.vector_store %arg9[%swap3A_85, %swap3A_86, %swap3A_87], %swap3A_90 {strides = array<i32>} : memref<2x128x128xf32, #tpu.memory_space<vmem>>, vector<1x1x16xf32>,
      %broadcast_in_dim3A_91 = arith.constant 0.000000e+00 : f32
      %broadcast_in_dim3A_92 = vector.broadcast %broadcast_in_dim3A_91 : f32 to vector<16xf32>
      %swap3A_93 = arith.constant 0 : i32
      %swap3A_94 = arith.index_cast %swap3A_93 : i32 to index
      %swap3A_95 = arith.index_cast %scan3A_73 : i32 to index
      %swap3A_96 = arith.constant 32 : index
      %swap3A_97 = tpu.vector_load %arg9[%swap3A_94, %swap3A_95, %swap3A_96] {strides = array<i32>} : memref<2x128x128xf32, #tpu.memory_space<vmem>>, vector<1x1x16xf32>,
      %swap3A_98 = vector.shape_cast %swap3A_97 : vector<1x1x16xf32> to vector<16xf32>
      %swap3A_99 = vector.shape_cast %broadcast_in_dim3A_92 : vector<16xf32> to vector<1x1x16xf32>
      tpu.vector_store %arg9[%swap3A_94, %swap3A_95, %swap3A_96], %swap3A_99 {strides = array<i32>} : memref<2x128x128xf32, #tpu.memory_space<vmem>>, vector<1x1x16xf32>,
      %broadcast_in_dim3A_100 = arith.constant 0.000000e+00 : f32
      %broadcast_in_dim3A_101 = vector.broadcast %broadcast_in_dim3A_100 : f32 to vector<16xf32>
      %swap3A_102 = arith.constant 0 : i32
      %swap3A_103 = arith.index_cast %swap3A_102 : i32 to index
      %swap3A_104 = arith.index_cast %scan3A_73 : i32 to index
      %swap3A_105 = arith.constant 48 : index
      %swap3A_106 = tpu.vector_load %arg9[%swap3A_103, %swap3A_104, %swap3A_105] {strides = array<i32>} : memref<2x128x128xf32, #tpu.memory_space<vmem>>, vector<1x1x16xf32>,
      %swap3A_107 = vector.shape_cast %swap3A_106 : vector<1x1x16xf32> to vector<16xf32>
      %swap3A_108 = vector.shape_cast %broadcast_in_dim3A_101 : vector<16xf32> to vector<1x1x16xf32>
      tpu.vector_store %arg9[%swap3A_103, %swap3A_104, %swap3A_105], %swap3A_108 {strides = array<i32>} : memref<2x128x128xf32, #tpu.memory_space<vmem>>, vector<1x1x16xf32>,
      %broadcast_in_dim3A_109 = arith.constant 0.000000e+00 : f32
      %broadcast_in_dim3A_110 = vector.broadcast %broadcast_in_dim3A_109 : f32 to vector<16xf32>
      %swap3A_111 = arith.constant 0 : i32
      %swap3A_112 = arith.index_cast %swap3A_111 : i32 to index
      %swap3A_113 = arith.index_cast %scan3A_73 : i32 to index
      %swap3A_114 = arith.constant 64 : index
      %swap3A_115 = tpu.vector_load %arg9[%swap3A_112, %swap3A_113, %swap3A_114] {strides = array<i32>} : memref<2x128x128xf32, #tpu.memory_space<vmem>>, vector<1x1x16xf32>,
      %swap3A_116 = vector.shape_cast %swap3A_115 : vector<1x1x16xf32> to vector<16xf32>
      %swap3A_117 = vector.shape_cast %broadcast_in_dim3A_110 : vector<16xf32> to vector<1x1x16xf32>
      tpu.vector_store %arg9[%swap3A_112, %swap3A_113, %swap3A_114], %swap3A_117 {strides = array<i32>} : memref<2x128x128xf32, #tpu.memory_space<vmem>>, vector<1x1x16xf32>,
      %broadcast_in_dim3A_118 = arith.constant 0.000000e+00 : f32
      %broadcast_in_dim3A_119 = vector.broadcast %broadcast_in_dim3A_118 : f32 to vector<16xf32>
      %swap3A_120 = arith.constant 0 : i32
      %swap3A_121 = arith.index_cast %swap3A_120 : i32 to index
      %swap3A_122 = arith.index_cast %scan3A_73 : i32 to index
      %swap3A_123 = arith.constant 80 : index
      %swap3A_124 = tpu.vector_load %arg9[%swap3A_121, %swap3A_122, %swap3A_123] {strides = array<i32>} : memref<2x128x128xf32, #tpu.memory_space<vmem>>, vector<1x1x16xf32>,
      %swap3A_125 = vector.shape_cast %swap3A_124 : vector<1x1x16xf32> to vector<16xf32>
      %swap3A_126 = vector.shape_cast %broadcast_in_dim3A_119 : vector<16xf32> to vector<1x1x16xf32>
      tpu.vector_store %arg9[%swap3A_121, %swap3A_122, %swap3A_123], %swap3A_126 {strides = array<i32>} : memref<2x128x128xf32, #tpu.memory_space<vmem>>, vector<1x1x16xf32>,
      %broadcast_in_dim3A_127 = arith.constant 0.000000e+00 : f32
      %broadcast_in_dim3A_128 = vector.broadcast %broadcast_in_dim3A_127 : f32 to vector<16xf32>
      %swap3A_129 = arith.constant 0 : i32
      %swap3A_130 = arith.index_cast %swap3A_129 : i32 to index
      %swap3A_131 = arith.index_cast %scan3A_73 : i32 to index
      %swap3A_132 = arith.constant 96 : index
      %swap3A_133 = tpu.vector_load %arg9[%swap3A_130, %swap3A_131, %swap3A_132] {strides = array<i32>} : memref<2x128x128xf32, #tpu.memory_space<vmem>>, vector<1x1x16xf32>,
      %swap3A_134 = vector.shape_cast %swap3A_133 : vector<1x1x16xf32> to vector<16xf32>
      %swap3A_135 = vector.shape_cast %broadcast_in_dim3A_128 : vector<16xf32> to vector<1x1x16xf32>
      tpu.vector_store %arg9[%swap3A_130, %swap3A_131, %swap3A_132], %swap3A_135 {strides = array<i32>} : memref<2x128x128xf32, #tpu.memory_space<vmem>>, vector<1x1x16xf32>,
      %broadcast_in_dim3A_136 = arith.constant 0.000000e+00 : f32
      %broadcast_in_dim3A_137 = vector.broadcast %broadcast_in_dim3A_136 : f32 to vector<16xf32>
      %swap3A_138 = arith.constant 0 : i32
      %swap3A_139 = arith.index_cast %swap3A_138 : i32 to index
      %swap3A_140 = arith.index_cast %scan3A_73 : i32 to index
      %swap3A_141 = arith.constant 112 : index
      %swap3A_142 = tpu.vector_load %arg9[%swap3A_139, %swap3A_140, %swap3A_141] {strides = array<i32>} : memref<2x128x128xf32, #tpu.memory_space<vmem>>, vector<1x1x16xf32>,
      %swap3A_143 = vector.shape_cast %swap3A_142 : vector<1x1x16xf32> to vector<16xf32>
      %swap3A_144 = vector.shape_cast %broadcast_in_dim3A_137 : vector<16xf32> to vector<1x1x16xf32>
      tpu.vector_store %arg9[%swap3A_139, %swap3A_140, %swap3A_141], %swap3A_144 {strides = array<i32>} : memref<2x128x128xf32, #tpu.memory_space<vmem>>, vector<1x1x16xf32>,
      %scan3A_145 = arith.constant 0 : i32
      scf.yield %scan3A_145 : i32
    }
    %scan3A_6 = arith.constant 128 : i32
    %mul3A_7 = arith.constant 640 : i32
    %mul3A_8 = arith.muli %arg1, %mul3A_7 : i32
    %add3A_9 = arith.constant 0 : i32
    %add3A_10 = arith.addi %mul3A_8, %add3A_9 : i32
    %run_scoped3A = arith.constant 0 : i32
    "tpu.region"() ({
      %run_scoped3A_73 = tpu.sem_alloc : memref<!tpu.dma_semaphore, #tpu.memory_space<semaphore_mem>>
      %dma_start3A = arith.constant 0 : i32
      %dma_start3A_74 = arith.constant 0 : i32
      %dma_start3A_75 = tpu.memref_slice %arg9[%run_scoped3A, %dma_start3A, %dma_start3A_74] : memref<2x128x128xf32, #tpu.memory_space<vmem>> -> memref<1x128x128xf32, #tpu.memory_space<vmem>>
      %dma_start3A_76 = tpu.memref_squeeze %dma_start3A_75 : memref<1x128x128xf32, #tpu.memory_space<vmem>> -> memref<128x128xf32, #tpu.memory_space<vmem>>
      %dma_start3A_77 = arith.constant 0 : i32
      %dma_start3A_78 = tpu.memref_slice %arg10[%add3A_10, %dma_start3A_77] : memref<10240x128xf32, #tpu.memory_space<vmem_shared>> -> memref<128x128xf32, #tpu.memory_space<vmem_shared>>
      %dma_start3A_79 = arith.constant 0 : i32
      %dma_start3A_80 = tpu.memref_slice %arg10[%add3A_10, %dma_start3A_79] : memref<10240x128xf32, #tpu.memory_space<vmem_shared>> -> memref<128x128xf32, #tpu.memory_space<vmem_shared>>
      %dma_start3A_81 = arith.constant 0 : i32
      %dma_start3A_82 = arith.constant 0 : i32
      %dma_start3A_83 = tpu.memref_slice %arg9[%run_scoped3A, %dma_start3A_81, %dma_start3A_82] : memref<2x128x128xf32, #tpu.memory_space<vmem>> -> memref<1x128x128xf32, #tpu.memory_space<vmem>>
      %dma_start3A_84 = tpu.memref_squeeze %dma_start3A_83 : memref<1x128x128xf32, #tpu.memory_space<vmem>> -> memref<128x128xf32, #tpu.memory_space<vmem>>
      tpu.enqueue_dma source(%dma_start3A_84 : memref<128x128xf32, #tpu.memory_space<vmem>>) target(%dma_start3A_80 : memref<128x128xf32, #tpu.memory_space<vmem_shared>>) target_semaphore(%run_scoped3A_73 : memref<!tpu.dma_semaphore, #tpu.memory_space<semaphore_mem>>)
      %dma_wait3A = arith.constant 0 : i32
      %dma_wait3A_85 = arith.constant 0 : i32
      %dma_wait3A_86 = tpu.memref_slice %arg9[%run_scoped3A, %dma_wait3A, %dma_wait3A_85] : memref<2x128x128xf32, #tpu.memory_space<vmem>> -> memref<1x128x128xf32, #tpu.memory_space<vmem>>
      %dma_wait3A_87 = tpu.memref_squeeze %dma_wait3A_86 : memref<1x128x128xf32, #tpu.memory_space<vmem>> -> memref<128x128xf32, #tpu.memory_space<vmem>>
      %dma_wait3A_88 = arith.constant 0 : i32
      %dma_wait3A_89 = tpu.memref_slice %arg10[%add3A_10, %dma_wait3A_88] : memref<10240x128xf32, #tpu.memory_space<vmem_shared>> -> memref<128x128xf32, #tpu.memory_space<vmem_shared>>
      %dma_wait3A_90 = arith.constant 0 : i32
      %dma_wait3A_91 = tpu.memref_slice %arg10[%add3A_10, %dma_wait3A_90] : memref<10240x128xf32, #tpu.memory_space<vmem_shared>> -> memref<128x128xf32, #tpu.memory_space<vmem_shared>>
      %dma_wait3A_92 = arith.constant 0 : i32
      %dma_wait3A_93 = arith.constant 0 : i32
      %dma_wait3A_94 = tpu.memref_slice %arg9[%run_scoped3A, %dma_wait3A_92, %dma_wait3A_93] : memref<2x128x128xf32, #tpu.memory_space<vmem>> -> memref<1x128x128xf32, #tpu.memory_space<vmem>>
      %dma_wait3A_95 = tpu.memref_squeeze %dma_wait3A_94 : memref<1x128x128xf32, #tpu.memory_space<vmem>> -> memref<128x128xf32, #tpu.memory_space<vmem>>
      tpu.wait_dma2 semaphore(%run_scoped3A_73 : memref<!tpu.dma_semaphore, #tpu.memory_space<semaphore_mem>>) src(%dma_wait3A_95 : memref<128x128xf32, #tpu.memory_space<vmem>>) dst(%dma_wait3A_91 : memref<128x128xf32, #tpu.memory_space<vmem_shared>>)
      tpu.yield
    }) : () -> ()
    %mul3A_11 = arith.constant 640 : i32
    %mul3A_12 = arith.muli %arg1, %mul3A_11 : i32
    %add3A_13 = arith.constant 128 : i32
    %add3A_14 = arith.addi %mul3A_12, %add3A_13 : i32
    %run_scoped3A_15 = arith.constant 0 : i32
    "tpu.region"() ({
      %run_scoped3A_73 = tpu.sem_alloc : memref<!tpu.dma_semaphore, #tpu.memory_space<semaphore_mem>>
      %dma_start3A = arith.constant 0 : i32
      %dma_start3A_74 = arith.constant 0 : i32
      %dma_start3A_75 = tpu.memref_slice %arg9[%run_scoped3A_15, %dma_start3A, %dma_start3A_74] : memref<2x128x128xf32, #tpu.memory_space<vmem>> -> memref<1x128x128xf32, #tpu.memory_space<vmem>>
      %dma_start3A_76 = tpu.memref_squeeze %dma_start3A_75 : memref<1x128x128xf32, #tpu.memory_space<vmem>> -> memref<128x128xf32, #tpu.memory_space<vmem>>
      %dma_start3A_77 = arith.constant 0 : i32
      %dma_start3A_78 = tpu.memref_slice %arg10[%add3A_14, %dma_start3A_77] : memref<10240x128xf32, #tpu.memory_space<vmem_shared>> -> memref<128x128xf32, #tpu.memory_space<vmem_shared>>
      %dma_start3A_79 = arith.constant 0 : i32
      %dma_start3A_80 = tpu.memref_slice %arg10[%add3A_14, %dma_start3A_79] : memref<10240x128xf32, #tpu.memory_space<vmem_shared>> -> memref<128x128xf32, #tpu.memory_space<vmem_shared>>
      %dma_start3A_81 = arith.constant 0 : i32
      %dma_start3A_82 = arith.constant 0 : i32
      %dma_start3A_83 = tpu.memref_slice %arg9[%run_scoped3A_15, %dma_start3A_81, %dma_start3A_82] : memref<2x128x128xf32, #tpu.memory_space<vmem>> -> memref<1x128x128xf32, #tpu.memory_space<vmem>>
      %dma_start3A_84 = tpu.memref_squeeze %dma_start3A_83 : memref<1x128x128xf32, #tpu.memory_space<vmem>> -> memref<128x128xf32, #tpu.memory_space<vmem>>
      tpu.enqueue_dma source(%dma_start3A_84 : memref<128x128xf32, #tpu.memory_space<vmem>>) target(%dma_start3A_80 : memref<128x128xf32, #tpu.memory_space<vmem_shared>>) target_semaphore(%run_scoped3A_73 : memref<!tpu.dma_semaphore, #tpu.memory_space<semaphore_mem>>)
      %dma_wait3A = arith.constant 0 : i32
      %dma_wait3A_85 = arith.constant 0 : i32
      %dma_wait3A_86 = tpu.memref_slice %arg9[%run_scoped3A_15, %dma_wait3A, %dma_wait3A_85] : memref<2x128x128xf32, #tpu.memory_space<vmem>> -> memref<1x128x128xf32, #tpu.memory_space<vmem>>
      %dma_wait3A_87 = tpu.memref_squeeze %dma_wait3A_86 : memref<1x128x128xf32, #tpu.memory_space<vmem>> -> memref<128x128xf32, #tpu.memory_space<vmem>>
      %dma_wait3A_88 = arith.constant 0 : i32
      %dma_wait3A_89 = tpu.memref_slice %arg10[%add3A_14, %dma_wait3A_88] : memref<10240x128xf32, #tpu.memory_space<vmem_shared>> -> memref<128x128xf32, #tpu.memory_space<vmem_shared>>
      %dma_wait3A_90 = arith.constant 0 : i32
      %dma_wait3A_91 = tpu.memref_slice %arg10[%add3A_14, %dma_wait3A_90] : memref<10240x128xf32, #tpu.memory_space<vmem_shared>> -> memref<128x128xf32, #tpu.memory_space<vmem_shared>>
      %dma_wait3A_92 = arith.constant 0 : i32
      %dma_wait3A_93 = arith.constant 0 : i32
      %dma_wait3A_94 = tpu.memref_slice %arg9[%run_scoped3A_15, %dma_wait3A_92, %dma_wait3A_93] : memref<2x128x128xf32, #tpu.memory_space<vmem>> -> memref<1x128x128xf32, #tpu.memory_space<vmem>>
      %dma_wait3A_95 = tpu.memref_squeeze %dma_wait3A_94 : memref<1x128x128xf32, #tpu.memory_space<vmem>> -> memref<128x128xf32, #tpu.memory_space<vmem>>
      tpu.wait_dma2 semaphore(%run_scoped3A_73 : memref<!tpu.dma_semaphore, #tpu.memory_space<semaphore_mem>>) src(%dma_wait3A_95 : memref<128x128xf32, #tpu.memory_space<vmem>>) dst(%dma_wait3A_91 : memref<128x128xf32, #tpu.memory_space<vmem_shared>>)
      tpu.yield
    }) : () -> ()
    %mul3A_16 = arith.constant 640 : i32
    %mul3A_17 = arith.muli %arg1, %mul3A_16 : i32
    %add3A_18 = arith.constant 256 : i32
    %add3A_19 = arith.addi %mul3A_17, %add3A_18 : i32
    %run_scoped3A_20 = arith.constant 0 : i32
    "tpu.region"() ({
      %run_scoped3A_73 = tpu.sem_alloc : memref<!tpu.dma_semaphore, #tpu.memory_space<semaphore_mem>>
      %dma_start3A = arith.constant 0 : i32
      %dma_start3A_74 = arith.constant 0 : i32
      %dma_start3A_75 = tpu.memref_slice %arg9[%run_scoped3A_20, %dma_start3A, %dma_start3A_74] : memref<2x128x128xf32, #tpu.memory_space<vmem>> -> memref<1x128x128xf32, #tpu.memory_space<vmem>>
      %dma_start3A_76 = tpu.memref_squeeze %dma_start3A_75 : memref<1x128x128xf32, #tpu.memory_space<vmem>> -> memref<128x128xf32, #tpu.memory_space<vmem>>
      %dma_start3A_77 = arith.constant 0 : i32
      %dma_start3A_78 = tpu.memref_slice %arg10[%add3A_19, %dma_start3A_77] : memref<10240x128xf32, #tpu.memory_space<vmem_shared>> -> memref<128x128xf32, #tpu.memory_space<vmem_shared>>
      %dma_start3A_79 = arith.constant 0 : i32
      %dma_start3A_80 = tpu.memref_slice %arg10[%add3A_19, %dma_start3A_79] : memref<10240x128xf32, #tpu.memory_space<vmem_shared>> -> memref<128x128xf32, #tpu.memory_space<vmem_shared>>
      %dma_start3A_81 = arith.constant 0 : i32
      %dma_start3A_82 = arith.constant 0 : i32
      %dma_start3A_83 = tpu.memref_slice %arg9[%run_scoped3A_20, %dma_start3A_81, %dma_start3A_82] : memref<2x128x128xf32, #tpu.memory_space<vmem>> -> memref<1x128x128xf32, #tpu.memory_space<vmem>>
      %dma_start3A_84 = tpu.memref_squeeze %dma_start3A_83 : memref<1x128x128xf32, #tpu.memory_space<vmem>> -> memref<128x128xf32, #tpu.memory_space<vmem>>
      tpu.enqueue_dma source(%dma_start3A_84 : memref<128x128xf32, #tpu.memory_space<vmem>>) target(%dma_start3A_80 : memref<128x128xf32, #tpu.memory_space<vmem_shared>>) target_semaphore(%run_scoped3A_73 : memref<!tpu.dma_semaphore, #tpu.memory_space<semaphore_mem>>)
      %dma_wait3A = arith.constant 0 : i32
      %dma_wait3A_85 = arith.constant 0 : i32
      %dma_wait3A_86 = tpu.memref_slice %arg9[%run_scoped3A_20, %dma_wait3A, %dma_wait3A_85] : memref<2x128x128xf32, #tpu.memory_space<vmem>> -> memref<1x128x128xf32, #tpu.memory_space<vmem>>
      %dma_wait3A_87 = tpu.memref_squeeze %dma_wait3A_86 : memref<1x128x128xf32, #tpu.memory_space<vmem>> -> memref<128x128xf32, #tpu.memory_space<vmem>>
      %dma_wait3A_88 = arith.constant 0 : i32
      %dma_wait3A_89 = tpu.memref_slice %arg10[%add3A_19, %dma_wait3A_88] : memref<10240x128xf32, #tpu.memory_space<vmem_shared>> -> memref<128x128xf32, #tpu.memory_space<vmem_shared>>
      %dma_wait3A_90 = arith.constant 0 : i32
      %dma_wait3A_91 = tpu.memref_slice %arg10[%add3A_19, %dma_wait3A_90] : memref<10240x128xf32, #tpu.memory_space<vmem_shared>> -> memref<128x128xf32, #tpu.memory_space<vmem_shared>>
      %dma_wait3A_92 = arith.constant 0 : i32
      %dma_wait3A_93 = arith.constant 0 : i32
      %dma_wait3A_94 = tpu.memref_slice %arg9[%run_scoped3A_20, %dma_wait3A_92, %dma_wait3A_93] : memref<2x128x128xf32, #tpu.memory_space<vmem>> -> memref<1x128x128xf32, #tpu.memory_space<vmem>>
      %dma_wait3A_95 = tpu.memref_squeeze %dma_wait3A_94 : memref<1x128x128xf32, #tpu.memory_space<vmem>> -> memref<128x128xf32, #tpu.memory_space<vmem>>
      tpu.wait_dma2 semaphore(%run_scoped3A_73 : memref<!tpu.dma_semaphore, #tpu.memory_space<semaphore_mem>>) src(%dma_wait3A_95 : memref<128x128xf32, #tpu.memory_space<vmem>>) dst(%dma_wait3A_91 : memref<128x128xf32, #tpu.memory_space<vmem_shared>>)
      tpu.yield
    }) : () -> ()
    %mul3A_21 = arith.constant 640 : i32
    %mul3A_22 = arith.muli %arg1, %mul3A_21 : i32
    %add3A_23 = arith.constant 384 : i32
    %add3A_24 = arith.addi %mul3A_22, %add3A_23 : i32
    %run_scoped3A_25 = arith.constant 0 : i32
    "tpu.region"() ({
      %run_scoped3A_73 = tpu.sem_alloc : memref<!tpu.dma_semaphore, #tpu.memory_space<semaphore_mem>>
      %dma_start3A = arith.constant 0 : i32
      %dma_start3A_74 = arith.constant 0 : i32
      %dma_start3A_75 = tpu.memref_slice %arg9[%run_scoped3A_25, %dma_start3A, %dma_start3A_74] : memref<2x128x128xf32, #tpu.memory_space<vmem>> -> memref<1x128x128xf32, #tpu.memory_space<vmem>>
      %dma_start3A_76 = tpu.memref_squeeze %dma_start3A_75 : memref<1x128x128xf32, #tpu.memory_space<vmem>> -> memref<128x128xf32, #tpu.memory_space<vmem>>
      %dma_start3A_77 = arith.constant 0 : i32
      %dma_start3A_78 = tpu.memref_slice %arg10[%add3A_24, %dma_start3A_77] : memref<10240x128xf32, #tpu.memory_space<vmem_shared>> -> memref<128x128xf32, #tpu.memory_space<vmem_shared>>
      %dma_start3A_79 = arith.constant 0 : i32
      %dma_start3A_80 = tpu.memref_slice %arg10[%add3A_24, %dma_start3A_79] : memref<10240x128xf32, #tpu.memory_space<vmem_shared>> -> memref<128x128xf32, #tpu.memory_space<vmem_shared>>
      %dma_start3A_81 = arith.constant 0 : i32
      %dma_start3A_82 = arith.constant 0 : i32
      %dma_start3A_83 = tpu.memref_slice %arg9[%run_scoped3A_25, %dma_start3A_81, %dma_start3A_82] : memref<2x128x128xf32, #tpu.memory_space<vmem>> -> memref<1x128x128xf32, #tpu.memory_space<vmem>>
      %dma_start3A_84 = tpu.memref_squeeze %dma_start3A_83 : memref<1x128x128xf32, #tpu.memory_space<vmem>> -> memref<128x128xf32, #tpu.memory_space<vmem>>
      tpu.enqueue_dma source(%dma_start3A_84 : memref<128x128xf32, #tpu.memory_space<vmem>>) target(%dma_start3A_80 : memref<128x128xf32, #tpu.memory_space<vmem_shared>>) target_semaphore(%run_scoped3A_73 : memref<!tpu.dma_semaphore, #tpu.memory_space<semaphore_mem>>)
      %dma_wait3A = arith.constant 0 : i32
      %dma_wait3A_85 = arith.constant 0 : i32
      %dma_wait3A_86 = tpu.memref_slice %arg9[%run_scoped3A_25, %dma_wait3A, %dma_wait3A_85] : memref<2x128x128xf32, #tpu.memory_space<vmem>> -> memref<1x128x128xf32, #tpu.memory_space<vmem>>
      %dma_wait3A_87 = tpu.memref_squeeze %dma_wait3A_86 : memref<1x128x128xf32, #tpu.memory_space<vmem>> -> memref<128x128xf32, #tpu.memory_space<vmem>>
      %dma_wait3A_88 = arith.constant 0 : i32
      %dma_wait3A_89 = tpu.memref_slice %arg10[%add3A_24, %dma_wait3A_88] : memref<10240x128xf32, #tpu.memory_space<vmem_shared>> -> memref<128x128xf32, #tpu.memory_space<vmem_shared>>
      %dma_wait3A_90 = arith.constant 0 : i32
      %dma_wait3A_91 = tpu.memref_slice %arg10[%add3A_24, %dma_wait3A_90] : memref<10240x128xf32, #tpu.memory_space<vmem_shared>> -> memref<128x128xf32, #tpu.memory_space<vmem_shared>>
      %dma_wait3A_92 = arith.constant 0 : i32
      %dma_wait3A_93 = arith.constant 0 : i32
      %dma_wait3A_94 = tpu.memref_slice %arg9[%run_scoped3A_25, %dma_wait3A_92, %dma_wait3A_93] : memref<2x128x128xf32, #tpu.memory_space<vmem>> -> memref<1x128x128xf32, #tpu.memory_space<vmem>>
      %dma_wait3A_95 = tpu.memref_squeeze %dma_wait3A_94 : memref<1x128x128xf32, #tpu.memory_space<vmem>> -> memref<128x128xf32, #tpu.memory_space<vmem>>
      tpu.wait_dma2 semaphore(%run_scoped3A_73 : memref<!tpu.dma_semaphore, #tpu.memory_space<semaphore_mem>>) src(%dma_wait3A_95 : memref<128x128xf32, #tpu.memory_space<vmem>>) dst(%dma_wait3A_91 : memref<128x128xf32, #tpu.memory_space<vmem_shared>>)
      tpu.yield
    }) : () -> ()
    %mul3A_26 = arith.constant 640 : i32
    %mul3A_27 = arith.muli %arg1, %mul3A_26 : i32
    %add3A_28 = arith.constant 512 : i32
    %add3A_29 = arith.addi %mul3A_27, %add3A_28 : i32
    %run_scoped3A_30 = arith.constant 0 : i32
    "tpu.region"() ({
      %run_scoped3A_73 = tpu.sem_alloc : memref<!tpu.dma_semaphore, #tpu.memory_space<semaphore_mem>>
      %dma_start3A = arith.constant 0 : i32
      %dma_start3A_74 = arith.constant 0 : i32
      %dma_start3A_75 = tpu.memref_slice %arg9[%run_scoped3A_30, %dma_start3A, %dma_start3A_74] : memref<2x128x128xf32, #tpu.memory_space<vmem>> -> memref<1x128x128xf32, #tpu.memory_space<vmem>>
      %dma_start3A_76 = tpu.memref_squeeze %dma_start3A_75 : memref<1x128x128xf32, #tpu.memory_space<vmem>> -> memref<128x128xf32, #tpu.memory_space<vmem>>
      %dma_start3A_77 = arith.constant 0 : i32
      %dma_start3A_78 = tpu.memref_slice %arg10[%add3A_29, %dma_start3A_77] : memref<10240x128xf32, #tpu.memory_space<vmem_shared>> -> memref<128x128xf32, #tpu.memory_space<vmem_shared>>
      %dma_start3A_79 = arith.constant 0 : i32
      %dma_start3A_80 = tpu.memref_slice %arg10[%add3A_29, %dma_start3A_79] : memref<10240x128xf32, #tpu.memory_space<vmem_shared>> -> memref<128x128xf32, #tpu.memory_space<vmem_shared>>
      %dma_start3A_81 = arith.constant 0 : i32
      %dma_start3A_82 = arith.constant 0 : i32
      %dma_start3A_83 = tpu.memref_slice %arg9[%run_scoped3A_30, %dma_start3A_81, %dma_start3A_82] : memref<2x128x128xf32, #tpu.memory_space<vmem>> -> memref<1x128x128xf32, #tpu.memory_space<vmem>>
      %dma_start3A_84 = tpu.memref_squeeze %dma_start3A_83 : memref<1x128x128xf32, #tpu.memory_space<vmem>> -> memref<128x128xf32, #tpu.memory_space<vmem>>
      tpu.enqueue_dma source(%dma_start3A_84 : memref<128x128xf32, #tpu.memory_space<vmem>>) target(%dma_start3A_80 : memref<128x128xf32, #tpu.memory_space<vmem_shared>>) target_semaphore(%run_scoped3A_73 : memref<!tpu.dma_semaphore, #tpu.memory_space<semaphore_mem>>)
      %dma_wait3A = arith.constant 0 : i32
      %dma_wait3A_85 = arith.constant 0 : i32
      %dma_wait3A_86 = tpu.memref_slice %arg9[%run_scoped3A_30, %dma_wait3A, %dma_wait3A_85] : memref<2x128x128xf32, #tpu.memory_space<vmem>> -> memref<1x128x128xf32, #tpu.memory_space<vmem>>
      %dma_wait3A_87 = tpu.memref_squeeze %dma_wait3A_86 : memref<1x128x128xf32, #tpu.memory_space<vmem>> -> memref<128x128xf32, #tpu.memory_space<vmem>>
      %dma_wait3A_88 = arith.constant 0 : i32
      %dma_wait3A_89 = tpu.memref_slice %arg10[%add3A_29, %dma_wait3A_88] : memref<10240x128xf32, #tpu.memory_space<vmem_shared>> -> memref<128x128xf32, #tpu.memory_space<vmem_shared>>
      %dma_wait3A_90 = arith.constant 0 : i32
      %dma_wait3A_91 = tpu.memref_slice %arg10[%add3A_29, %dma_wait3A_90] : memref<10240x128xf32, #tpu.memory_space<vmem_shared>> -> memref<128x128xf32, #tpu.memory_space<vmem_shared>>
      %dma_wait3A_92 = arith.constant 0 : i32
      %dma_wait3A_93 = arith.constant 0 : i32
      %dma_wait3A_94 = tpu.memref_slice %arg9[%run_scoped3A_30, %dma_wait3A_92, %dma_wait3A_93] : memref<2x128x128xf32, #tpu.memory_space<vmem>> -> memref<1x128x128xf32, #tpu.memory_space<vmem>>
      %dma_wait3A_95 = tpu.memref_squeeze %dma_wait3A_94 : memref<1x128x128xf32, #tpu.memory_space<vmem>> -> memref<128x128xf32, #tpu.memory_space<vmem>>
      tpu.wait_dma2 semaphore(%run_scoped3A_73 : memref<!tpu.dma_semaphore, #tpu.memory_space<semaphore_mem>>) src(%dma_wait3A_95 : memref<128x128xf32, #tpu.memory_space<vmem>>) dst(%dma_wait3A_91 : memref<128x128xf32, #tpu.memory_space<vmem_shared>>)
      tpu.yield
    }) : () -> ()
    %barrier3A = arith.constant 0 : index
    tpu.barrier barrier_id(%barrier3A)
    %scan3A_31 = arith.constant 0 : i32
    %scan3A_32 = arith.constant 0 : i32
    %scan3A_33 = arith.constant 128 : i32
    %scan3A_34 = arith.addi %scan3A_32, %scan3A_33 : i32
    %scan3A_35 = arith.constant 1 : i32
    %scan3A_36 = scf.for %scan3A_73 = %scan3A_32 to %scan3A_34 step %scan3A_35 iter_args(%scan3A_74 = %scan3A_31) -> (i32)  : i32 {
      %broadcast_in_dim3A = arith.constant 1.000000e+00 : f32
      %broadcast_in_dim3A_75 = vector.broadcast %broadcast_in_dim3A : f32 to vector<16xf32>
      %swap3A = arith.constant 0 : i32
      %swap3A_76 = arith.index_cast %swap3A : i32 to index
      %swap3A_77 = arith.index_cast %scan3A_73 : i32 to index
      %swap3A_78 = arith.constant 0 : index
      %swap3A_79 = tpu.vector_load %arg9[%swap3A_76, %swap3A_77, %swap3A_78] {strides = array<i32>} : memref<2x128x128xf32, #tpu.memory_space<vmem>>, vector<1x1x16xf32>,
      %swap3A_80 = vector.shape_cast %swap3A_79 : vector<1x1x16xf32> to vector<16xf32>
      %swap3A_81 = vector.shape_cast %broadcast_in_dim3A_75 : vector<16xf32> to vector<1x1x16xf32>
      tpu.vector_store %arg9[%swap3A_76, %swap3A_77, %swap3A_78], %swap3A_81 {strides = array<i32>} : memref<2x128x128xf32, #tpu.memory_space<vmem>>, vector<1x1x16xf32>,
      %broadcast_in_dim3A_82 = arith.constant 1.000000e+00 : f32
      %broadcast_in_dim3A_83 = vector.broadcast %broadcast_in_dim3A_82 : f32 to vector<16xf32>
      %swap3A_84 = arith.constant 0 : i32
      %swap3A_85 = arith.index_cast %swap3A_84 : i32 to index
      %swap3A_86 = arith.index_cast %scan3A_73 : i32 to index
      %swap3A_87 = arith.constant 16 : index
      %swap3A_88 = tpu.vector_load %arg9[%swap3A_85, %swap3A_86, %swap3A_87] {strides = array<i32>} : memref<2x128x128xf32, #tpu.memory_space<vmem>>, vector<1x1x16xf32>,
      %swap3A_89 = vector.shape_cast %swap3A_88 : vector<1x1x16xf32> to vector<16xf32>
      %swap3A_90 = vector.shape_cast %broadcast_in_dim3A_83 : vector<16xf32> to vector<1x1x16xf32>
      tpu.vector_store %arg9[%swap3A_85, %swap3A_86, %swap3A_87], %swap3A_90 {strides = array<i32>} : memref<2x128x128xf32, #tpu.memory_space<vmem>>, vector<1x1x16xf32>,
      %broadcast_in_dim3A_91 = arith.constant 1.000000e+00 : f32
      %broadcast_in_dim3A_92 = vector.broadcast %broadcast_in_dim3A_91 : f32 to vector<16xf32>
      %swap3A_93 = arith.constant 0 : i32
      %swap3A_94 = arith.index_cast %swap3A_93 : i32 to index
      %swap3A_95 = arith.index_cast %scan3A_73 : i32 to index
      %swap3A_96 = arith.constant 32 : index
      %swap3A_97 = tpu.vector_load %arg9[%swap3A_94, %swap3A_95, %swap3A_96] {strides = array<i32>} : memref<2x128x128xf32, #tpu.memory_space<vmem>>, vector<1x1x16xf32>,
      %swap3A_98 = vector.shape_cast %swap3A_97 : vector<1x1x16xf32> to vector<16xf32>
      %swap3A_99 = vector.shape_cast %broadcast_in_dim3A_92 : vector<16xf32> to vector<1x1x16xf32>
      tpu.vector_store %arg9[%swap3A_94, %swap3A_95, %swap3A_96], %swap3A_99 {strides = array<i32>} : memref<2x128x128xf32, #tpu.memory_space<vmem>>, vector<1x1x16xf32>,
      %broadcast_in_dim3A_100 = arith.constant 1.000000e+00 : f32
      %broadcast_in_dim3A_101 = vector.broadcast %broadcast_in_dim3A_100 : f32 to vector<16xf32>
      %swap3A_102 = arith.constant 0 : i32
      %swap3A_103 = arith.index_cast %swap3A_102 : i32 to index
      %swap3A_104 = arith.index_cast %scan3A_73 : i32 to index
      %swap3A_105 = arith.constant 48 : index
      %swap3A_106 = tpu.vector_load %arg9[%swap3A_103, %swap3A_104, %swap3A_105] {strides = array<i32>} : memref<2x128x128xf32, #tpu.memory_space<vmem>>, vector<1x1x16xf32>,
      %swap3A_107 = vector.shape_cast %swap3A_106 : vector<1x1x16xf32> to vector<16xf32>
      %swap3A_108 = vector.shape_cast %broadcast_in_dim3A_101 : vector<16xf32> to vector<1x1x16xf32>
      tpu.vector_store %arg9[%swap3A_103, %swap3A_104, %swap3A_105], %swap3A_108 {strides = array<i32>} : memref<2x128x128xf32, #tpu.memory_space<vmem>>, vector<1x1x16xf32>,
      %broadcast_in_dim3A_109 = arith.constant 1.000000e+00 : f32
      %broadcast_in_dim3A_110 = vector.broadcast %broadcast_in_dim3A_109 : f32 to vector<16xf32>
      %swap3A_111 = arith.constant 0 : i32
      %swap3A_112 = arith.index_cast %swap3A_111 : i32 to index
      %swap3A_113 = arith.index_cast %scan3A_73 : i32 to index
      %swap3A_114 = arith.constant 64 : index
      %swap3A_115 = tpu.vector_load %arg9[%swap3A_112, %swap3A_113, %swap3A_114] {strides = array<i32>} : memref<2x128x128xf32, #tpu.memory_space<vmem>>, vector<1x1x16xf32>,
      %swap3A_116 = vector.shape_cast %swap3A_115 : vector<1x1x16xf32> to vector<16xf32>
      %swap3A_117 = vector.shape_cast %broadcast_in_dim3A_110 : vector<16xf32> to vector<1x1x16xf32>
      tpu.vector_store %arg9[%swap3A_112, %swap3A_113, %swap3A_114], %swap3A_117 {strides = array<i32>} : memref<2x128x128xf32, #tpu.memory_space<vmem>>, vector<1x1x16xf32>,
      %broadcast_in_dim3A_118 = arith.constant 1.000000e+00 : f32
      %broadcast_in_dim3A_119 = vector.broadcast %broadcast_in_dim3A_118 : f32 to vector<16xf32>
      %swap3A_120 = arith.constant 0 : i32
      %swap3A_121 = arith.index_cast %swap3A_120 : i32 to index
      %swap3A_122 = arith.index_cast %scan3A_73 : i32 to index
      %swap3A_123 = arith.constant 80 : index
      %swap3A_124 = tpu.vector_load %arg9[%swap3A_121, %swap3A_122, %swap3A_123] {strides = array<i32>} : memref<2x128x128xf32, #tpu.memory_space<vmem>>, vector<1x1x16xf32>,
      %swap3A_125 = vector.shape_cast %swap3A_124 : vector<1x1x16xf32> to vector<16xf32>
      %swap3A_126 = vector.shape_cast %broadcast_in_dim3A_119 : vector<16xf32> to vector<1x1x16xf32>
      tpu.vector_store %arg9[%swap3A_121, %swap3A_122, %swap3A_123], %swap3A_126 {strides = array<i32>} : memref<2x128x128xf32, #tpu.memory_space<vmem>>, vector<1x1x16xf32>,
      %broadcast_in_dim3A_127 = arith.constant 1.000000e+00 : f32
      %broadcast_in_dim3A_128 = vector.broadcast %broadcast_in_dim3A_127 : f32 to vector<16xf32>
      %swap3A_129 = arith.constant 0 : i32
      %swap3A_130 = arith.index_cast %swap3A_129 : i32 to index
      %swap3A_131 = arith.index_cast %scan3A_73 : i32 to index
      %swap3A_132 = arith.constant 96 : index
      %swap3A_133 = tpu.vector_load %arg9[%swap3A_130, %swap3A_131, %swap3A_132] {strides = array<i32>} : memref<2x128x128xf32, #tpu.memory_space<vmem>>, vector<1x1x16xf32>,
      %swap3A_134 = vector.shape_cast %swap3A_133 : vector<1x1x16xf32> to vector<16xf32>
      %swap3A_135 = vector.shape_cast %broadcast_in_dim3A_128 : vector<16xf32> to vector<1x1x16xf32>
      tpu.vector_store %arg9[%swap3A_130, %swap3A_131, %swap3A_132], %swap3A_135 {strides = array<i32>} : memref<2x128x128xf32, #tpu.memory_space<vmem>>, vector<1x1x16xf32>,
      %broadcast_in_dim3A_136 = arith.constant 1.000000e+00 : f32
      %broadcast_in_dim3A_137 = vector.broadcast %broadcast_in_dim3A_136 : f32 to vector<16xf32>
      %swap3A_138 = arith.constant 0 : i32
      %swap3A_139 = arith.index_cast %swap3A_138 : i32 to index
      %swap3A_140 = arith.index_cast %scan3A_73 : i32 to index
      %swap3A_141 = arith.constant 112 : index
      %swap3A_142 = tpu.vector_load %arg9[%swap3A_139, %swap3A_140, %swap3A_141] {strides = array<i32>} : memref<2x128x128xf32, #tpu.memory_space<vmem>>, vector<1x1x16xf32>,
      %swap3A_143 = vector.shape_cast %swap3A_142 : vector<1x1x16xf32> to vector<16xf32>
      %swap3A_144 = vector.shape_cast %broadcast_in_dim3A_137 : vector<16xf32> to vector<1x1x16xf32>
      tpu.vector_store %arg9[%swap3A_139, %swap3A_140, %swap3A_141], %swap3A_144 {strides = array<i32>} : memref<2x128x128xf32, #tpu.memory_space<vmem>>, vector<1x1x16xf32>,
      %scan3A_145 = arith.constant 0 : i32
      scf.yield %scan3A_145 : i32
    }
    %scan3A_37 = arith.constant 128 : i32
    "tpu.region"() ({
      %run_scoped3A_73 = tpu.sem_alloc : memref<!tpu.dma_semaphore, #tpu.memory_space<semaphore_mem>>
      %dma_start3A = arith.constant 0 : i32
      %dma_start3A_74 = arith.constant 0 : i32
      %dma_start3A_75 = tpu.memref_slice %arg3[%add3A, %dma_start3A, %dma_start3A_74] : memref<32x80x128xi32, #tpu.memory_space<hbm>> -> memref<1x40x128xi32, #tpu.memory_space<hbm>>
      %dma_start3A_76 = tpu.memref_squeeze %dma_start3A_75 : memref<1x40x128xi32, #tpu.memory_space<hbm>> -> memref<40x128xi32, #tpu.memory_space<hbm>>
      %dma_start3A_77 = arith.constant 0 : i32
      %dma_start3A_78 = arith.constant 0 : i32
      %dma_start3A_79 = tpu.memref_slice %arg3[%add3A, %dma_start3A_77, %dma_start3A_78] : memref<32x80x128xi32, #tpu.memory_space<hbm>> -> memref<1x40x128xi32, #tpu.memory_space<hbm>>
      %dma_start3A_80 = tpu.memref_squeeze %dma_start3A_79 : memref<1x40x128xi32, #tpu.memory_space<hbm>> -> memref<40x128xi32, #tpu.memory_space<hbm>>
      tpu.enqueue_dma source(%dma_start3A_80 : memref<40x128xi32, #tpu.memory_space<hbm>>) target(%arg7 : memref<40x128xi32, #tpu.memory_space<vmem>>) target_semaphore(%run_scoped3A_73 : memref<!tpu.dma_semaphore, #tpu.memory_space<semaphore_mem>>)
      %dma_wait3A = arith.constant 0 : i32
      %dma_wait3A_81 = arith.constant 0 : i32
      %dma_wait3A_82 = tpu.memref_slice %arg3[%add3A, %dma_wait3A, %dma_wait3A_81] : memref<32x80x128xi32, #tpu.memory_space<hbm>> -> memref<1x40x128xi32, #tpu.memory_space<hbm>>
      %dma_wait3A_83 = tpu.memref_squeeze %dma_wait3A_82 : memref<1x40x128xi32, #tpu.memory_space<hbm>> -> memref<40x128xi32, #tpu.memory_space<hbm>>
      %dma_wait3A_84 = arith.constant 0 : i32
      %dma_wait3A_85 = arith.constant 0 : i32
      %dma_wait3A_86 = tpu.memref_slice %arg3[%add3A, %dma_wait3A_84, %dma_wait3A_85] : memref<32x80x128xi32, #tpu.memory_space<hbm>> -> memref<1x40x128xi32, #tpu.memory_space<hbm>>
      %dma_wait3A_87 = tpu.memref_squeeze %dma_wait3A_86 : memref<1x40x128xi32, #tpu.memory_space<hbm>> -> memref<40x128xi32, #tpu.memory_space<hbm>>
      tpu.wait_dma2 semaphore(%run_scoped3A_73 : memref<!tpu.dma_semaphore, #tpu.memory_space<semaphore_mem>>) src(%dma_wait3A_87 : memref<40x128xi32, #tpu.memory_space<hbm>>) dst(%arg7 : memref<40x128xi32, #tpu.memory_space<vmem>>)
      tpu.yield
    }) : () -> ()
    "tpu.region"() ({
      %run_scoped3A_73 = tpu.sem_alloc : memref<!tpu.dma_semaphore, #tpu.memory_space<semaphore_mem>>
      %dma_start3A = arith.constant 0 : i32
      %dma_start3A_74 = arith.constant 0 : i32
      %dma_start3A_75 = tpu.memref_slice %arg4[%add3A, %dma_start3A, %dma_start3A_74] : memref<32x80x128xi32, #tpu.memory_space<hbm>> -> memref<1x40x128xi32, #tpu.memory_space<hbm>>
      %dma_start3A_76 = tpu.memref_squeeze %dma_start3A_75 : memref<1x40x128xi32, #tpu.memory_space<hbm>> -> memref<40x128xi32, #tpu.memory_space<hbm>>
      %dma_start3A_77 = arith.constant 0 : i32
      %dma_start3A_78 = arith.constant 0 : i32
      %dma_start3A_79 = tpu.memref_slice %arg4[%add3A, %dma_start3A_77, %dma_start3A_78] : memref<32x80x128xi32, #tpu.memory_space<hbm>> -> memref<1x40x128xi32, #tpu.memory_space<hbm>>
      %dma_start3A_80 = tpu.memref_squeeze %dma_start3A_79 : memref<1x40x128xi32, #tpu.memory_space<hbm>> -> memref<40x128xi32, #tpu.memory_space<hbm>>
      tpu.enqueue_dma source(%dma_start3A_80 : memref<40x128xi32, #tpu.memory_space<hbm>>) target(%arg8 : memref<40x128xi32, #tpu.memory_space<vmem>>) target_semaphore(%run_scoped3A_73 : memref<!tpu.dma_semaphore, #tpu.memory_space<semaphore_mem>>)
      %dma_wait3A = arith.constant 0 : i32
      %dma_wait3A_81 = arith.constant 0 : i32
      %dma_wait3A_82 = tpu.memref_slice %arg4[%add3A, %dma_wait3A, %dma_wait3A_81] : memref<32x80x128xi32, #tpu.memory_space<hbm>> -> memref<1x40x128xi32, #tpu.memory_space<hbm>>
      %dma_wait3A_83 = tpu.memref_squeeze %dma_wait3A_82 : memref<1x40x128xi32, #tpu.memory_space<hbm>> -> memref<40x128xi32, #tpu.memory_space<hbm>>
      %dma_wait3A_84 = arith.constant 0 : i32
      %dma_wait3A_85 = arith.constant 0 : i32
      %dma_wait3A_86 = tpu.memref_slice %arg4[%add3A, %dma_wait3A_84, %dma_wait3A_85] : memref<32x80x128xi32, #tpu.memory_space<hbm>> -> memref<1x40x128xi32, #tpu.memory_space<hbm>>
      %dma_wait3A_87 = tpu.memref_squeeze %dma_wait3A_86 : memref<1x40x128xi32, #tpu.memory_space<hbm>> -> memref<40x128xi32, #tpu.memory_space<hbm>>
      tpu.wait_dma2 semaphore(%run_scoped3A_73 : memref<!tpu.dma_semaphore, #tpu.memory_space<semaphore_mem>>) src(%dma_wait3A_87 : memref<40x128xi32, #tpu.memory_space<hbm>>) dst(%arg8 : memref<40x128xi32, #tpu.memory_space<vmem>>)
      tpu.yield
    }) : () -> ()
    %scan3A_38 = arith.constant 0 : i32
    %scan3A_39 = arith.constant 0 : i32
    %scan3A_40 = arith.constant 40 : i32
    %scan3A_41 = arith.addi %scan3A_39, %scan3A_40 : i32
    %scan3A_42 = arith.constant 1 : i32
    %scan3A_43 = scf.for %scan3A_73 = %scan3A_39 to %scan3A_41 step %scan3A_42 iter_args(%scan3A_74 = %scan3A_38) -> (i32)  : i32 {
      %run_scoped3A_75 = arith.constant 0 : i32
      "tpu.region"() ({
        %run_scoped3A_77 = tpu.sem_alloc : memref<!tpu.dma_semaphore, #tpu.memory_space<semaphore_mem>>
        %dma_start3A = arith.constant 0 : i32
        %dma_start3A_78 = arith.constant 0 : i32
        %dma_start3A_79 = tpu.memref_slice %arg9[%run_scoped3A_75, %dma_start3A, %dma_start3A_78] : memref<2x128x128xf32, #tpu.memory_space<vmem>> -> memref<1x128x128xf32, #tpu.memory_space<vmem>>
        %dma_start3A_80 = tpu.memref_squeeze %dma_start3A_79 : memref<1x128x128xf32, #tpu.memory_space<vmem>> -> memref<128x128xf32, #tpu.memory_space<vmem>>
        %dma_start3A_81 = arith.constant 0 : i32
        %dma_start3A_82 = tpu.memref_slice %arg8[%scan3A_73, %dma_start3A_81] : memref<40x128xi32, #tpu.memory_space<vmem>> -> memref<1x128xi32, #tpu.memory_space<vmem>>
        %dma_start3A_83 = tpu.memref_squeeze %dma_start3A_82 : memref<1x128xi32, #tpu.memory_space<vmem>> -> memref<128xi32, #tpu.memory_space<vmem>>
        %dma_start3A_84 = arith.constant 0 : i32
        %dma_start3A_85 = arith.constant 0 : i32
        %dma_start3A_86 = tpu.memref_slice %arg10[%dma_start3A_84, %dma_start3A_85] : memref<10240x128xf32, #tpu.memory_space<vmem_shared>> -> memref<10240x128xf32, #tpu.memory_space<vmem_shared>>
        tpu.enqueue_indirect_dma source(%dma_start3A_80 : memref<128x128xf32, #tpu.memory_space<vmem>>) target(%dma_start3A_86 : memref<10240x128xf32, #tpu.memory_space<vmem_shared>>) offsets(%dma_start3A_83 : memref<128xi32, #tpu.memory_space<vmem>>) semaphore(%run_scoped3A_77 : memref<!tpu.dma_semaphore, #tpu.memory_space<semaphore_mem>>) {add = true}
        %dma_wait3A = arith.constant 0 : i32
        %dma_wait3A_87 = arith.constant 0 : i32
        %dma_wait3A_88 = tpu.memref_slice %arg9[%run_scoped3A_75, %dma_wait3A, %dma_wait3A_87] : memref<2x128x128xf32, #tpu.memory_space<vmem>> -> memref<1x128x128xf32, #tpu.memory_space<vmem>>
        %dma_wait3A_89 = tpu.memref_squeeze %dma_wait3A_88 : memref<1x128x128xf32, #tpu.memory_space<vmem>> -> memref<128x128xf32, #tpu.memory_space<vmem>>
        %dma_wait3A_90 = arith.constant 0 : i32
        %dma_wait3A_91 = tpu.memref_slice %arg8[%scan3A_73, %dma_wait3A_90] : memref<40x128xi32, #tpu.memory_space<vmem>> -> memref<1x128xi32, #tpu.memory_space<vmem>>
        %dma_wait3A_92 = tpu.memref_squeeze %dma_wait3A_91 : memref<1x128xi32, #tpu.memory_space<vmem>> -> memref<128xi32, #tpu.memory_space<vmem>>
        %dma_wait3A_93 = arith.constant 0 : i32
        %dma_wait3A_94 = arith.constant 0 : i32
        %dma_wait3A_95 = tpu.memref_slice %arg10[%dma_wait3A_93, %dma_wait3A_94] : memref<10240x128xf32, #tpu.memory_space<vmem_shared>> -> memref<10240x128xf32, #tpu.memory_space<vmem_shared>>
        tpu.wait_indirect_dma semaphore(%run_scoped3A_77 : memref<!tpu.dma_semaphore, #tpu.memory_space<semaphore_mem>>) src(%dma_wait3A_89 : memref<128x128xf32, #tpu.memory_space<vmem>>) dst(%dma_wait3A_95 : memref<10240x128xf32, #tpu.memory_space<vmem_shared>>)
        tpu.yield
      }) : () -> ()
      %scan3A_76 = arith.constant 0 : i32
      scf.yield %scan3A_76 : i32
    }
    %scan3A_44 = arith.constant 40 : i32
    "tpu.region"() ({
      %run_scoped3A_73 = tpu.sem_alloc : memref<!tpu.dma_semaphore, #tpu.memory_space<semaphore_mem>>
      %dma_start3A = arith.constant 40 : i32
      %dma_start3A_74 = arith.constant 0 : i32
      %dma_start3A_75 = tpu.memref_slice %arg3[%add3A, %dma_start3A, %dma_start3A_74] : memref<32x80x128xi32, #tpu.memory_space<hbm>> -> memref<1x40x128xi32, #tpu.memory_space<hbm>>
      %dma_start3A_76 = tpu.memref_squeeze %dma_start3A_75 : memref<1x40x128xi32, #tpu.memory_space<hbm>> -> memref<40x128xi32, #tpu.memory_space<hbm>>
      %dma_start3A_77 = arith.constant 40 : i32
      %dma_start3A_78 = arith.constant 0 : i32
      %dma_start3A_79 = tpu.memref_slice %arg3[%add3A, %dma_start3A_77, %dma_start3A_78] : memref<32x80x128xi32, #tpu.memory_space<hbm>> -> memref<1x40x128xi32, #tpu.memory_space<hbm>>
      %dma_start3A_80 = tpu.memref_squeeze %dma_start3A_79 : memref<1x40x128xi32, #tpu.memory_space<hbm>> -> memref<40x128xi32, #tpu.memory_space<hbm>>
      tpu.enqueue_dma source(%dma_start3A_80 : memref<40x128xi32, #tpu.memory_space<hbm>>) target(%arg7 : memref<40x128xi32, #tpu.memory_space<vmem>>) target_semaphore(%run_scoped3A_73 : memref<!tpu.dma_semaphore, #tpu.memory_space<semaphore_mem>>)
      %dma_wait3A = arith.constant 40 : i32
      %dma_wait3A_81 = arith.constant 0 : i32
      %dma_wait3A_82 = tpu.memref_slice %arg3[%add3A, %dma_wait3A, %dma_wait3A_81] : memref<32x80x128xi32, #tpu.memory_space<hbm>> -> memref<1x40x128xi32, #tpu.memory_space<hbm>>
      %dma_wait3A_83 = tpu.memref_squeeze %dma_wait3A_82 : memref<1x40x128xi32, #tpu.memory_space<hbm>> -> memref<40x128xi32, #tpu.memory_space<hbm>>
      %dma_wait3A_84 = arith.constant 40 : i32
      %dma_wait3A_85 = arith.constant 0 : i32
      %dma_wait3A_86 = tpu.memref_slice %arg3[%add3A, %dma_wait3A_84, %dma_wait3A_85] : memref<32x80x128xi32, #tpu.memory_space<hbm>> -> memref<1x40x128xi32, #tpu.memory_space<hbm>>
      %dma_wait3A_87 = tpu.memref_squeeze %dma_wait3A_86 : memref<1x40x128xi32, #tpu.memory_space<hbm>> -> memref<40x128xi32, #tpu.memory_space<hbm>>
      tpu.wait_dma2 semaphore(%run_scoped3A_73 : memref<!tpu.dma_semaphore, #tpu.memory_space<semaphore_mem>>) src(%dma_wait3A_87 : memref<40x128xi32, #tpu.memory_space<hbm>>) dst(%arg7 : memref<40x128xi32, #tpu.memory_space<vmem>>)
      tpu.yield
    }) : () -> ()
    "tpu.region"() ({
      %run_scoped3A_73 = tpu.sem_alloc : memref<!tpu.dma_semaphore, #tpu.memory_space<semaphore_mem>>
      %dma_start3A = arith.constant 40 : i32
      %dma_start3A_74 = arith.constant 0 : i32
      %dma_start3A_75 = tpu.memref_slice %arg4[%add3A, %dma_start3A, %dma_start3A_74] : memref<32x80x128xi32, #tpu.memory_space<hbm>> -> memref<1x40x128xi32, #tpu.memory_space<hbm>>
      %dma_start3A_76 = tpu.memref_squeeze %dma_start3A_75 : memref<1x40x128xi32, #tpu.memory_space<hbm>> -> memref<40x128xi32, #tpu.memory_space<hbm>>
      %dma_start3A_77 = arith.constant 40 : i32
      %dma_start3A_78 = arith.constant 0 : i32
      %dma_start3A_79 = tpu.memref_slice %arg4[%add3A, %dma_start3A_77, %dma_start3A_78] : memref<32x80x128xi32, #tpu.memory_space<hbm>> -> memref<1x40x128xi32, #tpu.memory_space<hbm>>
      %dma_start3A_80 = tpu.memref_squeeze %dma_start3A_79 : memref<1x40x128xi32, #tpu.memory_space<hbm>> -> memref<40x128xi32, #tpu.memory_space<hbm>>
      tpu.enqueue_dma source(%dma_start3A_80 : memref<40x128xi32, #tpu.memory_space<hbm>>) target(%arg8 : memref<40x128xi32, #tpu.memory_space<vmem>>) target_semaphore(%run_scoped3A_73 : memref<!tpu.dma_semaphore, #tpu.memory_space<semaphore_mem>>)
      %dma_wait3A = arith.constant 40 : i32
      %dma_wait3A_81 = arith.constant 0 : i32
      %dma_wait3A_82 = tpu.memref_slice %arg4[%add3A, %dma_wait3A, %dma_wait3A_81] : memref<32x80x128xi32, #tpu.memory_space<hbm>> -> memref<1x40x128xi32, #tpu.memory_space<hbm>>
      %dma_wait3A_83 = tpu.memref_squeeze %dma_wait3A_82 : memref<1x40x128xi32, #tpu.memory_space<hbm>> -> memref<40x128xi32, #tpu.memory_space<hbm>>
      %dma_wait3A_84 = arith.constant 40 : i32
      %dma_wait3A_85 = arith.constant 0 : i32
      %dma_wait3A_86 = tpu.memref_slice %arg4[%add3A, %dma_wait3A_84, %dma_wait3A_85] : memref<32x80x128xi32, #tpu.memory_space<hbm>> -> memref<1x40x128xi32, #tpu.memory_space<hbm>>
      %dma_wait3A_87 = tpu.memref_squeeze %dma_wait3A_86 : memref<1x40x128xi32, #tpu.memory_space<hbm>> -> memref<40x128xi32, #tpu.memory_space<hbm>>
      tpu.wait_dma2 semaphore(%run_scoped3A_73 : memref<!tpu.dma_semaphore, #tpu.memory_space<semaphore_mem>>) src(%dma_wait3A_87 : memref<40x128xi32, #tpu.memory_space<hbm>>) dst(%arg8 : memref<40x128xi32, #tpu.memory_space<vmem>>)
      tpu.yield
    }) : () -> ()
    %scan3A_45 = arith.constant 0 : i32
    %scan3A_46 = arith.constant 0 : i32
    %scan3A_47 = arith.constant 40 : i32
    %scan3A_48 = arith.addi %scan3A_46, %scan3A_47 : i32
    %scan3A_49 = arith.constant 1 : i32
    %scan3A_50 = scf.for %scan3A_73 = %scan3A_46 to %scan3A_48 step %scan3A_49 iter_args(%scan3A_74 = %scan3A_45) -> (i32)  : i32 {
      %run_scoped3A_75 = arith.constant 0 : i32
      "tpu.region"() ({
        %run_scoped3A_77 = tpu.sem_alloc : memref<!tpu.dma_semaphore, #tpu.memory_space<semaphore_mem>>
        %dma_start3A = arith.constant 0 : i32
        %dma_start3A_78 = arith.constant 0 : i32
        %dma_start3A_79 = tpu.memref_slice %arg9[%run_scoped3A_75, %dma_start3A, %dma_start3A_78] : memref<2x128x128xf32, #tpu.memory_space<vmem>> -> memref<1x128x128xf32, #tpu.memory_space<vmem>>
        %dma_start3A_80 = tpu.memref_squeeze %dma_start3A_79 : memref<1x128x128xf32, #tpu.memory_space<vmem>> -> memref<128x128xf32, #tpu.memory_space<vmem>>
        %dma_start3A_81 = arith.constant 0 : i32
        %dma_start3A_82 = tpu.memref_slice %arg8[%scan3A_73, %dma_start3A_81] : memref<40x128xi32, #tpu.memory_space<vmem>> -> memref<1x128xi32, #tpu.memory_space<vmem>>
        %dma_start3A_83 = tpu.memref_squeeze %dma_start3A_82 : memref<1x128xi32, #tpu.memory_space<vmem>> -> memref<128xi32, #tpu.memory_space<vmem>>
        %dma_start3A_84 = arith.constant 0 : i32
        %dma_start3A_85 = arith.constant 0 : i32
        %dma_start3A_86 = tpu.memref_slice %arg10[%dma_start3A_84, %dma_start3A_85] : memref<10240x128xf32, #tpu.memory_space<vmem_shared>> -> memref<10240x128xf32, #tpu.memory_space<vmem_shared>>
        tpu.enqueue_indirect_dma source(%dma_start3A_80 : memref<128x128xf32, #tpu.memory_space<vmem>>) target(%dma_start3A_86 : memref<10240x128xf32, #tpu.memory_space<vmem_shared>>) offsets(%dma_start3A_83 : memref<128xi32, #tpu.memory_space<vmem>>) semaphore(%run_scoped3A_77 : memref<!tpu.dma_semaphore, #tpu.memory_space<semaphore_mem>>) {add = true}
        %dma_wait3A = arith.constant 0 : i32
        %dma_wait3A_87 = arith.constant 0 : i32
        %dma_wait3A_88 = tpu.memref_slice %arg9[%run_scoped3A_75, %dma_wait3A, %dma_wait3A_87] : memref<2x128x128xf32, #tpu.memory_space<vmem>> -> memref<1x128x128xf32, #tpu.memory_space<vmem>>
        %dma_wait3A_89 = tpu.memref_squeeze %dma_wait3A_88 : memref<1x128x128xf32, #tpu.memory_space<vmem>> -> memref<128x128xf32, #tpu.memory_space<vmem>>
        %dma_wait3A_90 = arith.constant 0 : i32
        %dma_wait3A_91 = tpu.memref_slice %arg8[%scan3A_73, %dma_wait3A_90] : memref<40x128xi32, #tpu.memory_space<vmem>> -> memref<1x128xi32, #tpu.memory_space<vmem>>
        %dma_wait3A_92 = tpu.memref_squeeze %dma_wait3A_91 : memref<1x128xi32, #tpu.memory_space<vmem>> -> memref<128xi32, #tpu.memory_space<vmem>>
        %dma_wait3A_93 = arith.constant 0 : i32
        %dma_wait3A_94 = arith.constant 0 : i32
        %dma_wait3A_95 = tpu.memref_slice %arg10[%dma_wait3A_93, %dma_wait3A_94] : memref<10240x128xf32, #tpu.memory_space<vmem_shared>> -> memref<10240x128xf32, #tpu.memory_space<vmem_shared>>
        tpu.wait_indirect_dma semaphore(%run_scoped3A_77 : memref<!tpu.dma_semaphore, #tpu.memory_space<semaphore_mem>>) src(%dma_wait3A_89 : memref<128x128xf32, #tpu.memory_space<vmem>>) dst(%dma_wait3A_95 : memref<10240x128xf32, #tpu.memory_space<vmem_shared>>)
        tpu.yield
      }) : () -> ()
      %scan3A_76 = arith.constant 0 : i32
      scf.yield %scan3A_76 : i32
    }
    %scan3A_51 = arith.constant 40 : i32
    %barrier3A_52 = arith.constant 0 : index
    tpu.barrier barrier_id(%barrier3A_52)
    %mul3A_53 = arith.constant 640 : i32
    %mul3A_54 = arith.muli %arg1, %mul3A_53 : i32
    %add3A_55 = arith.constant 0 : i32
    %add3A_56 = arith.addi %mul3A_54, %add3A_55 : i32
    "tpu.region"() ({
      %run_scoped3A_73 = tpu.sem_alloc : memref<!tpu.dma_semaphore, #tpu.memory_space<semaphore_mem>>
      %dma_start3A = arith.constant 0 : i32
      %dma_start3A_74 = tpu.memref_slice %arg6[%arg0, %add3A_56, %dma_start3A] : memref<2x10240x128xf32, #tpu.memory_space<hbm>> -> memref<1x128x128xf32, #tpu.memory_space<hbm>>
      %dma_start3A_75 = tpu.memref_squeeze %dma_start3A_74 : memref<1x128x128xf32, #tpu.memory_space<hbm>> -> memref<128x128xf32, #tpu.memory_space<hbm>>
      %dma_start3A_76 = arith.constant 0 : i32
      %dma_start3A_77 = tpu.memref_slice %arg10[%add3A_56, %dma_start3A_76] : memref<10240x128xf32, #tpu.memory_space<vmem_shared>> -> memref<128x128xf32, #tpu.memory_space<vmem_shared>>
      tpu.enqueue_dma source(%dma_start3A_77 : memref<128x128xf32, #tpu.memory_space<vmem_shared>>) target(%dma_start3A_75 : memref<128x128xf32, #tpu.memory_space<hbm>>) target_semaphore(%run_scoped3A_73 : memref<!tpu.dma_semaphore, #tpu.memory_space<semaphore_mem>>)
      %dma_wait3A = arith.constant 0 : i32
      %dma_wait3A_78 = tpu.memref_slice %arg6[%arg0, %add3A_56, %dma_wait3A] : memref<2x10240x128xf32, #tpu.memory_space<hbm>> -> memref<1x128x128xf32, #tpu.memory_space<hbm>>
      %dma_wait3A_79 = tpu.memref_squeeze %dma_wait3A_78 : memref<1x128x128xf32, #tpu.memory_space<hbm>> -> memref<128x128xf32, #tpu.memory_space<hbm>>
      %dma_wait3A_80 = arith.constant 0 : i32
      %dma_wait3A_81 = tpu.memref_slice %arg10[%add3A_56, %dma_wait3A_80] : memref<10240x128xf32, #tpu.memory_space<vmem_shared>> -> memref<128x128xf32, #tpu.memory_space<vmem_shared>>
      tpu.wait_dma2 semaphore(%run_scoped3A_73 : memref<!tpu.dma_semaphore, #tpu.memory_space<semaphore_mem>>) src(%dma_wait3A_81 : memref<128x128xf32, #tpu.memory_space<vmem_shared>>) dst(%dma_wait3A_79 : memref<128x128xf32, #tpu.memory_space<hbm>>)
      tpu.yield
    }) : () -> ()
    %mul3A_57 = arith.constant 640 : i32
    %mul3A_58 = arith.muli %arg1, %mul3A_57 : i32
    %add3A_59 = arith.constant 128 : i32
    %add3A_60 = arith.addi %mul3A_58, %add3A_59 : i32
    "tpu.region"() ({
      %run_scoped3A_73 = tpu.sem_alloc : memref<!tpu.dma_semaphore, #tpu.memory_space<semaphore_mem>>
      %dma_start3A = arith.constant 0 : i32
      %dma_start3A_74 = tpu.memref_slice %arg6[%arg0, %add3A_60, %dma_start3A] : memref<2x10240x128xf32, #tpu.memory_space<hbm>> -> memref<1x128x128xf32, #tpu.memory_space<hbm>>
      %dma_start3A_75 = tpu.memref_squeeze %dma_start3A_74 : memref<1x128x128xf32, #tpu.memory_space<hbm>> -> memref<128x128xf32, #tpu.memory_space<hbm>>
      %dma_start3A_76 = arith.constant 0 : i32
      %dma_start3A_77 = tpu.memref_slice %arg10[%add3A_60, %dma_start3A_76] : memref<10240x128xf32, #tpu.memory_space<vmem_shared>> -> memref<128x128xf32, #tpu.memory_space<vmem_shared>>
      tpu.enqueue_dma source(%dma_start3A_77 : memref<128x128xf32, #tpu.memory_space<vmem_shared>>) target(%dma_start3A_75 : memref<128x128xf32, #tpu.memory_space<hbm>>) target_semaphore(%run_scoped3A_73 : memref<!tpu.dma_semaphore, #tpu.memory_space<semaphore_mem>>)
      %dma_wait3A = arith.constant 0 : i32
      %dma_wait3A_78 = tpu.memref_slice %arg6[%arg0, %add3A_60, %dma_wait3A] : memref<2x10240x128xf32, #tpu.memory_space<hbm>> -> memref<1x128x128xf32, #tpu.memory_space<hbm>>
      %dma_wait3A_79 = tpu.memref_squeeze %dma_wait3A_78 : memref<1x128x128xf32, #tpu.memory_space<hbm>> -> memref<128x128xf32, #tpu.memory_space<hbm>>
      %dma_wait3A_80 = arith.constant 0 : i32
      %dma_wait3A_81 = tpu.memref_slice %arg10[%add3A_60, %dma_wait3A_80] : memref<10240x128xf32, #tpu.memory_space<vmem_shared>> -> memref<128x128xf32, #tpu.memory_space<vmem_shared>>
      tpu.wait_dma2 semaphore(%run_scoped3A_73 : memref<!tpu.dma_semaphore, #tpu.memory_space<semaphore_mem>>) src(%dma_wait3A_81 : memref<128x128xf32, #tpu.memory_space<vmem_shared>>) dst(%dma_wait3A_79 : memref<128x128xf32, #tpu.memory_space<hbm>>)
      tpu.yield
    }) : () -> ()
    %mul3A_61 = arith.constant 640 : i32
    %mul3A_62 = arith.muli %arg1, %mul3A_61 : i32
    %add3A_63 = arith.constant 256 : i32
    %add3A_64 = arith.addi %mul3A_62, %add3A_63 : i32
    "tpu.region"() ({
      %run_scoped3A_73 = tpu.sem_alloc : memref<!tpu.dma_semaphore, #tpu.memory_space<semaphore_mem>>
      %dma_start3A = arith.constant 0 : i32
      %dma_start3A_74 = tpu.memref_slice %arg6[%arg0, %add3A_64, %dma_start3A] : memref<2x10240x128xf32, #tpu.memory_space<hbm>> -> memref<1x128x128xf32, #tpu.memory_space<hbm>>
      %dma_start3A_75 = tpu.memref_squeeze %dma_start3A_74 : memref<1x128x128xf32, #tpu.memory_space<hbm>> -> memref<128x128xf32, #tpu.memory_space<hbm>>
      %dma_start3A_76 = arith.constant 0 : i32
      %dma_start3A_77 = tpu.memref_slice %arg10[%add3A_64, %dma_start3A_76] : memref<10240x128xf32, #tpu.memory_space<vmem_shared>> -> memref<128x128xf32, #tpu.memory_space<vmem_shared>>
      tpu.enqueue_dma source(%dma_start3A_77 : memref<128x128xf32, #tpu.memory_space<vmem_shared>>) target(%dma_start3A_75 : memref<128x128xf32, #tpu.memory_space<hbm>>) target_semaphore(%run_scoped3A_73 : memref<!tpu.dma_semaphore, #tpu.memory_space<semaphore_mem>>)
      %dma_wait3A = arith.constant 0 : i32
      %dma_wait3A_78 = tpu.memref_slice %arg6[%arg0, %add3A_64, %dma_wait3A] : memref<2x10240x128xf32, #tpu.memory_space<hbm>> -> memref<1x128x128xf32, #tpu.memory_space<hbm>>
      %dma_wait3A_79 = tpu.memref_squeeze %dma_wait3A_78 : memref<1x128x128xf32, #tpu.memory_space<hbm>> -> memref<128x128xf32, #tpu.memory_space<hbm>>
      %dma_wait3A_80 = arith.constant 0 : i32
      %dma_wait3A_81 = tpu.memref_slice %arg10[%add3A_64, %dma_wait3A_80] : memref<10240x128xf32, #tpu.memory_space<vmem_shared>> -> memref<128x128xf32, #tpu.memory_space<vmem_shared>>
      tpu.wait_dma2 semaphore(%run_scoped3A_73 : memref<!tpu.dma_semaphore, #tpu.memory_space<semaphore_mem>>) src(%dma_wait3A_81 : memref<128x128xf32, #tpu.memory_space<vmem_shared>>) dst(%dma_wait3A_79 : memref<128x128xf32, #tpu.memory_space<hbm>>)
      tpu.yield
    }) : () -> ()
    %mul3A_65 = arith.constant 640 : i32
    %mul3A_66 = arith.muli %arg1, %mul3A_65 : i32
    %add3A_67 = arith.constant 384 : i32
    %add3A_68 = arith.addi %mul3A_66, %add3A_67 : i32
    "tpu.region"() ({
      %run_scoped3A_73 = tpu.sem_alloc : memref<!tpu.dma_semaphore, #tpu.memory_space<semaphore_mem>>
      %dma_start3A = arith.constant 0 : i32
      %dma_start3A_74 = tpu.memref_slice %arg6[%arg0, %add3A_68, %dma_start3A] : memref<2x10240x128xf32, #tpu.memory_space<hbm>> -> memref<1x128x128xf32, #tpu.memory_space<hbm>>
      %dma_start3A_75 = tpu.memref_squeeze %dma_start3A_74 : memref<1x128x128xf32, #tpu.memory_space<hbm>> -> memref<128x128xf32, #tpu.memory_space<hbm>>
      %dma_start3A_76 = arith.constant 0 : i32
      %dma_start3A_77 = tpu.memref_slice %arg10[%add3A_68, %dma_start3A_76] : memref<10240x128xf32, #tpu.memory_space<vmem_shared>> -> memref<128x128xf32, #tpu.memory_space<vmem_shared>>
      tpu.enqueue_dma source(%dma_start3A_77 : memref<128x128xf32, #tpu.memory_space<vmem_shared>>) target(%dma_start3A_75 : memref<128x128xf32, #tpu.memory_space<hbm>>) target_semaphore(%run_scoped3A_73 : memref<!tpu.dma_semaphore, #tpu.memory_space<semaphore_mem>>)
      %dma_wait3A = arith.constant 0 : i32
      %dma_wait3A_78 = tpu.memref_slice %arg6[%arg0, %add3A_68, %dma_wait3A] : memref<2x10240x128xf32, #tpu.memory_space<hbm>> -> memref<1x128x128xf32, #tpu.memory_space<hbm>>
      %dma_wait3A_79 = tpu.memref_squeeze %dma_wait3A_78 : memref<1x128x128xf32, #tpu.memory_space<hbm>> -> memref<128x128xf32, #tpu.memory_space<hbm>>
      %dma_wait3A_80 = arith.constant 0 : i32
      %dma_wait3A_81 = tpu.memref_slice %arg10[%add3A_68, %dma_wait3A_80] : memref<10240x128xf32, #tpu.memory_space<vmem_shared>> -> memref<128x128xf32, #tpu.memory_space<vmem_shared>>
      tpu.wait_dma2 semaphore(%run_scoped3A_73 : memref<!tpu.dma_semaphore, #tpu.memory_space<semaphore_mem>>) src(%dma_wait3A_81 : memref<128x128xf32, #tpu.memory_space<vmem_shared>>) dst(%dma_wait3A_79 : memref<128x128xf32, #tpu.memory_space<hbm>>)
      tpu.yield
    }) : () -> ()
    %mul3A_69 = arith.constant 640 : i32
    %mul3A_70 = arith.muli %arg1, %mul3A_69 : i32
    %add3A_71 = arith.constant 512 : i32
    %add3A_72 = arith.addi %mul3A_70, %add3A_71 : i32
    "tpu.region"() ({
      %run_scoped3A_73 = tpu.sem_alloc : memref<!tpu.dma_semaphore, #tpu.memory_space<semaphore_mem>>
      %dma_start3A = arith.constant 0 : i32
      %dma_start3A_74 = tpu.memref_slice %arg6[%arg0, %add3A_72, %dma_start3A] : memref<2x10240x128xf32, #tpu.memory_space<hbm>> -> memref<1x128x128xf32, #tpu.memory_space<hbm>>
      %dma_start3A_75 = tpu.memref_squeeze %dma_start3A_74 : memref<1x128x128xf32, #tpu.memory_space<hbm>> -> memref<128x128xf32, #tpu.memory_space<hbm>>
      %dma_start3A_76 = arith.constant 0 : i32
      %dma_start3A_77 = tpu.memref_slice %arg10[%add3A_72, %dma_start3A_76] : memref<10240x128xf32, #tpu.memory_space<vmem_shared>> -> memref<128x128xf32, #tpu.memory_space<vmem_shared>>
      tpu.enqueue_dma source(%dma_start3A_77 : memref<128x128xf32, #tpu.memory_space<vmem_shared>>) target(%dma_start3A_75 : memref<128x128xf32, #tpu.memory_space<hbm>>) target_semaphore(%run_scoped3A_73 : memref<!tpu.dma_semaphore, #tpu.memory_space<semaphore_mem>>)
      %dma_wait3A = arith.constant 0 : i32
      %dma_wait3A_78 = tpu.memref_slice %arg6[%arg0, %add3A_72, %dma_wait3A] : memref<2x10240x128xf32, #tpu.memory_space<hbm>> -> memref<1x128x128xf32, #tpu.memory_space<hbm>>
      %dma_wait3A_79 = tpu.memref_squeeze %dma_wait3A_78 : memref<1x128x128xf32, #tpu.memory_space<hbm>> -> memref<128x128xf32, #tpu.memory_space<hbm>>
      %dma_wait3A_80 = arith.constant 0 : i32
      %dma_wait3A_81 = tpu.memref_slice %arg10[%add3A_72, %dma_wait3A_80] : memref<10240x128xf32, #tpu.memory_space<vmem_shared>> -> memref<128x128xf32, #tpu.memory_space<vmem_shared>>
      tpu.wait_dma2 semaphore(%run_scoped3A_73 : memref<!tpu.dma_semaphore, #tpu.memory_space<semaphore_mem>>) src(%dma_wait3A_81 : memref<128x128xf32, #tpu.memory_space<vmem_shared>>) dst(%dma_wait3A_79 : memref<128x128xf32, #tpu.memory_space<hbm>>)
      tpu.yield
    }) : () -> ()
    return
  }
}

#map = affine_map<(d0, d1) -> (0, 0)>
#map1 = affine_map<(d0, d1) -> (0, 0, 0)>
module attributes {stable_mosaic.version = 14 : i64} {
  func.func @body(%arg0: i32, %arg1: i32, %arg2: memref<10240x128xf32, #tpu.memory_space<hbm>>, %arg3: memref<32x80x128xi32, #tpu.memory_space<hbm>>, %arg4: memref<32x80x128xi32, #tpu.memory_space<hbm>>, %arg5: memref<2x10240x16xf32, #tpu.memory_space<hbm>>, %arg6: memref<2x10240x128xf32, #tpu.memory_space<hbm>>, %arg7: memref<40x128xi32, #tpu.memory_space<vmem>>, %arg8: memref<40x128xi32, #tpu.memory_space<vmem>>, %arg9: memref<2x128x128xf32, #tpu.memory_space<vmem>>, %arg10: memref<10240x128xf32, #tpu.memory_space<vmem_shared>>, %arg11: memref<!tpu.dma_semaphore, #tpu.memory_space<semaphore_mem>>, %arg12: memref<!tpu.dma_semaphore, #tpu.memory_space<semaphore_mem>>) attributes {dimension_semantics = [#tpu.dimension_semantics<core_parallel>, #tpu.dimension_semantics<subcore_parallel>], iteration_bounds = array<i64: 2, 16>, scalar_prefetch = 0 : i64, scratch_operands = 6 : i64, tpu.core_type = #tpu.core_type<sc_vector_subcore>, window_params = [{transform_indices = #map}, {transform_indices = #map1}, {transform_indices = #map1}, {transform_indices = #map1}, {transform_indices = #map1}]} {
    %mul3A = arith.constant 16 : i32
    %mul3A_0 = arith.muli %arg0, %mul3A : i32
    %add3A = arith.addi %mul3A_0, %arg1 : i32
    %scan3A = arith.constant 0 : i32
    %scan3A_1 = arith.constant 0 : i32
    %scan3A_2 = arith.constant 128 : i32
    %scan3A_3 = arith.addi %scan3A_1, %scan3A_2 : i32
    %scan3A_4 = arith.constant 1 : i32
    %scan3A_5 = scf.for %scan3A_89 = %scan3A_1 to %scan3A_3 step %scan3A_4 iter_args(%scan3A_90 = %scan3A) -> (i32)  : i32 {
      %broadcast_in_dim3A = arith.constant 0.000000e+00 : f32
      %broadcast_in_dim3A_91 = vector.broadcast %broadcast_in_dim3A : f32 to vector<16xf32>
      %swap3A = arith.constant 0 : i32
      %swap3A_92 = arith.index_cast %swap3A : i32 to index
      %swap3A_93 = arith.index_cast %scan3A_89 : i32 to index
      %swap3A_94 = arith.constant 0 : index
      %swap3A_95 = tpu.vector_load %arg9[%swap3A_92, %swap3A_93, %swap3A_94] {strides = array<i32>} : memref<2x128x128xf32, #tpu.memory_space<vmem>>, vector<1x1x16xf32>,
      %swap3A_96 = vector.shape_cast %swap3A_95 : vector<1x1x16xf32> to vector<16xf32>
      %swap3A_97 = vector.shape_cast %broadcast_in_dim3A_91 : vector<16xf32> to vector<1x1x16xf32>
      tpu.vector_store %arg9[%swap3A_92, %swap3A_93, %swap3A_94], %swap3A_97 {strides = array<i32>} : memref<2x128x128xf32, #tpu.memory_space<vmem>>, vector<1x1x16xf32>,
      %broadcast_in_dim3A_98 = arith.constant 0.000000e+00 : f32
      %broadcast_in_dim3A_99 = vector.broadcast %broadcast_in_dim3A_98 : f32 to vector<16xf32>
      %swap3A_100 = arith.constant 0 : i32
      %swap3A_101 = arith.index_cast %swap3A_100 : i32 to index
      %swap3A_102 = arith.index_cast %scan3A_89 : i32 to index
      %swap3A_103 = arith.constant 16 : index
      %swap3A_104 = tpu.vector_load %arg9[%swap3A_101, %swap3A_102, %swap3A_103] {strides = array<i32>} : memref<2x128x128xf32, #tpu.memory_space<vmem>>, vector<1x1x16xf32>,
      %swap3A_105 = vector.shape_cast %swap3A_104 : vector<1x1x16xf32> to vector<16xf32>
      %swap3A_106 = vector.shape_cast %broadcast_in_dim3A_99 : vector<16xf32> to vector<1x1x16xf32>
      tpu.vector_store %arg9[%swap3A_101, %swap3A_102, %swap3A_103], %swap3A_106 {strides = array<i32>} : memref<2x128x128xf32, #tpu.memory_space<vmem>>, vector<1x1x16xf32>,
      %broadcast_in_dim3A_107 = arith.constant 0.000000e+00 : f32
      %broadcast_in_dim3A_108 = vector.broadcast %broadcast_in_dim3A_107 : f32 to vector<16xf32>
      %swap3A_109 = arith.constant 0 : i32
      %swap3A_110 = arith.index_cast %swap3A_109 : i32 to index
      %swap3A_111 = arith.index_cast %scan3A_89 : i32 to index
      %swap3A_112 = arith.constant 32 : index
      %swap3A_113 = tpu.vector_load %arg9[%swap3A_110, %swap3A_111, %swap3A_112] {strides = array<i32>} : memref<2x128x128xf32, #tpu.memory_space<vmem>>, vector<1x1x16xf32>,
      %swap3A_114 = vector.shape_cast %swap3A_113 : vector<1x1x16xf32> to vector<16xf32>
      %swap3A_115 = vector.shape_cast %broadcast_in_dim3A_108 : vector<16xf32> to vector<1x1x16xf32>
      tpu.vector_store %arg9[%swap3A_110, %swap3A_111, %swap3A_112], %swap3A_115 {strides = array<i32>} : memref<2x128x128xf32, #tpu.memory_space<vmem>>, vector<1x1x16xf32>,
      %broadcast_in_dim3A_116 = arith.constant 0.000000e+00 : f32
      %broadcast_in_dim3A_117 = vector.broadcast %broadcast_in_dim3A_116 : f32 to vector<16xf32>
      %swap3A_118 = arith.constant 0 : i32
      %swap3A_119 = arith.index_cast %swap3A_118 : i32 to index
      %swap3A_120 = arith.index_cast %scan3A_89 : i32 to index
      %swap3A_121 = arith.constant 48 : index
      %swap3A_122 = tpu.vector_load %arg9[%swap3A_119, %swap3A_120, %swap3A_121] {strides = array<i32>} : memref<2x128x128xf32, #tpu.memory_space<vmem>>, vector<1x1x16xf32>,
      %swap3A_123 = vector.shape_cast %swap3A_122 : vector<1x1x16xf32> to vector<16xf32>
      %swap3A_124 = vector.shape_cast %broadcast_in_dim3A_117 : vector<16xf32> to vector<1x1x16xf32>
      tpu.vector_store %arg9[%swap3A_119, %swap3A_120, %swap3A_121], %swap3A_124 {strides = array<i32>} : memref<2x128x128xf32, #tpu.memory_space<vmem>>, vector<1x1x16xf32>,
      %broadcast_in_dim3A_125 = arith.constant 0.000000e+00 : f32
      %broadcast_in_dim3A_126 = vector.broadcast %broadcast_in_dim3A_125 : f32 to vector<16xf32>
      %swap3A_127 = arith.constant 0 : i32
      %swap3A_128 = arith.index_cast %swap3A_127 : i32 to index
      %swap3A_129 = arith.index_cast %scan3A_89 : i32 to index
      %swap3A_130 = arith.constant 64 : index
      %swap3A_131 = tpu.vector_load %arg9[%swap3A_128, %swap3A_129, %swap3A_130] {strides = array<i32>} : memref<2x128x128xf32, #tpu.memory_space<vmem>>, vector<1x1x16xf32>,
      %swap3A_132 = vector.shape_cast %swap3A_131 : vector<1x1x16xf32> to vector<16xf32>
      %swap3A_133 = vector.shape_cast %broadcast_in_dim3A_126 : vector<16xf32> to vector<1x1x16xf32>
      tpu.vector_store %arg9[%swap3A_128, %swap3A_129, %swap3A_130], %swap3A_133 {strides = array<i32>} : memref<2x128x128xf32, #tpu.memory_space<vmem>>, vector<1x1x16xf32>,
      %broadcast_in_dim3A_134 = arith.constant 0.000000e+00 : f32
      %broadcast_in_dim3A_135 = vector.broadcast %broadcast_in_dim3A_134 : f32 to vector<16xf32>
      %swap3A_136 = arith.constant 0 : i32
      %swap3A_137 = arith.index_cast %swap3A_136 : i32 to index
      %swap3A_138 = arith.index_cast %scan3A_89 : i32 to index
      %swap3A_139 = arith.constant 80 : index
      %swap3A_140 = tpu.vector_load %arg9[%swap3A_137, %swap3A_138, %swap3A_139] {strides = array<i32>} : memref<2x128x128xf32, #tpu.memory_space<vmem>>, vector<1x1x16xf32>,
      %swap3A_141 = vector.shape_cast %swap3A_140 : vector<1x1x16xf32> to vector<16xf32>
      %swap3A_142 = vector.shape_cast %broadcast_in_dim3A_135 : vector<16xf32> to vector<1x1x16xf32>
      tpu.vector_store %arg9[%swap3A_137, %swap3A_138, %swap3A_139], %swap3A_142 {strides = array<i32>} : memref<2x128x128xf32, #tpu.memory_space<vmem>>, vector<1x1x16xf32>,
      %broadcast_in_dim3A_143 = arith.constant 0.000000e+00 : f32
      %broadcast_in_dim3A_144 = vector.broadcast %broadcast_in_dim3A_143 : f32 to vector<16xf32>
      %swap3A_145 = arith.constant 0 : i32
      %swap3A_146 = arith.index_cast %swap3A_145 : i32 to index
      %swap3A_147 = arith.index_cast %scan3A_89 : i32 to index
      %swap3A_148 = arith.constant 96 : index
      %swap3A_149 = tpu.vector_load %arg9[%swap3A_146, %swap3A_147, %swap3A_148] {strides = array<i32>} : memref<2x128x128xf32, #tpu.memory_space<vmem>>, vector<1x1x16xf32>,
      %swap3A_150 = vector.shape_cast %swap3A_149 : vector<1x1x16xf32> to vector<16xf32>
      %swap3A_151 = vector.shape_cast %broadcast_in_dim3A_144 : vector<16xf32> to vector<1x1x16xf32>
      tpu.vector_store %arg9[%swap3A_146, %swap3A_147, %swap3A_148], %swap3A_151 {strides = array<i32>} : memref<2x128x128xf32, #tpu.memory_space<vmem>>, vector<1x1x16xf32>,
      %broadcast_in_dim3A_152 = arith.constant 0.000000e+00 : f32
      %broadcast_in_dim3A_153 = vector.broadcast %broadcast_in_dim3A_152 : f32 to vector<16xf32>
      %swap3A_154 = arith.constant 0 : i32
      %swap3A_155 = arith.index_cast %swap3A_154 : i32 to index
      %swap3A_156 = arith.index_cast %scan3A_89 : i32 to index
      %swap3A_157 = arith.constant 112 : index
      %swap3A_158 = tpu.vector_load %arg9[%swap3A_155, %swap3A_156, %swap3A_157] {strides = array<i32>} : memref<2x128x128xf32, #tpu.memory_space<vmem>>, vector<1x1x16xf32>,
      %swap3A_159 = vector.shape_cast %swap3A_158 : vector<1x1x16xf32> to vector<16xf32>
      %swap3A_160 = vector.shape_cast %broadcast_in_dim3A_153 : vector<16xf32> to vector<1x1x16xf32>
      tpu.vector_store %arg9[%swap3A_155, %swap3A_156, %swap3A_157], %swap3A_160 {strides = array<i32>} : memref<2x128x128xf32, #tpu.memory_space<vmem>>, vector<1x1x16xf32>,
      %scan3A_161 = arith.constant 0 : i32
      scf.yield %scan3A_161 : i32
    }
    %scan3A_6 = arith.constant 128 : i32
    %mul3A_7 = arith.constant 640 : i32
    %mul3A_8 = arith.muli %arg1, %mul3A_7 : i32
    %add3A_9 = arith.constant 0 : i32
    %add3A_10 = arith.addi %mul3A_8, %add3A_9 : i32
    %run_scoped3A = arith.constant 0 : i32
    "tpu.region"() ({
      %run_scoped3A_89 = tpu.sem_alloc : memref<!tpu.dma_semaphore, #tpu.memory_space<semaphore_mem>>
      %dma_start3A_90 = arith.constant 0 : i32
      %dma_start3A_91 = arith.constant 0 : i32
      %dma_start3A_92 = tpu.memref_slice %arg9[%run_scoped3A, %dma_start3A_90, %dma_start3A_91] : memref<2x128x128xf32, #tpu.memory_space<vmem>> -> memref<1x128x128xf32, #tpu.memory_space<vmem>>
      %dma_start3A_93 = tpu.memref_squeeze %dma_start3A_92 : memref<1x128x128xf32, #tpu.memory_space<vmem>> -> memref<128x128xf32, #tpu.memory_space<vmem>>
      %dma_start3A_94 = arith.constant 0 : i32
      %dma_start3A_95 = tpu.memref_slice %arg10[%add3A_10, %dma_start3A_94] : memref<10240x128xf32, #tpu.memory_space<vmem_shared>> -> memref<128x128xf32, #tpu.memory_space<vmem_shared>>
      %dma_start3A_96 = arith.constant 0 : i32
      %dma_start3A_97 = tpu.memref_slice %arg10[%add3A_10, %dma_start3A_96] : memref<10240x128xf32, #tpu.memory_space<vmem_shared>> -> memref<128x128xf32, #tpu.memory_space<vmem_shared>>
      %dma_start3A_98 = arith.constant 0 : i32
      %dma_start3A_99 = arith.constant 0 : i32
      %dma_start3A_100 = tpu.memref_slice %arg9[%run_scoped3A, %dma_start3A_98, %dma_start3A_99] : memref<2x128x128xf32, #tpu.memory_space<vmem>> -> memref<1x128x128xf32, #tpu.memory_space<vmem>>
      %dma_start3A_101 = tpu.memref_squeeze %dma_start3A_100 : memref<1x128x128xf32, #tpu.memory_space<vmem>> -> memref<128x128xf32, #tpu.memory_space<vmem>>
      tpu.enqueue_dma source(%dma_start3A_101 : memref<128x128xf32, #tpu.memory_space<vmem>>) target(%dma_start3A_97 : memref<128x128xf32, #tpu.memory_space<vmem_shared>>) target_semaphore(%run_scoped3A_89 : memref<!tpu.dma_semaphore, #tpu.memory_space<semaphore_mem>>)
      %dma_wait3A = arith.constant 0 : i32
      %dma_wait3A_102 = arith.constant 0 : i32
      %dma_wait3A_103 = tpu.memref_slice %arg9[%run_scoped3A, %dma_wait3A, %dma_wait3A_102] : memref<2x128x128xf32, #tpu.memory_space<vmem>> -> memref<1x128x128xf32, #tpu.memory_space<vmem>>
      %dma_wait3A_104 = tpu.memref_squeeze %dma_wait3A_103 : memref<1x128x128xf32, #tpu.memory_space<vmem>> -> memref<128x128xf32, #tpu.memory_space<vmem>>
      %dma_wait3A_105 = arith.constant 0 : i32
      %dma_wait3A_106 = tpu.memref_slice %arg10[%add3A_10, %dma_wait3A_105] : memref<10240x128xf32, #tpu.memory_space<vmem_shared>> -> memref<128x128xf32, #tpu.memory_space<vmem_shared>>
      %dma_wait3A_107 = arith.constant 0 : i32
      %dma_wait3A_108 = tpu.memref_slice %arg10[%add3A_10, %dma_wait3A_107] : memref<10240x128xf32, #tpu.memory_space<vmem_shared>> -> memref<128x128xf32, #tpu.memory_space<vmem_shared>>
      %dma_wait3A_109 = arith.constant 0 : i32
      %dma_wait3A_110 = arith.constant 0 : i32
      %dma_wait3A_111 = tpu.memref_slice %arg9[%run_scoped3A, %dma_wait3A_109, %dma_wait3A_110] : memref<2x128x128xf32, #tpu.memory_space<vmem>> -> memref<1x128x128xf32, #tpu.memory_space<vmem>>
      %dma_wait3A_112 = tpu.memref_squeeze %dma_wait3A_111 : memref<1x128x128xf32, #tpu.memory_space<vmem>> -> memref<128x128xf32, #tpu.memory_space<vmem>>
      tpu.wait_dma2 semaphore(%run_scoped3A_89 : memref<!tpu.dma_semaphore, #tpu.memory_space<semaphore_mem>>) src(%dma_wait3A_112 : memref<128x128xf32, #tpu.memory_space<vmem>>) dst(%dma_wait3A_108 : memref<128x128xf32, #tpu.memory_space<vmem_shared>>)
      tpu.yield
    }) : () -> ()
    %mul3A_11 = arith.constant 640 : i32
    %mul3A_12 = arith.muli %arg1, %mul3A_11 : i32
    %add3A_13 = arith.constant 128 : i32
    %add3A_14 = arith.addi %mul3A_12, %add3A_13 : i32
    %run_scoped3A_15 = arith.constant 0 : i32
    "tpu.region"() ({
      %run_scoped3A_89 = tpu.sem_alloc : memref<!tpu.dma_semaphore, #tpu.memory_space<semaphore_mem>>
      %dma_start3A_90 = arith.constant 0 : i32
      %dma_start3A_91 = arith.constant 0 : i32
      %dma_start3A_92 = tpu.memref_slice %arg9[%run_scoped3A_15, %dma_start3A_90, %dma_start3A_91] : memref<2x128x128xf32, #tpu.memory_space<vmem>> -> memref<1x128x128xf32, #tpu.memory_space<vmem>>
      %dma_start3A_93 = tpu.memref_squeeze %dma_start3A_92 : memref<1x128x128xf32, #tpu.memory_space<vmem>> -> memref<128x128xf32, #tpu.memory_space<vmem>>
      %dma_start3A_94 = arith.constant 0 : i32
      %dma_start3A_95 = tpu.memref_slice %arg10[%add3A_14, %dma_start3A_94] : memref<10240x128xf32, #tpu.memory_space<vmem_shared>> -> memref<128x128xf32, #tpu.memory_space<vmem_shared>>
      %dma_start3A_96 = arith.constant 0 : i32
      %dma_start3A_97 = tpu.memref_slice %arg10[%add3A_14, %dma_start3A_96] : memref<10240x128xf32, #tpu.memory_space<vmem_shared>> -> memref<128x128xf32, #tpu.memory_space<vmem_shared>>
      %dma_start3A_98 = arith.constant 0 : i32
      %dma_start3A_99 = arith.constant 0 : i32
      %dma_start3A_100 = tpu.memref_slice %arg9[%run_scoped3A_15, %dma_start3A_98, %dma_start3A_99] : memref<2x128x128xf32, #tpu.memory_space<vmem>> -> memref<1x128x128xf32, #tpu.memory_space<vmem>>
      %dma_start3A_101 = tpu.memref_squeeze %dma_start3A_100 : memref<1x128x128xf32, #tpu.memory_space<vmem>> -> memref<128x128xf32, #tpu.memory_space<vmem>>
      tpu.enqueue_dma source(%dma_start3A_101 : memref<128x128xf32, #tpu.memory_space<vmem>>) target(%dma_start3A_97 : memref<128x128xf32, #tpu.memory_space<vmem_shared>>) target_semaphore(%run_scoped3A_89 : memref<!tpu.dma_semaphore, #tpu.memory_space<semaphore_mem>>)
      %dma_wait3A = arith.constant 0 : i32
      %dma_wait3A_102 = arith.constant 0 : i32
      %dma_wait3A_103 = tpu.memref_slice %arg9[%run_scoped3A_15, %dma_wait3A, %dma_wait3A_102] : memref<2x128x128xf32, #tpu.memory_space<vmem>> -> memref<1x128x128xf32, #tpu.memory_space<vmem>>
      %dma_wait3A_104 = tpu.memref_squeeze %dma_wait3A_103 : memref<1x128x128xf32, #tpu.memory_space<vmem>> -> memref<128x128xf32, #tpu.memory_space<vmem>>
      %dma_wait3A_105 = arith.constant 0 : i32
      %dma_wait3A_106 = tpu.memref_slice %arg10[%add3A_14, %dma_wait3A_105] : memref<10240x128xf32, #tpu.memory_space<vmem_shared>> -> memref<128x128xf32, #tpu.memory_space<vmem_shared>>
      %dma_wait3A_107 = arith.constant 0 : i32
      %dma_wait3A_108 = tpu.memref_slice %arg10[%add3A_14, %dma_wait3A_107] : memref<10240x128xf32, #tpu.memory_space<vmem_shared>> -> memref<128x128xf32, #tpu.memory_space<vmem_shared>>
      %dma_wait3A_109 = arith.constant 0 : i32
      %dma_wait3A_110 = arith.constant 0 : i32
      %dma_wait3A_111 = tpu.memref_slice %arg9[%run_scoped3A_15, %dma_wait3A_109, %dma_wait3A_110] : memref<2x128x128xf32, #tpu.memory_space<vmem>> -> memref<1x128x128xf32, #tpu.memory_space<vmem>>
      %dma_wait3A_112 = tpu.memref_squeeze %dma_wait3A_111 : memref<1x128x128xf32, #tpu.memory_space<vmem>> -> memref<128x128xf32, #tpu.memory_space<vmem>>
      tpu.wait_dma2 semaphore(%run_scoped3A_89 : memref<!tpu.dma_semaphore, #tpu.memory_space<semaphore_mem>>) src(%dma_wait3A_112 : memref<128x128xf32, #tpu.memory_space<vmem>>) dst(%dma_wait3A_108 : memref<128x128xf32, #tpu.memory_space<vmem_shared>>)
      tpu.yield
    }) : () -> ()
    %mul3A_16 = arith.constant 640 : i32
    %mul3A_17 = arith.muli %arg1, %mul3A_16 : i32
    %add3A_18 = arith.constant 256 : i32
    %add3A_19 = arith.addi %mul3A_17, %add3A_18 : i32
    %run_scoped3A_20 = arith.constant 0 : i32
    "tpu.region"() ({
      %run_scoped3A_89 = tpu.sem_alloc : memref<!tpu.dma_semaphore, #tpu.memory_space<semaphore_mem>>
      %dma_start3A_90 = arith.constant 0 : i32
      %dma_start3A_91 = arith.constant 0 : i32
      %dma_start3A_92 = tpu.memref_slice %arg9[%run_scoped3A_20, %dma_start3A_90, %dma_start3A_91] : memref<2x128x128xf32, #tpu.memory_space<vmem>> -> memref<1x128x128xf32, #tpu.memory_space<vmem>>
      %dma_start3A_93 = tpu.memref_squeeze %dma_start3A_92 : memref<1x128x128xf32, #tpu.memory_space<vmem>> -> memref<128x128xf32, #tpu.memory_space<vmem>>
      %dma_start3A_94 = arith.constant 0 : i32
      %dma_start3A_95 = tpu.memref_slice %arg10[%add3A_19, %dma_start3A_94] : memref<10240x128xf32, #tpu.memory_space<vmem_shared>> -> memref<128x128xf32, #tpu.memory_space<vmem_shared>>
      %dma_start3A_96 = arith.constant 0 : i32
      %dma_start3A_97 = tpu.memref_slice %arg10[%add3A_19, %dma_start3A_96] : memref<10240x128xf32, #tpu.memory_space<vmem_shared>> -> memref<128x128xf32, #tpu.memory_space<vmem_shared>>
      %dma_start3A_98 = arith.constant 0 : i32
      %dma_start3A_99 = arith.constant 0 : i32
      %dma_start3A_100 = tpu.memref_slice %arg9[%run_scoped3A_20, %dma_start3A_98, %dma_start3A_99] : memref<2x128x128xf32, #tpu.memory_space<vmem>> -> memref<1x128x128xf32, #tpu.memory_space<vmem>>
      %dma_start3A_101 = tpu.memref_squeeze %dma_start3A_100 : memref<1x128x128xf32, #tpu.memory_space<vmem>> -> memref<128x128xf32, #tpu.memory_space<vmem>>
      tpu.enqueue_dma source(%dma_start3A_101 : memref<128x128xf32, #tpu.memory_space<vmem>>) target(%dma_start3A_97 : memref<128x128xf32, #tpu.memory_space<vmem_shared>>) target_semaphore(%run_scoped3A_89 : memref<!tpu.dma_semaphore, #tpu.memory_space<semaphore_mem>>)
      %dma_wait3A = arith.constant 0 : i32
      %dma_wait3A_102 = arith.constant 0 : i32
      %dma_wait3A_103 = tpu.memref_slice %arg9[%run_scoped3A_20, %dma_wait3A, %dma_wait3A_102] : memref<2x128x128xf32, #tpu.memory_space<vmem>> -> memref<1x128x128xf32, #tpu.memory_space<vmem>>
      %dma_wait3A_104 = tpu.memref_squeeze %dma_wait3A_103 : memref<1x128x128xf32, #tpu.memory_space<vmem>> -> memref<128x128xf32, #tpu.memory_space<vmem>>
      %dma_wait3A_105 = arith.constant 0 : i32
      %dma_wait3A_106 = tpu.memref_slice %arg10[%add3A_19, %dma_wait3A_105] : memref<10240x128xf32, #tpu.memory_space<vmem_shared>> -> memref<128x128xf32, #tpu.memory_space<vmem_shared>>
      %dma_wait3A_107 = arith.constant 0 : i32
      %dma_wait3A_108 = tpu.memref_slice %arg10[%add3A_19, %dma_wait3A_107] : memref<10240x128xf32, #tpu.memory_space<vmem_shared>> -> memref<128x128xf32, #tpu.memory_space<vmem_shared>>
      %dma_wait3A_109 = arith.constant 0 : i32
      %dma_wait3A_110 = arith.constant 0 : i32
      %dma_wait3A_111 = tpu.memref_slice %arg9[%run_scoped3A_20, %dma_wait3A_109, %dma_wait3A_110] : memref<2x128x128xf32, #tpu.memory_space<vmem>> -> memref<1x128x128xf32, #tpu.memory_space<vmem>>
      %dma_wait3A_112 = tpu.memref_squeeze %dma_wait3A_111 : memref<1x128x128xf32, #tpu.memory_space<vmem>> -> memref<128x128xf32, #tpu.memory_space<vmem>>
      tpu.wait_dma2 semaphore(%run_scoped3A_89 : memref<!tpu.dma_semaphore, #tpu.memory_space<semaphore_mem>>) src(%dma_wait3A_112 : memref<128x128xf32, #tpu.memory_space<vmem>>) dst(%dma_wait3A_108 : memref<128x128xf32, #tpu.memory_space<vmem_shared>>)
      tpu.yield
    }) : () -> ()
    %mul3A_21 = arith.constant 640 : i32
    %mul3A_22 = arith.muli %arg1, %mul3A_21 : i32
    %add3A_23 = arith.constant 384 : i32
    %add3A_24 = arith.addi %mul3A_22, %add3A_23 : i32
    %run_scoped3A_25 = arith.constant 0 : i32
    "tpu.region"() ({
      %run_scoped3A_89 = tpu.sem_alloc : memref<!tpu.dma_semaphore, #tpu.memory_space<semaphore_mem>>
      %dma_start3A_90 = arith.constant 0 : i32
      %dma_start3A_91 = arith.constant 0 : i32
      %dma_start3A_92 = tpu.memref_slice %arg9[%run_scoped3A_25, %dma_start3A_90, %dma_start3A_91] : memref<2x128x128xf32, #tpu.memory_space<vmem>> -> memref<1x128x128xf32, #tpu.memory_space<vmem>>
      %dma_start3A_93 = tpu.memref_squeeze %dma_start3A_92 : memref<1x128x128xf32, #tpu.memory_space<vmem>> -> memref<128x128xf32, #tpu.memory_space<vmem>>
      %dma_start3A_94 = arith.constant 0 : i32
      %dma_start3A_95 = tpu.memref_slice %arg10[%add3A_24, %dma_start3A_94] : memref<10240x128xf32, #tpu.memory_space<vmem_shared>> -> memref<128x128xf32, #tpu.memory_space<vmem_shared>>
      %dma_start3A_96 = arith.constant 0 : i32
      %dma_start3A_97 = tpu.memref_slice %arg10[%add3A_24, %dma_start3A_96] : memref<10240x128xf32, #tpu.memory_space<vmem_shared>> -> memref<128x128xf32, #tpu.memory_space<vmem_shared>>
      %dma_start3A_98 = arith.constant 0 : i32
      %dma_start3A_99 = arith.constant 0 : i32
      %dma_start3A_100 = tpu.memref_slice %arg9[%run_scoped3A_25, %dma_start3A_98, %dma_start3A_99] : memref<2x128x128xf32, #tpu.memory_space<vmem>> -> memref<1x128x128xf32, #tpu.memory_space<vmem>>
      %dma_start3A_101 = tpu.memref_squeeze %dma_start3A_100 : memref<1x128x128xf32, #tpu.memory_space<vmem>> -> memref<128x128xf32, #tpu.memory_space<vmem>>
      tpu.enqueue_dma source(%dma_start3A_101 : memref<128x128xf32, #tpu.memory_space<vmem>>) target(%dma_start3A_97 : memref<128x128xf32, #tpu.memory_space<vmem_shared>>) target_semaphore(%run_scoped3A_89 : memref<!tpu.dma_semaphore, #tpu.memory_space<semaphore_mem>>)
      %dma_wait3A = arith.constant 0 : i32
      %dma_wait3A_102 = arith.constant 0 : i32
      %dma_wait3A_103 = tpu.memref_slice %arg9[%run_scoped3A_25, %dma_wait3A, %dma_wait3A_102] : memref<2x128x128xf32, #tpu.memory_space<vmem>> -> memref<1x128x128xf32, #tpu.memory_space<vmem>>
      %dma_wait3A_104 = tpu.memref_squeeze %dma_wait3A_103 : memref<1x128x128xf32, #tpu.memory_space<vmem>> -> memref<128x128xf32, #tpu.memory_space<vmem>>
      %dma_wait3A_105 = arith.constant 0 : i32
      %dma_wait3A_106 = tpu.memref_slice %arg10[%add3A_24, %dma_wait3A_105] : memref<10240x128xf32, #tpu.memory_space<vmem_shared>> -> memref<128x128xf32, #tpu.memory_space<vmem_shared>>
      %dma_wait3A_107 = arith.constant 0 : i32
      %dma_wait3A_108 = tpu.memref_slice %arg10[%add3A_24, %dma_wait3A_107] : memref<10240x128xf32, #tpu.memory_space<vmem_shared>> -> memref<128x128xf32, #tpu.memory_space<vmem_shared>>
      %dma_wait3A_109 = arith.constant 0 : i32
      %dma_wait3A_110 = arith.constant 0 : i32
      %dma_wait3A_111 = tpu.memref_slice %arg9[%run_scoped3A_25, %dma_wait3A_109, %dma_wait3A_110] : memref<2x128x128xf32, #tpu.memory_space<vmem>> -> memref<1x128x128xf32, #tpu.memory_space<vmem>>
      %dma_wait3A_112 = tpu.memref_squeeze %dma_wait3A_111 : memref<1x128x128xf32, #tpu.memory_space<vmem>> -> memref<128x128xf32, #tpu.memory_space<vmem>>
      tpu.wait_dma2 semaphore(%run_scoped3A_89 : memref<!tpu.dma_semaphore, #tpu.memory_space<semaphore_mem>>) src(%dma_wait3A_112 : memref<128x128xf32, #tpu.memory_space<vmem>>) dst(%dma_wait3A_108 : memref<128x128xf32, #tpu.memory_space<vmem_shared>>)
      tpu.yield
    }) : () -> ()
    %mul3A_26 = arith.constant 640 : i32
    %mul3A_27 = arith.muli %arg1, %mul3A_26 : i32
    %add3A_28 = arith.constant 512 : i32
    %add3A_29 = arith.addi %mul3A_27, %add3A_28 : i32
    %run_scoped3A_30 = arith.constant 0 : i32
    "tpu.region"() ({
      %run_scoped3A_89 = tpu.sem_alloc : memref<!tpu.dma_semaphore, #tpu.memory_space<semaphore_mem>>
      %dma_start3A_90 = arith.constant 0 : i32
      %dma_start3A_91 = arith.constant 0 : i32
      %dma_start3A_92 = tpu.memref_slice %arg9[%run_scoped3A_30, %dma_start3A_90, %dma_start3A_91] : memref<2x128x128xf32, #tpu.memory_space<vmem>> -> memref<1x128x128xf32, #tpu.memory_space<vmem>>
      %dma_start3A_93 = tpu.memref_squeeze %dma_start3A_92 : memref<1x128x128xf32, #tpu.memory_space<vmem>> -> memref<128x128xf32, #tpu.memory_space<vmem>>
      %dma_start3A_94 = arith.constant 0 : i32
      %dma_start3A_95 = tpu.memref_slice %arg10[%add3A_29, %dma_start3A_94] : memref<10240x128xf32, #tpu.memory_space<vmem_shared>> -> memref<128x128xf32, #tpu.memory_space<vmem_shared>>
      %dma_start3A_96 = arith.constant 0 : i32
      %dma_start3A_97 = tpu.memref_slice %arg10[%add3A_29, %dma_start3A_96] : memref<10240x128xf32, #tpu.memory_space<vmem_shared>> -> memref<128x128xf32, #tpu.memory_space<vmem_shared>>
      %dma_start3A_98 = arith.constant 0 : i32
      %dma_start3A_99 = arith.constant 0 : i32
      %dma_start3A_100 = tpu.memref_slice %arg9[%run_scoped3A_30, %dma_start3A_98, %dma_start3A_99] : memref<2x128x128xf32, #tpu.memory_space<vmem>> -> memref<1x128x128xf32, #tpu.memory_space<vmem>>
      %dma_start3A_101 = tpu.memref_squeeze %dma_start3A_100 : memref<1x128x128xf32, #tpu.memory_space<vmem>> -> memref<128x128xf32, #tpu.memory_space<vmem>>
      tpu.enqueue_dma source(%dma_start3A_101 : memref<128x128xf32, #tpu.memory_space<vmem>>) target(%dma_start3A_97 : memref<128x128xf32, #tpu.memory_space<vmem_shared>>) target_semaphore(%run_scoped3A_89 : memref<!tpu.dma_semaphore, #tpu.memory_space<semaphore_mem>>)
      %dma_wait3A = arith.constant 0 : i32
      %dma_wait3A_102 = arith.constant 0 : i32
      %dma_wait3A_103 = tpu.memref_slice %arg9[%run_scoped3A_30, %dma_wait3A, %dma_wait3A_102] : memref<2x128x128xf32, #tpu.memory_space<vmem>> -> memref<1x128x128xf32, #tpu.memory_space<vmem>>
      %dma_wait3A_104 = tpu.memref_squeeze %dma_wait3A_103 : memref<1x128x128xf32, #tpu.memory_space<vmem>> -> memref<128x128xf32, #tpu.memory_space<vmem>>
      %dma_wait3A_105 = arith.constant 0 : i32
      %dma_wait3A_106 = tpu.memref_slice %arg10[%add3A_29, %dma_wait3A_105] : memref<10240x128xf32, #tpu.memory_space<vmem_shared>> -> memref<128x128xf32, #tpu.memory_space<vmem_shared>>
      %dma_wait3A_107 = arith.constant 0 : i32
      %dma_wait3A_108 = tpu.memref_slice %arg10[%add3A_29, %dma_wait3A_107] : memref<10240x128xf32, #tpu.memory_space<vmem_shared>> -> memref<128x128xf32, #tpu.memory_space<vmem_shared>>
      %dma_wait3A_109 = arith.constant 0 : i32
      %dma_wait3A_110 = arith.constant 0 : i32
      %dma_wait3A_111 = tpu.memref_slice %arg9[%run_scoped3A_30, %dma_wait3A_109, %dma_wait3A_110] : memref<2x128x128xf32, #tpu.memory_space<vmem>> -> memref<1x128x128xf32, #tpu.memory_space<vmem>>
      %dma_wait3A_112 = tpu.memref_squeeze %dma_wait3A_111 : memref<1x128x128xf32, #tpu.memory_space<vmem>> -> memref<128x128xf32, #tpu.memory_space<vmem>>
      tpu.wait_dma2 semaphore(%run_scoped3A_89 : memref<!tpu.dma_semaphore, #tpu.memory_space<semaphore_mem>>) src(%dma_wait3A_112 : memref<128x128xf32, #tpu.memory_space<vmem>>) dst(%dma_wait3A_108 : memref<128x128xf32, #tpu.memory_space<vmem_shared>>)
      tpu.yield
    }) : () -> ()
    %barrier3A = arith.constant 0 : index
    tpu.barrier barrier_id(%barrier3A)
    "tpu.region"() ({
      %run_scoped3A_89 = tpu.sem_alloc : memref<!tpu.dma_semaphore, #tpu.memory_space<semaphore_mem>>
      %dma_start3A_90 = arith.constant 0 : i32
      %dma_start3A_91 = arith.constant 0 : i32
      %dma_start3A_92 = tpu.memref_slice %arg3[%add3A, %dma_start3A_90, %dma_start3A_91] : memref<32x80x128xi32, #tpu.memory_space<hbm>> -> memref<1x40x128xi32, #tpu.memory_space<hbm>>
      %dma_start3A_93 = tpu.memref_squeeze %dma_start3A_92 : memref<1x40x128xi32, #tpu.memory_space<hbm>> -> memref<40x128xi32, #tpu.memory_space<hbm>>
      %dma_start3A_94 = arith.constant 0 : i32
      %dma_start3A_95 = arith.constant 0 : i32
      %dma_start3A_96 = tpu.memref_slice %arg3[%add3A, %dma_start3A_94, %dma_start3A_95] : memref<32x80x128xi32, #tpu.memory_space<hbm>> -> memref<1x40x128xi32, #tpu.memory_space<hbm>>
      %dma_start3A_97 = tpu.memref_squeeze %dma_start3A_96 : memref<1x40x128xi32, #tpu.memory_space<hbm>> -> memref<40x128xi32, #tpu.memory_space<hbm>>
      tpu.enqueue_dma source(%dma_start3A_97 : memref<40x128xi32, #tpu.memory_space<hbm>>) target(%arg7 : memref<40x128xi32, #tpu.memory_space<vmem>>) target_semaphore(%run_scoped3A_89 : memref<!tpu.dma_semaphore, #tpu.memory_space<semaphore_mem>>)
      %dma_wait3A = arith.constant 0 : i32
      %dma_wait3A_98 = arith.constant 0 : i32
      %dma_wait3A_99 = tpu.memref_slice %arg3[%add3A, %dma_wait3A, %dma_wait3A_98] : memref<32x80x128xi32, #tpu.memory_space<hbm>> -> memref<1x40x128xi32, #tpu.memory_space<hbm>>
      %dma_wait3A_100 = tpu.memref_squeeze %dma_wait3A_99 : memref<1x40x128xi32, #tpu.memory_space<hbm>> -> memref<40x128xi32, #tpu.memory_space<hbm>>
      %dma_wait3A_101 = arith.constant 0 : i32
      %dma_wait3A_102 = arith.constant 0 : i32
      %dma_wait3A_103 = tpu.memref_slice %arg3[%add3A, %dma_wait3A_101, %dma_wait3A_102] : memref<32x80x128xi32, #tpu.memory_space<hbm>> -> memref<1x40x128xi32, #tpu.memory_space<hbm>>
      %dma_wait3A_104 = tpu.memref_squeeze %dma_wait3A_103 : memref<1x40x128xi32, #tpu.memory_space<hbm>> -> memref<40x128xi32, #tpu.memory_space<hbm>>
      tpu.wait_dma2 semaphore(%run_scoped3A_89 : memref<!tpu.dma_semaphore, #tpu.memory_space<semaphore_mem>>) src(%dma_wait3A_104 : memref<40x128xi32, #tpu.memory_space<hbm>>) dst(%arg7 : memref<40x128xi32, #tpu.memory_space<vmem>>)
      tpu.yield
    }) : () -> ()
    "tpu.region"() ({
      %run_scoped3A_89 = tpu.sem_alloc : memref<!tpu.dma_semaphore, #tpu.memory_space<semaphore_mem>>
      %dma_start3A_90 = arith.constant 0 : i32
      %dma_start3A_91 = arith.constant 0 : i32
      %dma_start3A_92 = tpu.memref_slice %arg4[%add3A, %dma_start3A_90, %dma_start3A_91] : memref<32x80x128xi32, #tpu.memory_space<hbm>> -> memref<1x40x128xi32, #tpu.memory_space<hbm>>
      %dma_start3A_93 = tpu.memref_squeeze %dma_start3A_92 : memref<1x40x128xi32, #tpu.memory_space<hbm>> -> memref<40x128xi32, #tpu.memory_space<hbm>>
      %dma_start3A_94 = arith.constant 0 : i32
      %dma_start3A_95 = arith.constant 0 : i32
      %dma_start3A_96 = tpu.memref_slice %arg4[%add3A, %dma_start3A_94, %dma_start3A_95] : memref<32x80x128xi32, #tpu.memory_space<hbm>> -> memref<1x40x128xi32, #tpu.memory_space<hbm>>
      %dma_start3A_97 = tpu.memref_squeeze %dma_start3A_96 : memref<1x40x128xi32, #tpu.memory_space<hbm>> -> memref<40x128xi32, #tpu.memory_space<hbm>>
      tpu.enqueue_dma source(%dma_start3A_97 : memref<40x128xi32, #tpu.memory_space<hbm>>) target(%arg8 : memref<40x128xi32, #tpu.memory_space<vmem>>) target_semaphore(%run_scoped3A_89 : memref<!tpu.dma_semaphore, #tpu.memory_space<semaphore_mem>>)
      %dma_wait3A = arith.constant 0 : i32
      %dma_wait3A_98 = arith.constant 0 : i32
      %dma_wait3A_99 = tpu.memref_slice %arg4[%add3A, %dma_wait3A, %dma_wait3A_98] : memref<32x80x128xi32, #tpu.memory_space<hbm>> -> memref<1x40x128xi32, #tpu.memory_space<hbm>>
      %dma_wait3A_100 = tpu.memref_squeeze %dma_wait3A_99 : memref<1x40x128xi32, #tpu.memory_space<hbm>> -> memref<40x128xi32, #tpu.memory_space<hbm>>
      %dma_wait3A_101 = arith.constant 0 : i32
      %dma_wait3A_102 = arith.constant 0 : i32
      %dma_wait3A_103 = tpu.memref_slice %arg4[%add3A, %dma_wait3A_101, %dma_wait3A_102] : memref<32x80x128xi32, #tpu.memory_space<hbm>> -> memref<1x40x128xi32, #tpu.memory_space<hbm>>
      %dma_wait3A_104 = tpu.memref_squeeze %dma_wait3A_103 : memref<1x40x128xi32, #tpu.memory_space<hbm>> -> memref<40x128xi32, #tpu.memory_space<hbm>>
      tpu.wait_dma2 semaphore(%run_scoped3A_89 : memref<!tpu.dma_semaphore, #tpu.memory_space<semaphore_mem>>) src(%dma_wait3A_104 : memref<40x128xi32, #tpu.memory_space<hbm>>) dst(%arg8 : memref<40x128xi32, #tpu.memory_space<vmem>>)
      tpu.yield
    }) : () -> ()
    %dma_start3A = arith.constant 0 : i32
    %dma_start3A_31 = arith.constant 0 : i32
    %dma_start3A_32 = arith.constant 0 : i32
    %dma_start3A_33 = arith.constant 0 : i32
    %dma_start3A_34 = tpu.memref_slice %arg9[%dma_start3A_31, %dma_start3A_32, %dma_start3A_33] : memref<2x128x128xf32, #tpu.memory_space<vmem>> -> memref<1x128x128xf32, #tpu.memory_space<vmem>>
    %dma_start3A_35 = tpu.memref_squeeze %dma_start3A_34 : memref<1x128x128xf32, #tpu.memory_space<vmem>> -> memref<128x128xf32, #tpu.memory_space<vmem>>
    %dma_start3A_36 = arith.constant 0 : i32
    %dma_start3A_37 = tpu.memref_slice %arg7[%dma_start3A, %dma_start3A_36] : memref<40x128xi32, #tpu.memory_space<vmem>> -> memref<1x128xi32, #tpu.memory_space<vmem>>
    %dma_start3A_38 = tpu.memref_squeeze %dma_start3A_37 : memref<1x128xi32, #tpu.memory_space<vmem>> -> memref<128xi32, #tpu.memory_space<vmem>>
    %dma_start3A_39 = arith.constant 0 : i32
    %dma_start3A_40 = arith.constant 0 : i32
    %dma_start3A_41 = tpu.memref_slice %arg2[%dma_start3A_39, %dma_start3A_40] : memref<10240x128xf32, #tpu.memory_space<hbm>> -> memref<10240x128xf32, #tpu.memory_space<hbm>>
    tpu.enqueue_indirect_dma source(%dma_start3A_41 : memref<10240x128xf32, #tpu.memory_space<hbm>>) target(%dma_start3A_35 : memref<128x128xf32, #tpu.memory_space<vmem>>) offsets(%dma_start3A_38 : memref<128xi32, #tpu.memory_space<vmem>>) semaphore(%arg11 : memref<!tpu.dma_semaphore, #tpu.memory_space<semaphore_mem>>)
    %scan3A_42 = arith.constant 0 : i32
    %scan3A_43 = arith.constant 0 : i32
    %scan3A_44 = arith.constant 20 : i32
    %scan3A_45 = arith.addi %scan3A_43, %scan3A_44 : i32
    %scan3A_46 = arith.constant 1 : i32
    %scan3A_47 = scf.for %scan3A_89 = %scan3A_43 to %scan3A_45 step %scan3A_46 iter_args(%scan3A_90 = %scan3A_42) -> (i32)  : i32 {
      %mul3A_91 = arith.constant 2 : i32
      %mul3A_92 = arith.muli %mul3A_91, %scan3A_89 : i32
      %add3A_93 = arith.constant 1 : i32
      %add3A_94 = arith.addi %mul3A_92, %add3A_93 : i32
      %dma_start3A_95 = arith.constant 1 : i32
      %dma_start3A_96 = arith.constant 0 : i32
      %dma_start3A_97 = arith.constant 0 : i32
      %dma_start3A_98 = tpu.memref_slice %arg9[%dma_start3A_95, %dma_start3A_96, %dma_start3A_97] : memref<2x128x128xf32, #tpu.memory_space<vmem>> -> memref<1x128x128xf32, #tpu.memory_space<vmem>>
      %dma_start3A_99 = tpu.memref_squeeze %dma_start3A_98 : memref<1x128x128xf32, #tpu.memory_space<vmem>> -> memref<128x128xf32, #tpu.memory_space<vmem>>
      %dma_start3A_100 = arith.constant 0 : i32
      %dma_start3A_101 = tpu.memref_slice %arg7[%add3A_94, %dma_start3A_100] : memref<40x128xi32, #tpu.memory_space<vmem>> -> memref<1x128xi32, #tpu.memory_space<vmem>>
      %dma_start3A_102 = tpu.memref_squeeze %dma_start3A_101 : memref<1x128xi32, #tpu.memory_space<vmem>> -> memref<128xi32, #tpu.memory_space<vmem>>
      %dma_start3A_103 = arith.constant 0 : i32
      %dma_start3A_104 = arith.constant 0 : i32
      %dma_start3A_105 = tpu.memref_slice %arg2[%dma_start3A_103, %dma_start3A_104] : memref<10240x128xf32, #tpu.memory_space<hbm>> -> memref<10240x128xf32, #tpu.memory_space<hbm>>
      tpu.enqueue_indirect_dma source(%dma_start3A_105 : memref<10240x128xf32, #tpu.memory_space<hbm>>) target(%dma_start3A_99 : memref<128x128xf32, #tpu.memory_space<vmem>>) offsets(%dma_start3A_102 : memref<128xi32, #tpu.memory_space<vmem>>) semaphore(%arg12 : memref<!tpu.dma_semaphore, #tpu.memory_space<semaphore_mem>>)
      %dma_wait3A = arith.constant 0 : i32
      %dma_wait3A_106 = arith.constant 0 : i32
      %dma_wait3A_107 = arith.constant 0 : i32
      %dma_wait3A_108 = tpu.memref_slice %arg9[%dma_wait3A, %dma_wait3A_106, %dma_wait3A_107] : memref<2x128x128xf32, #tpu.memory_space<vmem>> -> memref<1x128x128xf32, #tpu.memory_space<vmem>>
      %dma_wait3A_109 = tpu.memref_squeeze %dma_wait3A_108 : memref<1x128x128xf32, #tpu.memory_space<vmem>> -> memref<128x128xf32, #tpu.memory_space<vmem>>
      %dma_wait3A_110 = arith.constant 0 : i32
      %dma_wait3A_111 = tpu.memref_slice %arg7[%mul3A_92, %dma_wait3A_110] : memref<40x128xi32, #tpu.memory_space<vmem>> -> memref<1x128xi32, #tpu.memory_space<vmem>>
      %dma_wait3A_112 = tpu.memref_squeeze %dma_wait3A_111 : memref<1x128xi32, #tpu.memory_space<vmem>> -> memref<128xi32, #tpu.memory_space<vmem>>
      %dma_wait3A_113 = arith.constant 0 : i32
      %dma_wait3A_114 = arith.constant 0 : i32
      %dma_wait3A_115 = tpu.memref_slice %arg2[%dma_wait3A_113, %dma_wait3A_114] : memref<10240x128xf32, #tpu.memory_space<hbm>> -> memref<10240x128xf32, #tpu.memory_space<hbm>>
      tpu.wait_indirect_dma semaphore(%arg11 : memref<!tpu.dma_semaphore, #tpu.memory_space<semaphore_mem>>) src(%dma_wait3A_115 : memref<10240x128xf32, #tpu.memory_space<hbm>>) dst(%dma_wait3A_109 : memref<128x128xf32, #tpu.memory_space<vmem>>)
      %run_scoped3A_116 = arith.constant 0 : i32
      "tpu.region"() ({
        %run_scoped3A_132 = tpu.sem_alloc : memref<!tpu.dma_semaphore, #tpu.memory_space<semaphore_mem>>
        %dma_start3A_133 = arith.constant 0 : i32
        %dma_start3A_134 = arith.constant 0 : i32
        %dma_start3A_135 = tpu.memref_slice %arg9[%run_scoped3A_116, %dma_start3A_133, %dma_start3A_134] : memref<2x128x128xf32, #tpu.memory_space<vmem>> -> memref<1x128x128xf32, #tpu.memory_space<vmem>>
        %dma_start3A_136 = tpu.memref_squeeze %dma_start3A_135 : memref<1x128x128xf32, #tpu.memory_space<vmem>> -> memref<128x128xf32, #tpu.memory_space<vmem>>
        %dma_start3A_137 = arith.constant 0 : i32
        %dma_start3A_138 = tpu.memref_slice %arg8[%mul3A_92, %dma_start3A_137] : memref<40x128xi32, #tpu.memory_space<vmem>> -> memref<1x128xi32, #tpu.memory_space<vmem>>
        %dma_start3A_139 = tpu.memref_squeeze %dma_start3A_138 : memref<1x128xi32, #tpu.memory_space<vmem>> -> memref<128xi32, #tpu.memory_space<vmem>>
        %dma_start3A_140 = arith.constant 0 : i32
        %dma_start3A_141 = arith.constant 0 : i32
        %dma_start3A_142 = tpu.memref_slice %arg10[%dma_start3A_140, %dma_start3A_141] : memref<10240x128xf32, #tpu.memory_space<vmem_shared>> -> memref<10240x128xf32, #tpu.memory_space<vmem_shared>>
        tpu.enqueue_indirect_dma source(%dma_start3A_136 : memref<128x128xf32, #tpu.memory_space<vmem>>) target(%dma_start3A_142 : memref<10240x128xf32, #tpu.memory_space<vmem_shared>>) offsets(%dma_start3A_139 : memref<128xi32, #tpu.memory_space<vmem>>) semaphore(%run_scoped3A_132 : memref<!tpu.dma_semaphore, #tpu.memory_space<semaphore_mem>>) {add = true}
        %dma_wait3A_143 = arith.constant 0 : i32
        %dma_wait3A_144 = arith.constant 0 : i32
        %dma_wait3A_145 = tpu.memref_slice %arg9[%run_scoped3A_116, %dma_wait3A_143, %dma_wait3A_144] : memref<2x128x128xf32, #tpu.memory_space<vmem>> -> memref<1x128x128xf32, #tpu.memory_space<vmem>>
        %dma_wait3A_146 = tpu.memref_squeeze %dma_wait3A_145 : memref<1x128x128xf32, #tpu.memory_space<vmem>> -> memref<128x128xf32, #tpu.memory_space<vmem>>
        %dma_wait3A_147 = arith.constant 0 : i32
        %dma_wait3A_148 = tpu.memref_slice %arg8[%mul3A_92, %dma_wait3A_147] : memref<40x128xi32, #tpu.memory_space<vmem>> -> memref<1x128xi32, #tpu.memory_space<vmem>>
        %dma_wait3A_149 = tpu.memref_squeeze %dma_wait3A_148 : memref<1x128xi32, #tpu.memory_space<vmem>> -> memref<128xi32, #tpu.memory_space<vmem>>
        %dma_wait3A_150 = arith.constant 0 : i32
        %dma_wait3A_151 = arith.constant 0 : i32
        %dma_wait3A_152 = tpu.memref_slice %arg10[%dma_wait3A_150, %dma_wait3A_151] : memref<10240x128xf32, #tpu.memory_space<vmem_shared>> -> memref<10240x128xf32, #tpu.memory_space<vmem_shared>>
        tpu.wait_indirect_dma semaphore(%run_scoped3A_132 : memref<!tpu.dma_semaphore, #tpu.memory_space<semaphore_mem>>) src(%dma_wait3A_146 : memref<128x128xf32, #tpu.memory_space<vmem>>) dst(%dma_wait3A_152 : memref<10240x128xf32, #tpu.memory_space<vmem_shared>>)
        tpu.yield
      }) : () -> ()
      %lt3A = arith.constant 19 : i32
      %lt3A_117 = arith.cmpi slt, %scan3A_89, %lt3A : i32
      %convert_element_type3A = arith.extui %lt3A_117 : i1 to i32
      %cond3A = arith.constant 0 : i32
      %cond3A_118 = arith.cmpi ne, %convert_element_type3A, %cond3A : i32
      scf.if %cond3A_118 {
        %add3A_132 = arith.constant 2 : i32
        %add3A_133 = arith.addi %mul3A_92, %add3A_132 : i32
        %dma_start3A_134 = arith.constant 0 : i32
        %dma_start3A_135 = arith.constant 0 : i32
        %dma_start3A_136 = arith.constant 0 : i32
        %dma_start3A_137 = tpu.memref_slice %arg9[%dma_start3A_134, %dma_start3A_135, %dma_start3A_136] : memref<2x128x128xf32, #tpu.memory_space<vmem>> -> memref<1x128x128xf32, #tpu.memory_space<vmem>>
        %dma_start3A_138 = tpu.memref_squeeze %dma_start3A_137 : memref<1x128x128xf32, #tpu.memory_space<vmem>> -> memref<128x128xf32, #tpu.memory_space<vmem>>
        %dma_start3A_139 = arith.constant 0 : i32
        %dma_start3A_140 = tpu.memref_slice %arg7[%add3A_133, %dma_start3A_139] : memref<40x128xi32, #tpu.memory_space<vmem>> -> memref<1x128xi32, #tpu.memory_space<vmem>>
        %dma_start3A_141 = tpu.memref_squeeze %dma_start3A_140 : memref<1x128xi32, #tpu.memory_space<vmem>> -> memref<128xi32, #tpu.memory_space<vmem>>
        %dma_start3A_142 = arith.constant 0 : i32
        %dma_start3A_143 = arith.constant 0 : i32
        %dma_start3A_144 = tpu.memref_slice %arg2[%dma_start3A_142, %dma_start3A_143] : memref<10240x128xf32, #tpu.memory_space<hbm>> -> memref<10240x128xf32, #tpu.memory_space<hbm>>
        tpu.enqueue_indirect_dma source(%dma_start3A_144 : memref<10240x128xf32, #tpu.memory_space<hbm>>) target(%dma_start3A_138 : memref<128x128xf32, #tpu.memory_space<vmem>>) offsets(%dma_start3A_141 : memref<128xi32, #tpu.memory_space<vmem>>) semaphore(%arg11 : memref<!tpu.dma_semaphore, #tpu.memory_space<semaphore_mem>>)
      } else {
      }
      %dma_wait3A_119 = arith.constant 1 : i32
      %dma_wait3A_120 = arith.constant 0 : i32
      %dma_wait3A_121 = arith.constant 0 : i32
      %dma_wait3A_122 = tpu.memref_slice %arg9[%dma_wait3A_119, %dma_wait3A_120, %dma_wait3A_121] : memref<2x128x128xf32, #tpu.memory_space<vmem>> -> memref<1x128x128xf32, #tpu.memory_space<vmem>>
      %dma_wait3A_123 = tpu.memref_squeeze %dma_wait3A_122 : memref<1x128x128xf32, #tpu.memory_space<vmem>> -> memref<128x128xf32, #tpu.memory_space<vmem>>
      %dma_wait3A_124 = arith.constant 0 : i32
      %dma_wait3A_125 = tpu.memref_slice %arg7[%add3A_94, %dma_wait3A_124] : memref<40x128xi32, #tpu.memory_space<vmem>> -> memref<1x128xi32, #tpu.memory_space<vmem>>
      %dma_wait3A_126 = tpu.memref_squeeze %dma_wait3A_125 : memref<1x128xi32, #tpu.memory_space<vmem>> -> memref<128xi32, #tpu.memory_space<vmem>>
      %dma_wait3A_127 = arith.constant 0 : i32
      %dma_wait3A_128 = arith.constant 0 : i32
      %dma_wait3A_129 = tpu.memref_slice %arg2[%dma_wait3A_127, %dma_wait3A_128] : memref<10240x128xf32, #tpu.memory_space<hbm>> -> memref<10240x128xf32, #tpu.memory_space<hbm>>
      tpu.wait_indirect_dma semaphore(%arg12 : memref<!tpu.dma_semaphore, #tpu.memory_space<semaphore_mem>>) src(%dma_wait3A_129 : memref<10240x128xf32, #tpu.memory_space<hbm>>) dst(%dma_wait3A_123 : memref<128x128xf32, #tpu.memory_space<vmem>>)
      %run_scoped3A_130 = arith.constant 1 : i32
      "tpu.region"() ({
        %run_scoped3A_132 = tpu.sem_alloc : memref<!tpu.dma_semaphore, #tpu.memory_space<semaphore_mem>>
        %dma_start3A_133 = arith.constant 0 : i32
        %dma_start3A_134 = arith.constant 0 : i32
        %dma_start3A_135 = tpu.memref_slice %arg9[%run_scoped3A_130, %dma_start3A_133, %dma_start3A_134] : memref<2x128x128xf32, #tpu.memory_space<vmem>> -> memref<1x128x128xf32, #tpu.memory_space<vmem>>
        %dma_start3A_136 = tpu.memref_squeeze %dma_start3A_135 : memref<1x128x128xf32, #tpu.memory_space<vmem>> -> memref<128x128xf32, #tpu.memory_space<vmem>>
        %dma_start3A_137 = arith.constant 0 : i32
        %dma_start3A_138 = tpu.memref_slice %arg8[%add3A_94, %dma_start3A_137] : memref<40x128xi32, #tpu.memory_space<vmem>> -> memref<1x128xi32, #tpu.memory_space<vmem>>
        %dma_start3A_139 = tpu.memref_squeeze %dma_start3A_138 : memref<1x128xi32, #tpu.memory_space<vmem>> -> memref<128xi32, #tpu.memory_space<vmem>>
        %dma_start3A_140 = arith.constant 0 : i32
        %dma_start3A_141 = arith.constant 0 : i32
        %dma_start3A_142 = tpu.memref_slice %arg10[%dma_start3A_140, %dma_start3A_141] : memref<10240x128xf32, #tpu.memory_space<vmem_shared>> -> memref<10240x128xf32, #tpu.memory_space<vmem_shared>>
        tpu.enqueue_indirect_dma source(%dma_start3A_136 : memref<128x128xf32, #tpu.memory_space<vmem>>) target(%dma_start3A_142 : memref<10240x128xf32, #tpu.memory_space<vmem_shared>>) offsets(%dma_start3A_139 : memref<128xi32, #tpu.memory_space<vmem>>) semaphore(%run_scoped3A_132 : memref<!tpu.dma_semaphore, #tpu.memory_space<semaphore_mem>>) {add = true}
        %dma_wait3A_143 = arith.constant 0 : i32
        %dma_wait3A_144 = arith.constant 0 : i32
        %dma_wait3A_145 = tpu.memref_slice %arg9[%run_scoped3A_130, %dma_wait3A_143, %dma_wait3A_144] : memref<2x128x128xf32, #tpu.memory_space<vmem>> -> memref<1x128x128xf32, #tpu.memory_space<vmem>>
        %dma_wait3A_146 = tpu.memref_squeeze %dma_wait3A_145 : memref<1x128x128xf32, #tpu.memory_space<vmem>> -> memref<128x128xf32, #tpu.memory_space<vmem>>
        %dma_wait3A_147 = arith.constant 0 : i32
        %dma_wait3A_148 = tpu.memref_slice %arg8[%add3A_94, %dma_wait3A_147] : memref<40x128xi32, #tpu.memory_space<vmem>> -> memref<1x128xi32, #tpu.memory_space<vmem>>
        %dma_wait3A_149 = tpu.memref_squeeze %dma_wait3A_148 : memref<1x128xi32, #tpu.memory_space<vmem>> -> memref<128xi32, #tpu.memory_space<vmem>>
        %dma_wait3A_150 = arith.constant 0 : i32
        %dma_wait3A_151 = arith.constant 0 : i32
        %dma_wait3A_152 = tpu.memref_slice %arg10[%dma_wait3A_150, %dma_wait3A_151] : memref<10240x128xf32, #tpu.memory_space<vmem_shared>> -> memref<10240x128xf32, #tpu.memory_space<vmem_shared>>
        tpu.wait_indirect_dma semaphore(%run_scoped3A_132 : memref<!tpu.dma_semaphore, #tpu.memory_space<semaphore_mem>>) src(%dma_wait3A_146 : memref<128x128xf32, #tpu.memory_space<vmem>>) dst(%dma_wait3A_152 : memref<10240x128xf32, #tpu.memory_space<vmem_shared>>)
        tpu.yield
      }) : () -> ()
      %scan3A_131 = arith.constant 0 : i32
      scf.yield %scan3A_131 : i32
    }
    %scan3A_48 = arith.constant 20 : i32
    "tpu.region"() ({
      %run_scoped3A_89 = tpu.sem_alloc : memref<!tpu.dma_semaphore, #tpu.memory_space<semaphore_mem>>
      %dma_start3A_90 = arith.constant 40 : i32
      %dma_start3A_91 = arith.constant 0 : i32
      %dma_start3A_92 = tpu.memref_slice %arg3[%add3A, %dma_start3A_90, %dma_start3A_91] : memref<32x80x128xi32, #tpu.memory_space<hbm>> -> memref<1x40x128xi32, #tpu.memory_space<hbm>>
      %dma_start3A_93 = tpu.memref_squeeze %dma_start3A_92 : memref<1x40x128xi32, #tpu.memory_space<hbm>> -> memref<40x128xi32, #tpu.memory_space<hbm>>
      %dma_start3A_94 = arith.constant 40 : i32
      %dma_start3A_95 = arith.constant 0 : i32
      %dma_start3A_96 = tpu.memref_slice %arg3[%add3A, %dma_start3A_94, %dma_start3A_95] : memref<32x80x128xi32, #tpu.memory_space<hbm>> -> memref<1x40x128xi32, #tpu.memory_space<hbm>>
      %dma_start3A_97 = tpu.memref_squeeze %dma_start3A_96 : memref<1x40x128xi32, #tpu.memory_space<hbm>> -> memref<40x128xi32, #tpu.memory_space<hbm>>
      tpu.enqueue_dma source(%dma_start3A_97 : memref<40x128xi32, #tpu.memory_space<hbm>>) target(%arg7 : memref<40x128xi32, #tpu.memory_space<vmem>>) target_semaphore(%run_scoped3A_89 : memref<!tpu.dma_semaphore, #tpu.memory_space<semaphore_mem>>)
      %dma_wait3A = arith.constant 40 : i32
      %dma_wait3A_98 = arith.constant 0 : i32
      %dma_wait3A_99 = tpu.memref_slice %arg3[%add3A, %dma_wait3A, %dma_wait3A_98] : memref<32x80x128xi32, #tpu.memory_space<hbm>> -> memref<1x40x128xi32, #tpu.memory_space<hbm>>
      %dma_wait3A_100 = tpu.memref_squeeze %dma_wait3A_99 : memref<1x40x128xi32, #tpu.memory_space<hbm>> -> memref<40x128xi32, #tpu.memory_space<hbm>>
      %dma_wait3A_101 = arith.constant 40 : i32
      %dma_wait3A_102 = arith.constant 0 : i32
      %dma_wait3A_103 = tpu.memref_slice %arg3[%add3A, %dma_wait3A_101, %dma_wait3A_102] : memref<32x80x128xi32, #tpu.memory_space<hbm>> -> memref<1x40x128xi32, #tpu.memory_space<hbm>>
      %dma_wait3A_104 = tpu.memref_squeeze %dma_wait3A_103 : memref<1x40x128xi32, #tpu.memory_space<hbm>> -> memref<40x128xi32, #tpu.memory_space<hbm>>
      tpu.wait_dma2 semaphore(%run_scoped3A_89 : memref<!tpu.dma_semaphore, #tpu.memory_space<semaphore_mem>>) src(%dma_wait3A_104 : memref<40x128xi32, #tpu.memory_space<hbm>>) dst(%arg7 : memref<40x128xi32, #tpu.memory_space<vmem>>)
      tpu.yield
    }) : () -> ()
    "tpu.region"() ({
      %run_scoped3A_89 = tpu.sem_alloc : memref<!tpu.dma_semaphore, #tpu.memory_space<semaphore_mem>>
      %dma_start3A_90 = arith.constant 40 : i32
      %dma_start3A_91 = arith.constant 0 : i32
      %dma_start3A_92 = tpu.memref_slice %arg4[%add3A, %dma_start3A_90, %dma_start3A_91] : memref<32x80x128xi32, #tpu.memory_space<hbm>> -> memref<1x40x128xi32, #tpu.memory_space<hbm>>
      %dma_start3A_93 = tpu.memref_squeeze %dma_start3A_92 : memref<1x40x128xi32, #tpu.memory_space<hbm>> -> memref<40x128xi32, #tpu.memory_space<hbm>>
      %dma_start3A_94 = arith.constant 40 : i32
      %dma_start3A_95 = arith.constant 0 : i32
      %dma_start3A_96 = tpu.memref_slice %arg4[%add3A, %dma_start3A_94, %dma_start3A_95] : memref<32x80x128xi32, #tpu.memory_space<hbm>> -> memref<1x40x128xi32, #tpu.memory_space<hbm>>
      %dma_start3A_97 = tpu.memref_squeeze %dma_start3A_96 : memref<1x40x128xi32, #tpu.memory_space<hbm>> -> memref<40x128xi32, #tpu.memory_space<hbm>>
      tpu.enqueue_dma source(%dma_start3A_97 : memref<40x128xi32, #tpu.memory_space<hbm>>) target(%arg8 : memref<40x128xi32, #tpu.memory_space<vmem>>) target_semaphore(%run_scoped3A_89 : memref<!tpu.dma_semaphore, #tpu.memory_space<semaphore_mem>>)
      %dma_wait3A = arith.constant 40 : i32
      %dma_wait3A_98 = arith.constant 0 : i32
      %dma_wait3A_99 = tpu.memref_slice %arg4[%add3A, %dma_wait3A, %dma_wait3A_98] : memref<32x80x128xi32, #tpu.memory_space<hbm>> -> memref<1x40x128xi32, #tpu.memory_space<hbm>>
      %dma_wait3A_100 = tpu.memref_squeeze %dma_wait3A_99 : memref<1x40x128xi32, #tpu.memory_space<hbm>> -> memref<40x128xi32, #tpu.memory_space<hbm>>
      %dma_wait3A_101 = arith.constant 40 : i32
      %dma_wait3A_102 = arith.constant 0 : i32
      %dma_wait3A_103 = tpu.memref_slice %arg4[%add3A, %dma_wait3A_101, %dma_wait3A_102] : memref<32x80x128xi32, #tpu.memory_space<hbm>> -> memref<1x40x128xi32, #tpu.memory_space<hbm>>
      %dma_wait3A_104 = tpu.memref_squeeze %dma_wait3A_103 : memref<1x40x128xi32, #tpu.memory_space<hbm>> -> memref<40x128xi32, #tpu.memory_space<hbm>>
      tpu.wait_dma2 semaphore(%run_scoped3A_89 : memref<!tpu.dma_semaphore, #tpu.memory_space<semaphore_mem>>) src(%dma_wait3A_104 : memref<40x128xi32, #tpu.memory_space<hbm>>) dst(%arg8 : memref<40x128xi32, #tpu.memory_space<vmem>>)
      tpu.yield
    }) : () -> ()
    %dma_start3A_49 = arith.constant 0 : i32
    %dma_start3A_50 = arith.constant 0 : i32
    %dma_start3A_51 = arith.constant 0 : i32
    %dma_start3A_52 = arith.constant 0 : i32
    %dma_start3A_53 = tpu.memref_slice %arg9[%dma_start3A_50, %dma_start3A_51, %dma_start3A_52] : memref<2x128x128xf32, #tpu.memory_space<vmem>> -> memref<1x128x128xf32, #tpu.memory_space<vmem>>
    %dma_start3A_54 = tpu.memref_squeeze %dma_start3A_53 : memref<1x128x128xf32, #tpu.memory_space<vmem>> -> memref<128x128xf32, #tpu.memory_space<vmem>>
    %dma_start3A_55 = arith.constant 0 : i32
    %dma_start3A_56 = tpu.memref_slice %arg7[%dma_start3A_49, %dma_start3A_55] : memref<40x128xi32, #tpu.memory_space<vmem>> -> memref<1x128xi32, #tpu.memory_space<vmem>>
    %dma_start3A_57 = tpu.memref_squeeze %dma_start3A_56 : memref<1x128xi32, #tpu.memory_space<vmem>> -> memref<128xi32, #tpu.memory_space<vmem>>
    %dma_start3A_58 = arith.constant 0 : i32
    %dma_start3A_59 = arith.constant 0 : i32
    %dma_start3A_60 = tpu.memref_slice %arg2[%dma_start3A_58, %dma_start3A_59] : memref<10240x128xf32, #tpu.memory_space<hbm>> -> memref<10240x128xf32, #tpu.memory_space<hbm>>
    tpu.enqueue_indirect_dma source(%dma_start3A_60 : memref<10240x128xf32, #tpu.memory_space<hbm>>) target(%dma_start3A_54 : memref<128x128xf32, #tpu.memory_space<vmem>>) offsets(%dma_start3A_57 : memref<128xi32, #tpu.memory_space<vmem>>) semaphore(%arg11 : memref<!tpu.dma_semaphore, #tpu.memory_space<semaphore_mem>>)
    %scan3A_61 = arith.constant 0 : i32
    %scan3A_62 = arith.constant 0 : i32
    %scan3A_63 = arith.constant 20 : i32
    %scan3A_64 = arith.addi %scan3A_62, %scan3A_63 : i32
    %scan3A_65 = arith.constant 1 : i32
    %scan3A_66 = scf.for %scan3A_89 = %scan3A_62 to %scan3A_64 step %scan3A_65 iter_args(%scan3A_90 = %scan3A_61) -> (i32)  : i32 {
      %mul3A_91 = arith.constant 2 : i32
      %mul3A_92 = arith.muli %mul3A_91, %scan3A_89 : i32
      %add3A_93 = arith.constant 1 : i32
      %add3A_94 = arith.addi %mul3A_92, %add3A_93 : i32
      %dma_start3A_95 = arith.constant 1 : i32
      %dma_start3A_96 = arith.constant 0 : i32
      %dma_start3A_97 = arith.constant 0 : i32
      %dma_start3A_98 = tpu.memref_slice %arg9[%dma_start3A_95, %dma_start3A_96, %dma_start3A_97] : memref<2x128x128xf32, #tpu.memory_space<vmem>> -> memref<1x128x128xf32, #tpu.memory_space<vmem>>
      %dma_start3A_99 = tpu.memref_squeeze %dma_start3A_98 : memref<1x128x128xf32, #tpu.memory_space<vmem>> -> memref<128x128xf32, #tpu.memory_space<vmem>>
      %dma_start3A_100 = arith.constant 0 : i32
      %dma_start3A_101 = tpu.memref_slice %arg7[%add3A_94, %dma_start3A_100] : memref<40x128xi32, #tpu.memory_space<vmem>> -> memref<1x128xi32, #tpu.memory_space<vmem>>
      %dma_start3A_102 = tpu.memref_squeeze %dma_start3A_101 : memref<1x128xi32, #tpu.memory_space<vmem>> -> memref<128xi32, #tpu.memory_space<vmem>>
      %dma_start3A_103 = arith.constant 0 : i32
      %dma_start3A_104 = arith.constant 0 : i32
      %dma_start3A_105 = tpu.memref_slice %arg2[%dma_start3A_103, %dma_start3A_104] : memref<10240x128xf32, #tpu.memory_space<hbm>> -> memref<10240x128xf32, #tpu.memory_space<hbm>>
      tpu.enqueue_indirect_dma source(%dma_start3A_105 : memref<10240x128xf32, #tpu.memory_space<hbm>>) target(%dma_start3A_99 : memref<128x128xf32, #tpu.memory_space<vmem>>) offsets(%dma_start3A_102 : memref<128xi32, #tpu.memory_space<vmem>>) semaphore(%arg12 : memref<!tpu.dma_semaphore, #tpu.memory_space<semaphore_mem>>)
      %dma_wait3A = arith.constant 0 : i32
      %dma_wait3A_106 = arith.constant 0 : i32
      %dma_wait3A_107 = arith.constant 0 : i32
      %dma_wait3A_108 = tpu.memref_slice %arg9[%dma_wait3A, %dma_wait3A_106, %dma_wait3A_107] : memref<2x128x128xf32, #tpu.memory_space<vmem>> -> memref<1x128x128xf32, #tpu.memory_space<vmem>>
      %dma_wait3A_109 = tpu.memref_squeeze %dma_wait3A_108 : memref<1x128x128xf32, #tpu.memory_space<vmem>> -> memref<128x128xf32, #tpu.memory_space<vmem>>
      %dma_wait3A_110 = arith.constant 0 : i32
      %dma_wait3A_111 = tpu.memref_slice %arg7[%mul3A_92, %dma_wait3A_110] : memref<40x128xi32, #tpu.memory_space<vmem>> -> memref<1x128xi32, #tpu.memory_space<vmem>>
      %dma_wait3A_112 = tpu.memref_squeeze %dma_wait3A_111 : memref<1x128xi32, #tpu.memory_space<vmem>> -> memref<128xi32, #tpu.memory_space<vmem>>
      %dma_wait3A_113 = arith.constant 0 : i32
      %dma_wait3A_114 = arith.constant 0 : i32
      %dma_wait3A_115 = tpu.memref_slice %arg2[%dma_wait3A_113, %dma_wait3A_114] : memref<10240x128xf32, #tpu.memory_space<hbm>> -> memref<10240x128xf32, #tpu.memory_space<hbm>>
      tpu.wait_indirect_dma semaphore(%arg11 : memref<!tpu.dma_semaphore, #tpu.memory_space<semaphore_mem>>) src(%dma_wait3A_115 : memref<10240x128xf32, #tpu.memory_space<hbm>>) dst(%dma_wait3A_109 : memref<128x128xf32, #tpu.memory_space<vmem>>)
      %run_scoped3A_116 = arith.constant 0 : i32
      "tpu.region"() ({
        %run_scoped3A_132 = tpu.sem_alloc : memref<!tpu.dma_semaphore, #tpu.memory_space<semaphore_mem>>
        %dma_start3A_133 = arith.constant 0 : i32
        %dma_start3A_134 = arith.constant 0 : i32
        %dma_start3A_135 = tpu.memref_slice %arg9[%run_scoped3A_116, %dma_start3A_133, %dma_start3A_134] : memref<2x128x128xf32, #tpu.memory_space<vmem>> -> memref<1x128x128xf32, #tpu.memory_space<vmem>>
        %dma_start3A_136 = tpu.memref_squeeze %dma_start3A_135 : memref<1x128x128xf32, #tpu.memory_space<vmem>> -> memref<128x128xf32, #tpu.memory_space<vmem>>
        %dma_start3A_137 = arith.constant 0 : i32
        %dma_start3A_138 = tpu.memref_slice %arg8[%mul3A_92, %dma_start3A_137] : memref<40x128xi32, #tpu.memory_space<vmem>> -> memref<1x128xi32, #tpu.memory_space<vmem>>
        %dma_start3A_139 = tpu.memref_squeeze %dma_start3A_138 : memref<1x128xi32, #tpu.memory_space<vmem>> -> memref<128xi32, #tpu.memory_space<vmem>>
        %dma_start3A_140 = arith.constant 0 : i32
        %dma_start3A_141 = arith.constant 0 : i32
        %dma_start3A_142 = tpu.memref_slice %arg10[%dma_start3A_140, %dma_start3A_141] : memref<10240x128xf32, #tpu.memory_space<vmem_shared>> -> memref<10240x128xf32, #tpu.memory_space<vmem_shared>>
        tpu.enqueue_indirect_dma source(%dma_start3A_136 : memref<128x128xf32, #tpu.memory_space<vmem>>) target(%dma_start3A_142 : memref<10240x128xf32, #tpu.memory_space<vmem_shared>>) offsets(%dma_start3A_139 : memref<128xi32, #tpu.memory_space<vmem>>) semaphore(%run_scoped3A_132 : memref<!tpu.dma_semaphore, #tpu.memory_space<semaphore_mem>>) {add = true}
        %dma_wait3A_143 = arith.constant 0 : i32
        %dma_wait3A_144 = arith.constant 0 : i32
        %dma_wait3A_145 = tpu.memref_slice %arg9[%run_scoped3A_116, %dma_wait3A_143, %dma_wait3A_144] : memref<2x128x128xf32, #tpu.memory_space<vmem>> -> memref<1x128x128xf32, #tpu.memory_space<vmem>>
        %dma_wait3A_146 = tpu.memref_squeeze %dma_wait3A_145 : memref<1x128x128xf32, #tpu.memory_space<vmem>> -> memref<128x128xf32, #tpu.memory_space<vmem>>
        %dma_wait3A_147 = arith.constant 0 : i32
        %dma_wait3A_148 = tpu.memref_slice %arg8[%mul3A_92, %dma_wait3A_147] : memref<40x128xi32, #tpu.memory_space<vmem>> -> memref<1x128xi32, #tpu.memory_space<vmem>>
        %dma_wait3A_149 = tpu.memref_squeeze %dma_wait3A_148 : memref<1x128xi32, #tpu.memory_space<vmem>> -> memref<128xi32, #tpu.memory_space<vmem>>
        %dma_wait3A_150 = arith.constant 0 : i32
        %dma_wait3A_151 = arith.constant 0 : i32
        %dma_wait3A_152 = tpu.memref_slice %arg10[%dma_wait3A_150, %dma_wait3A_151] : memref<10240x128xf32, #tpu.memory_space<vmem_shared>> -> memref<10240x128xf32, #tpu.memory_space<vmem_shared>>
        tpu.wait_indirect_dma semaphore(%run_scoped3A_132 : memref<!tpu.dma_semaphore, #tpu.memory_space<semaphore_mem>>) src(%dma_wait3A_146 : memref<128x128xf32, #tpu.memory_space<vmem>>) dst(%dma_wait3A_152 : memref<10240x128xf32, #tpu.memory_space<vmem_shared>>)
        tpu.yield
      }) : () -> ()
      %lt3A = arith.constant 19 : i32
      %lt3A_117 = arith.cmpi slt, %scan3A_89, %lt3A : i32
      %convert_element_type3A = arith.extui %lt3A_117 : i1 to i32
      %cond3A = arith.constant 0 : i32
      %cond3A_118 = arith.cmpi ne, %convert_element_type3A, %cond3A : i32
      scf.if %cond3A_118 {
        %add3A_132 = arith.constant 2 : i32
        %add3A_133 = arith.addi %mul3A_92, %add3A_132 : i32
        %dma_start3A_134 = arith.constant 0 : i32
        %dma_start3A_135 = arith.constant 0 : i32
        %dma_start3A_136 = arith.constant 0 : i32
        %dma_start3A_137 = tpu.memref_slice %arg9[%dma_start3A_134, %dma_start3A_135, %dma_start3A_136] : memref<2x128x128xf32, #tpu.memory_space<vmem>> -> memref<1x128x128xf32, #tpu.memory_space<vmem>>
        %dma_start3A_138 = tpu.memref_squeeze %dma_start3A_137 : memref<1x128x128xf32, #tpu.memory_space<vmem>> -> memref<128x128xf32, #tpu.memory_space<vmem>>
        %dma_start3A_139 = arith.constant 0 : i32
        %dma_start3A_140 = tpu.memref_slice %arg7[%add3A_133, %dma_start3A_139] : memref<40x128xi32, #tpu.memory_space<vmem>> -> memref<1x128xi32, #tpu.memory_space<vmem>>
        %dma_start3A_141 = tpu.memref_squeeze %dma_start3A_140 : memref<1x128xi32, #tpu.memory_space<vmem>> -> memref<128xi32, #tpu.memory_space<vmem>>
        %dma_start3A_142 = arith.constant 0 : i32
        %dma_start3A_143 = arith.constant 0 : i32
        %dma_start3A_144 = tpu.memref_slice %arg2[%dma_start3A_142, %dma_start3A_143] : memref<10240x128xf32, #tpu.memory_space<hbm>> -> memref<10240x128xf32, #tpu.memory_space<hbm>>
        tpu.enqueue_indirect_dma source(%dma_start3A_144 : memref<10240x128xf32, #tpu.memory_space<hbm>>) target(%dma_start3A_138 : memref<128x128xf32, #tpu.memory_space<vmem>>) offsets(%dma_start3A_141 : memref<128xi32, #tpu.memory_space<vmem>>) semaphore(%arg11 : memref<!tpu.dma_semaphore, #tpu.memory_space<semaphore_mem>>)
      } else {
      }
      %dma_wait3A_119 = arith.constant 1 : i32
      %dma_wait3A_120 = arith.constant 0 : i32
      %dma_wait3A_121 = arith.constant 0 : i32
      %dma_wait3A_122 = tpu.memref_slice %arg9[%dma_wait3A_119, %dma_wait3A_120, %dma_wait3A_121] : memref<2x128x128xf32, #tpu.memory_space<vmem>> -> memref<1x128x128xf32, #tpu.memory_space<vmem>>
      %dma_wait3A_123 = tpu.memref_squeeze %dma_wait3A_122 : memref<1x128x128xf32, #tpu.memory_space<vmem>> -> memref<128x128xf32, #tpu.memory_space<vmem>>
      %dma_wait3A_124 = arith.constant 0 : i32
      %dma_wait3A_125 = tpu.memref_slice %arg7[%add3A_94, %dma_wait3A_124] : memref<40x128xi32, #tpu.memory_space<vmem>> -> memref<1x128xi32, #tpu.memory_space<vmem>>
      %dma_wait3A_126 = tpu.memref_squeeze %dma_wait3A_125 : memref<1x128xi32, #tpu.memory_space<vmem>> -> memref<128xi32, #tpu.memory_space<vmem>>
      %dma_wait3A_127 = arith.constant 0 : i32
      %dma_wait3A_128 = arith.constant 0 : i32
      %dma_wait3A_129 = tpu.memref_slice %arg2[%dma_wait3A_127, %dma_wait3A_128] : memref<10240x128xf32, #tpu.memory_space<hbm>> -> memref<10240x128xf32, #tpu.memory_space<hbm>>
      tpu.wait_indirect_dma semaphore(%arg12 : memref<!tpu.dma_semaphore, #tpu.memory_space<semaphore_mem>>) src(%dma_wait3A_129 : memref<10240x128xf32, #tpu.memory_space<hbm>>) dst(%dma_wait3A_123 : memref<128x128xf32, #tpu.memory_space<vmem>>)
      %run_scoped3A_130 = arith.constant 1 : i32
      "tpu.region"() ({
        %run_scoped3A_132 = tpu.sem_alloc : memref<!tpu.dma_semaphore, #tpu.memory_space<semaphore_mem>>
        %dma_start3A_133 = arith.constant 0 : i32
        %dma_start3A_134 = arith.constant 0 : i32
        %dma_start3A_135 = tpu.memref_slice %arg9[%run_scoped3A_130, %dma_start3A_133, %dma_start3A_134] : memref<2x128x128xf32, #tpu.memory_space<vmem>> -> memref<1x128x128xf32, #tpu.memory_space<vmem>>
        %dma_start3A_136 = tpu.memref_squeeze %dma_start3A_135 : memref<1x128x128xf32, #tpu.memory_space<vmem>> -> memref<128x128xf32, #tpu.memory_space<vmem>>
        %dma_start3A_137 = arith.constant 0 : i32
        %dma_start3A_138 = tpu.memref_slice %arg8[%add3A_94, %dma_start3A_137] : memref<40x128xi32, #tpu.memory_space<vmem>> -> memref<1x128xi32, #tpu.memory_space<vmem>>
        %dma_start3A_139 = tpu.memref_squeeze %dma_start3A_138 : memref<1x128xi32, #tpu.memory_space<vmem>> -> memref<128xi32, #tpu.memory_space<vmem>>
        %dma_start3A_140 = arith.constant 0 : i32
        %dma_start3A_141 = arith.constant 0 : i32
        %dma_start3A_142 = tpu.memref_slice %arg10[%dma_start3A_140, %dma_start3A_141] : memref<10240x128xf32, #tpu.memory_space<vmem_shared>> -> memref<10240x128xf32, #tpu.memory_space<vmem_shared>>
        tpu.enqueue_indirect_dma source(%dma_start3A_136 : memref<128x128xf32, #tpu.memory_space<vmem>>) target(%dma_start3A_142 : memref<10240x128xf32, #tpu.memory_space<vmem_shared>>) offsets(%dma_start3A_139 : memref<128xi32, #tpu.memory_space<vmem>>) semaphore(%run_scoped3A_132 : memref<!tpu.dma_semaphore, #tpu.memory_space<semaphore_mem>>) {add = true}
        %dma_wait3A_143 = arith.constant 0 : i32
        %dma_wait3A_144 = arith.constant 0 : i32
        %dma_wait3A_145 = tpu.memref_slice %arg9[%run_scoped3A_130, %dma_wait3A_143, %dma_wait3A_144] : memref<2x128x128xf32, #tpu.memory_space<vmem>> -> memref<1x128x128xf32, #tpu.memory_space<vmem>>
        %dma_wait3A_146 = tpu.memref_squeeze %dma_wait3A_145 : memref<1x128x128xf32, #tpu.memory_space<vmem>> -> memref<128x128xf32, #tpu.memory_space<vmem>>
        %dma_wait3A_147 = arith.constant 0 : i32
        %dma_wait3A_148 = tpu.memref_slice %arg8[%add3A_94, %dma_wait3A_147] : memref<40x128xi32, #tpu.memory_space<vmem>> -> memref<1x128xi32, #tpu.memory_space<vmem>>
        %dma_wait3A_149 = tpu.memref_squeeze %dma_wait3A_148 : memref<1x128xi32, #tpu.memory_space<vmem>> -> memref<128xi32, #tpu.memory_space<vmem>>
        %dma_wait3A_150 = arith.constant 0 : i32
        %dma_wait3A_151 = arith.constant 0 : i32
        %dma_wait3A_152 = tpu.memref_slice %arg10[%dma_wait3A_150, %dma_wait3A_151] : memref<10240x128xf32, #tpu.memory_space<vmem_shared>> -> memref<10240x128xf32, #tpu.memory_space<vmem_shared>>
        tpu.wait_indirect_dma semaphore(%run_scoped3A_132 : memref<!tpu.dma_semaphore, #tpu.memory_space<semaphore_mem>>) src(%dma_wait3A_146 : memref<128x128xf32, #tpu.memory_space<vmem>>) dst(%dma_wait3A_152 : memref<10240x128xf32, #tpu.memory_space<vmem_shared>>)
        tpu.yield
      }) : () -> ()
      %scan3A_131 = arith.constant 0 : i32
      scf.yield %scan3A_131 : i32
    }
    %scan3A_67 = arith.constant 20 : i32
    %barrier3A_68 = arith.constant 0 : index
    tpu.barrier barrier_id(%barrier3A_68)
    %mul3A_69 = arith.constant 640 : i32
    %mul3A_70 = arith.muli %arg1, %mul3A_69 : i32
    %add3A_71 = arith.constant 0 : i32
    %add3A_72 = arith.addi %mul3A_70, %add3A_71 : i32
    "tpu.region"() ({
      %run_scoped3A_89 = tpu.sem_alloc : memref<!tpu.dma_semaphore, #tpu.memory_space<semaphore_mem>>
      %dma_start3A_90 = arith.constant 0 : i32
      %dma_start3A_91 = tpu.memref_slice %arg6[%arg0, %add3A_72, %dma_start3A_90] : memref<2x10240x128xf32, #tpu.memory_space<hbm>> -> memref<1x128x128xf32, #tpu.memory_space<hbm>>
      %dma_start3A_92 = tpu.memref_squeeze %dma_start3A_91 : memref<1x128x128xf32, #tpu.memory_space<hbm>> -> memref<128x128xf32, #tpu.memory_space<hbm>>
      %dma_start3A_93 = arith.constant 0 : i32
      %dma_start3A_94 = tpu.memref_slice %arg10[%add3A_72, %dma_start3A_93] : memref<10240x128xf32, #tpu.memory_space<vmem_shared>> -> memref<128x128xf32, #tpu.memory_space<vmem_shared>>
      tpu.enqueue_dma source(%dma_start3A_94 : memref<128x128xf32, #tpu.memory_space<vmem_shared>>) target(%dma_start3A_92 : memref<128x128xf32, #tpu.memory_space<hbm>>) target_semaphore(%run_scoped3A_89 : memref<!tpu.dma_semaphore, #tpu.memory_space<semaphore_mem>>)
      %dma_wait3A = arith.constant 0 : i32
      %dma_wait3A_95 = tpu.memref_slice %arg6[%arg0, %add3A_72, %dma_wait3A] : memref<2x10240x128xf32, #tpu.memory_space<hbm>> -> memref<1x128x128xf32, #tpu.memory_space<hbm>>
      %dma_wait3A_96 = tpu.memref_squeeze %dma_wait3A_95 : memref<1x128x128xf32, #tpu.memory_space<hbm>> -> memref<128x128xf32, #tpu.memory_space<hbm>>
      %dma_wait3A_97 = arith.constant 0 : i32
      %dma_wait3A_98 = tpu.memref_slice %arg10[%add3A_72, %dma_wait3A_97] : memref<10240x128xf32, #tpu.memory_space<vmem_shared>> -> memref<128x128xf32, #tpu.memory_space<vmem_shared>>
      tpu.wait_dma2 semaphore(%run_scoped3A_89 : memref<!tpu.dma_semaphore, #tpu.memory_space<semaphore_mem>>) src(%dma_wait3A_98 : memref<128x128xf32, #tpu.memory_space<vmem_shared>>) dst(%dma_wait3A_96 : memref<128x128xf32, #tpu.memory_space<hbm>>)
      tpu.yield
    }) : () -> ()
    %mul3A_73 = arith.constant 640 : i32
    %mul3A_74 = arith.muli %arg1, %mul3A_73 : i32
    %add3A_75 = arith.constant 128 : i32
    %add3A_76 = arith.addi %mul3A_74, %add3A_75 : i32
    "tpu.region"() ({
      %run_scoped3A_89 = tpu.sem_alloc : memref<!tpu.dma_semaphore, #tpu.memory_space<semaphore_mem>>
      %dma_start3A_90 = arith.constant 0 : i32
      %dma_start3A_91 = tpu.memref_slice %arg6[%arg0, %add3A_76, %dma_start3A_90] : memref<2x10240x128xf32, #tpu.memory_space<hbm>> -> memref<1x128x128xf32, #tpu.memory_space<hbm>>
      %dma_start3A_92 = tpu.memref_squeeze %dma_start3A_91 : memref<1x128x128xf32, #tpu.memory_space<hbm>> -> memref<128x128xf32, #tpu.memory_space<hbm>>
      %dma_start3A_93 = arith.constant 0 : i32
      %dma_start3A_94 = tpu.memref_slice %arg10[%add3A_76, %dma_start3A_93] : memref<10240x128xf32, #tpu.memory_space<vmem_shared>> -> memref<128x128xf32, #tpu.memory_space<vmem_shared>>
      tpu.enqueue_dma source(%dma_start3A_94 : memref<128x128xf32, #tpu.memory_space<vmem_shared>>) target(%dma_start3A_92 : memref<128x128xf32, #tpu.memory_space<hbm>>) target_semaphore(%run_scoped3A_89 : memref<!tpu.dma_semaphore, #tpu.memory_space<semaphore_mem>>)
      %dma_wait3A = arith.constant 0 : i32
      %dma_wait3A_95 = tpu.memref_slice %arg6[%arg0, %add3A_76, %dma_wait3A] : memref<2x10240x128xf32, #tpu.memory_space<hbm>> -> memref<1x128x128xf32, #tpu.memory_space<hbm>>
      %dma_wait3A_96 = tpu.memref_squeeze %dma_wait3A_95 : memref<1x128x128xf32, #tpu.memory_space<hbm>> -> memref<128x128xf32, #tpu.memory_space<hbm>>
      %dma_wait3A_97 = arith.constant 0 : i32
      %dma_wait3A_98 = tpu.memref_slice %arg10[%add3A_76, %dma_wait3A_97] : memref<10240x128xf32, #tpu.memory_space<vmem_shared>> -> memref<128x128xf32, #tpu.memory_space<vmem_shared>>
      tpu.wait_dma2 semaphore(%run_scoped3A_89 : memref<!tpu.dma_semaphore, #tpu.memory_space<semaphore_mem>>) src(%dma_wait3A_98 : memref<128x128xf32, #tpu.memory_space<vmem_shared>>) dst(%dma_wait3A_96 : memref<128x128xf32, #tpu.memory_space<hbm>>)
      tpu.yield
    }) : () -> ()
    %mul3A_77 = arith.constant 640 : i32
    %mul3A_78 = arith.muli %arg1, %mul3A_77 : i32
    %add3A_79 = arith.constant 256 : i32
    %add3A_80 = arith.addi %mul3A_78, %add3A_79 : i32
    "tpu.region"() ({
      %run_scoped3A_89 = tpu.sem_alloc : memref<!tpu.dma_semaphore, #tpu.memory_space<semaphore_mem>>
      %dma_start3A_90 = arith.constant 0 : i32
      %dma_start3A_91 = tpu.memref_slice %arg6[%arg0, %add3A_80, %dma_start3A_90] : memref<2x10240x128xf32, #tpu.memory_space<hbm>> -> memref<1x128x128xf32, #tpu.memory_space<hbm>>
      %dma_start3A_92 = tpu.memref_squeeze %dma_start3A_91 : memref<1x128x128xf32, #tpu.memory_space<hbm>> -> memref<128x128xf32, #tpu.memory_space<hbm>>
      %dma_start3A_93 = arith.constant 0 : i32
      %dma_start3A_94 = tpu.memref_slice %arg10[%add3A_80, %dma_start3A_93] : memref<10240x128xf32, #tpu.memory_space<vmem_shared>> -> memref<128x128xf32, #tpu.memory_space<vmem_shared>>
      tpu.enqueue_dma source(%dma_start3A_94 : memref<128x128xf32, #tpu.memory_space<vmem_shared>>) target(%dma_start3A_92 : memref<128x128xf32, #tpu.memory_space<hbm>>) target_semaphore(%run_scoped3A_89 : memref<!tpu.dma_semaphore, #tpu.memory_space<semaphore_mem>>)
      %dma_wait3A = arith.constant 0 : i32
      %dma_wait3A_95 = tpu.memref_slice %arg6[%arg0, %add3A_80, %dma_wait3A] : memref<2x10240x128xf32, #tpu.memory_space<hbm>> -> memref<1x128x128xf32, #tpu.memory_space<hbm>>
      %dma_wait3A_96 = tpu.memref_squeeze %dma_wait3A_95 : memref<1x128x128xf32, #tpu.memory_space<hbm>> -> memref<128x128xf32, #tpu.memory_space<hbm>>
      %dma_wait3A_97 = arith.constant 0 : i32
      %dma_wait3A_98 = tpu.memref_slice %arg10[%add3A_80, %dma_wait3A_97] : memref<10240x128xf32, #tpu.memory_space<vmem_shared>> -> memref<128x128xf32, #tpu.memory_space<vmem_shared>>
      tpu.wait_dma2 semaphore(%run_scoped3A_89 : memref<!tpu.dma_semaphore, #tpu.memory_space<semaphore_mem>>) src(%dma_wait3A_98 : memref<128x128xf32, #tpu.memory_space<vmem_shared>>) dst(%dma_wait3A_96 : memref<128x128xf32, #tpu.memory_space<hbm>>)
      tpu.yield
    }) : () -> ()
    %mul3A_81 = arith.constant 640 : i32
    %mul3A_82 = arith.muli %arg1, %mul3A_81 : i32
    %add3A_83 = arith.constant 384 : i32
    %add3A_84 = arith.addi %mul3A_82, %add3A_83 : i32
    "tpu.region"() ({
      %run_scoped3A_89 = tpu.sem_alloc : memref<!tpu.dma_semaphore, #tpu.memory_space<semaphore_mem>>
      %dma_start3A_90 = arith.constant 0 : i32
      %dma_start3A_91 = tpu.memref_slice %arg6[%arg0, %add3A_84, %dma_start3A_90] : memref<2x10240x128xf32, #tpu.memory_space<hbm>> -> memref<1x128x128xf32, #tpu.memory_space<hbm>>
      %dma_start3A_92 = tpu.memref_squeeze %dma_start3A_91 : memref<1x128x128xf32, #tpu.memory_space<hbm>> -> memref<128x128xf32, #tpu.memory_space<hbm>>
      %dma_start3A_93 = arith.constant 0 : i32
      %dma_start3A_94 = tpu.memref_slice %arg10[%add3A_84, %dma_start3A_93] : memref<10240x128xf32, #tpu.memory_space<vmem_shared>> -> memref<128x128xf32, #tpu.memory_space<vmem_shared>>
      tpu.enqueue_dma source(%dma_start3A_94 : memref<128x128xf32, #tpu.memory_space<vmem_shared>>) target(%dma_start3A_92 : memref<128x128xf32, #tpu.memory_space<hbm>>) target_semaphore(%run_scoped3A_89 : memref<!tpu.dma_semaphore, #tpu.memory_space<semaphore_mem>>)
      %dma_wait3A = arith.constant 0 : i32
      %dma_wait3A_95 = tpu.memref_slice %arg6[%arg0, %add3A_84, %dma_wait3A] : memref<2x10240x128xf32, #tpu.memory_space<hbm>> -> memref<1x128x128xf32, #tpu.memory_space<hbm>>
      %dma_wait3A_96 = tpu.memref_squeeze %dma_wait3A_95 : memref<1x128x128xf32, #tpu.memory_space<hbm>> -> memref<128x128xf32, #tpu.memory_space<hbm>>
      %dma_wait3A_97 = arith.constant 0 : i32
      %dma_wait3A_98 = tpu.memref_slice %arg10[%add3A_84, %dma_wait3A_97] : memref<10240x128xf32, #tpu.memory_space<vmem_shared>> -> memref<128x128xf32, #tpu.memory_space<vmem_shared>>
      tpu.wait_dma2 semaphore(%run_scoped3A_89 : memref<!tpu.dma_semaphore, #tpu.memory_space<semaphore_mem>>) src(%dma_wait3A_98 : memref<128x128xf32, #tpu.memory_space<vmem_shared>>) dst(%dma_wait3A_96 : memref<128x128xf32, #tpu.memory_space<hbm>>)
      tpu.yield
    }) : () -> ()
    %mul3A_85 = arith.constant 640 : i32
    %mul3A_86 = arith.muli %arg1, %mul3A_85 : i32
    %add3A_87 = arith.constant 512 : i32
    %add3A_88 = arith.addi %mul3A_86, %add3A_87 : i32
    "tpu.region"() ({
      %run_scoped3A_89 = tpu.sem_alloc : memref<!tpu.dma_semaphore, #tpu.memory_space<semaphore_mem>>
      %dma_start3A_90 = arith.constant 0 : i32
      %dma_start3A_91 = tpu.memref_slice %arg6[%arg0, %add3A_88, %dma_start3A_90] : memref<2x10240x128xf32, #tpu.memory_space<hbm>> -> memref<1x128x128xf32, #tpu.memory_space<hbm>>
      %dma_start3A_92 = tpu.memref_squeeze %dma_start3A_91 : memref<1x128x128xf32, #tpu.memory_space<hbm>> -> memref<128x128xf32, #tpu.memory_space<hbm>>
      %dma_start3A_93 = arith.constant 0 : i32
      %dma_start3A_94 = tpu.memref_slice %arg10[%add3A_88, %dma_start3A_93] : memref<10240x128xf32, #tpu.memory_space<vmem_shared>> -> memref<128x128xf32, #tpu.memory_space<vmem_shared>>
      tpu.enqueue_dma source(%dma_start3A_94 : memref<128x128xf32, #tpu.memory_space<vmem_shared>>) target(%dma_start3A_92 : memref<128x128xf32, #tpu.memory_space<hbm>>) target_semaphore(%run_scoped3A_89 : memref<!tpu.dma_semaphore, #tpu.memory_space<semaphore_mem>>)
      %dma_wait3A = arith.constant 0 : i32
      %dma_wait3A_95 = tpu.memref_slice %arg6[%arg0, %add3A_88, %dma_wait3A] : memref<2x10240x128xf32, #tpu.memory_space<hbm>> -> memref<1x128x128xf32, #tpu.memory_space<hbm>>
      %dma_wait3A_96 = tpu.memref_squeeze %dma_wait3A_95 : memref<1x128x128xf32, #tpu.memory_space<hbm>> -> memref<128x128xf32, #tpu.memory_space<hbm>>
      %dma_wait3A_97 = arith.constant 0 : i32
      %dma_wait3A_98 = tpu.memref_slice %arg10[%add3A_88, %dma_wait3A_97] : memref<10240x128xf32, #tpu.memory_space<vmem_shared>> -> memref<128x128xf32, #tpu.memory_space<vmem_shared>>
      tpu.wait_dma2 semaphore(%run_scoped3A_89 : memref<!tpu.dma_semaphore, #tpu.memory_space<semaphore_mem>>) src(%dma_wait3A_98 : memref<128x128xf32, #tpu.memory_space<vmem_shared>>) dst(%dma_wait3A_96 : memref<128x128xf32, #tpu.memory_space<hbm>>)
      tpu.yield
    }) : () -> ()
    return
  }
}

#map = affine_map<(d0, d1) -> (0, 0)>
#map1 = affine_map<(d0, d1) -> (0, 0, 0)>
module attributes {stable_mosaic.version = 14 : i64} {
  func.func @body(%arg0: i32, %arg1: i32, %arg2: memref<10240x128xf32, #tpu.memory_space<hbm>>, %arg3: memref<32x80x128xi32, #tpu.memory_space<hbm>>, %arg4: memref<32x80x128xi32, #tpu.memory_space<hbm>>, %arg5: memref<2x10240x16xf32, #tpu.memory_space<hbm>>, %arg6: memref<2x10240x128xf32, #tpu.memory_space<hbm>>, %arg7: memref<40x128xi32, #tpu.memory_space<vmem>>, %arg8: memref<40x128xi32, #tpu.memory_space<vmem>>, %arg9: memref<2x128x128xf32, #tpu.memory_space<vmem>>, %arg10: memref<10240x128xf32, #tpu.memory_space<vmem_shared>>, %arg11: memref<!tpu.dma_semaphore, #tpu.memory_space<semaphore_mem>>, %arg12: memref<!tpu.dma_semaphore, #tpu.memory_space<semaphore_mem>>) attributes {dimension_semantics = [#tpu.dimension_semantics<core_parallel>, #tpu.dimension_semantics<subcore_parallel>], iteration_bounds = array<i64: 2, 16>, scalar_prefetch = 0 : i64, scratch_operands = 6 : i64, tpu.core_type = #tpu.core_type<sc_vector_subcore>, window_params = [{transform_indices = #map}, {transform_indices = #map1}, {transform_indices = #map1}, {transform_indices = #map1}, {transform_indices = #map1}]} {
    %mul3A = arith.constant 16 : i32
    %mul3A_0 = arith.muli %arg0, %mul3A : i32
    %add3A = arith.addi %mul3A_0, %arg1 : i32
    %scan3A = arith.constant 0 : i32
    %scan3A_1 = arith.constant 0 : i32
    %scan3A_2 = arith.constant 128 : i32
    %scan3A_3 = arith.addi %scan3A_1, %scan3A_2 : i32
    %scan3A_4 = arith.constant 1 : i32
    %scan3A_5 = scf.for %scan3A_89 = %scan3A_1 to %scan3A_3 step %scan3A_4 iter_args(%scan3A_90 = %scan3A) -> (i32)  : i32 {
      %broadcast_in_dim3A = arith.constant 0.000000e+00 : f32
      %broadcast_in_dim3A_91 = vector.broadcast %broadcast_in_dim3A : f32 to vector<16xf32>
      %swap3A = arith.constant 0 : i32
      %swap3A_92 = arith.index_cast %swap3A : i32 to index
      %swap3A_93 = arith.index_cast %scan3A_89 : i32 to index
      %swap3A_94 = arith.constant 0 : index
      %swap3A_95 = tpu.vector_load %arg9[%swap3A_92, %swap3A_93, %swap3A_94] {strides = array<i32>} : memref<2x128x128xf32, #tpu.memory_space<vmem>>, vector<1x1x16xf32>,
      %swap3A_96 = vector.shape_cast %swap3A_95 : vector<1x1x16xf32> to vector<16xf32>
      %swap3A_97 = vector.shape_cast %broadcast_in_dim3A_91 : vector<16xf32> to vector<1x1x16xf32>
      tpu.vector_store %arg9[%swap3A_92, %swap3A_93, %swap3A_94], %swap3A_97 {strides = array<i32>} : memref<2x128x128xf32, #tpu.memory_space<vmem>>, vector<1x1x16xf32>,
      %broadcast_in_dim3A_98 = arith.constant 0.000000e+00 : f32
      %broadcast_in_dim3A_99 = vector.broadcast %broadcast_in_dim3A_98 : f32 to vector<16xf32>
      %swap3A_100 = arith.constant 0 : i32
      %swap3A_101 = arith.index_cast %swap3A_100 : i32 to index
      %swap3A_102 = arith.index_cast %scan3A_89 : i32 to index
      %swap3A_103 = arith.constant 16 : index
      %swap3A_104 = tpu.vector_load %arg9[%swap3A_101, %swap3A_102, %swap3A_103] {strides = array<i32>} : memref<2x128x128xf32, #tpu.memory_space<vmem>>, vector<1x1x16xf32>,
      %swap3A_105 = vector.shape_cast %swap3A_104 : vector<1x1x16xf32> to vector<16xf32>
      %swap3A_106 = vector.shape_cast %broadcast_in_dim3A_99 : vector<16xf32> to vector<1x1x16xf32>
      tpu.vector_store %arg9[%swap3A_101, %swap3A_102, %swap3A_103], %swap3A_106 {strides = array<i32>} : memref<2x128x128xf32, #tpu.memory_space<vmem>>, vector<1x1x16xf32>,
      %broadcast_in_dim3A_107 = arith.constant 0.000000e+00 : f32
      %broadcast_in_dim3A_108 = vector.broadcast %broadcast_in_dim3A_107 : f32 to vector<16xf32>
      %swap3A_109 = arith.constant 0 : i32
      %swap3A_110 = arith.index_cast %swap3A_109 : i32 to index
      %swap3A_111 = arith.index_cast %scan3A_89 : i32 to index
      %swap3A_112 = arith.constant 32 : index
      %swap3A_113 = tpu.vector_load %arg9[%swap3A_110, %swap3A_111, %swap3A_112] {strides = array<i32>} : memref<2x128x128xf32, #tpu.memory_space<vmem>>, vector<1x1x16xf32>,
      %swap3A_114 = vector.shape_cast %swap3A_113 : vector<1x1x16xf32> to vector<16xf32>
      %swap3A_115 = vector.shape_cast %broadcast_in_dim3A_108 : vector<16xf32> to vector<1x1x16xf32>
      tpu.vector_store %arg9[%swap3A_110, %swap3A_111, %swap3A_112], %swap3A_115 {strides = array<i32>} : memref<2x128x128xf32, #tpu.memory_space<vmem>>, vector<1x1x16xf32>,
      %broadcast_in_dim3A_116 = arith.constant 0.000000e+00 : f32
      %broadcast_in_dim3A_117 = vector.broadcast %broadcast_in_dim3A_116 : f32 to vector<16xf32>
      %swap3A_118 = arith.constant 0 : i32
      %swap3A_119 = arith.index_cast %swap3A_118 : i32 to index
      %swap3A_120 = arith.index_cast %scan3A_89 : i32 to index
      %swap3A_121 = arith.constant 48 : index
      %swap3A_122 = tpu.vector_load %arg9[%swap3A_119, %swap3A_120, %swap3A_121] {strides = array<i32>} : memref<2x128x128xf32, #tpu.memory_space<vmem>>, vector<1x1x16xf32>,
      %swap3A_123 = vector.shape_cast %swap3A_122 : vector<1x1x16xf32> to vector<16xf32>
      %swap3A_124 = vector.shape_cast %broadcast_in_dim3A_117 : vector<16xf32> to vector<1x1x16xf32>
      tpu.vector_store %arg9[%swap3A_119, %swap3A_120, %swap3A_121], %swap3A_124 {strides = array<i32>} : memref<2x128x128xf32, #tpu.memory_space<vmem>>, vector<1x1x16xf32>,
      %broadcast_in_dim3A_125 = arith.constant 0.000000e+00 : f32
      %broadcast_in_dim3A_126 = vector.broadcast %broadcast_in_dim3A_125 : f32 to vector<16xf32>
      %swap3A_127 = arith.constant 0 : i32
      %swap3A_128 = arith.index_cast %swap3A_127 : i32 to index
      %swap3A_129 = arith.index_cast %scan3A_89 : i32 to index
      %swap3A_130 = arith.constant 64 : index
      %swap3A_131 = tpu.vector_load %arg9[%swap3A_128, %swap3A_129, %swap3A_130] {strides = array<i32>} : memref<2x128x128xf32, #tpu.memory_space<vmem>>, vector<1x1x16xf32>,
      %swap3A_132 = vector.shape_cast %swap3A_131 : vector<1x1x16xf32> to vector<16xf32>
      %swap3A_133 = vector.shape_cast %broadcast_in_dim3A_126 : vector<16xf32> to vector<1x1x16xf32>
      tpu.vector_store %arg9[%swap3A_128, %swap3A_129, %swap3A_130], %swap3A_133 {strides = array<i32>} : memref<2x128x128xf32, #tpu.memory_space<vmem>>, vector<1x1x16xf32>,
      %broadcast_in_dim3A_134 = arith.constant 0.000000e+00 : f32
      %broadcast_in_dim3A_135 = vector.broadcast %broadcast_in_dim3A_134 : f32 to vector<16xf32>
      %swap3A_136 = arith.constant 0 : i32
      %swap3A_137 = arith.index_cast %swap3A_136 : i32 to index
      %swap3A_138 = arith.index_cast %scan3A_89 : i32 to index
      %swap3A_139 = arith.constant 80 : index
      %swap3A_140 = tpu.vector_load %arg9[%swap3A_137, %swap3A_138, %swap3A_139] {strides = array<i32>} : memref<2x128x128xf32, #tpu.memory_space<vmem>>, vector<1x1x16xf32>,
      %swap3A_141 = vector.shape_cast %swap3A_140 : vector<1x1x16xf32> to vector<16xf32>
      %swap3A_142 = vector.shape_cast %broadcast_in_dim3A_135 : vector<16xf32> to vector<1x1x16xf32>
      tpu.vector_store %arg9[%swap3A_137, %swap3A_138, %swap3A_139], %swap3A_142 {strides = array<i32>} : memref<2x128x128xf32, #tpu.memory_space<vmem>>, vector<1x1x16xf32>,
      %broadcast_in_dim3A_143 = arith.constant 0.000000e+00 : f32
      %broadcast_in_dim3A_144 = vector.broadcast %broadcast_in_dim3A_143 : f32 to vector<16xf32>
      %swap3A_145 = arith.constant 0 : i32
      %swap3A_146 = arith.index_cast %swap3A_145 : i32 to index
      %swap3A_147 = arith.index_cast %scan3A_89 : i32 to index
      %swap3A_148 = arith.constant 96 : index
      %swap3A_149 = tpu.vector_load %arg9[%swap3A_146, %swap3A_147, %swap3A_148] {strides = array<i32>} : memref<2x128x128xf32, #tpu.memory_space<vmem>>, vector<1x1x16xf32>,
      %swap3A_150 = vector.shape_cast %swap3A_149 : vector<1x1x16xf32> to vector<16xf32>
      %swap3A_151 = vector.shape_cast %broadcast_in_dim3A_144 : vector<16xf32> to vector<1x1x16xf32>
      tpu.vector_store %arg9[%swap3A_146, %swap3A_147, %swap3A_148], %swap3A_151 {strides = array<i32>} : memref<2x128x128xf32, #tpu.memory_space<vmem>>, vector<1x1x16xf32>,
      %broadcast_in_dim3A_152 = arith.constant 0.000000e+00 : f32
      %broadcast_in_dim3A_153 = vector.broadcast %broadcast_in_dim3A_152 : f32 to vector<16xf32>
      %swap3A_154 = arith.constant 0 : i32
      %swap3A_155 = arith.index_cast %swap3A_154 : i32 to index
      %swap3A_156 = arith.index_cast %scan3A_89 : i32 to index
      %swap3A_157 = arith.constant 112 : index
      %swap3A_158 = tpu.vector_load %arg9[%swap3A_155, %swap3A_156, %swap3A_157] {strides = array<i32>} : memref<2x128x128xf32, #tpu.memory_space<vmem>>, vector<1x1x16xf32>,
      %swap3A_159 = vector.shape_cast %swap3A_158 : vector<1x1x16xf32> to vector<16xf32>
      %swap3A_160 = vector.shape_cast %broadcast_in_dim3A_153 : vector<16xf32> to vector<1x1x16xf32>
      tpu.vector_store %arg9[%swap3A_155, %swap3A_156, %swap3A_157], %swap3A_160 {strides = array<i32>} : memref<2x128x128xf32, #tpu.memory_space<vmem>>, vector<1x1x16xf32>,
      %scan3A_161 = arith.constant 0 : i32
      scf.yield %scan3A_161 : i32
    }
    %scan3A_6 = arith.constant 128 : i32
    %mul3A_7 = arith.constant 640 : i32
    %mul3A_8 = arith.muli %arg1, %mul3A_7 : i32
    %add3A_9 = arith.constant 0 : i32
    %add3A_10 = arith.addi %mul3A_8, %add3A_9 : i32
    %run_scoped3A = arith.constant 0 : i32
    "tpu.region"() ({
      %run_scoped3A_89 = tpu.sem_alloc : memref<!tpu.dma_semaphore, #tpu.memory_space<semaphore_mem>>
      %dma_start3A_90 = arith.constant 0 : i32
      %dma_start3A_91 = arith.constant 0 : i32
      %dma_start3A_92 = tpu.memref_slice %arg9[%run_scoped3A, %dma_start3A_90, %dma_start3A_91] : memref<2x128x128xf32, #tpu.memory_space<vmem>> -> memref<1x128x128xf32, #tpu.memory_space<vmem>>
      %dma_start3A_93 = tpu.memref_squeeze %dma_start3A_92 : memref<1x128x128xf32, #tpu.memory_space<vmem>> -> memref<128x128xf32, #tpu.memory_space<vmem>>
      %dma_start3A_94 = arith.constant 0 : i32
      %dma_start3A_95 = tpu.memref_slice %arg10[%add3A_10, %dma_start3A_94] : memref<10240x128xf32, #tpu.memory_space<vmem_shared>> -> memref<128x128xf32, #tpu.memory_space<vmem_shared>>
      %dma_start3A_96 = arith.constant 0 : i32
      %dma_start3A_97 = tpu.memref_slice %arg10[%add3A_10, %dma_start3A_96] : memref<10240x128xf32, #tpu.memory_space<vmem_shared>> -> memref<128x128xf32, #tpu.memory_space<vmem_shared>>
      %dma_start3A_98 = arith.constant 0 : i32
      %dma_start3A_99 = arith.constant 0 : i32
      %dma_start3A_100 = tpu.memref_slice %arg9[%run_scoped3A, %dma_start3A_98, %dma_start3A_99] : memref<2x128x128xf32, #tpu.memory_space<vmem>> -> memref<1x128x128xf32, #tpu.memory_space<vmem>>
      %dma_start3A_101 = tpu.memref_squeeze %dma_start3A_100 : memref<1x128x128xf32, #tpu.memory_space<vmem>> -> memref<128x128xf32, #tpu.memory_space<vmem>>
      tpu.enqueue_dma source(%dma_start3A_101 : memref<128x128xf32, #tpu.memory_space<vmem>>) target(%dma_start3A_97 : memref<128x128xf32, #tpu.memory_space<vmem_shared>>) target_semaphore(%run_scoped3A_89 : memref<!tpu.dma_semaphore, #tpu.memory_space<semaphore_mem>>)
      %dma_wait3A = arith.constant 0 : i32
      %dma_wait3A_102 = arith.constant 0 : i32
      %dma_wait3A_103 = tpu.memref_slice %arg9[%run_scoped3A, %dma_wait3A, %dma_wait3A_102] : memref<2x128x128xf32, #tpu.memory_space<vmem>> -> memref<1x128x128xf32, #tpu.memory_space<vmem>>
      %dma_wait3A_104 = tpu.memref_squeeze %dma_wait3A_103 : memref<1x128x128xf32, #tpu.memory_space<vmem>> -> memref<128x128xf32, #tpu.memory_space<vmem>>
      %dma_wait3A_105 = arith.constant 0 : i32
      %dma_wait3A_106 = tpu.memref_slice %arg10[%add3A_10, %dma_wait3A_105] : memref<10240x128xf32, #tpu.memory_space<vmem_shared>> -> memref<128x128xf32, #tpu.memory_space<vmem_shared>>
      %dma_wait3A_107 = arith.constant 0 : i32
      %dma_wait3A_108 = tpu.memref_slice %arg10[%add3A_10, %dma_wait3A_107] : memref<10240x128xf32, #tpu.memory_space<vmem_shared>> -> memref<128x128xf32, #tpu.memory_space<vmem_shared>>
      %dma_wait3A_109 = arith.constant 0 : i32
      %dma_wait3A_110 = arith.constant 0 : i32
      %dma_wait3A_111 = tpu.memref_slice %arg9[%run_scoped3A, %dma_wait3A_109, %dma_wait3A_110] : memref<2x128x128xf32, #tpu.memory_space<vmem>> -> memref<1x128x128xf32, #tpu.memory_space<vmem>>
      %dma_wait3A_112 = tpu.memref_squeeze %dma_wait3A_111 : memref<1x128x128xf32, #tpu.memory_space<vmem>> -> memref<128x128xf32, #tpu.memory_space<vmem>>
      tpu.wait_dma2 semaphore(%run_scoped3A_89 : memref<!tpu.dma_semaphore, #tpu.memory_space<semaphore_mem>>) src(%dma_wait3A_112 : memref<128x128xf32, #tpu.memory_space<vmem>>) dst(%dma_wait3A_108 : memref<128x128xf32, #tpu.memory_space<vmem_shared>>)
      tpu.yield
    }) : () -> ()
    %mul3A_11 = arith.constant 640 : i32
    %mul3A_12 = arith.muli %arg1, %mul3A_11 : i32
    %add3A_13 = arith.constant 128 : i32
    %add3A_14 = arith.addi %mul3A_12, %add3A_13 : i32
    %run_scoped3A_15 = arith.constant 0 : i32
    "tpu.region"() ({
      %run_scoped3A_89 = tpu.sem_alloc : memref<!tpu.dma_semaphore, #tpu.memory_space<semaphore_mem>>
      %dma_start3A_90 = arith.constant 0 : i32
      %dma_start3A_91 = arith.constant 0 : i32
      %dma_start3A_92 = tpu.memref_slice %arg9[%run_scoped3A_15, %dma_start3A_90, %dma_start3A_91] : memref<2x128x128xf32, #tpu.memory_space<vmem>> -> memref<1x128x128xf32, #tpu.memory_space<vmem>>
      %dma_start3A_93 = tpu.memref_squeeze %dma_start3A_92 : memref<1x128x128xf32, #tpu.memory_space<vmem>> -> memref<128x128xf32, #tpu.memory_space<vmem>>
      %dma_start3A_94 = arith.constant 0 : i32
      %dma_start3A_95 = tpu.memref_slice %arg10[%add3A_14, %dma_start3A_94] : memref<10240x128xf32, #tpu.memory_space<vmem_shared>> -> memref<128x128xf32, #tpu.memory_space<vmem_shared>>
      %dma_start3A_96 = arith.constant 0 : i32
      %dma_start3A_97 = tpu.memref_slice %arg10[%add3A_14, %dma_start3A_96] : memref<10240x128xf32, #tpu.memory_space<vmem_shared>> -> memref<128x128xf32, #tpu.memory_space<vmem_shared>>
      %dma_start3A_98 = arith.constant 0 : i32
      %dma_start3A_99 = arith.constant 0 : i32
      %dma_start3A_100 = tpu.memref_slice %arg9[%run_scoped3A_15, %dma_start3A_98, %dma_start3A_99] : memref<2x128x128xf32, #tpu.memory_space<vmem>> -> memref<1x128x128xf32, #tpu.memory_space<vmem>>
      %dma_start3A_101 = tpu.memref_squeeze %dma_start3A_100 : memref<1x128x128xf32, #tpu.memory_space<vmem>> -> memref<128x128xf32, #tpu.memory_space<vmem>>
      tpu.enqueue_dma source(%dma_start3A_101 : memref<128x128xf32, #tpu.memory_space<vmem>>) target(%dma_start3A_97 : memref<128x128xf32, #tpu.memory_space<vmem_shared>>) target_semaphore(%run_scoped3A_89 : memref<!tpu.dma_semaphore, #tpu.memory_space<semaphore_mem>>)
      %dma_wait3A = arith.constant 0 : i32
      %dma_wait3A_102 = arith.constant 0 : i32
      %dma_wait3A_103 = tpu.memref_slice %arg9[%run_scoped3A_15, %dma_wait3A, %dma_wait3A_102] : memref<2x128x128xf32, #tpu.memory_space<vmem>> -> memref<1x128x128xf32, #tpu.memory_space<vmem>>
      %dma_wait3A_104 = tpu.memref_squeeze %dma_wait3A_103 : memref<1x128x128xf32, #tpu.memory_space<vmem>> -> memref<128x128xf32, #tpu.memory_space<vmem>>
      %dma_wait3A_105 = arith.constant 0 : i32
      %dma_wait3A_106 = tpu.memref_slice %arg10[%add3A_14, %dma_wait3A_105] : memref<10240x128xf32, #tpu.memory_space<vmem_shared>> -> memref<128x128xf32, #tpu.memory_space<vmem_shared>>
      %dma_wait3A_107 = arith.constant 0 : i32
      %dma_wait3A_108 = tpu.memref_slice %arg10[%add3A_14, %dma_wait3A_107] : memref<10240x128xf32, #tpu.memory_space<vmem_shared>> -> memref<128x128xf32, #tpu.memory_space<vmem_shared>>
      %dma_wait3A_109 = arith.constant 0 : i32
      %dma_wait3A_110 = arith.constant 0 : i32
      %dma_wait3A_111 = tpu.memref_slice %arg9[%run_scoped3A_15, %dma_wait3A_109, %dma_wait3A_110] : memref<2x128x128xf32, #tpu.memory_space<vmem>> -> memref<1x128x128xf32, #tpu.memory_space<vmem>>
      %dma_wait3A_112 = tpu.memref_squeeze %dma_wait3A_111 : memref<1x128x128xf32, #tpu.memory_space<vmem>> -> memref<128x128xf32, #tpu.memory_space<vmem>>
      tpu.wait_dma2 semaphore(%run_scoped3A_89 : memref<!tpu.dma_semaphore, #tpu.memory_space<semaphore_mem>>) src(%dma_wait3A_112 : memref<128x128xf32, #tpu.memory_space<vmem>>) dst(%dma_wait3A_108 : memref<128x128xf32, #tpu.memory_space<vmem_shared>>)
      tpu.yield
    }) : () -> ()
    %mul3A_16 = arith.constant 640 : i32
    %mul3A_17 = arith.muli %arg1, %mul3A_16 : i32
    %add3A_18 = arith.constant 256 : i32
    %add3A_19 = arith.addi %mul3A_17, %add3A_18 : i32
    %run_scoped3A_20 = arith.constant 0 : i32
    "tpu.region"() ({
      %run_scoped3A_89 = tpu.sem_alloc : memref<!tpu.dma_semaphore, #tpu.memory_space<semaphore_mem>>
      %dma_start3A_90 = arith.constant 0 : i32
      %dma_start3A_91 = arith.constant 0 : i32
      %dma_start3A_92 = tpu.memref_slice %arg9[%run_scoped3A_20, %dma_start3A_90, %dma_start3A_91] : memref<2x128x128xf32, #tpu.memory_space<vmem>> -> memref<1x128x128xf32, #tpu.memory_space<vmem>>
      %dma_start3A_93 = tpu.memref_squeeze %dma_start3A_92 : memref<1x128x128xf32, #tpu.memory_space<vmem>> -> memref<128x128xf32, #tpu.memory_space<vmem>>
      %dma_start3A_94 = arith.constant 0 : i32
      %dma_start3A_95 = tpu.memref_slice %arg10[%add3A_19, %dma_start3A_94] : memref<10240x128xf32, #tpu.memory_space<vmem_shared>> -> memref<128x128xf32, #tpu.memory_space<vmem_shared>>
      %dma_start3A_96 = arith.constant 0 : i32
      %dma_start3A_97 = tpu.memref_slice %arg10[%add3A_19, %dma_start3A_96] : memref<10240x128xf32, #tpu.memory_space<vmem_shared>> -> memref<128x128xf32, #tpu.memory_space<vmem_shared>>
      %dma_start3A_98 = arith.constant 0 : i32
      %dma_start3A_99 = arith.constant 0 : i32
      %dma_start3A_100 = tpu.memref_slice %arg9[%run_scoped3A_20, %dma_start3A_98, %dma_start3A_99] : memref<2x128x128xf32, #tpu.memory_space<vmem>> -> memref<1x128x128xf32, #tpu.memory_space<vmem>>
      %dma_start3A_101 = tpu.memref_squeeze %dma_start3A_100 : memref<1x128x128xf32, #tpu.memory_space<vmem>> -> memref<128x128xf32, #tpu.memory_space<vmem>>
      tpu.enqueue_dma source(%dma_start3A_101 : memref<128x128xf32, #tpu.memory_space<vmem>>) target(%dma_start3A_97 : memref<128x128xf32, #tpu.memory_space<vmem_shared>>) target_semaphore(%run_scoped3A_89 : memref<!tpu.dma_semaphore, #tpu.memory_space<semaphore_mem>>)
      %dma_wait3A = arith.constant 0 : i32
      %dma_wait3A_102 = arith.constant 0 : i32
      %dma_wait3A_103 = tpu.memref_slice %arg9[%run_scoped3A_20, %dma_wait3A, %dma_wait3A_102] : memref<2x128x128xf32, #tpu.memory_space<vmem>> -> memref<1x128x128xf32, #tpu.memory_space<vmem>>
      %dma_wait3A_104 = tpu.memref_squeeze %dma_wait3A_103 : memref<1x128x128xf32, #tpu.memory_space<vmem>> -> memref<128x128xf32, #tpu.memory_space<vmem>>
      %dma_wait3A_105 = arith.constant 0 : i32
      %dma_wait3A_106 = tpu.memref_slice %arg10[%add3A_19, %dma_wait3A_105] : memref<10240x128xf32, #tpu.memory_space<vmem_shared>> -> memref<128x128xf32, #tpu.memory_space<vmem_shared>>
      %dma_wait3A_107 = arith.constant 0 : i32
      %dma_wait3A_108 = tpu.memref_slice %arg10[%add3A_19, %dma_wait3A_107] : memref<10240x128xf32, #tpu.memory_space<vmem_shared>> -> memref<128x128xf32, #tpu.memory_space<vmem_shared>>
      %dma_wait3A_109 = arith.constant 0 : i32
      %dma_wait3A_110 = arith.constant 0 : i32
      %dma_wait3A_111 = tpu.memref_slice %arg9[%run_scoped3A_20, %dma_wait3A_109, %dma_wait3A_110] : memref<2x128x128xf32, #tpu.memory_space<vmem>> -> memref<1x128x128xf32, #tpu.memory_space<vmem>>
      %dma_wait3A_112 = tpu.memref_squeeze %dma_wait3A_111 : memref<1x128x128xf32, #tpu.memory_space<vmem>> -> memref<128x128xf32, #tpu.memory_space<vmem>>
      tpu.wait_dma2 semaphore(%run_scoped3A_89 : memref<!tpu.dma_semaphore, #tpu.memory_space<semaphore_mem>>) src(%dma_wait3A_112 : memref<128x128xf32, #tpu.memory_space<vmem>>) dst(%dma_wait3A_108 : memref<128x128xf32, #tpu.memory_space<vmem_shared>>)
      tpu.yield
    }) : () -> ()
    %mul3A_21 = arith.constant 640 : i32
    %mul3A_22 = arith.muli %arg1, %mul3A_21 : i32
    %add3A_23 = arith.constant 384 : i32
    %add3A_24 = arith.addi %mul3A_22, %add3A_23 : i32
    %run_scoped3A_25 = arith.constant 0 : i32
    "tpu.region"() ({
      %run_scoped3A_89 = tpu.sem_alloc : memref<!tpu.dma_semaphore, #tpu.memory_space<semaphore_mem>>
      %dma_start3A_90 = arith.constant 0 : i32
      %dma_start3A_91 = arith.constant 0 : i32
      %dma_start3A_92 = tpu.memref_slice %arg9[%run_scoped3A_25, %dma_start3A_90, %dma_start3A_91] : memref<2x128x128xf32, #tpu.memory_space<vmem>> -> memref<1x128x128xf32, #tpu.memory_space<vmem>>
      %dma_start3A_93 = tpu.memref_squeeze %dma_start3A_92 : memref<1x128x128xf32, #tpu.memory_space<vmem>> -> memref<128x128xf32, #tpu.memory_space<vmem>>
      %dma_start3A_94 = arith.constant 0 : i32
      %dma_start3A_95 = tpu.memref_slice %arg10[%add3A_24, %dma_start3A_94] : memref<10240x128xf32, #tpu.memory_space<vmem_shared>> -> memref<128x128xf32, #tpu.memory_space<vmem_shared>>
      %dma_start3A_96 = arith.constant 0 : i32
      %dma_start3A_97 = tpu.memref_slice %arg10[%add3A_24, %dma_start3A_96] : memref<10240x128xf32, #tpu.memory_space<vmem_shared>> -> memref<128x128xf32, #tpu.memory_space<vmem_shared>>
      %dma_start3A_98 = arith.constant 0 : i32
      %dma_start3A_99 = arith.constant 0 : i32
      %dma_start3A_100 = tpu.memref_slice %arg9[%run_scoped3A_25, %dma_start3A_98, %dma_start3A_99] : memref<2x128x128xf32, #tpu.memory_space<vmem>> -> memref<1x128x128xf32, #tpu.memory_space<vmem>>
      %dma_start3A_101 = tpu.memref_squeeze %dma_start3A_100 : memref<1x128x128xf32, #tpu.memory_space<vmem>> -> memref<128x128xf32, #tpu.memory_space<vmem>>
      tpu.enqueue_dma source(%dma_start3A_101 : memref<128x128xf32, #tpu.memory_space<vmem>>) target(%dma_start3A_97 : memref<128x128xf32, #tpu.memory_space<vmem_shared>>) target_semaphore(%run_scoped3A_89 : memref<!tpu.dma_semaphore, #tpu.memory_space<semaphore_mem>>)
      %dma_wait3A = arith.constant 0 : i32
      %dma_wait3A_102 = arith.constant 0 : i32
      %dma_wait3A_103 = tpu.memref_slice %arg9[%run_scoped3A_25, %dma_wait3A, %dma_wait3A_102] : memref<2x128x128xf32, #tpu.memory_space<vmem>> -> memref<1x128x128xf32, #tpu.memory_space<vmem>>
      %dma_wait3A_104 = tpu.memref_squeeze %dma_wait3A_103 : memref<1x128x128xf32, #tpu.memory_space<vmem>> -> memref<128x128xf32, #tpu.memory_space<vmem>>
      %dma_wait3A_105 = arith.constant 0 : i32
      %dma_wait3A_106 = tpu.memref_slice %arg10[%add3A_24, %dma_wait3A_105] : memref<10240x128xf32, #tpu.memory_space<vmem_shared>> -> memref<128x128xf32, #tpu.memory_space<vmem_shared>>
      %dma_wait3A_107 = arith.constant 0 : i32
      %dma_wait3A_108 = tpu.memref_slice %arg10[%add3A_24, %dma_wait3A_107] : memref<10240x128xf32, #tpu.memory_space<vmem_shared>> -> memref<128x128xf32, #tpu.memory_space<vmem_shared>>
      %dma_wait3A_109 = arith.constant 0 : i32
      %dma_wait3A_110 = arith.constant 0 : i32
      %dma_wait3A_111 = tpu.memref_slice %arg9[%run_scoped3A_25, %dma_wait3A_109, %dma_wait3A_110] : memref<2x128x128xf32, #tpu.memory_space<vmem>> -> memref<1x128x128xf32, #tpu.memory_space<vmem>>
      %dma_wait3A_112 = tpu.memref_squeeze %dma_wait3A_111 : memref<1x128x128xf32, #tpu.memory_space<vmem>> -> memref<128x128xf32, #tpu.memory_space<vmem>>
      tpu.wait_dma2 semaphore(%run_scoped3A_89 : memref<!tpu.dma_semaphore, #tpu.memory_space<semaphore_mem>>) src(%dma_wait3A_112 : memref<128x128xf32, #tpu.memory_space<vmem>>) dst(%dma_wait3A_108 : memref<128x128xf32, #tpu.memory_space<vmem_shared>>)
      tpu.yield
    }) : () -> ()
    %mul3A_26 = arith.constant 640 : i32
    %mul3A_27 = arith.muli %arg1, %mul3A_26 : i32
    %add3A_28 = arith.constant 512 : i32
    %add3A_29 = arith.addi %mul3A_27, %add3A_28 : i32
    %run_scoped3A_30 = arith.constant 0 : i32
    "tpu.region"() ({
      %run_scoped3A_89 = tpu.sem_alloc : memref<!tpu.dma_semaphore, #tpu.memory_space<semaphore_mem>>
      %dma_start3A_90 = arith.constant 0 : i32
      %dma_start3A_91 = arith.constant 0 : i32
      %dma_start3A_92 = tpu.memref_slice %arg9[%run_scoped3A_30, %dma_start3A_90, %dma_start3A_91] : memref<2x128x128xf32, #tpu.memory_space<vmem>> -> memref<1x128x128xf32, #tpu.memory_space<vmem>>
      %dma_start3A_93 = tpu.memref_squeeze %dma_start3A_92 : memref<1x128x128xf32, #tpu.memory_space<vmem>> -> memref<128x128xf32, #tpu.memory_space<vmem>>
      %dma_start3A_94 = arith.constant 0 : i32
      %dma_start3A_95 = tpu.memref_slice %arg10[%add3A_29, %dma_start3A_94] : memref<10240x128xf32, #tpu.memory_space<vmem_shared>> -> memref<128x128xf32, #tpu.memory_space<vmem_shared>>
      %dma_start3A_96 = arith.constant 0 : i32
      %dma_start3A_97 = tpu.memref_slice %arg10[%add3A_29, %dma_start3A_96] : memref<10240x128xf32, #tpu.memory_space<vmem_shared>> -> memref<128x128xf32, #tpu.memory_space<vmem_shared>>
      %dma_start3A_98 = arith.constant 0 : i32
      %dma_start3A_99 = arith.constant 0 : i32
      %dma_start3A_100 = tpu.memref_slice %arg9[%run_scoped3A_30, %dma_start3A_98, %dma_start3A_99] : memref<2x128x128xf32, #tpu.memory_space<vmem>> -> memref<1x128x128xf32, #tpu.memory_space<vmem>>
      %dma_start3A_101 = tpu.memref_squeeze %dma_start3A_100 : memref<1x128x128xf32, #tpu.memory_space<vmem>> -> memref<128x128xf32, #tpu.memory_space<vmem>>
      tpu.enqueue_dma source(%dma_start3A_101 : memref<128x128xf32, #tpu.memory_space<vmem>>) target(%dma_start3A_97 : memref<128x128xf32, #tpu.memory_space<vmem_shared>>) target_semaphore(%run_scoped3A_89 : memref<!tpu.dma_semaphore, #tpu.memory_space<semaphore_mem>>)
      %dma_wait3A = arith.constant 0 : i32
      %dma_wait3A_102 = arith.constant 0 : i32
      %dma_wait3A_103 = tpu.memref_slice %arg9[%run_scoped3A_30, %dma_wait3A, %dma_wait3A_102] : memref<2x128x128xf32, #tpu.memory_space<vmem>> -> memref<1x128x128xf32, #tpu.memory_space<vmem>>
      %dma_wait3A_104 = tpu.memref_squeeze %dma_wait3A_103 : memref<1x128x128xf32, #tpu.memory_space<vmem>> -> memref<128x128xf32, #tpu.memory_space<vmem>>
      %dma_wait3A_105 = arith.constant 0 : i32
      %dma_wait3A_106 = tpu.memref_slice %arg10[%add3A_29, %dma_wait3A_105] : memref<10240x128xf32, #tpu.memory_space<vmem_shared>> -> memref<128x128xf32, #tpu.memory_space<vmem_shared>>
      %dma_wait3A_107 = arith.constant 0 : i32
      %dma_wait3A_108 = tpu.memref_slice %arg10[%add3A_29, %dma_wait3A_107] : memref<10240x128xf32, #tpu.memory_space<vmem_shared>> -> memref<128x128xf32, #tpu.memory_space<vmem_shared>>
      %dma_wait3A_109 = arith.constant 0 : i32
      %dma_wait3A_110 = arith.constant 0 : i32
      %dma_wait3A_111 = tpu.memref_slice %arg9[%run_scoped3A_30, %dma_wait3A_109, %dma_wait3A_110] : memref<2x128x128xf32, #tpu.memory_space<vmem>> -> memref<1x128x128xf32, #tpu.memory_space<vmem>>
      %dma_wait3A_112 = tpu.memref_squeeze %dma_wait3A_111 : memref<1x128x128xf32, #tpu.memory_space<vmem>> -> memref<128x128xf32, #tpu.memory_space<vmem>>
      tpu.wait_dma2 semaphore(%run_scoped3A_89 : memref<!tpu.dma_semaphore, #tpu.memory_space<semaphore_mem>>) src(%dma_wait3A_112 : memref<128x128xf32, #tpu.memory_space<vmem>>) dst(%dma_wait3A_108 : memref<128x128xf32, #tpu.memory_space<vmem_shared>>)
      tpu.yield
    }) : () -> ()
    %barrier3A = arith.constant 0 : index
    tpu.barrier barrier_id(%barrier3A)
    "tpu.region"() ({
      %run_scoped3A_89 = tpu.sem_alloc : memref<!tpu.dma_semaphore, #tpu.memory_space<semaphore_mem>>
      %dma_start3A_90 = arith.constant 0 : i32
      %dma_start3A_91 = arith.constant 0 : i32
      %dma_start3A_92 = tpu.memref_slice %arg3[%add3A, %dma_start3A_90, %dma_start3A_91] : memref<32x80x128xi32, #tpu.memory_space<hbm>> -> memref<1x40x128xi32, #tpu.memory_space<hbm>>
      %dma_start3A_93 = tpu.memref_squeeze %dma_start3A_92 : memref<1x40x128xi32, #tpu.memory_space<hbm>> -> memref<40x128xi32, #tpu.memory_space<hbm>>
      %dma_start3A_94 = arith.constant 0 : i32
      %dma_start3A_95 = arith.constant 0 : i32
      %dma_start3A_96 = tpu.memref_slice %arg3[%add3A, %dma_start3A_94, %dma_start3A_95] : memref<32x80x128xi32, #tpu.memory_space<hbm>> -> memref<1x40x128xi32, #tpu.memory_space<hbm>>
      %dma_start3A_97 = tpu.memref_squeeze %dma_start3A_96 : memref<1x40x128xi32, #tpu.memory_space<hbm>> -> memref<40x128xi32, #tpu.memory_space<hbm>>
      tpu.enqueue_dma source(%dma_start3A_97 : memref<40x128xi32, #tpu.memory_space<hbm>>) target(%arg7 : memref<40x128xi32, #tpu.memory_space<vmem>>) target_semaphore(%run_scoped3A_89 : memref<!tpu.dma_semaphore, #tpu.memory_space<semaphore_mem>>)
      %dma_wait3A = arith.constant 0 : i32
      %dma_wait3A_98 = arith.constant 0 : i32
      %dma_wait3A_99 = tpu.memref_slice %arg3[%add3A, %dma_wait3A, %dma_wait3A_98] : memref<32x80x128xi32, #tpu.memory_space<hbm>> -> memref<1x40x128xi32, #tpu.memory_space<hbm>>
      %dma_wait3A_100 = tpu.memref_squeeze %dma_wait3A_99 : memref<1x40x128xi32, #tpu.memory_space<hbm>> -> memref<40x128xi32, #tpu.memory_space<hbm>>
      %dma_wait3A_101 = arith.constant 0 : i32
      %dma_wait3A_102 = arith.constant 0 : i32
      %dma_wait3A_103 = tpu.memref_slice %arg3[%add3A, %dma_wait3A_101, %dma_wait3A_102] : memref<32x80x128xi32, #tpu.memory_space<hbm>> -> memref<1x40x128xi32, #tpu.memory_space<hbm>>
      %dma_wait3A_104 = tpu.memref_squeeze %dma_wait3A_103 : memref<1x40x128xi32, #tpu.memory_space<hbm>> -> memref<40x128xi32, #tpu.memory_space<hbm>>
      tpu.wait_dma2 semaphore(%run_scoped3A_89 : memref<!tpu.dma_semaphore, #tpu.memory_space<semaphore_mem>>) src(%dma_wait3A_104 : memref<40x128xi32, #tpu.memory_space<hbm>>) dst(%arg7 : memref<40x128xi32, #tpu.memory_space<vmem>>)
      tpu.yield
    }) : () -> ()
    "tpu.region"() ({
      %run_scoped3A_89 = tpu.sem_alloc : memref<!tpu.dma_semaphore, #tpu.memory_space<semaphore_mem>>
      %dma_start3A_90 = arith.constant 0 : i32
      %dma_start3A_91 = arith.constant 0 : i32
      %dma_start3A_92 = tpu.memref_slice %arg4[%add3A, %dma_start3A_90, %dma_start3A_91] : memref<32x80x128xi32, #tpu.memory_space<hbm>> -> memref<1x40x128xi32, #tpu.memory_space<hbm>>
      %dma_start3A_93 = tpu.memref_squeeze %dma_start3A_92 : memref<1x40x128xi32, #tpu.memory_space<hbm>> -> memref<40x128xi32, #tpu.memory_space<hbm>>
      %dma_start3A_94 = arith.constant 0 : i32
      %dma_start3A_95 = arith.constant 0 : i32
      %dma_start3A_96 = tpu.memref_slice %arg4[%add3A, %dma_start3A_94, %dma_start3A_95] : memref<32x80x128xi32, #tpu.memory_space<hbm>> -> memref<1x40x128xi32, #tpu.memory_space<hbm>>
      %dma_start3A_97 = tpu.memref_squeeze %dma_start3A_96 : memref<1x40x128xi32, #tpu.memory_space<hbm>> -> memref<40x128xi32, #tpu.memory_space<hbm>>
      tpu.enqueue_dma source(%dma_start3A_97 : memref<40x128xi32, #tpu.memory_space<hbm>>) target(%arg8 : memref<40x128xi32, #tpu.memory_space<vmem>>) target_semaphore(%run_scoped3A_89 : memref<!tpu.dma_semaphore, #tpu.memory_space<semaphore_mem>>)
      %dma_wait3A = arith.constant 0 : i32
      %dma_wait3A_98 = arith.constant 0 : i32
      %dma_wait3A_99 = tpu.memref_slice %arg4[%add3A, %dma_wait3A, %dma_wait3A_98] : memref<32x80x128xi32, #tpu.memory_space<hbm>> -> memref<1x40x128xi32, #tpu.memory_space<hbm>>
      %dma_wait3A_100 = tpu.memref_squeeze %dma_wait3A_99 : memref<1x40x128xi32, #tpu.memory_space<hbm>> -> memref<40x128xi32, #tpu.memory_space<hbm>>
      %dma_wait3A_101 = arith.constant 0 : i32
      %dma_wait3A_102 = arith.constant 0 : i32
      %dma_wait3A_103 = tpu.memref_slice %arg4[%add3A, %dma_wait3A_101, %dma_wait3A_102] : memref<32x80x128xi32, #tpu.memory_space<hbm>> -> memref<1x40x128xi32, #tpu.memory_space<hbm>>
      %dma_wait3A_104 = tpu.memref_squeeze %dma_wait3A_103 : memref<1x40x128xi32, #tpu.memory_space<hbm>> -> memref<40x128xi32, #tpu.memory_space<hbm>>
      tpu.wait_dma2 semaphore(%run_scoped3A_89 : memref<!tpu.dma_semaphore, #tpu.memory_space<semaphore_mem>>) src(%dma_wait3A_104 : memref<40x128xi32, #tpu.memory_space<hbm>>) dst(%arg8 : memref<40x128xi32, #tpu.memory_space<vmem>>)
      tpu.yield
    }) : () -> ()
    %dma_start3A = arith.constant 0 : i32
    %dma_start3A_31 = arith.constant 0 : i32
    %dma_start3A_32 = arith.constant 0 : i32
    %dma_start3A_33 = arith.constant 0 : i32
    %dma_start3A_34 = tpu.memref_slice %arg9[%dma_start3A_31, %dma_start3A_32, %dma_start3A_33] : memref<2x128x128xf32, #tpu.memory_space<vmem>> -> memref<1x128x128xf32, #tpu.memory_space<vmem>>
    %dma_start3A_35 = tpu.memref_squeeze %dma_start3A_34 : memref<1x128x128xf32, #tpu.memory_space<vmem>> -> memref<128x128xf32, #tpu.memory_space<vmem>>
    %dma_start3A_36 = arith.constant 0 : i32
    %dma_start3A_37 = tpu.memref_slice %arg7[%dma_start3A, %dma_start3A_36] : memref<40x128xi32, #tpu.memory_space<vmem>> -> memref<1x128xi32, #tpu.memory_space<vmem>>
    %dma_start3A_38 = tpu.memref_squeeze %dma_start3A_37 : memref<1x128xi32, #tpu.memory_space<vmem>> -> memref<128xi32, #tpu.memory_space<vmem>>
    %dma_start3A_39 = arith.constant 0 : i32
    %dma_start3A_40 = arith.constant 0 : i32
    %dma_start3A_41 = tpu.memref_slice %arg2[%dma_start3A_39, %dma_start3A_40] : memref<10240x128xf32, #tpu.memory_space<hbm>> -> memref<10240x128xf32, #tpu.memory_space<hbm>>
    tpu.enqueue_indirect_dma source(%dma_start3A_41 : memref<10240x128xf32, #tpu.memory_space<hbm>>) target(%dma_start3A_35 : memref<128x128xf32, #tpu.memory_space<vmem>>) offsets(%dma_start3A_38 : memref<128xi32, #tpu.memory_space<vmem>>) semaphore(%arg11 : memref<!tpu.dma_semaphore, #tpu.memory_space<semaphore_mem>>)
    %scan3A_42 = arith.constant 0 : i32
    %scan3A_43 = arith.constant 0 : i32
    %scan3A_44 = arith.constant 20 : i32
    %scan3A_45 = arith.addi %scan3A_43, %scan3A_44 : i32
    %scan3A_46 = arith.constant 1 : i32
    %scan3A_47 = scf.for %scan3A_89 = %scan3A_43 to %scan3A_45 step %scan3A_46 iter_args(%scan3A_90 = %scan3A_42) -> (i32)  : i32 {
      %mul3A_91 = arith.constant 2 : i32
      %mul3A_92 = arith.muli %mul3A_91, %scan3A_89 : i32
      %add3A_93 = arith.constant 1 : i32
      %add3A_94 = arith.addi %mul3A_92, %add3A_93 : i32
      %dma_start3A_95 = arith.constant 1 : i32
      %dma_start3A_96 = arith.constant 0 : i32
      %dma_start3A_97 = arith.constant 0 : i32
      %dma_start3A_98 = tpu.memref_slice %arg9[%dma_start3A_95, %dma_start3A_96, %dma_start3A_97] : memref<2x128x128xf32, #tpu.memory_space<vmem>> -> memref<1x128x128xf32, #tpu.memory_space<vmem>>
      %dma_start3A_99 = tpu.memref_squeeze %dma_start3A_98 : memref<1x128x128xf32, #tpu.memory_space<vmem>> -> memref<128x128xf32, #tpu.memory_space<vmem>>
      %dma_start3A_100 = arith.constant 0 : i32
      %dma_start3A_101 = tpu.memref_slice %arg7[%add3A_94, %dma_start3A_100] : memref<40x128xi32, #tpu.memory_space<vmem>> -> memref<1x128xi32, #tpu.memory_space<vmem>>
      %dma_start3A_102 = tpu.memref_squeeze %dma_start3A_101 : memref<1x128xi32, #tpu.memory_space<vmem>> -> memref<128xi32, #tpu.memory_space<vmem>>
      %dma_start3A_103 = arith.constant 0 : i32
      %dma_start3A_104 = arith.constant 0 : i32
      %dma_start3A_105 = tpu.memref_slice %arg2[%dma_start3A_103, %dma_start3A_104] : memref<10240x128xf32, #tpu.memory_space<hbm>> -> memref<10240x128xf32, #tpu.memory_space<hbm>>
      tpu.enqueue_indirect_dma source(%dma_start3A_105 : memref<10240x128xf32, #tpu.memory_space<hbm>>) target(%dma_start3A_99 : memref<128x128xf32, #tpu.memory_space<vmem>>) offsets(%dma_start3A_102 : memref<128xi32, #tpu.memory_space<vmem>>) semaphore(%arg12 : memref<!tpu.dma_semaphore, #tpu.memory_space<semaphore_mem>>)
      %dma_wait3A = arith.constant 0 : i32
      %dma_wait3A_106 = arith.constant 0 : i32
      %dma_wait3A_107 = arith.constant 0 : i32
      %dma_wait3A_108 = tpu.memref_slice %arg9[%dma_wait3A, %dma_wait3A_106, %dma_wait3A_107] : memref<2x128x128xf32, #tpu.memory_space<vmem>> -> memref<1x128x128xf32, #tpu.memory_space<vmem>>
      %dma_wait3A_109 = tpu.memref_squeeze %dma_wait3A_108 : memref<1x128x128xf32, #tpu.memory_space<vmem>> -> memref<128x128xf32, #tpu.memory_space<vmem>>
      %dma_wait3A_110 = arith.constant 0 : i32
      %dma_wait3A_111 = tpu.memref_slice %arg7[%mul3A_92, %dma_wait3A_110] : memref<40x128xi32, #tpu.memory_space<vmem>> -> memref<1x128xi32, #tpu.memory_space<vmem>>
      %dma_wait3A_112 = tpu.memref_squeeze %dma_wait3A_111 : memref<1x128xi32, #tpu.memory_space<vmem>> -> memref<128xi32, #tpu.memory_space<vmem>>
      %dma_wait3A_113 = arith.constant 0 : i32
      %dma_wait3A_114 = arith.constant 0 : i32
      %dma_wait3A_115 = tpu.memref_slice %arg2[%dma_wait3A_113, %dma_wait3A_114] : memref<10240x128xf32, #tpu.memory_space<hbm>> -> memref<10240x128xf32, #tpu.memory_space<hbm>>
      tpu.wait_indirect_dma semaphore(%arg11 : memref<!tpu.dma_semaphore, #tpu.memory_space<semaphore_mem>>) src(%dma_wait3A_115 : memref<10240x128xf32, #tpu.memory_space<hbm>>) dst(%dma_wait3A_109 : memref<128x128xf32, #tpu.memory_space<vmem>>)
      %run_scoped3A_116 = arith.constant 0 : i32
      "tpu.region"() ({
        %run_scoped3A_132 = tpu.sem_alloc : memref<!tpu.dma_semaphore, #tpu.memory_space<semaphore_mem>>
        %dma_start3A_133 = arith.constant 0 : i32
        %dma_start3A_134 = arith.constant 0 : i32
        %dma_start3A_135 = tpu.memref_slice %arg9[%run_scoped3A_116, %dma_start3A_133, %dma_start3A_134] : memref<2x128x128xf32, #tpu.memory_space<vmem>> -> memref<1x128x128xf32, #tpu.memory_space<vmem>>
        %dma_start3A_136 = tpu.memref_squeeze %dma_start3A_135 : memref<1x128x128xf32, #tpu.memory_space<vmem>> -> memref<128x128xf32, #tpu.memory_space<vmem>>
        %dma_start3A_137 = arith.constant 0 : i32
        %dma_start3A_138 = tpu.memref_slice %arg8[%mul3A_92, %dma_start3A_137] : memref<40x128xi32, #tpu.memory_space<vmem>> -> memref<1x128xi32, #tpu.memory_space<vmem>>
        %dma_start3A_139 = tpu.memref_squeeze %dma_start3A_138 : memref<1x128xi32, #tpu.memory_space<vmem>> -> memref<128xi32, #tpu.memory_space<vmem>>
        %dma_start3A_140 = arith.constant 0 : i32
        %dma_start3A_141 = arith.constant 0 : i32
        %dma_start3A_142 = tpu.memref_slice %arg10[%dma_start3A_140, %dma_start3A_141] : memref<10240x128xf32, #tpu.memory_space<vmem_shared>> -> memref<10240x128xf32, #tpu.memory_space<vmem_shared>>
        tpu.enqueue_indirect_dma source(%dma_start3A_136 : memref<128x128xf32, #tpu.memory_space<vmem>>) target(%dma_start3A_142 : memref<10240x128xf32, #tpu.memory_space<vmem_shared>>) offsets(%dma_start3A_139 : memref<128xi32, #tpu.memory_space<vmem>>) semaphore(%run_scoped3A_132 : memref<!tpu.dma_semaphore, #tpu.memory_space<semaphore_mem>>) {add = true}
        %dma_wait3A_143 = arith.constant 0 : i32
        %dma_wait3A_144 = arith.constant 0 : i32
        %dma_wait3A_145 = tpu.memref_slice %arg9[%run_scoped3A_116, %dma_wait3A_143, %dma_wait3A_144] : memref<2x128x128xf32, #tpu.memory_space<vmem>> -> memref<1x128x128xf32, #tpu.memory_space<vmem>>
        %dma_wait3A_146 = tpu.memref_squeeze %dma_wait3A_145 : memref<1x128x128xf32, #tpu.memory_space<vmem>> -> memref<128x128xf32, #tpu.memory_space<vmem>>
        %dma_wait3A_147 = arith.constant 0 : i32
        %dma_wait3A_148 = tpu.memref_slice %arg8[%mul3A_92, %dma_wait3A_147] : memref<40x128xi32, #tpu.memory_space<vmem>> -> memref<1x128xi32, #tpu.memory_space<vmem>>
        %dma_wait3A_149 = tpu.memref_squeeze %dma_wait3A_148 : memref<1x128xi32, #tpu.memory_space<vmem>> -> memref<128xi32, #tpu.memory_space<vmem>>
        %dma_wait3A_150 = arith.constant 0 : i32
        %dma_wait3A_151 = arith.constant 0 : i32
        %dma_wait3A_152 = tpu.memref_slice %arg10[%dma_wait3A_150, %dma_wait3A_151] : memref<10240x128xf32, #tpu.memory_space<vmem_shared>> -> memref<10240x128xf32, #tpu.memory_space<vmem_shared>>
        tpu.wait_indirect_dma semaphore(%run_scoped3A_132 : memref<!tpu.dma_semaphore, #tpu.memory_space<semaphore_mem>>) src(%dma_wait3A_146 : memref<128x128xf32, #tpu.memory_space<vmem>>) dst(%dma_wait3A_152 : memref<10240x128xf32, #tpu.memory_space<vmem_shared>>)
        tpu.yield
      }) : () -> ()
      %lt3A = arith.constant 19 : i32
      %lt3A_117 = arith.cmpi slt, %scan3A_89, %lt3A : i32
      %convert_element_type3A = arith.extui %lt3A_117 : i1 to i32
      %cond3A = arith.constant 0 : i32
      %cond3A_118 = arith.cmpi ne, %convert_element_type3A, %cond3A : i32
      scf.if %cond3A_118 {
        %add3A_132 = arith.constant 2 : i32
        %add3A_133 = arith.addi %mul3A_92, %add3A_132 : i32
        %dma_start3A_134 = arith.constant 0 : i32
        %dma_start3A_135 = arith.constant 0 : i32
        %dma_start3A_136 = arith.constant 0 : i32
        %dma_start3A_137 = tpu.memref_slice %arg9[%dma_start3A_134, %dma_start3A_135, %dma_start3A_136] : memref<2x128x128xf32, #tpu.memory_space<vmem>> -> memref<1x128x128xf32, #tpu.memory_space<vmem>>
        %dma_start3A_138 = tpu.memref_squeeze %dma_start3A_137 : memref<1x128x128xf32, #tpu.memory_space<vmem>> -> memref<128x128xf32, #tpu.memory_space<vmem>>
        %dma_start3A_139 = arith.constant 0 : i32
        %dma_start3A_140 = tpu.memref_slice %arg7[%add3A_133, %dma_start3A_139] : memref<40x128xi32, #tpu.memory_space<vmem>> -> memref<1x128xi32, #tpu.memory_space<vmem>>
        %dma_start3A_141 = tpu.memref_squeeze %dma_start3A_140 : memref<1x128xi32, #tpu.memory_space<vmem>> -> memref<128xi32, #tpu.memory_space<vmem>>
        %dma_start3A_142 = arith.constant 0 : i32
        %dma_start3A_143 = arith.constant 0 : i32
        %dma_start3A_144 = tpu.memref_slice %arg2[%dma_start3A_142, %dma_start3A_143] : memref<10240x128xf32, #tpu.memory_space<hbm>> -> memref<10240x128xf32, #tpu.memory_space<hbm>>
        tpu.enqueue_indirect_dma source(%dma_start3A_144 : memref<10240x128xf32, #tpu.memory_space<hbm>>) target(%dma_start3A_138 : memref<128x128xf32, #tpu.memory_space<vmem>>) offsets(%dma_start3A_141 : memref<128xi32, #tpu.memory_space<vmem>>) semaphore(%arg11 : memref<!tpu.dma_semaphore, #tpu.memory_space<semaphore_mem>>)
      } else {
      }
      %dma_wait3A_119 = arith.constant 1 : i32
      %dma_wait3A_120 = arith.constant 0 : i32
      %dma_wait3A_121 = arith.constant 0 : i32
      %dma_wait3A_122 = tpu.memref_slice %arg9[%dma_wait3A_119, %dma_wait3A_120, %dma_wait3A_121] : memref<2x128x128xf32, #tpu.memory_space<vmem>> -> memref<1x128x128xf32, #tpu.memory_space<vmem>>
      %dma_wait3A_123 = tpu.memref_squeeze %dma_wait3A_122 : memref<1x128x128xf32, #tpu.memory_space<vmem>> -> memref<128x128xf32, #tpu.memory_space<vmem>>
      %dma_wait3A_124 = arith.constant 0 : i32
      %dma_wait3A_125 = tpu.memref_slice %arg7[%add3A_94, %dma_wait3A_124] : memref<40x128xi32, #tpu.memory_space<vmem>> -> memref<1x128xi32, #tpu.memory_space<vmem>>
      %dma_wait3A_126 = tpu.memref_squeeze %dma_wait3A_125 : memref<1x128xi32, #tpu.memory_space<vmem>> -> memref<128xi32, #tpu.memory_space<vmem>>
      %dma_wait3A_127 = arith.constant 0 : i32
      %dma_wait3A_128 = arith.constant 0 : i32
      %dma_wait3A_129 = tpu.memref_slice %arg2[%dma_wait3A_127, %dma_wait3A_128] : memref<10240x128xf32, #tpu.memory_space<hbm>> -> memref<10240x128xf32, #tpu.memory_space<hbm>>
      tpu.wait_indirect_dma semaphore(%arg12 : memref<!tpu.dma_semaphore, #tpu.memory_space<semaphore_mem>>) src(%dma_wait3A_129 : memref<10240x128xf32, #tpu.memory_space<hbm>>) dst(%dma_wait3A_123 : memref<128x128xf32, #tpu.memory_space<vmem>>)
      %run_scoped3A_130 = arith.constant 1 : i32
      "tpu.region"() ({
        %run_scoped3A_132 = tpu.sem_alloc : memref<!tpu.dma_semaphore, #tpu.memory_space<semaphore_mem>>
        %dma_start3A_133 = arith.constant 0 : i32
        %dma_start3A_134 = arith.constant 0 : i32
        %dma_start3A_135 = tpu.memref_slice %arg9[%run_scoped3A_130, %dma_start3A_133, %dma_start3A_134] : memref<2x128x128xf32, #tpu.memory_space<vmem>> -> memref<1x128x128xf32, #tpu.memory_space<vmem>>
        %dma_start3A_136 = tpu.memref_squeeze %dma_start3A_135 : memref<1x128x128xf32, #tpu.memory_space<vmem>> -> memref<128x128xf32, #tpu.memory_space<vmem>>
        %dma_start3A_137 = arith.constant 0 : i32
        %dma_start3A_138 = tpu.memref_slice %arg8[%add3A_94, %dma_start3A_137] : memref<40x128xi32, #tpu.memory_space<vmem>> -> memref<1x128xi32, #tpu.memory_space<vmem>>
        %dma_start3A_139 = tpu.memref_squeeze %dma_start3A_138 : memref<1x128xi32, #tpu.memory_space<vmem>> -> memref<128xi32, #tpu.memory_space<vmem>>
        %dma_start3A_140 = arith.constant 0 : i32
        %dma_start3A_141 = arith.constant 0 : i32
        %dma_start3A_142 = tpu.memref_slice %arg10[%dma_start3A_140, %dma_start3A_141] : memref<10240x128xf32, #tpu.memory_space<vmem_shared>> -> memref<10240x128xf32, #tpu.memory_space<vmem_shared>>
        tpu.enqueue_indirect_dma source(%dma_start3A_136 : memref<128x128xf32, #tpu.memory_space<vmem>>) target(%dma_start3A_142 : memref<10240x128xf32, #tpu.memory_space<vmem_shared>>) offsets(%dma_start3A_139 : memref<128xi32, #tpu.memory_space<vmem>>) semaphore(%run_scoped3A_132 : memref<!tpu.dma_semaphore, #tpu.memory_space<semaphore_mem>>) {add = true}
        %dma_wait3A_143 = arith.constant 0 : i32
        %dma_wait3A_144 = arith.constant 0 : i32
        %dma_wait3A_145 = tpu.memref_slice %arg9[%run_scoped3A_130, %dma_wait3A_143, %dma_wait3A_144] : memref<2x128x128xf32, #tpu.memory_space<vmem>> -> memref<1x128x128xf32, #tpu.memory_space<vmem>>
        %dma_wait3A_146 = tpu.memref_squeeze %dma_wait3A_145 : memref<1x128x128xf32, #tpu.memory_space<vmem>> -> memref<128x128xf32, #tpu.memory_space<vmem>>
        %dma_wait3A_147 = arith.constant 0 : i32
        %dma_wait3A_148 = tpu.memref_slice %arg8[%add3A_94, %dma_wait3A_147] : memref<40x128xi32, #tpu.memory_space<vmem>> -> memref<1x128xi32, #tpu.memory_space<vmem>>
        %dma_wait3A_149 = tpu.memref_squeeze %dma_wait3A_148 : memref<1x128xi32, #tpu.memory_space<vmem>> -> memref<128xi32, #tpu.memory_space<vmem>>
        %dma_wait3A_150 = arith.constant 0 : i32
        %dma_wait3A_151 = arith.constant 0 : i32
        %dma_wait3A_152 = tpu.memref_slice %arg10[%dma_wait3A_150, %dma_wait3A_151] : memref<10240x128xf32, #tpu.memory_space<vmem_shared>> -> memref<10240x128xf32, #tpu.memory_space<vmem_shared>>
        tpu.wait_indirect_dma semaphore(%run_scoped3A_132 : memref<!tpu.dma_semaphore, #tpu.memory_space<semaphore_mem>>) src(%dma_wait3A_146 : memref<128x128xf32, #tpu.memory_space<vmem>>) dst(%dma_wait3A_152 : memref<10240x128xf32, #tpu.memory_space<vmem_shared>>)
        tpu.yield
      }) : () -> ()
      %scan3A_131 = arith.constant 0 : i32
      scf.yield %scan3A_131 : i32
    }
    %scan3A_48 = arith.constant 20 : i32
    "tpu.region"() ({
      %run_scoped3A_89 = tpu.sem_alloc : memref<!tpu.dma_semaphore, #tpu.memory_space<semaphore_mem>>
      %dma_start3A_90 = arith.constant 40 : i32
      %dma_start3A_91 = arith.constant 0 : i32
      %dma_start3A_92 = tpu.memref_slice %arg3[%add3A, %dma_start3A_90, %dma_start3A_91] : memref<32x80x128xi32, #tpu.memory_space<hbm>> -> memref<1x40x128xi32, #tpu.memory_space<hbm>>
      %dma_start3A_93 = tpu.memref_squeeze %dma_start3A_92 : memref<1x40x128xi32, #tpu.memory_space<hbm>> -> memref<40x128xi32, #tpu.memory_space<hbm>>
      %dma_start3A_94 = arith.constant 40 : i32
      %dma_start3A_95 = arith.constant 0 : i32
      %dma_start3A_96 = tpu.memref_slice %arg3[%add3A, %dma_start3A_94, %dma_start3A_95] : memref<32x80x128xi32, #tpu.memory_space<hbm>> -> memref<1x40x128xi32, #tpu.memory_space<hbm>>
      %dma_start3A_97 = tpu.memref_squeeze %dma_start3A_96 : memref<1x40x128xi32, #tpu.memory_space<hbm>> -> memref<40x128xi32, #tpu.memory_space<hbm>>
      tpu.enqueue_dma source(%dma_start3A_97 : memref<40x128xi32, #tpu.memory_space<hbm>>) target(%arg7 : memref<40x128xi32, #tpu.memory_space<vmem>>) target_semaphore(%run_scoped3A_89 : memref<!tpu.dma_semaphore, #tpu.memory_space<semaphore_mem>>)
      %dma_wait3A = arith.constant 40 : i32
      %dma_wait3A_98 = arith.constant 0 : i32
      %dma_wait3A_99 = tpu.memref_slice %arg3[%add3A, %dma_wait3A, %dma_wait3A_98] : memref<32x80x128xi32, #tpu.memory_space<hbm>> -> memref<1x40x128xi32, #tpu.memory_space<hbm>>
      %dma_wait3A_100 = tpu.memref_squeeze %dma_wait3A_99 : memref<1x40x128xi32, #tpu.memory_space<hbm>> -> memref<40x128xi32, #tpu.memory_space<hbm>>
      %dma_wait3A_101 = arith.constant 40 : i32
      %dma_wait3A_102 = arith.constant 0 : i32
      %dma_wait3A_103 = tpu.memref_slice %arg3[%add3A, %dma_wait3A_101, %dma_wait3A_102] : memref<32x80x128xi32, #tpu.memory_space<hbm>> -> memref<1x40x128xi32, #tpu.memory_space<hbm>>
      %dma_wait3A_104 = tpu.memref_squeeze %dma_wait3A_103 : memref<1x40x128xi32, #tpu.memory_space<hbm>> -> memref<40x128xi32, #tpu.memory_space<hbm>>
      tpu.wait_dma2 semaphore(%run_scoped3A_89 : memref<!tpu.dma_semaphore, #tpu.memory_space<semaphore_mem>>) src(%dma_wait3A_104 : memref<40x128xi32, #tpu.memory_space<hbm>>) dst(%arg7 : memref<40x128xi32, #tpu.memory_space<vmem>>)
      tpu.yield
    }) : () -> ()
    "tpu.region"() ({
      %run_scoped3A_89 = tpu.sem_alloc : memref<!tpu.dma_semaphore, #tpu.memory_space<semaphore_mem>>
      %dma_start3A_90 = arith.constant 40 : i32
      %dma_start3A_91 = arith.constant 0 : i32
      %dma_start3A_92 = tpu.memref_slice %arg4[%add3A, %dma_start3A_90, %dma_start3A_91] : memref<32x80x128xi32, #tpu.memory_space<hbm>> -> memref<1x40x128xi32, #tpu.memory_space<hbm>>
      %dma_start3A_93 = tpu.memref_squeeze %dma_start3A_92 : memref<1x40x128xi32, #tpu.memory_space<hbm>> -> memref<40x128xi32, #tpu.memory_space<hbm>>
      %dma_start3A_94 = arith.constant 40 : i32
      %dma_start3A_95 = arith.constant 0 : i32
      %dma_start3A_96 = tpu.memref_slice %arg4[%add3A, %dma_start3A_94, %dma_start3A_95] : memref<32x80x128xi32, #tpu.memory_space<hbm>> -> memref<1x40x128xi32, #tpu.memory_space<hbm>>
      %dma_start3A_97 = tpu.memref_squeeze %dma_start3A_96 : memref<1x40x128xi32, #tpu.memory_space<hbm>> -> memref<40x128xi32, #tpu.memory_space<hbm>>
      tpu.enqueue_dma source(%dma_start3A_97 : memref<40x128xi32, #tpu.memory_space<hbm>>) target(%arg8 : memref<40x128xi32, #tpu.memory_space<vmem>>) target_semaphore(%run_scoped3A_89 : memref<!tpu.dma_semaphore, #tpu.memory_space<semaphore_mem>>)
      %dma_wait3A = arith.constant 40 : i32
      %dma_wait3A_98 = arith.constant 0 : i32
      %dma_wait3A_99 = tpu.memref_slice %arg4[%add3A, %dma_wait3A, %dma_wait3A_98] : memref<32x80x128xi32, #tpu.memory_space<hbm>> -> memref<1x40x128xi32, #tpu.memory_space<hbm>>
      %dma_wait3A_100 = tpu.memref_squeeze %dma_wait3A_99 : memref<1x40x128xi32, #tpu.memory_space<hbm>> -> memref<40x128xi32, #tpu.memory_space<hbm>>
      %dma_wait3A_101 = arith.constant 40 : i32
      %dma_wait3A_102 = arith.constant 0 : i32
      %dma_wait3A_103 = tpu.memref_slice %arg4[%add3A, %dma_wait3A_101, %dma_wait3A_102] : memref<32x80x128xi32, #tpu.memory_space<hbm>> -> memref<1x40x128xi32, #tpu.memory_space<hbm>>
      %dma_wait3A_104 = tpu.memref_squeeze %dma_wait3A_103 : memref<1x40x128xi32, #tpu.memory_space<hbm>> -> memref<40x128xi32, #tpu.memory_space<hbm>>
      tpu.wait_dma2 semaphore(%run_scoped3A_89 : memref<!tpu.dma_semaphore, #tpu.memory_space<semaphore_mem>>) src(%dma_wait3A_104 : memref<40x128xi32, #tpu.memory_space<hbm>>) dst(%arg8 : memref<40x128xi32, #tpu.memory_space<vmem>>)
      tpu.yield
    }) : () -> ()
    %dma_start3A_49 = arith.constant 0 : i32
    %dma_start3A_50 = arith.constant 0 : i32
    %dma_start3A_51 = arith.constant 0 : i32
    %dma_start3A_52 = arith.constant 0 : i32
    %dma_start3A_53 = tpu.memref_slice %arg9[%dma_start3A_50, %dma_start3A_51, %dma_start3A_52] : memref<2x128x128xf32, #tpu.memory_space<vmem>> -> memref<1x128x128xf32, #tpu.memory_space<vmem>>
    %dma_start3A_54 = tpu.memref_squeeze %dma_start3A_53 : memref<1x128x128xf32, #tpu.memory_space<vmem>> -> memref<128x128xf32, #tpu.memory_space<vmem>>
    %dma_start3A_55 = arith.constant 0 : i32
    %dma_start3A_56 = tpu.memref_slice %arg7[%dma_start3A_49, %dma_start3A_55] : memref<40x128xi32, #tpu.memory_space<vmem>> -> memref<1x128xi32, #tpu.memory_space<vmem>>
    %dma_start3A_57 = tpu.memref_squeeze %dma_start3A_56 : memref<1x128xi32, #tpu.memory_space<vmem>> -> memref<128xi32, #tpu.memory_space<vmem>>
    %dma_start3A_58 = arith.constant 0 : i32
    %dma_start3A_59 = arith.constant 0 : i32
    %dma_start3A_60 = tpu.memref_slice %arg2[%dma_start3A_58, %dma_start3A_59] : memref<10240x128xf32, #tpu.memory_space<hbm>> -> memref<10240x128xf32, #tpu.memory_space<hbm>>
    tpu.enqueue_indirect_dma source(%dma_start3A_60 : memref<10240x128xf32, #tpu.memory_space<hbm>>) target(%dma_start3A_54 : memref<128x128xf32, #tpu.memory_space<vmem>>) offsets(%dma_start3A_57 : memref<128xi32, #tpu.memory_space<vmem>>) semaphore(%arg11 : memref<!tpu.dma_semaphore, #tpu.memory_space<semaphore_mem>>)
    %scan3A_61 = arith.constant 0 : i32
    %scan3A_62 = arith.constant 0 : i32
    %scan3A_63 = arith.constant 20 : i32
    %scan3A_64 = arith.addi %scan3A_62, %scan3A_63 : i32
    %scan3A_65 = arith.constant 1 : i32
    %scan3A_66 = scf.for %scan3A_89 = %scan3A_62 to %scan3A_64 step %scan3A_65 iter_args(%scan3A_90 = %scan3A_61) -> (i32)  : i32 {
      %mul3A_91 = arith.constant 2 : i32
      %mul3A_92 = arith.muli %mul3A_91, %scan3A_89 : i32
      %add3A_93 = arith.constant 1 : i32
      %add3A_94 = arith.addi %mul3A_92, %add3A_93 : i32
      %dma_start3A_95 = arith.constant 1 : i32
      %dma_start3A_96 = arith.constant 0 : i32
      %dma_start3A_97 = arith.constant 0 : i32
      %dma_start3A_98 = tpu.memref_slice %arg9[%dma_start3A_95, %dma_start3A_96, %dma_start3A_97] : memref<2x128x128xf32, #tpu.memory_space<vmem>> -> memref<1x128x128xf32, #tpu.memory_space<vmem>>
      %dma_start3A_99 = tpu.memref_squeeze %dma_start3A_98 : memref<1x128x128xf32, #tpu.memory_space<vmem>> -> memref<128x128xf32, #tpu.memory_space<vmem>>
      %dma_start3A_100 = arith.constant 0 : i32
      %dma_start3A_101 = tpu.memref_slice %arg7[%add3A_94, %dma_start3A_100] : memref<40x128xi32, #tpu.memory_space<vmem>> -> memref<1x128xi32, #tpu.memory_space<vmem>>
      %dma_start3A_102 = tpu.memref_squeeze %dma_start3A_101 : memref<1x128xi32, #tpu.memory_space<vmem>> -> memref<128xi32, #tpu.memory_space<vmem>>
      %dma_start3A_103 = arith.constant 0 : i32
      %dma_start3A_104 = arith.constant 0 : i32
      %dma_start3A_105 = tpu.memref_slice %arg2[%dma_start3A_103, %dma_start3A_104] : memref<10240x128xf32, #tpu.memory_space<hbm>> -> memref<10240x128xf32, #tpu.memory_space<hbm>>
      tpu.enqueue_indirect_dma source(%dma_start3A_105 : memref<10240x128xf32, #tpu.memory_space<hbm>>) target(%dma_start3A_99 : memref<128x128xf32, #tpu.memory_space<vmem>>) offsets(%dma_start3A_102 : memref<128xi32, #tpu.memory_space<vmem>>) semaphore(%arg12 : memref<!tpu.dma_semaphore, #tpu.memory_space<semaphore_mem>>)
      %dma_wait3A = arith.constant 0 : i32
      %dma_wait3A_106 = arith.constant 0 : i32
      %dma_wait3A_107 = arith.constant 0 : i32
      %dma_wait3A_108 = tpu.memref_slice %arg9[%dma_wait3A, %dma_wait3A_106, %dma_wait3A_107] : memref<2x128x128xf32, #tpu.memory_space<vmem>> -> memref<1x128x128xf32, #tpu.memory_space<vmem>>
      %dma_wait3A_109 = tpu.memref_squeeze %dma_wait3A_108 : memref<1x128x128xf32, #tpu.memory_space<vmem>> -> memref<128x128xf32, #tpu.memory_space<vmem>>
      %dma_wait3A_110 = arith.constant 0 : i32
      %dma_wait3A_111 = tpu.memref_slice %arg7[%mul3A_92, %dma_wait3A_110] : memref<40x128xi32, #tpu.memory_space<vmem>> -> memref<1x128xi32, #tpu.memory_space<vmem>>
      %dma_wait3A_112 = tpu.memref_squeeze %dma_wait3A_111 : memref<1x128xi32, #tpu.memory_space<vmem>> -> memref<128xi32, #tpu.memory_space<vmem>>
      %dma_wait3A_113 = arith.constant 0 : i32
      %dma_wait3A_114 = arith.constant 0 : i32
      %dma_wait3A_115 = tpu.memref_slice %arg2[%dma_wait3A_113, %dma_wait3A_114] : memref<10240x128xf32, #tpu.memory_space<hbm>> -> memref<10240x128xf32, #tpu.memory_space<hbm>>
      tpu.wait_indirect_dma semaphore(%arg11 : memref<!tpu.dma_semaphore, #tpu.memory_space<semaphore_mem>>) src(%dma_wait3A_115 : memref<10240x128xf32, #tpu.memory_space<hbm>>) dst(%dma_wait3A_109 : memref<128x128xf32, #tpu.memory_space<vmem>>)
      %run_scoped3A_116 = arith.constant 0 : i32
      "tpu.region"() ({
        %run_scoped3A_132 = tpu.sem_alloc : memref<!tpu.dma_semaphore, #tpu.memory_space<semaphore_mem>>
        %dma_start3A_133 = arith.constant 0 : i32
        %dma_start3A_134 = arith.constant 0 : i32
        %dma_start3A_135 = tpu.memref_slice %arg9[%run_scoped3A_116, %dma_start3A_133, %dma_start3A_134] : memref<2x128x128xf32, #tpu.memory_space<vmem>> -> memref<1x128x128xf32, #tpu.memory_space<vmem>>
        %dma_start3A_136 = tpu.memref_squeeze %dma_start3A_135 : memref<1x128x128xf32, #tpu.memory_space<vmem>> -> memref<128x128xf32, #tpu.memory_space<vmem>>
        %dma_start3A_137 = arith.constant 0 : i32
        %dma_start3A_138 = tpu.memref_slice %arg8[%mul3A_92, %dma_start3A_137] : memref<40x128xi32, #tpu.memory_space<vmem>> -> memref<1x128xi32, #tpu.memory_space<vmem>>
        %dma_start3A_139 = tpu.memref_squeeze %dma_start3A_138 : memref<1x128xi32, #tpu.memory_space<vmem>> -> memref<128xi32, #tpu.memory_space<vmem>>
        %dma_start3A_140 = arith.constant 0 : i32
        %dma_start3A_141 = arith.constant 0 : i32
        %dma_start3A_142 = tpu.memref_slice %arg10[%dma_start3A_140, %dma_start3A_141] : memref<10240x128xf32, #tpu.memory_space<vmem_shared>> -> memref<10240x128xf32, #tpu.memory_space<vmem_shared>>
        tpu.enqueue_indirect_dma source(%dma_start3A_136 : memref<128x128xf32, #tpu.memory_space<vmem>>) target(%dma_start3A_142 : memref<10240x128xf32, #tpu.memory_space<vmem_shared>>) offsets(%dma_start3A_139 : memref<128xi32, #tpu.memory_space<vmem>>) semaphore(%run_scoped3A_132 : memref<!tpu.dma_semaphore, #tpu.memory_space<semaphore_mem>>) {add = true}
        %dma_wait3A_143 = arith.constant 0 : i32
        %dma_wait3A_144 = arith.constant 0 : i32
        %dma_wait3A_145 = tpu.memref_slice %arg9[%run_scoped3A_116, %dma_wait3A_143, %dma_wait3A_144] : memref<2x128x128xf32, #tpu.memory_space<vmem>> -> memref<1x128x128xf32, #tpu.memory_space<vmem>>
        %dma_wait3A_146 = tpu.memref_squeeze %dma_wait3A_145 : memref<1x128x128xf32, #tpu.memory_space<vmem>> -> memref<128x128xf32, #tpu.memory_space<vmem>>
        %dma_wait3A_147 = arith.constant 0 : i32
        %dma_wait3A_148 = tpu.memref_slice %arg8[%mul3A_92, %dma_wait3A_147] : memref<40x128xi32, #tpu.memory_space<vmem>> -> memref<1x128xi32, #tpu.memory_space<vmem>>
        %dma_wait3A_149 = tpu.memref_squeeze %dma_wait3A_148 : memref<1x128xi32, #tpu.memory_space<vmem>> -> memref<128xi32, #tpu.memory_space<vmem>>
        %dma_wait3A_150 = arith.constant 0 : i32
        %dma_wait3A_151 = arith.constant 0 : i32
        %dma_wait3A_152 = tpu.memref_slice %arg10[%dma_wait3A_150, %dma_wait3A_151] : memref<10240x128xf32, #tpu.memory_space<vmem_shared>> -> memref<10240x128xf32, #tpu.memory_space<vmem_shared>>
        tpu.wait_indirect_dma semaphore(%run_scoped3A_132 : memref<!tpu.dma_semaphore, #tpu.memory_space<semaphore_mem>>) src(%dma_wait3A_146 : memref<128x128xf32, #tpu.memory_space<vmem>>) dst(%dma_wait3A_152 : memref<10240x128xf32, #tpu.memory_space<vmem_shared>>)
        tpu.yield
      }) : () -> ()
      %lt3A = arith.constant 19 : i32
      %lt3A_117 = arith.cmpi slt, %scan3A_89, %lt3A : i32
      %convert_element_type3A = arith.extui %lt3A_117 : i1 to i32
      %cond3A = arith.constant 0 : i32
      %cond3A_118 = arith.cmpi ne, %convert_element_type3A, %cond3A : i32
      scf.if %cond3A_118 {
        %add3A_132 = arith.constant 2 : i32
        %add3A_133 = arith.addi %mul3A_92, %add3A_132 : i32
        %dma_start3A_134 = arith.constant 0 : i32
        %dma_start3A_135 = arith.constant 0 : i32
        %dma_start3A_136 = arith.constant 0 : i32
        %dma_start3A_137 = tpu.memref_slice %arg9[%dma_start3A_134, %dma_start3A_135, %dma_start3A_136] : memref<2x128x128xf32, #tpu.memory_space<vmem>> -> memref<1x128x128xf32, #tpu.memory_space<vmem>>
        %dma_start3A_138 = tpu.memref_squeeze %dma_start3A_137 : memref<1x128x128xf32, #tpu.memory_space<vmem>> -> memref<128x128xf32, #tpu.memory_space<vmem>>
        %dma_start3A_139 = arith.constant 0 : i32
        %dma_start3A_140 = tpu.memref_slice %arg7[%add3A_133, %dma_start3A_139] : memref<40x128xi32, #tpu.memory_space<vmem>> -> memref<1x128xi32, #tpu.memory_space<vmem>>
        %dma_start3A_141 = tpu.memref_squeeze %dma_start3A_140 : memref<1x128xi32, #tpu.memory_space<vmem>> -> memref<128xi32, #tpu.memory_space<vmem>>
        %dma_start3A_142 = arith.constant 0 : i32
        %dma_start3A_143 = arith.constant 0 : i32
        %dma_start3A_144 = tpu.memref_slice %arg2[%dma_start3A_142, %dma_start3A_143] : memref<10240x128xf32, #tpu.memory_space<hbm>> -> memref<10240x128xf32, #tpu.memory_space<hbm>>
        tpu.enqueue_indirect_dma source(%dma_start3A_144 : memref<10240x128xf32, #tpu.memory_space<hbm>>) target(%dma_start3A_138 : memref<128x128xf32, #tpu.memory_space<vmem>>) offsets(%dma_start3A_141 : memref<128xi32, #tpu.memory_space<vmem>>) semaphore(%arg11 : memref<!tpu.dma_semaphore, #tpu.memory_space<semaphore_mem>>)
      } else {
      }
      %dma_wait3A_119 = arith.constant 1 : i32
      %dma_wait3A_120 = arith.constant 0 : i32
      %dma_wait3A_121 = arith.constant 0 : i32
      %dma_wait3A_122 = tpu.memref_slice %arg9[%dma_wait3A_119, %dma_wait3A_120, %dma_wait3A_121] : memref<2x128x128xf32, #tpu.memory_space<vmem>> -> memref<1x128x128xf32, #tpu.memory_space<vmem>>
      %dma_wait3A_123 = tpu.memref_squeeze %dma_wait3A_122 : memref<1x128x128xf32, #tpu.memory_space<vmem>> -> memref<128x128xf32, #tpu.memory_space<vmem>>
      %dma_wait3A_124 = arith.constant 0 : i32
      %dma_wait3A_125 = tpu.memref_slice %arg7[%add3A_94, %dma_wait3A_124] : memref<40x128xi32, #tpu.memory_space<vmem>> -> memref<1x128xi32, #tpu.memory_space<vmem>>
      %dma_wait3A_126 = tpu.memref_squeeze %dma_wait3A_125 : memref<1x128xi32, #tpu.memory_space<vmem>> -> memref<128xi32, #tpu.memory_space<vmem>>
      %dma_wait3A_127 = arith.constant 0 : i32
      %dma_wait3A_128 = arith.constant 0 : i32
      %dma_wait3A_129 = tpu.memref_slice %arg2[%dma_wait3A_127, %dma_wait3A_128] : memref<10240x128xf32, #tpu.memory_space<hbm>> -> memref<10240x128xf32, #tpu.memory_space<hbm>>
      tpu.wait_indirect_dma semaphore(%arg12 : memref<!tpu.dma_semaphore, #tpu.memory_space<semaphore_mem>>) src(%dma_wait3A_129 : memref<10240x128xf32, #tpu.memory_space<hbm>>) dst(%dma_wait3A_123 : memref<128x128xf32, #tpu.memory_space<vmem>>)
      %run_scoped3A_130 = arith.constant 1 : i32
      "tpu.region"() ({
        %run_scoped3A_132 = tpu.sem_alloc : memref<!tpu.dma_semaphore, #tpu.memory_space<semaphore_mem>>
        %dma_start3A_133 = arith.constant 0 : i32
        %dma_start3A_134 = arith.constant 0 : i32
        %dma_start3A_135 = tpu.memref_slice %arg9[%run_scoped3A_130, %dma_start3A_133, %dma_start3A_134] : memref<2x128x128xf32, #tpu.memory_space<vmem>> -> memref<1x128x128xf32, #tpu.memory_space<vmem>>
        %dma_start3A_136 = tpu.memref_squeeze %dma_start3A_135 : memref<1x128x128xf32, #tpu.memory_space<vmem>> -> memref<128x128xf32, #tpu.memory_space<vmem>>
        %dma_start3A_137 = arith.constant 0 : i32
        %dma_start3A_138 = tpu.memref_slice %arg8[%add3A_94, %dma_start3A_137] : memref<40x128xi32, #tpu.memory_space<vmem>> -> memref<1x128xi32, #tpu.memory_space<vmem>>
        %dma_start3A_139 = tpu.memref_squeeze %dma_start3A_138 : memref<1x128xi32, #tpu.memory_space<vmem>> -> memref<128xi32, #tpu.memory_space<vmem>>
        %dma_start3A_140 = arith.constant 0 : i32
        %dma_start3A_141 = arith.constant 0 : i32
        %dma_start3A_142 = tpu.memref_slice %arg10[%dma_start3A_140, %dma_start3A_141] : memref<10240x128xf32, #tpu.memory_space<vmem_shared>> -> memref<10240x128xf32, #tpu.memory_space<vmem_shared>>
        tpu.enqueue_indirect_dma source(%dma_start3A_136 : memref<128x128xf32, #tpu.memory_space<vmem>>) target(%dma_start3A_142 : memref<10240x128xf32, #tpu.memory_space<vmem_shared>>) offsets(%dma_start3A_139 : memref<128xi32, #tpu.memory_space<vmem>>) semaphore(%run_scoped3A_132 : memref<!tpu.dma_semaphore, #tpu.memory_space<semaphore_mem>>) {add = true}
        %dma_wait3A_143 = arith.constant 0 : i32
        %dma_wait3A_144 = arith.constant 0 : i32
        %dma_wait3A_145 = tpu.memref_slice %arg9[%run_scoped3A_130, %dma_wait3A_143, %dma_wait3A_144] : memref<2x128x128xf32, #tpu.memory_space<vmem>> -> memref<1x128x128xf32, #tpu.memory_space<vmem>>
        %dma_wait3A_146 = tpu.memref_squeeze %dma_wait3A_145 : memref<1x128x128xf32, #tpu.memory_space<vmem>> -> memref<128x128xf32, #tpu.memory_space<vmem>>
        %dma_wait3A_147 = arith.constant 0 : i32
        %dma_wait3A_148 = tpu.memref_slice %arg8[%add3A_94, %dma_wait3A_147] : memref<40x128xi32, #tpu.memory_space<vmem>> -> memref<1x128xi32, #tpu.memory_space<vmem>>
        %dma_wait3A_149 = tpu.memref_squeeze %dma_wait3A_148 : memref<1x128xi32, #tpu.memory_space<vmem>> -> memref<128xi32, #tpu.memory_space<vmem>>
        %dma_wait3A_150 = arith.constant 0 : i32
        %dma_wait3A_151 = arith.constant 0 : i32
        %dma_wait3A_152 = tpu.memref_slice %arg10[%dma_wait3A_150, %dma_wait3A_151] : memref<10240x128xf32, #tpu.memory_space<vmem_shared>> -> memref<10240x128xf32, #tpu.memory_space<vmem_shared>>
        tpu.wait_indirect_dma semaphore(%run_scoped3A_132 : memref<!tpu.dma_semaphore, #tpu.memory_space<semaphore_mem>>) src(%dma_wait3A_146 : memref<128x128xf32, #tpu.memory_space<vmem>>) dst(%dma_wait3A_152 : memref<10240x128xf32, #tpu.memory_space<vmem_shared>>)
        tpu.yield
      }) : () -> ()
      %scan3A_131 = arith.constant 0 : i32
      scf.yield %scan3A_131 : i32
    }
    %scan3A_67 = arith.constant 20 : i32
    %barrier3A_68 = arith.constant 0 : index
    tpu.barrier barrier_id(%barrier3A_68)
    %mul3A_69 = arith.constant 640 : i32
    %mul3A_70 = arith.muli %arg1, %mul3A_69 : i32
    %add3A_71 = arith.constant 0 : i32
    %add3A_72 = arith.addi %mul3A_70, %add3A_71 : i32
    "tpu.region"() ({
      %run_scoped3A_89 = tpu.sem_alloc : memref<!tpu.dma_semaphore, #tpu.memory_space<semaphore_mem>>
      %dma_start3A_90 = arith.constant 0 : i32
      %dma_start3A_91 = tpu.memref_slice %arg6[%arg0, %add3A_72, %dma_start3A_90] : memref<2x10240x128xf32, #tpu.memory_space<hbm>> -> memref<1x128x128xf32, #tpu.memory_space<hbm>>
      %dma_start3A_92 = tpu.memref_squeeze %dma_start3A_91 : memref<1x128x128xf32, #tpu.memory_space<hbm>> -> memref<128x128xf32, #tpu.memory_space<hbm>>
      %dma_start3A_93 = arith.constant 0 : i32
      %dma_start3A_94 = tpu.memref_slice %arg10[%add3A_72, %dma_start3A_93] : memref<10240x128xf32, #tpu.memory_space<vmem_shared>> -> memref<128x128xf32, #tpu.memory_space<vmem_shared>>
      tpu.enqueue_dma source(%dma_start3A_94 : memref<128x128xf32, #tpu.memory_space<vmem_shared>>) target(%dma_start3A_92 : memref<128x128xf32, #tpu.memory_space<hbm>>) target_semaphore(%run_scoped3A_89 : memref<!tpu.dma_semaphore, #tpu.memory_space<semaphore_mem>>)
      %dma_wait3A = arith.constant 0 : i32
      %dma_wait3A_95 = tpu.memref_slice %arg6[%arg0, %add3A_72, %dma_wait3A] : memref<2x10240x128xf32, #tpu.memory_space<hbm>> -> memref<1x128x128xf32, #tpu.memory_space<hbm>>
      %dma_wait3A_96 = tpu.memref_squeeze %dma_wait3A_95 : memref<1x128x128xf32, #tpu.memory_space<hbm>> -> memref<128x128xf32, #tpu.memory_space<hbm>>
      %dma_wait3A_97 = arith.constant 0 : i32
      %dma_wait3A_98 = tpu.memref_slice %arg10[%add3A_72, %dma_wait3A_97] : memref<10240x128xf32, #tpu.memory_space<vmem_shared>> -> memref<128x128xf32, #tpu.memory_space<vmem_shared>>
      tpu.wait_dma2 semaphore(%run_scoped3A_89 : memref<!tpu.dma_semaphore, #tpu.memory_space<semaphore_mem>>) src(%dma_wait3A_98 : memref<128x128xf32, #tpu.memory_space<vmem_shared>>) dst(%dma_wait3A_96 : memref<128x128xf32, #tpu.memory_space<hbm>>)
      tpu.yield
    }) : () -> ()
    %mul3A_73 = arith.constant 640 : i32
    %mul3A_74 = arith.muli %arg1, %mul3A_73 : i32
    %add3A_75 = arith.constant 128 : i32
    %add3A_76 = arith.addi %mul3A_74, %add3A_75 : i32
    "tpu.region"() ({
      %run_scoped3A_89 = tpu.sem_alloc : memref<!tpu.dma_semaphore, #tpu.memory_space<semaphore_mem>>
      %dma_start3A_90 = arith.constant 0 : i32
      %dma_start3A_91 = tpu.memref_slice %arg6[%arg0, %add3A_76, %dma_start3A_90] : memref<2x10240x128xf32, #tpu.memory_space<hbm>> -> memref<1x128x128xf32, #tpu.memory_space<hbm>>
      %dma_start3A_92 = tpu.memref_squeeze %dma_start3A_91 : memref<1x128x128xf32, #tpu.memory_space<hbm>> -> memref<128x128xf32, #tpu.memory_space<hbm>>
      %dma_start3A_93 = arith.constant 0 : i32
      %dma_start3A_94 = tpu.memref_slice %arg10[%add3A_76, %dma_start3A_93] : memref<10240x128xf32, #tpu.memory_space<vmem_shared>> -> memref<128x128xf32, #tpu.memory_space<vmem_shared>>
      tpu.enqueue_dma source(%dma_start3A_94 : memref<128x128xf32, #tpu.memory_space<vmem_shared>>) target(%dma_start3A_92 : memref<128x128xf32, #tpu.memory_space<hbm>>) target_semaphore(%run_scoped3A_89 : memref<!tpu.dma_semaphore, #tpu.memory_space<semaphore_mem>>)
      %dma_wait3A = arith.constant 0 : i32
      %dma_wait3A_95 = tpu.memref_slice %arg6[%arg0, %add3A_76, %dma_wait3A] : memref<2x10240x128xf32, #tpu.memory_space<hbm>> -> memref<1x128x128xf32, #tpu.memory_space<hbm>>
      %dma_wait3A_96 = tpu.memref_squeeze %dma_wait3A_95 : memref<1x128x128xf32, #tpu.memory_space<hbm>> -> memref<128x128xf32, #tpu.memory_space<hbm>>
      %dma_wait3A_97 = arith.constant 0 : i32
      %dma_wait3A_98 = tpu.memref_slice %arg10[%add3A_76, %dma_wait3A_97] : memref<10240x128xf32, #tpu.memory_space<vmem_shared>> -> memref<128x128xf32, #tpu.memory_space<vmem_shared>>
      tpu.wait_dma2 semaphore(%run_scoped3A_89 : memref<!tpu.dma_semaphore, #tpu.memory_space<semaphore_mem>>) src(%dma_wait3A_98 : memref<128x128xf32, #tpu.memory_space<vmem_shared>>) dst(%dma_wait3A_96 : memref<128x128xf32, #tpu.memory_space<hbm>>)
      tpu.yield
    }) : () -> ()
    %mul3A_77 = arith.constant 640 : i32
    %mul3A_78 = arith.muli %arg1, %mul3A_77 : i32
    %add3A_79 = arith.constant 256 : i32
    %add3A_80 = arith.addi %mul3A_78, %add3A_79 : i32
    "tpu.region"() ({
      %run_scoped3A_89 = tpu.sem_alloc : memref<!tpu.dma_semaphore, #tpu.memory_space<semaphore_mem>>
      %dma_start3A_90 = arith.constant 0 : i32
      %dma_start3A_91 = tpu.memref_slice %arg6[%arg0, %add3A_80, %dma_start3A_90] : memref<2x10240x128xf32, #tpu.memory_space<hbm>> -> memref<1x128x128xf32, #tpu.memory_space<hbm>>
      %dma_start3A_92 = tpu.memref_squeeze %dma_start3A_91 : memref<1x128x128xf32, #tpu.memory_space<hbm>> -> memref<128x128xf32, #tpu.memory_space<hbm>>
      %dma_start3A_93 = arith.constant 0 : i32
      %dma_start3A_94 = tpu.memref_slice %arg10[%add3A_80, %dma_start3A_93] : memref<10240x128xf32, #tpu.memory_space<vmem_shared>> -> memref<128x128xf32, #tpu.memory_space<vmem_shared>>
      tpu.enqueue_dma source(%dma_start3A_94 : memref<128x128xf32, #tpu.memory_space<vmem_shared>>) target(%dma_start3A_92 : memref<128x128xf32, #tpu.memory_space<hbm>>) target_semaphore(%run_scoped3A_89 : memref<!tpu.dma_semaphore, #tpu.memory_space<semaphore_mem>>)
      %dma_wait3A = arith.constant 0 : i32
      %dma_wait3A_95 = tpu.memref_slice %arg6[%arg0, %add3A_80, %dma_wait3A] : memref<2x10240x128xf32, #tpu.memory_space<hbm>> -> memref<1x128x128xf32, #tpu.memory_space<hbm>>
      %dma_wait3A_96 = tpu.memref_squeeze %dma_wait3A_95 : memref<1x128x128xf32, #tpu.memory_space<hbm>> -> memref<128x128xf32, #tpu.memory_space<hbm>>
      %dma_wait3A_97 = arith.constant 0 : i32
      %dma_wait3A_98 = tpu.memref_slice %arg10[%add3A_80, %dma_wait3A_97] : memref<10240x128xf32, #tpu.memory_space<vmem_shared>> -> memref<128x128xf32, #tpu.memory_space<vmem_shared>>
      tpu.wait_dma2 semaphore(%run_scoped3A_89 : memref<!tpu.dma_semaphore, #tpu.memory_space<semaphore_mem>>) src(%dma_wait3A_98 : memref<128x128xf32, #tpu.memory_space<vmem_shared>>) dst(%dma_wait3A_96 : memref<128x128xf32, #tpu.memory_space<hbm>>)
      tpu.yield
    }) : () -> ()
    %mul3A_81 = arith.constant 640 : i32
    %mul3A_82 = arith.muli %arg1, %mul3A_81 : i32
    %add3A_83 = arith.constant 384 : i32
    %add3A_84 = arith.addi %mul3A_82, %add3A_83 : i32
    "tpu.region"() ({
      %run_scoped3A_89 = tpu.sem_alloc : memref<!tpu.dma_semaphore, #tpu.memory_space<semaphore_mem>>
      %dma_start3A_90 = arith.constant 0 : i32
      %dma_start3A_91 = tpu.memref_slice %arg6[%arg0, %add3A_84, %dma_start3A_90] : memref<2x10240x128xf32, #tpu.memory_space<hbm>> -> memref<1x128x128xf32, #tpu.memory_space<hbm>>
      %dma_start3A_92 = tpu.memref_squeeze %dma_start3A_91 : memref<1x128x128xf32, #tpu.memory_space<hbm>> -> memref<128x128xf32, #tpu.memory_space<hbm>>
      %dma_start3A_93 = arith.constant 0 : i32
      %dma_start3A_94 = tpu.memref_slice %arg10[%add3A_84, %dma_start3A_93] : memref<10240x128xf32, #tpu.memory_space<vmem_shared>> -> memref<128x128xf32, #tpu.memory_space<vmem_shared>>
      tpu.enqueue_dma source(%dma_start3A_94 : memref<128x128xf32, #tpu.memory_space<vmem_shared>>) target(%dma_start3A_92 : memref<128x128xf32, #tpu.memory_space<hbm>>) target_semaphore(%run_scoped3A_89 : memref<!tpu.dma_semaphore, #tpu.memory_space<semaphore_mem>>)
      %dma_wait3A = arith.constant 0 : i32
      %dma_wait3A_95 = tpu.memref_slice %arg6[%arg0, %add3A_84, %dma_wait3A] : memref<2x10240x128xf32, #tpu.memory_space<hbm>> -> memref<1x128x128xf32, #tpu.memory_space<hbm>>
      %dma_wait3A_96 = tpu.memref_squeeze %dma_wait3A_95 : memref<1x128x128xf32, #tpu.memory_space<hbm>> -> memref<128x128xf32, #tpu.memory_space<hbm>>
      %dma_wait3A_97 = arith.constant 0 : i32
      %dma_wait3A_98 = tpu.memref_slice %arg10[%add3A_84, %dma_wait3A_97] : memref<10240x128xf32, #tpu.memory_space<vmem_shared>> -> memref<128x128xf32, #tpu.memory_space<vmem_shared>>
      tpu.wait_dma2 semaphore(%run_scoped3A_89 : memref<!tpu.dma_semaphore, #tpu.memory_space<semaphore_mem>>) src(%dma_wait3A_98 : memref<128x128xf32, #tpu.memory_space<vmem_shared>>) dst(%dma_wait3A_96 : memref<128x128xf32, #tpu.memory_space<hbm>>)
      tpu.yield
    }) : () -> ()
    %mul3A_85 = arith.constant 640 : i32
    %mul3A_86 = arith.muli %arg1, %mul3A_85 : i32
    %add3A_87 = arith.constant 512 : i32
    %add3A_88 = arith.addi %mul3A_86, %add3A_87 : i32
    "tpu.region"() ({
      %run_scoped3A_89 = tpu.sem_alloc : memref<!tpu.dma_semaphore, #tpu.memory_space<semaphore_mem>>
      %dma_start3A_90 = arith.constant 0 : i32
      %dma_start3A_91 = tpu.memref_slice %arg6[%arg0, %add3A_88, %dma_start3A_90] : memref<2x10240x128xf32, #tpu.memory_space<hbm>> -> memref<1x128x128xf32, #tpu.memory_space<hbm>>
      %dma_start3A_92 = tpu.memref_squeeze %dma_start3A_91 : memref<1x128x128xf32, #tpu.memory_space<hbm>> -> memref<128x128xf32, #tpu.memory_space<hbm>>
      %dma_start3A_93 = arith.constant 0 : i32
      %dma_start3A_94 = tpu.memref_slice %arg10[%add3A_88, %dma_start3A_93] : memref<10240x128xf32, #tpu.memory_space<vmem_shared>> -> memref<128x128xf32, #tpu.memory_space<vmem_shared>>
      tpu.enqueue_dma source(%dma_start3A_94 : memref<128x128xf32, #tpu.memory_space<vmem_shared>>) target(%dma_start3A_92 : memref<128x128xf32, #tpu.memory_space<hbm>>) target_semaphore(%run_scoped3A_89 : memref<!tpu.dma_semaphore, #tpu.memory_space<semaphore_mem>>)
      %dma_wait3A = arith.constant 0 : i32
      %dma_wait3A_95 = tpu.memref_slice %arg6[%arg0, %add3A_88, %dma_wait3A] : memref<2x10240x128xf32, #tpu.memory_space<hbm>> -> memref<1x128x128xf32, #tpu.memory_space<hbm>>
      %dma_wait3A_96 = tpu.memref_squeeze %dma_wait3A_95 : memref<1x128x128xf32, #tpu.memory_space<hbm>> -> memref<128x128xf32, #tpu.memory_space<hbm>>
      %dma_wait3A_97 = arith.constant 0 : i32
      %dma_wait3A_98 = tpu.memref_slice %arg10[%add3A_88, %dma_wait3A_97] : memref<10240x128xf32, #tpu.memory_space<vmem_shared>> -> memref<128x128xf32, #tpu.memory_space<vmem_shared>>
      tpu.wait_dma2 semaphore(%run_scoped3A_89 : memref<!tpu.dma_semaphore, #tpu.memory_space<semaphore_mem>>) src(%dma_wait3A_98 : memref<128x128xf32, #tpu.memory_space<vmem_shared>>) dst(%dma_wait3A_96 : memref<128x128xf32, #tpu.memory_space<hbm>>)
      tpu.yield
    }) : () -> ()
    return
  }
}

module attributes {stable_mosaic.version = 14 : i64} {
  func.func @_tc_in_body(%arg0: i32, %arg1: memref<2048x128xf32, #tpu.memory_space<vmem>>, %arg2: memref<128x128xf32, #tpu.memory_space<vmem>>, %arg3: memref<1x128xf32, #tpu.memory_space<vmem>>, %arg4: memref<1x128xf32, #tpu.memory_space<vmem>>, %arg5: memref<1x128xf32, #tpu.memory_space<vmem>>, %arg6: memref<2048x128xf32, #tpu.memory_space<vmem>>) attributes {dimension_semantics = [#tpu.dimension_semantics<arbitrary>], iteration_bounds = array<i64: 5>, scalar_prefetch = 0 : i64, scratch_operands = 0 : i64, tpu.core_type = #tpu.core_type<tc>, window_params = [{transform_indices = @transform_0, window_bounds = array<i64: 2048, 128>}, {pipeline_mode = #tpu.pipeline_mode<synchronous>, transform_indices = @transform_1, window_bounds = array<i64: 128, 128>}, {pipeline_mode = #tpu.pipeline_mode<synchronous>, transform_indices = @transform_2, window_bounds = array<i64: 1, 128>}, {pipeline_mode = #tpu.pipeline_mode<synchronous>, transform_indices = @transform_3, window_bounds = array<i64: 1, 128>}, {pipeline_mode = #tpu.pipeline_mode<synchronous>, transform_indices = @transform_4, window_bounds = array<i64: 1, 128>}, {transform_indices = @transform_5, window_bounds = array<i64: 2048, 128>}]} {
    %get3A = arith.constant 0 : index
    %get3A_0 = arith.constant 0 : index
    %get3A_1 = vector.load %arg1[%get3A, %get3A_0] : memref<2048x128xf32, #tpu.memory_space<vmem>>, vector<2048x128xf32>
    %get3A_2 = arith.constant 0 : index
    %get3A_3 = arith.constant 0 : index
    %get3A_4 = vector.load %arg2[%get3A_2, %get3A_3] : memref<128x128xf32, #tpu.memory_space<vmem>>, vector<128x128xf32>
    %dot_general3A = arith.constant dense<0.000000e+00> : vector<2048x128xf32>
    %dot_general3A_5 = tpu.matmul %get3A_1, %get3A_4, %dot_general3A {dimension_numbers = #tpu.dot_dimension_numbers<[1], [0], [0], [1], [0, 0, 1, 1], [], []>, transpose_lhs_hint = false} : vector<2048x128xf32>, vector<128x128xf32>, vector<2048x128xf32> -> vector<2048x128xf32>
    %get3A_6 = arith.constant 0 : index
    %get3A_7 = arith.constant 0 : index
    %get3A_8 = vector.load %arg3[%get3A_6, %get3A_7] : memref<1x128xf32, #tpu.memory_space<vmem>>, vector<1x128xf32>
    %add3A = vector.broadcast %get3A_8 : vector<1x128xf32> to vector<2048x128xf32>
    %add3A_9 = arith.addf %dot_general3A_5, %add3A : vector<2048x128xf32>
    %get3A_10 = arith.constant 0 : index
    %get3A_11 = arith.constant 0 : index
    %get3A_12 = vector.load %arg4[%get3A_10, %get3A_11] : memref<1x128xf32, #tpu.memory_space<vmem>>, vector<1x128xf32>
    %get3A_13 = arith.constant 0 : index
    %get3A_14 = arith.constant 0 : index
    %get3A_15 = vector.load %arg5[%get3A_13, %get3A_14] : memref<1x128xf32, #tpu.memory_space<vmem>>, vector<1x128xf32>
    %reduce_sum3A = arith.constant dense<0.000000e+00> : vector<2048xf32>
    %reduce_sum3A_16 = vector.multi_reduction <add>, %add3A_9, %reduce_sum3A [1] : vector<2048x128xf32> to vector<2048xf32>
    %broadcast_in_dim3A = vector.shape_cast %reduce_sum3A_16 : vector<2048xf32> to vector<2048x1xf32>
    %div3A = arith.constant 1.280000e+02 : f32
    %div3A_17 = vector.broadcast %div3A : f32 to vector<2048x1xf32>
    %div3A_18 = arith.divf %broadcast_in_dim3A, %div3A_17 : vector<2048x1xf32>
    %sub3A = vector.broadcast %div3A_18 : vector<2048x1xf32> to vector<2048x128xf32>
    %sub3A_19 = arith.subf %add3A_9, %sub3A : vector<2048x128xf32>
    %integer_pow3A = arith.mulf %sub3A_19, %sub3A_19 : vector<2048x128xf32>
    %reduce_sum3A_20 = arith.constant dense<0.000000e+00> : vector<2048xf32>
    %reduce_sum3A_21 = vector.multi_reduction <add>, %integer_pow3A, %reduce_sum3A_20 [1] : vector<2048x128xf32> to vector<2048xf32>
    %broadcast_in_dim3A_22 = vector.shape_cast %reduce_sum3A_21 : vector<2048xf32> to vector<2048x1xf32>
    %div3A_23 = arith.constant 1.280000e+02 : f32
    %div3A_24 = vector.broadcast %div3A_23 : f32 to vector<2048x1xf32>
    %div3A_25 = arith.divf %broadcast_in_dim3A_22, %div3A_24 : vector<2048x1xf32>
    %sub3A_26 = vector.broadcast %div3A_18 : vector<2048x1xf32> to vector<2048x128xf32>
    %sub3A_27 = arith.subf %add3A_9, %sub3A_26 : vector<2048x128xf32>
    %add3A_28 = arith.constant 9.99999974E-6 : f32
    %add3A_29 = vector.broadcast %add3A_28 : f32 to vector<2048x1xf32>
    %add3A_30 = arith.addf %div3A_25, %add3A_29 : vector<2048x1xf32>
    %rsqrt3A = math.rsqrt %add3A_30 : vector<2048x1xf32>
    %mul3A = vector.broadcast %rsqrt3A : vector<2048x1xf32> to vector<2048x128xf32>
    %mul3A_31 = arith.mulf %sub3A_27, %mul3A : vector<2048x128xf32>
    %mul3A_32 = vector.broadcast %get3A_12 : vector<1x128xf32> to vector<2048x128xf32>
    %mul3A_33 = arith.mulf %mul3A_31, %mul3A_32 : vector<2048x128xf32>
    %add3A_34 = vector.broadcast %get3A_15 : vector<1x128xf32> to vector<2048x128xf32>
    %add3A_35 = arith.addf %mul3A_33, %add3A_34 : vector<2048x128xf32>
    %max3A = arith.constant 0.000000e+00 : f32
    %max3A_36 = vector.broadcast %max3A : f32 to vector<2048x128xf32>
    %max3A_37 = arith.maximumf %add3A_35, %max3A_36 : vector<2048x128xf32>
    %swap3A = arith.constant 0 : index
    %swap3A_38 = arith.constant 0 : index
    %swap3A_39 = vector.load %arg6[%swap3A, %swap3A_38] : memref<2048x128xf32, #tpu.memory_space<vmem>>, vector<2048x128xf32>
    tpu.vector_store %arg6[%swap3A, %swap3A_38], %max3A_37 {strides = array<i32>} : memref<2048x128xf32, #tpu.memory_space<vmem>>, vector<2048x128xf32>,
    return
  }
  func.func @transform_0(%arg0: i32) -> (i32, i32) {
    %c0_i32 = arith.constant 0 : i32
    %c0_i32_0 = arith.constant 0 : i32
    return %arg0, %c0_i32 : i32, i32
  }
  func.func @transform_1(%arg0: i32) -> (i32, i32) {
    %c0_i32 = arith.constant 0 : i32
    %c0_i32_0 = arith.constant 0 : i32
    %c0_i32_1 = arith.constant 0 : i32
    return %c0_i32, %c0_i32_0 : i32, i32
  }
  func.func @transform_2(%arg0: i32) -> (i32, i32) {
    %c0_i32 = arith.constant 0 : i32
    %c0_i32_0 = arith.constant 0 : i32
    %c0_i32_1 = arith.constant 0 : i32
    return %c0_i32, %c0_i32_0 : i32, i32
  }
  func.func @transform_3(%arg0: i32) -> (i32, i32) {
    %c0_i32 = arith.constant 0 : i32
    %c0_i32_0 = arith.constant 0 : i32
    %c0_i32_1 = arith.constant 0 : i32
    return %c0_i32, %c0_i32_0 : i32, i32
  }
  func.func @transform_4(%arg0: i32) -> (i32, i32) {
    %c0_i32 = arith.constant 0 : i32
    %c0_i32_0 = arith.constant 0 : i32
    %c0_i32_1 = arith.constant 0 : i32
    return %c0_i32, %c0_i32_0 : i32, i32
  }
  func.func @transform_5(%arg0: i32) -> (i32, i32) {
    %c0_i32 = arith.constant 0 : i32
    %c0_i32_0 = arith.constant 0 : i32
    return %arg0, %c0_i32 : i32, i32
  }
}

module attributes {stable_mosaic.version = 14 : i64} {
  func.func @_tc_layer_body(%arg0: i32, %arg1: memref<2x2048x128xf32, #tpu.memory_space<vmem>>, %arg2: memref<2x2048x16xf32, #tpu.memory_space<vmem>>, %arg3: memref<2048x128xf32, #tpu.memory_space<vmem>>, %arg4: memref<128x128xf32, #tpu.memory_space<vmem>>, %arg5: memref<128x128xf32, #tpu.memory_space<vmem>>, %arg6: memref<1x128xf32, #tpu.memory_space<vmem>>, %arg7: memref<1x128xf32, #tpu.memory_space<vmem>>, %arg8: memref<1x128xf32, #tpu.memory_space<vmem>>, %arg9: memref<2048x128xf32, #tpu.memory_space<vmem>>) attributes {dimension_semantics = [#tpu.dimension_semantics<arbitrary>], iteration_bounds = array<i64: 5>, scalar_prefetch = 0 : i64, scratch_operands = 0 : i64, tpu.core_type = #tpu.core_type<tc>, window_params = [{transform_indices = @transform_0, window_bounds = array<i64: 2, 2048, 128>}, {transform_indices = @transform_1, window_bounds = array<i64: 2, 2048, 16>}, {transform_indices = @transform_2, window_bounds = array<i64: 2048, 128>}, {pipeline_mode = #tpu.pipeline_mode<synchronous>, transform_indices = @transform_3, window_bounds = array<i64: 128, 128>}, {pipeline_mode = #tpu.pipeline_mode<synchronous>, transform_indices = @transform_4, window_bounds = array<i64: 128, 128>}, {pipeline_mode = #tpu.pipeline_mode<synchronous>, transform_indices = @transform_5, window_bounds = array<i64: 1, 128>}, {pipeline_mode = #tpu.pipeline_mode<synchronous>, transform_indices = @transform_6, window_bounds = array<i64: 1, 128>}, {pipeline_mode = #tpu.pipeline_mode<synchronous>, transform_indices = @transform_7, window_bounds = array<i64: 1, 128>}, {transform_indices = @transform_8, window_bounds = array<i64: 2048, 128>}]} {
    %get3A = arith.constant 0 : index
    %get3A_0 = arith.constant 0 : index
    %get3A_1 = arith.constant 0 : index
    %get3A_2 = vector.load %arg2[%get3A, %get3A_0, %get3A_1] : memref<2x2048x16xf32, #tpu.memory_space<vmem>>, vector<1x2048x1xf32>
    %get3A_3 = vector.shape_cast %get3A_2 : vector<1x2048x1xf32> to vector<2048x1xf32>
    %get3A_4 = arith.constant 1 : index
    %get3A_5 = arith.constant 0 : index
    %get3A_6 = arith.constant 0 : index
    %get3A_7 = vector.load %arg2[%get3A_4, %get3A_5, %get3A_6] : memref<2x2048x16xf32, #tpu.memory_space<vmem>>, vector<1x2048x1xf32>
    %get3A_8 = vector.shape_cast %get3A_7 : vector<1x2048x1xf32> to vector<2048x1xf32>
    %add3A = arith.addf %get3A_3, %get3A_8 : vector<2048x1xf32>
    %max3A = arith.constant 1.000000e+00 : f32
    %max3A_9 = vector.broadcast %max3A : f32 to vector<2048x1xf32>
    %max3A_10 = arith.maximumf %add3A, %max3A_9 : vector<2048x1xf32>
    %div3A = arith.constant 1.000000e+00 : f32
    %div3A_11 = vector.broadcast %div3A : f32 to vector<2048x1xf32>
    %div3A_12 = arith.divf %div3A_11, %max3A_10 : vector<2048x1xf32>
    %get3A_13 = arith.constant 0 : index
    %get3A_14 = arith.constant 0 : index
    %get3A_15 = arith.constant 0 : index
    %get3A_16 = vector.load %arg1[%get3A_13, %get3A_14, %get3A_15] : memref<2x2048x128xf32, #tpu.memory_space<vmem>>, vector<1x2048x128xf32>
    %get3A_17 = vector.shape_cast %get3A_16 : vector<1x2048x128xf32> to vector<2048x128xf32>
    %get3A_18 = arith.constant 1 : index
    %get3A_19 = arith.constant 0 : index
    %get3A_20 = arith.constant 0 : index
    %get3A_21 = vector.load %arg1[%get3A_18, %get3A_19, %get3A_20] : memref<2x2048x128xf32, #tpu.memory_space<vmem>>, vector<1x2048x128xf32>
    %get3A_22 = vector.shape_cast %get3A_21 : vector<1x2048x128xf32> to vector<2048x128xf32>
    %add3A_23 = arith.addf %get3A_17, %get3A_22 : vector<2048x128xf32>
    %mul3A = vector.broadcast %div3A_12 : vector<2048x1xf32> to vector<2048x128xf32>
    %mul3A_24 = arith.mulf %add3A_23, %mul3A : vector<2048x128xf32>
    %get3A_25 = arith.constant 0 : index
    %get3A_26 = arith.constant 0 : index
    %get3A_27 = vector.load %arg4[%get3A_25, %get3A_26] : memref<128x128xf32, #tpu.memory_space<vmem>>, vector<128x128xf32>
    %dot_general3A = arith.constant dense<0.000000e+00> : vector<2048x128xf32>
    %dot_general3A_28 = tpu.matmul %mul3A_24, %get3A_27, %dot_general3A {dimension_numbers = #tpu.dot_dimension_numbers<[1], [0], [0], [1], [0, 0, 1, 1], [], []>, transpose_lhs_hint = false} : vector<2048x128xf32>, vector<128x128xf32>, vector<2048x128xf32> -> vector<2048x128xf32>
    %get3A_29 = arith.constant 0 : index
    %get3A_30 = arith.constant 0 : index
    %get3A_31 = vector.load %arg3[%get3A_29, %get3A_30] : memref<2048x128xf32, #tpu.memory_space<vmem>>, vector<2048x128xf32>
    %get3A_32 = arith.constant 0 : index
    %get3A_33 = arith.constant 0 : index
    %get3A_34 = vector.load %arg5[%get3A_32, %get3A_33] : memref<128x128xf32, #tpu.memory_space<vmem>>, vector<128x128xf32>
    %dot_general3A_35 = arith.constant dense<0.000000e+00> : vector<2048x128xf32>
    %dot_general3A_36 = tpu.matmul %get3A_31, %get3A_34, %dot_general3A_35 {dimension_numbers = #tpu.dot_dimension_numbers<[1], [0], [0], [1], [0, 0, 1, 1], [], []>, transpose_lhs_hint = false} : vector<2048x128xf32>, vector<128x128xf32>, vector<2048x128xf32> -> vector<2048x128xf32>
    %add3A_37 = arith.addf %dot_general3A_28, %dot_general3A_36 : vector<2048x128xf32>
    %get3A_38 = arith.constant 0 : index
    %get3A_39 = arith.constant 0 : index
    %get3A_40 = vector.load %arg6[%get3A_38, %get3A_39] : memref<1x128xf32, #tpu.memory_space<vmem>>, vector<1x128xf32>
    %add3A_41 = vector.broadcast %get3A_40 : vector<1x128xf32> to vector<2048x128xf32>
    %add3A_42 = arith.addf %add3A_37, %add3A_41 : vector<2048x128xf32>
    %get3A_43 = arith.constant 0 : index
    %get3A_44 = arith.constant 0 : index
    %get3A_45 = vector.load %arg7[%get3A_43, %get3A_44] : memref<1x128xf32, #tpu.memory_space<vmem>>, vector<1x128xf32>
    %get3A_46 = arith.constant 0 : index
    %get3A_47 = arith.constant 0 : index
    %get3A_48 = vector.load %arg8[%get3A_46, %get3A_47] : memref<1x128xf32, #tpu.memory_space<vmem>>, vector<1x128xf32>
    %reduce_sum3A = arith.constant dense<0.000000e+00> : vector<2048xf32>
    %reduce_sum3A_49 = vector.multi_reduction <add>, %add3A_42, %reduce_sum3A [1] : vector<2048x128xf32> to vector<2048xf32>
    %broadcast_in_dim3A = vector.shape_cast %reduce_sum3A_49 : vector<2048xf32> to vector<2048x1xf32>
    %div3A_50 = arith.constant 1.280000e+02 : f32
    %div3A_51 = vector.broadcast %div3A_50 : f32 to vector<2048x1xf32>
    %div3A_52 = arith.divf %broadcast_in_dim3A, %div3A_51 : vector<2048x1xf32>
    %sub3A = vector.broadcast %div3A_52 : vector<2048x1xf32> to vector<2048x128xf32>
    %sub3A_53 = arith.subf %add3A_42, %sub3A : vector<2048x128xf32>
    %integer_pow3A = arith.mulf %sub3A_53, %sub3A_53 : vector<2048x128xf32>
    %reduce_sum3A_54 = arith.constant dense<0.000000e+00> : vector<2048xf32>
    %reduce_sum3A_55 = vector.multi_reduction <add>, %integer_pow3A, %reduce_sum3A_54 [1] : vector<2048x128xf32> to vector<2048xf32>
    %broadcast_in_dim3A_56 = vector.shape_cast %reduce_sum3A_55 : vector<2048xf32> to vector<2048x1xf32>
    %div3A_57 = arith.constant 1.280000e+02 : f32
    %div3A_58 = vector.broadcast %div3A_57 : f32 to vector<2048x1xf32>
    %div3A_59 = arith.divf %broadcast_in_dim3A_56, %div3A_58 : vector<2048x1xf32>
    %sub3A_60 = vector.broadcast %div3A_52 : vector<2048x1xf32> to vector<2048x128xf32>
    %sub3A_61 = arith.subf %add3A_42, %sub3A_60 : vector<2048x128xf32>
    %add3A_62 = arith.constant 9.99999974E-6 : f32
    %add3A_63 = vector.broadcast %add3A_62 : f32 to vector<2048x1xf32>
    %add3A_64 = arith.addf %div3A_59, %add3A_63 : vector<2048x1xf32>
    %rsqrt3A = math.rsqrt %add3A_64 : vector<2048x1xf32>
    %mul3A_65 = vector.broadcast %rsqrt3A : vector<2048x1xf32> to vector<2048x128xf32>
    %mul3A_66 = arith.mulf %sub3A_61, %mul3A_65 : vector<2048x128xf32>
    %mul3A_67 = vector.broadcast %get3A_45 : vector<1x128xf32> to vector<2048x128xf32>
    %mul3A_68 = arith.mulf %mul3A_66, %mul3A_67 : vector<2048x128xf32>
    %add3A_69 = vector.broadcast %get3A_48 : vector<1x128xf32> to vector<2048x128xf32>
    %add3A_70 = arith.addf %mul3A_68, %add3A_69 : vector<2048x128xf32>
    %max3A_71 = arith.constant 0.000000e+00 : f32
    %max3A_72 = vector.broadcast %max3A_71 : f32 to vector<2048x128xf32>
    %max3A_73 = arith.maximumf %add3A_70, %max3A_72 : vector<2048x128xf32>
    %swap3A = arith.constant 0 : index
    %swap3A_74 = arith.constant 0 : index
    %swap3A_75 = vector.load %arg9[%swap3A, %swap3A_74] : memref<2048x128xf32, #tpu.memory_space<vmem>>, vector<2048x128xf32>
    tpu.vector_store %arg9[%swap3A, %swap3A_74], %max3A_73 {strides = array<i32>} : memref<2048x128xf32, #tpu.memory_space<vmem>>, vector<2048x128xf32>,
    return
  }
  func.func @transform_0(%arg0: i32) -> (i32, i32, i32) {
    %c0_i32 = arith.constant 0 : i32
    %c0_i32_0 = arith.constant 0 : i32
    %c0_i32_1 = arith.constant 0 : i32
    return %c0_i32, %arg0, %c0_i32_0 : i32, i32, i32
  }
  func.func @transform_1(%arg0: i32) -> (i32, i32, i32) {
    %c0_i32 = arith.constant 0 : i32
    %c0_i32_0 = arith.constant 0 : i32
    %c0_i32_1 = arith.constant 0 : i32
    return %c0_i32, %arg0, %c0_i32_0 : i32, i32, i32
  }
  func.func @transform_2(%arg0: i32) -> (i32, i32) {
    %c0_i32 = arith.constant 0 : i32
    %c0_i32_0 = arith.constant 0 : i32
    return %arg0, %c0_i32 : i32, i32
  }
  func.func @transform_3(%arg0: i32) -> (i32, i32) {
    %c0_i32 = arith.constant 0 : i32
    %c0_i32_0 = arith.constant 0 : i32
    %c0_i32_1 = arith.constant 0 : i32
    return %c0_i32, %c0_i32_0 : i32, i32
  }
  func.func @transform_4(%arg0: i32) -> (i32, i32) {
    %c0_i32 = arith.constant 0 : i32
    %c0_i32_0 = arith.constant 0 : i32
    %c0_i32_1 = arith.constant 0 : i32
    return %c0_i32, %c0_i32_0 : i32, i32
  }
  func.func @transform_5(%arg0: i32) -> (i32, i32) {
    %c0_i32 = arith.constant 0 : i32
    %c0_i32_0 = arith.constant 0 : i32
    %c0_i32_1 = arith.constant 0 : i32
    return %c0_i32, %c0_i32_0 : i32, i32
  }
  func.func @transform_6(%arg0: i32) -> (i32, i32) {
    %c0_i32 = arith.constant 0 : i32
    %c0_i32_0 = arith.constant 0 : i32
    %c0_i32_1 = arith.constant 0 : i32
    return %c0_i32, %c0_i32_0 : i32, i32
  }
  func.func @transform_7(%arg0: i32) -> (i32, i32) {
    %c0_i32 = arith.constant 0 : i32
    %c0_i32_0 = arith.constant 0 : i32
    %c0_i32_1 = arith.constant 0 : i32
    return %c0_i32, %c0_i32_0 : i32, i32
  }
  func.func @transform_8(%arg0: i32) -> (i32, i32) {
    %c0_i32 = arith.constant 0 : i32
    %c0_i32_0 = arith.constant 0 : i32
    return %arg0, %c0_i32 : i32, i32
  }
}

module attributes {stable_mosaic.version = 14 : i64} {
  func.func @_tc_final_body(%arg0: i32, %arg1: memref<2x2048x128xf32, #tpu.memory_space<vmem>>, %arg2: memref<2x2048x16xf32, #tpu.memory_space<vmem>>, %arg3: memref<2048x128xf32, #tpu.memory_space<vmem>>, %arg4: memref<128x128xf32, #tpu.memory_space<vmem>>, %arg5: memref<128x128xf32, #tpu.memory_space<vmem>>, %arg6: memref<1x128xf32, #tpu.memory_space<vmem>>, %arg7: memref<1x128xf32, #tpu.memory_space<vmem>>, %arg8: memref<1x128xf32, #tpu.memory_space<vmem>>, %arg9: memref<2048x1xi32, #tpu.memory_space<vmem>>, %arg10: memref<2048x128xf32, #tpu.memory_space<vmem>>, %arg11: memref<8x128xf32, #tpu.memory_space<vmem>>, %arg12: memref<8x128xf32, #tpu.memory_space<vmem>>, %arg13: memref<8x128xf32, #tpu.memory_space<vmem>>) attributes {dimension_semantics = [#tpu.dimension_semantics<arbitrary>], iteration_bounds = array<i64: 5>, scalar_prefetch = 0 : i64, scratch_operands = 1 : i64, tpu.core_type = #tpu.core_type<tc>, window_params = [{transform_indices = @transform_0, window_bounds = array<i64: 2, 2048, 128>}, {transform_indices = @transform_1, window_bounds = array<i64: 2, 2048, 16>}, {transform_indices = @transform_2, window_bounds = array<i64: 2048, 128>}, {pipeline_mode = #tpu.pipeline_mode<synchronous>, transform_indices = @transform_3, window_bounds = array<i64: 128, 128>}, {pipeline_mode = #tpu.pipeline_mode<synchronous>, transform_indices = @transform_4, window_bounds = array<i64: 128, 128>}, {pipeline_mode = #tpu.pipeline_mode<synchronous>, transform_indices = @transform_5, window_bounds = array<i64: 1, 128>}, {pipeline_mode = #tpu.pipeline_mode<synchronous>, transform_indices = @transform_6, window_bounds = array<i64: 1, 128>}, {pipeline_mode = #tpu.pipeline_mode<synchronous>, transform_indices = @transform_7, window_bounds = array<i64: 1, 128>}, {transform_indices = @transform_8, window_bounds = array<i64: 2048, 1>}, {transform_indices = @transform_9, window_bounds = array<i64: 2048, 128>}, {pipeline_mode = #tpu.pipeline_mode<synchronous>, transform_indices = @transform_10, window_bounds = array<i64: 8, 128>}, {pipeline_mode = #tpu.pipeline_mode<synchronous>, transform_indices = @transform_11, window_bounds = array<i64: 8, 128>}]} {
    %get3A = arith.constant 0 : index
    %get3A_0 = arith.constant 0 : index
    %get3A_1 = arith.constant 0 : index
    %get3A_2 = vector.load %arg2[%get3A, %get3A_0, %get3A_1] : memref<2x2048x16xf32, #tpu.memory_space<vmem>>, vector<1x2048x1xf32>
    %get3A_3 = vector.shape_cast %get3A_2 : vector<1x2048x1xf32> to vector<2048x1xf32>
    %get3A_4 = arith.constant 1 : index
    %get3A_5 = arith.constant 0 : index
    %get3A_6 = arith.constant 0 : index
    %get3A_7 = vector.load %arg2[%get3A_4, %get3A_5, %get3A_6] : memref<2x2048x16xf32, #tpu.memory_space<vmem>>, vector<1x2048x1xf32>
    %get3A_8 = vector.shape_cast %get3A_7 : vector<1x2048x1xf32> to vector<2048x1xf32>
    %add3A = arith.addf %get3A_3, %get3A_8 : vector<2048x1xf32>
    %max3A = arith.constant 1.000000e+00 : f32
    %max3A_9 = vector.broadcast %max3A : f32 to vector<2048x1xf32>
    %max3A_10 = arith.maximumf %add3A, %max3A_9 : vector<2048x1xf32>
    %div3A = arith.constant 1.000000e+00 : f32
    %div3A_11 = vector.broadcast %div3A : f32 to vector<2048x1xf32>
    %div3A_12 = arith.divf %div3A_11, %max3A_10 : vector<2048x1xf32>
    %get3A_13 = arith.constant 0 : index
    %get3A_14 = arith.constant 0 : index
    %get3A_15 = arith.constant 0 : index
    %get3A_16 = vector.load %arg1[%get3A_13, %get3A_14, %get3A_15] : memref<2x2048x128xf32, #tpu.memory_space<vmem>>, vector<1x2048x128xf32>
    %get3A_17 = vector.shape_cast %get3A_16 : vector<1x2048x128xf32> to vector<2048x128xf32>
    %get3A_18 = arith.constant 1 : index
    %get3A_19 = arith.constant 0 : index
    %get3A_20 = arith.constant 0 : index
    %get3A_21 = vector.load %arg1[%get3A_18, %get3A_19, %get3A_20] : memref<2x2048x128xf32, #tpu.memory_space<vmem>>, vector<1x2048x128xf32>
    %get3A_22 = vector.shape_cast %get3A_21 : vector<1x2048x128xf32> to vector<2048x128xf32>
    %add3A_23 = arith.addf %get3A_17, %get3A_22 : vector<2048x128xf32>
    %mul3A = vector.broadcast %div3A_12 : vector<2048x1xf32> to vector<2048x128xf32>
    %mul3A_24 = arith.mulf %add3A_23, %mul3A : vector<2048x128xf32>
    %get3A_25 = arith.constant 0 : index
    %get3A_26 = arith.constant 0 : index
    %get3A_27 = vector.load %arg4[%get3A_25, %get3A_26] : memref<128x128xf32, #tpu.memory_space<vmem>>, vector<128x128xf32>
    %dot_general3A = arith.constant dense<0.000000e+00> : vector<2048x128xf32>
    %dot_general3A_28 = tpu.matmul %mul3A_24, %get3A_27, %dot_general3A {dimension_numbers = #tpu.dot_dimension_numbers<[1], [0], [0], [1], [0, 0, 1, 1], [], []>, transpose_lhs_hint = false} : vector<2048x128xf32>, vector<128x128xf32>, vector<2048x128xf32> -> vector<2048x128xf32>
    %get3A_29 = arith.constant 0 : index
    %get3A_30 = arith.constant 0 : index
    %get3A_31 = vector.load %arg3[%get3A_29, %get3A_30] : memref<2048x128xf32, #tpu.memory_space<vmem>>, vector<2048x128xf32>
    %get3A_32 = arith.constant 0 : index
    %get3A_33 = arith.constant 0 : index
    %get3A_34 = vector.load %arg5[%get3A_32, %get3A_33] : memref<128x128xf32, #tpu.memory_space<vmem>>, vector<128x128xf32>
    %dot_general3A_35 = arith.constant dense<0.000000e+00> : vector<2048x128xf32>
    %dot_general3A_36 = tpu.matmul %get3A_31, %get3A_34, %dot_general3A_35 {dimension_numbers = #tpu.dot_dimension_numbers<[1], [0], [0], [1], [0, 0, 1, 1], [], []>, transpose_lhs_hint = false} : vector<2048x128xf32>, vector<128x128xf32>, vector<2048x128xf32> -> vector<2048x128xf32>
    %add3A_37 = arith.addf %dot_general3A_28, %dot_general3A_36 : vector<2048x128xf32>
    %get3A_38 = arith.constant 0 : index
    %get3A_39 = arith.constant 0 : index
    %get3A_40 = vector.load %arg6[%get3A_38, %get3A_39] : memref<1x128xf32, #tpu.memory_space<vmem>>, vector<1x128xf32>
    %add3A_41 = vector.broadcast %get3A_40 : vector<1x128xf32> to vector<2048x128xf32>
    %add3A_42 = arith.addf %add3A_37, %add3A_41 : vector<2048x128xf32>
    %get3A_43 = arith.constant 0 : index
    %get3A_44 = arith.constant 0 : index
    %get3A_45 = vector.load %arg7[%get3A_43, %get3A_44] : memref<1x128xf32, #tpu.memory_space<vmem>>, vector<1x128xf32>
    %get3A_46 = arith.constant 0 : index
    %get3A_47 = arith.constant 0 : index
    %get3A_48 = vector.load %arg8[%get3A_46, %get3A_47] : memref<1x128xf32, #tpu.memory_space<vmem>>, vector<1x128xf32>
    %reduce_sum3A = arith.constant dense<0.000000e+00> : vector<2048xf32>
    %reduce_sum3A_49 = vector.multi_reduction <add>, %add3A_42, %reduce_sum3A [1] : vector<2048x128xf32> to vector<2048xf32>
    %broadcast_in_dim3A = vector.shape_cast %reduce_sum3A_49 : vector<2048xf32> to vector<2048x1xf32>
    %div3A_50 = arith.constant 1.280000e+02 : f32
    %div3A_51 = vector.broadcast %div3A_50 : f32 to vector<2048x1xf32>
    %div3A_52 = arith.divf %broadcast_in_dim3A, %div3A_51 : vector<2048x1xf32>
    %sub3A = vector.broadcast %div3A_52 : vector<2048x1xf32> to vector<2048x128xf32>
    %sub3A_53 = arith.subf %add3A_42, %sub3A : vector<2048x128xf32>
    %integer_pow3A = arith.mulf %sub3A_53, %sub3A_53 : vector<2048x128xf32>
    %reduce_sum3A_54 = arith.constant dense<0.000000e+00> : vector<2048xf32>
    %reduce_sum3A_55 = vector.multi_reduction <add>, %integer_pow3A, %reduce_sum3A_54 [1] : vector<2048x128xf32> to vector<2048xf32>
    %broadcast_in_dim3A_56 = vector.shape_cast %reduce_sum3A_55 : vector<2048xf32> to vector<2048x1xf32>
    %div3A_57 = arith.constant 1.280000e+02 : f32
    %div3A_58 = vector.broadcast %div3A_57 : f32 to vector<2048x1xf32>
    %div3A_59 = arith.divf %broadcast_in_dim3A_56, %div3A_58 : vector<2048x1xf32>
    %sub3A_60 = vector.broadcast %div3A_52 : vector<2048x1xf32> to vector<2048x128xf32>
    %sub3A_61 = arith.subf %add3A_42, %sub3A_60 : vector<2048x128xf32>
    %add3A_62 = arith.constant 9.99999974E-6 : f32
    %add3A_63 = vector.broadcast %add3A_62 : f32 to vector<2048x1xf32>
    %add3A_64 = arith.addf %div3A_59, %add3A_63 : vector<2048x1xf32>
    %rsqrt3A = math.rsqrt %add3A_64 : vector<2048x1xf32>
    %mul3A_65 = vector.broadcast %rsqrt3A : vector<2048x1xf32> to vector<2048x128xf32>
    %mul3A_66 = arith.mulf %sub3A_61, %mul3A_65 : vector<2048x128xf32>
    %mul3A_67 = vector.broadcast %get3A_45 : vector<1x128xf32> to vector<2048x128xf32>
    %mul3A_68 = arith.mulf %mul3A_66, %mul3A_67 : vector<2048x128xf32>
    %add3A_69 = vector.broadcast %get3A_48 : vector<1x128xf32> to vector<2048x128xf32>
    %add3A_70 = arith.addf %mul3A_68, %add3A_69 : vector<2048x128xf32>
    %max3A_71 = arith.constant 0.000000e+00 : f32
    %max3A_72 = vector.broadcast %max3A_71 : f32 to vector<2048x128xf32>
    %max3A_73 = arith.maximumf %add3A_70, %max3A_72 : vector<2048x128xf32>
    %swap3A = arith.constant 0 : index
    %swap3A_74 = arith.constant 0 : index
    %swap3A_75 = vector.load %arg10[%swap3A, %swap3A_74] : memref<2048x128xf32, #tpu.memory_space<vmem>>, vector<2048x128xf32>
    tpu.vector_store %arg10[%swap3A, %swap3A_74], %max3A_73 {strides = array<i32>} : memref<2048x128xf32, #tpu.memory_space<vmem>>, vector<2048x128xf32>,
    %eq3A = arith.constant 0 : i32
    %eq3A_76 = arith.cmpi eq, %arg0, %eq3A : i32
    %convert_element_type3A = arith.extui %eq3A_76 : i1 to i32
    %cond3A = arith.constant 0 : i32
    %cond3A_77 = arith.cmpi ne, %convert_element_type3A, %cond3A : i32
    scf.if %cond3A_77 {
      %broadcast_in_dim3A_251 = arith.constant 0.000000e+00 : f32
      %broadcast_in_dim3A_252 = vector.broadcast %broadcast_in_dim3A_251 : f32 to vector<8x128xf32>
      %swap3A_253 = arith.constant 0 : index
      %swap3A_254 = arith.constant 0 : index
      %swap3A_255 = vector.load %arg11[%swap3A_253, %swap3A_254] : memref<8x128xf32, #tpu.memory_space<vmem>>, vector<8x128xf32>
      tpu.vector_store %arg11[%swap3A_253, %swap3A_254], %broadcast_in_dim3A_252 {strides = array<i32>} : memref<8x128xf32, #tpu.memory_space<vmem>>, vector<8x128xf32>,
      %broadcast_in_dim3A_256 = arith.constant 0.000000e+00 : f32
      %broadcast_in_dim3A_257 = vector.broadcast %broadcast_in_dim3A_256 : f32 to vector<8x128xf32>
      %swap3A_258 = arith.constant 0 : index
      %swap3A_259 = arith.constant 0 : index
      %swap3A_260 = vector.load %arg13[%swap3A_258, %swap3A_259] : memref<8x128xf32, #tpu.memory_space<vmem>>, vector<8x128xf32>
      tpu.vector_store %arg13[%swap3A_258, %swap3A_259], %broadcast_in_dim3A_257 {strides = array<i32>} : memref<8x128xf32, #tpu.memory_space<vmem>>, vector<8x128xf32>,
      %broadcast_in_dim3A_261 = arith.constant 0xFF800000 : f32
      %broadcast_in_dim3A_262 = vector.broadcast %broadcast_in_dim3A_261 : f32 to vector<8x128xf32>
      %swap3A_263 = arith.constant 0 : index
      %swap3A_264 = arith.constant 0 : index
      %swap3A_265 = vector.load %arg12[%swap3A_263, %swap3A_264] : memref<8x128xf32, #tpu.memory_space<vmem>>, vector<8x128xf32>
      tpu.vector_store %arg12[%swap3A_263, %swap3A_264], %broadcast_in_dim3A_262 {strides = array<i32>} : memref<8x128xf32, #tpu.memory_space<vmem>>, vector<8x128xf32>,
    } else {
    }
    %get3A_78 = arith.constant 0 : index
    %get3A_79 = arith.constant 0 : index
    %get3A_80 = vector.load %arg9[%get3A_78, %get3A_79] : memref<2048x1xi32, #tpu.memory_space<vmem>>, vector<2048x1xi32>
    %iota3A = tpu.iota {dimensions = array<i32: 1>} : vector<2048x8xi32>
    %eq3A_81 = vector.broadcast %get3A_80 : vector<2048x1xi32> to vector<2048x8xi32>
    %eq3A_82 = arith.cmpi eq, %iota3A, %eq3A_81 : vector<2048x8xi32>
    %convert_element_type3A_83 = arith.extui %eq3A_82 : vector<2048x8xi1> to vector<2048x8xi32>
    %convert_element_type3A_84 = arith.sitofp %convert_element_type3A_83 : vector<2048x8xi32> to vector<2048x8xf32>
    %get3A_85 = arith.constant 0 : index
    %get3A_86 = arith.constant 0 : index
    %get3A_87 = vector.load %arg11[%get3A_85, %get3A_86] : memref<8x128xf32, #tpu.memory_space<vmem>>, vector<8x128xf32>
    %dot_general3A_88 = arith.constant dense<0.000000e+00> : vector<8x128xf32>
    %dot_general3A_89 = tpu.matmul %convert_element_type3A_84, %max3A_73, %dot_general3A_88 {dimension_numbers = #tpu.dot_dimension_numbers<[0], [0], [1], [1], [0, 1, 1, 1], [], []>, transpose_lhs_hint = false} : vector<2048x8xf32>, vector<2048x128xf32>, vector<8x128xf32> -> vector<8x128xf32>
    %add3A_90 = arith.addf %get3A_87, %dot_general3A_89 : vector<8x128xf32>
    %swap3A_91 = arith.constant 0 : index
    %swap3A_92 = arith.constant 0 : index
    %swap3A_93 = vector.load %arg11[%swap3A_91, %swap3A_92] : memref<8x128xf32, #tpu.memory_space<vmem>>, vector<8x128xf32>
    tpu.vector_store %arg11[%swap3A_91, %swap3A_92], %add3A_90 {strides = array<i32>} : memref<8x128xf32, #tpu.memory_space<vmem>>, vector<8x128xf32>,
    %get3A_94 = arith.constant 0 : index
    %get3A_95 = arith.constant 0 : index
    %get3A_96 = vector.load %arg13[%get3A_94, %get3A_95] : memref<8x128xf32, #tpu.memory_space<vmem>>, vector<8x128xf32>
    %broadcast_in_dim3A_97 = arith.constant 1.000000e+00 : f32
    %broadcast_in_dim3A_98 = vector.broadcast %broadcast_in_dim3A_97 : f32 to vector<2048x128xf32>
    %dot_general3A_99 = arith.constant dense<0.000000e+00> : vector<8x128xf32>
    %dot_general3A_100 = tpu.matmul %convert_element_type3A_84, %broadcast_in_dim3A_98, %dot_general3A_99 {dimension_numbers = #tpu.dot_dimension_numbers<[0], [0], [1], [1], [0, 1, 1, 1], [], []>, transpose_lhs_hint = false} : vector<2048x8xf32>, vector<2048x128xf32>, vector<8x128xf32> -> vector<8x128xf32>
    %add3A_101 = arith.addf %get3A_96, %dot_general3A_100 : vector<8x128xf32>
    %swap3A_102 = arith.constant 0 : index
    %swap3A_103 = arith.constant 0 : index
    %swap3A_104 = vector.load %arg13[%swap3A_102, %swap3A_103] : memref<8x128xf32, #tpu.memory_space<vmem>>, vector<8x128xf32>
    tpu.vector_store %arg13[%swap3A_102, %swap3A_103], %add3A_101 {strides = array<i32>} : memref<8x128xf32, #tpu.memory_space<vmem>>, vector<8x128xf32>,
    %eq3A_105 = arith.constant 0 : i32
    %eq3A_106 = vector.broadcast %eq3A_105 : i32 to vector<2048x1xi32>
    %eq3A_107 = arith.cmpi eq, %get3A_80, %eq3A_106 : vector<2048x1xi32>
    %jit3A = arith.constant 0xFF800000 : f32
    %broadcast_in_dim3A_108 = vector.shape_cast %eq3A_107 : vector<2048x1xi1> to vector<2048x1xi1>
    %broadcast_in_dim3A_109 = vector.broadcast %broadcast_in_dim3A_108 : vector<2048x1xi1> to vector<2048x128xi1>
    %broadcast_in_dim3A_110 = vector.broadcast %jit3A : f32 to vector<2048x128xf32>
    %select_n3A = arith.select %broadcast_in_dim3A_109, %max3A_73, %broadcast_in_dim3A_110 : vector<2048x128xi1>, vector<2048x128xf32>
    %get3A_111 = arith.constant 0 : index
    %get3A_112 = arith.constant 0 : index
    %get3A_113 = vector.load %arg12[%get3A_111, %get3A_112] : memref<8x128xf32, #tpu.memory_space<vmem>>, vector<1x128xf32>
    %reduce_max3A = arith.constant dense<0xFF800000> : vector<128xf32>
    %reduce_max3A_114 = vector.multi_reduction <maximumf>, %select_n3A, %reduce_max3A [0] : vector<2048x128xf32> to vector<128xf32>
    %broadcast_in_dim3A_115 = vector.shape_cast %reduce_max3A_114 : vector<128xf32> to vector<1x128xf32>
    %max3A_116 = arith.maximumf %get3A_113, %broadcast_in_dim3A_115 : vector<1x128xf32>
    %swap3A_117 = arith.constant 0 : index
    %swap3A_118 = arith.constant 0 : index
    %swap3A_119 = vector.load %arg12[%swap3A_117, %swap3A_118] : memref<8x128xf32, #tpu.memory_space<vmem>>, vector<1x128xf32>
    tpu.vector_store %arg12[%swap3A_117, %swap3A_118], %max3A_116 {strides = array<i32>} : memref<8x128xf32, #tpu.memory_space<vmem>>, vector<1x128xf32>,
    %eq3A_120 = arith.constant 1 : i32
    %eq3A_121 = vector.broadcast %eq3A_120 : i32 to vector<2048x1xi32>
    %eq3A_122 = arith.cmpi eq, %get3A_80, %eq3A_121 : vector<2048x1xi32>
    %jit3A_123 = arith.constant 0xFF800000 : f32
    %broadcast_in_dim3A_124 = vector.shape_cast %eq3A_122 : vector<2048x1xi1> to vector<2048x1xi1>
    %broadcast_in_dim3A_125 = vector.broadcast %broadcast_in_dim3A_124 : vector<2048x1xi1> to vector<2048x128xi1>
    %broadcast_in_dim3A_126 = vector.broadcast %jit3A_123 : f32 to vector<2048x128xf32>
    %select_n3A_127 = arith.select %broadcast_in_dim3A_125, %max3A_73, %broadcast_in_dim3A_126 : vector<2048x128xi1>, vector<2048x128xf32>
    %get3A_128 = arith.constant 1 : index
    %get3A_129 = arith.constant 0 : index
    %get3A_130 = vector.load %arg12[%get3A_128, %get3A_129] : memref<8x128xf32, #tpu.memory_space<vmem>>, vector<1x128xf32>
    %reduce_max3A_131 = arith.constant dense<0xFF800000> : vector<128xf32>
    %reduce_max3A_132 = vector.multi_reduction <maximumf>, %select_n3A_127, %reduce_max3A_131 [0] : vector<2048x128xf32> to vector<128xf32>
    %broadcast_in_dim3A_133 = vector.shape_cast %reduce_max3A_132 : vector<128xf32> to vector<1x128xf32>
    %max3A_134 = arith.maximumf %get3A_130, %broadcast_in_dim3A_133 : vector<1x128xf32>
    %swap3A_135 = arith.constant 1 : index
    %swap3A_136 = arith.constant 0 : index
    %swap3A_137 = vector.load %arg12[%swap3A_135, %swap3A_136] : memref<8x128xf32, #tpu.memory_space<vmem>>, vector<1x128xf32>
    tpu.vector_store %arg12[%swap3A_135, %swap3A_136], %max3A_134 {strides = array<i32>} : memref<8x128xf32, #tpu.memory_space<vmem>>, vector<1x128xf32>,
    %eq3A_138 = arith.constant 2 : i32
    %eq3A_139 = vector.broadcast %eq3A_138 : i32 to vector<2048x1xi32>
    %eq3A_140 = arith.cmpi eq, %get3A_80, %eq3A_139 : vector<2048x1xi32>
    %jit3A_141 = arith.constant 0xFF800000 : f32
    %broadcast_in_dim3A_142 = vector.shape_cast %eq3A_140 : vector<2048x1xi1> to vector<2048x1xi1>
    %broadcast_in_dim3A_143 = vector.broadcast %broadcast_in_dim3A_142 : vector<2048x1xi1> to vector<2048x128xi1>
    %broadcast_in_dim3A_144 = vector.broadcast %jit3A_141 : f32 to vector<2048x128xf32>
    %select_n3A_145 = arith.select %broadcast_in_dim3A_143, %max3A_73, %broadcast_in_dim3A_144 : vector<2048x128xi1>, vector<2048x128xf32>
    %get3A_146 = arith.constant 2 : index
    %get3A_147 = arith.constant 0 : index
    %get3A_148 = vector.load %arg12[%get3A_146, %get3A_147] : memref<8x128xf32, #tpu.memory_space<vmem>>, vector<1x128xf32>
    %reduce_max3A_149 = arith.constant dense<0xFF800000> : vector<128xf32>
    %reduce_max3A_150 = vector.multi_reduction <maximumf>, %select_n3A_145, %reduce_max3A_149 [0] : vector<2048x128xf32> to vector<128xf32>
    %broadcast_in_dim3A_151 = vector.shape_cast %reduce_max3A_150 : vector<128xf32> to vector<1x128xf32>
    %max3A_152 = arith.maximumf %get3A_148, %broadcast_in_dim3A_151 : vector<1x128xf32>
    %swap3A_153 = arith.constant 2 : index
    %swap3A_154 = arith.constant 0 : index
    %swap3A_155 = vector.load %arg12[%swap3A_153, %swap3A_154] : memref<8x128xf32, #tpu.memory_space<vmem>>, vector<1x128xf32>
    tpu.vector_store %arg12[%swap3A_153, %swap3A_154], %max3A_152 {strides = array<i32>} : memref<8x128xf32, #tpu.memory_space<vmem>>, vector<1x128xf32>,
    %eq3A_156 = arith.constant 3 : i32
    %eq3A_157 = vector.broadcast %eq3A_156 : i32 to vector<2048x1xi32>
    %eq3A_158 = arith.cmpi eq, %get3A_80, %eq3A_157 : vector<2048x1xi32>
    %jit3A_159 = arith.constant 0xFF800000 : f32
    %broadcast_in_dim3A_160 = vector.shape_cast %eq3A_158 : vector<2048x1xi1> to vector<2048x1xi1>
    %broadcast_in_dim3A_161 = vector.broadcast %broadcast_in_dim3A_160 : vector<2048x1xi1> to vector<2048x128xi1>
    %broadcast_in_dim3A_162 = vector.broadcast %jit3A_159 : f32 to vector<2048x128xf32>
    %select_n3A_163 = arith.select %broadcast_in_dim3A_161, %max3A_73, %broadcast_in_dim3A_162 : vector<2048x128xi1>, vector<2048x128xf32>
    %get3A_164 = arith.constant 3 : index
    %get3A_165 = arith.constant 0 : index
    %get3A_166 = vector.load %arg12[%get3A_164, %get3A_165] : memref<8x128xf32, #tpu.memory_space<vmem>>, vector<1x128xf32>
    %reduce_max3A_167 = arith.constant dense<0xFF800000> : vector<128xf32>
    %reduce_max3A_168 = vector.multi_reduction <maximumf>, %select_n3A_163, %reduce_max3A_167 [0] : vector<2048x128xf32> to vector<128xf32>
    %broadcast_in_dim3A_169 = vector.shape_cast %reduce_max3A_168 : vector<128xf32> to vector<1x128xf32>
    %max3A_170 = arith.maximumf %get3A_166, %broadcast_in_dim3A_169 : vector<1x128xf32>
    %swap3A_171 = arith.constant 3 : index
    %swap3A_172 = arith.constant 0 : index
    %swap3A_173 = vector.load %arg12[%swap3A_171, %swap3A_172] : memref<8x128xf32, #tpu.memory_space<vmem>>, vector<1x128xf32>
    tpu.vector_store %arg12[%swap3A_171, %swap3A_172], %max3A_170 {strides = array<i32>} : memref<8x128xf32, #tpu.memory_space<vmem>>, vector<1x128xf32>,
    %eq3A_174 = arith.constant 4 : i32
    %eq3A_175 = vector.broadcast %eq3A_174 : i32 to vector<2048x1xi32>
    %eq3A_176 = arith.cmpi eq, %get3A_80, %eq3A_175 : vector<2048x1xi32>
    %jit3A_177 = arith.constant 0xFF800000 : f32
    %broadcast_in_dim3A_178 = vector.shape_cast %eq3A_176 : vector<2048x1xi1> to vector<2048x1xi1>
    %broadcast_in_dim3A_179 = vector.broadcast %broadcast_in_dim3A_178 : vector<2048x1xi1> to vector<2048x128xi1>
    %broadcast_in_dim3A_180 = vector.broadcast %jit3A_177 : f32 to vector<2048x128xf32>
    %select_n3A_181 = arith.select %broadcast_in_dim3A_179, %max3A_73, %broadcast_in_dim3A_180 : vector<2048x128xi1>, vector<2048x128xf32>
    %get3A_182 = arith.constant 4 : index
    %get3A_183 = arith.constant 0 : index
    %get3A_184 = vector.load %arg12[%get3A_182, %get3A_183] : memref<8x128xf32, #tpu.memory_space<vmem>>, vector<1x128xf32>
    %reduce_max3A_185 = arith.constant dense<0xFF800000> : vector<128xf32>
    %reduce_max3A_186 = vector.multi_reduction <maximumf>, %select_n3A_181, %reduce_max3A_185 [0] : vector<2048x128xf32> to vector<128xf32>
    %broadcast_in_dim3A_187 = vector.shape_cast %reduce_max3A_186 : vector<128xf32> to vector<1x128xf32>
    %max3A_188 = arith.maximumf %get3A_184, %broadcast_in_dim3A_187 : vector<1x128xf32>
    %swap3A_189 = arith.constant 4 : index
    %swap3A_190 = arith.constant 0 : index
    %swap3A_191 = vector.load %arg12[%swap3A_189, %swap3A_190] : memref<8x128xf32, #tpu.memory_space<vmem>>, vector<1x128xf32>
    tpu.vector_store %arg12[%swap3A_189, %swap3A_190], %max3A_188 {strides = array<i32>} : memref<8x128xf32, #tpu.memory_space<vmem>>, vector<1x128xf32>,
    %eq3A_192 = arith.constant 5 : i32
    %eq3A_193 = vector.broadcast %eq3A_192 : i32 to vector<2048x1xi32>
    %eq3A_194 = arith.cmpi eq, %get3A_80, %eq3A_193 : vector<2048x1xi32>
    %jit3A_195 = arith.constant 0xFF800000 : f32
    %broadcast_in_dim3A_196 = vector.shape_cast %eq3A_194 : vector<2048x1xi1> to vector<2048x1xi1>
    %broadcast_in_dim3A_197 = vector.broadcast %broadcast_in_dim3A_196 : vector<2048x1xi1> to vector<2048x128xi1>
    %broadcast_in_dim3A_198 = vector.broadcast %jit3A_195 : f32 to vector<2048x128xf32>
    %select_n3A_199 = arith.select %broadcast_in_dim3A_197, %max3A_73, %broadcast_in_dim3A_198 : vector<2048x128xi1>, vector<2048x128xf32>
    %get3A_200 = arith.constant 5 : index
    %get3A_201 = arith.constant 0 : index
    %get3A_202 = vector.load %arg12[%get3A_200, %get3A_201] : memref<8x128xf32, #tpu.memory_space<vmem>>, vector<1x128xf32>
    %reduce_max3A_203 = arith.constant dense<0xFF800000> : vector<128xf32>
    %reduce_max3A_204 = vector.multi_reduction <maximumf>, %select_n3A_199, %reduce_max3A_203 [0] : vector<2048x128xf32> to vector<128xf32>
    %broadcast_in_dim3A_205 = vector.shape_cast %reduce_max3A_204 : vector<128xf32> to vector<1x128xf32>
    %max3A_206 = arith.maximumf %get3A_202, %broadcast_in_dim3A_205 : vector<1x128xf32>
    %swap3A_207 = arith.constant 5 : index
    %swap3A_208 = arith.constant 0 : index
    %swap3A_209 = vector.load %arg12[%swap3A_207, %swap3A_208] : memref<8x128xf32, #tpu.memory_space<vmem>>, vector<1x128xf32>
    tpu.vector_store %arg12[%swap3A_207, %swap3A_208], %max3A_206 {strides = array<i32>} : memref<8x128xf32, #tpu.memory_space<vmem>>, vector<1x128xf32>,
    %eq3A_210 = arith.constant 6 : i32
    %eq3A_211 = vector.broadcast %eq3A_210 : i32 to vector<2048x1xi32>
    %eq3A_212 = arith.cmpi eq, %get3A_80, %eq3A_211 : vector<2048x1xi32>
    %jit3A_213 = arith.constant 0xFF800000 : f32
    %broadcast_in_dim3A_214 = vector.shape_cast %eq3A_212 : vector<2048x1xi1> to vector<2048x1xi1>
    %broadcast_in_dim3A_215 = vector.broadcast %broadcast_in_dim3A_214 : vector<2048x1xi1> to vector<2048x128xi1>
    %broadcast_in_dim3A_216 = vector.broadcast %jit3A_213 : f32 to vector<2048x128xf32>
    %select_n3A_217 = arith.select %broadcast_in_dim3A_215, %max3A_73, %broadcast_in_dim3A_216 : vector<2048x128xi1>, vector<2048x128xf32>
    %get3A_218 = arith.constant 6 : index
    %get3A_219 = arith.constant 0 : index
    %get3A_220 = vector.load %arg12[%get3A_218, %get3A_219] : memref<8x128xf32, #tpu.memory_space<vmem>>, vector<1x128xf32>
    %reduce_max3A_221 = arith.constant dense<0xFF800000> : vector<128xf32>
    %reduce_max3A_222 = vector.multi_reduction <maximumf>, %select_n3A_217, %reduce_max3A_221 [0] : vector<2048x128xf32> to vector<128xf32>
    %broadcast_in_dim3A_223 = vector.shape_cast %reduce_max3A_222 : vector<128xf32> to vector<1x128xf32>
    %max3A_224 = arith.maximumf %get3A_220, %broadcast_in_dim3A_223 : vector<1x128xf32>
    %swap3A_225 = arith.constant 6 : index
    %swap3A_226 = arith.constant 0 : index
    %swap3A_227 = vector.load %arg12[%swap3A_225, %swap3A_226] : memref<8x128xf32, #tpu.memory_space<vmem>>, vector<1x128xf32>
    tpu.vector_store %arg12[%swap3A_225, %swap3A_226], %max3A_224 {strides = array<i32>} : memref<8x128xf32, #tpu.memory_space<vmem>>, vector<1x128xf32>,
    %eq3A_228 = arith.constant 7 : i32
    %eq3A_229 = vector.broadcast %eq3A_228 : i32 to vector<2048x1xi32>
    %eq3A_230 = arith.cmpi eq, %get3A_80, %eq3A_229 : vector<2048x1xi32>
    %jit3A_231 = arith.constant 0xFF800000 : f32
    %broadcast_in_dim3A_232 = vector.shape_cast %eq3A_230 : vector<2048x1xi1> to vector<2048x1xi1>
    %broadcast_in_dim3A_233 = vector.broadcast %broadcast_in_dim3A_232 : vector<2048x1xi1> to vector<2048x128xi1>
    %broadcast_in_dim3A_234 = vector.broadcast %jit3A_231 : f32 to vector<2048x128xf32>
    %select_n3A_235 = arith.select %broadcast_in_dim3A_233, %max3A_73, %broadcast_in_dim3A_234 : vector<2048x128xi1>, vector<2048x128xf32>
    %get3A_236 = arith.constant 7 : index
    %get3A_237 = arith.constant 0 : index
    %get3A_238 = vector.load %arg12[%get3A_236, %get3A_237] : memref<8x128xf32, #tpu.memory_space<vmem>>, vector<1x128xf32>
    %reduce_max3A_239 = arith.constant dense<0xFF800000> : vector<128xf32>
    %reduce_max3A_240 = vector.multi_reduction <maximumf>, %select_n3A_235, %reduce_max3A_239 [0] : vector<2048x128xf32> to vector<128xf32>
    %broadcast_in_dim3A_241 = vector.shape_cast %reduce_max3A_240 : vector<128xf32> to vector<1x128xf32>
    %max3A_242 = arith.maximumf %get3A_238, %broadcast_in_dim3A_241 : vector<1x128xf32>
    %swap3A_243 = arith.constant 7 : index
    %swap3A_244 = arith.constant 0 : index
    %swap3A_245 = vector.load %arg12[%swap3A_243, %swap3A_244] : memref<8x128xf32, #tpu.memory_space<vmem>>, vector<1x128xf32>
    tpu.vector_store %arg12[%swap3A_243, %swap3A_244], %max3A_242 {strides = array<i32>} : memref<8x128xf32, #tpu.memory_space<vmem>>, vector<1x128xf32>,
    %eq3A_246 = arith.constant 4 : i32
    %eq3A_247 = arith.cmpi eq, %arg0, %eq3A_246 : i32
    %convert_element_type3A_248 = arith.extui %eq3A_247 : i1 to i32
    %cond3A_249 = arith.constant 0 : i32
    %cond3A_250 = arith.cmpi ne, %convert_element_type3A_248, %cond3A_249 : i32
    scf.if %cond3A_250 {
      %get3A_251 = arith.constant 0 : index
      %get3A_252 = arith.constant 0 : index
      %get3A_253 = vector.load %arg11[%get3A_251, %get3A_252] : memref<8x128xf32, #tpu.memory_space<vmem>>, vector<8x128xf32>
      %get3A_254 = arith.constant 0 : index
      %get3A_255 = arith.constant 0 : index
      %get3A_256 = vector.load %arg13[%get3A_254, %get3A_255] : memref<8x128xf32, #tpu.memory_space<vmem>>, vector<8x128xf32>
      %max3A_257 = arith.constant 1.000000e+00 : f32
      %max3A_258 = vector.broadcast %max3A_257 : f32 to vector<8x128xf32>
      %max3A_259 = arith.maximumf %get3A_256, %max3A_258 : vector<8x128xf32>
      %div3A_260 = arith.divf %get3A_253, %max3A_259 : vector<8x128xf32>
      %swap3A_261 = arith.constant 0 : index
      %swap3A_262 = arith.constant 0 : index
      %swap3A_263 = vector.load %arg11[%swap3A_261, %swap3A_262] : memref<8x128xf32, #tpu.memory_space<vmem>>, vector<8x128xf32>
      tpu.vector_store %arg11[%swap3A_261, %swap3A_262], %div3A_260 {strides = array<i32>} : memref<8x128xf32, #tpu.memory_space<vmem>>, vector<8x128xf32>,
    } else {
    }
    return
  }
  func.func @transform_0(%arg0: i32) -> (i32, i32, i32) {
    %c0_i32 = arith.constant 0 : i32
    %c0_i32_0 = arith.constant 0 : i32
    %c0_i32_1 = arith.constant 0 : i32
    return %c0_i32, %arg0, %c0_i32_0 : i32, i32, i32
  }
  func.func @transform_1(%arg0: i32) -> (i32, i32, i32) {
    %c0_i32 = arith.constant 0 : i32
    %c0_i32_0 = arith.constant 0 : i32
    %c0_i32_1 = arith.constant 0 : i32
    return %c0_i32, %arg0, %c0_i32_0 : i32, i32, i32
  }
  func.func @transform_2(%arg0: i32) -> (i32, i32) {
    %c0_i32 = arith.constant 0 : i32
    %c0_i32_0 = arith.constant 0 : i32
    return %arg0, %c0_i32 : i32, i32
  }
  func.func @transform_3(%arg0: i32) -> (i32, i32) {
    %c0_i32 = arith.constant 0 : i32
    %c0_i32_0 = arith.constant 0 : i32
    %c0_i32_1 = arith.constant 0 : i32
    return %c0_i32, %c0_i32_0 : i32, i32
  }
  func.func @transform_4(%arg0: i32) -> (i32, i32) {
    %c0_i32 = arith.constant 0 : i32
    %c0_i32_0 = arith.constant 0 : i32
    %c0_i32_1 = arith.constant 0 : i32
    return %c0_i32, %c0_i32_0 : i32, i32
  }
  func.func @transform_5(%arg0: i32) -> (i32, i32) {
    %c0_i32 = arith.constant 0 : i32
    %c0_i32_0 = arith.constant 0 : i32
    %c0_i32_1 = arith.constant 0 : i32
    return %c0_i32, %c0_i32_0 : i32, i32
  }
  func.func @transform_6(%arg0: i32) -> (i32, i32) {
    %c0_i32 = arith.constant 0 : i32
    %c0_i32_0 = arith.constant 0 : i32
    %c0_i32_1 = arith.constant 0 : i32
    return %c0_i32, %c0_i32_0 : i32, i32
  }
  func.func @transform_7(%arg0: i32) -> (i32, i32) {
    %c0_i32 = arith.constant 0 : i32
    %c0_i32_0 = arith.constant 0 : i32
    %c0_i32_1 = arith.constant 0 : i32
    return %c0_i32, %c0_i32_0 : i32, i32
  }
  func.func @transform_8(%arg0: i32) -> (i32, i32) {
    %c0_i32 = arith.constant 0 : i32
    %c0_i32_0 = arith.constant 0 : i32
    return %arg0, %c0_i32 : i32, i32
  }
  func.func @transform_9(%arg0: i32) -> (i32, i32) {
    %c0_i32 = arith.constant 0 : i32
    %c0_i32_0 = arith.constant 0 : i32
    return %arg0, %c0_i32 : i32, i32
  }
  func.func @transform_10(%arg0: i32) -> (i32, i32) {
    %c0_i32 = arith.constant 0 : i32
    %c0_i32_0 = arith.constant 0 : i32
    %c0_i32_1 = arith.constant 0 : i32
    return %c0_i32, %c0_i32_0 : i32, i32
  }
  func.func @transform_11(%arg0: i32) -> (i32, i32) {
    %c0_i32 = arith.constant 0 : i32
    %c0_i32_0 = arith.constant 0 : i32
    %c0_i32_1 = arith.constant 0 : i32
    return %c0_i32, %c0_i32_0 : i32, i32
  }
}

</mosaic_0001>

<sc_bundles>
// kernel: kernel.10.cloned.1.call-start
scs
__scs_entry_jumppad:
0x0: {  	(pc) =	sbr.rel $0x88, $3  }
0x1: {  	(tag) =	ssettag $0x0;
	lr =	simm.s32 $0x1  }
0x2: {  	[smem:$0x3F8B] =	sst lr;
	_ =	strace $0xD0000000  }
0x3: {  	_ = 	snop  }
0x4: {  	_ = 	snop  }
0x5: {  	_ = 	snop  }
0x6: {  	_ = 	snop  }
0x7: {  	_ = 	snop  }
__scs_overlays_trampoline_lowered:
0x8: {  	[smem:$0x3F9A] =	sst s0  }
0x9: {  	[smem:$0x3F9B] =	sst s1  }
0xa: {  	[smem:$0x3F9C] =	sst s2  }
0xb: {  	[smem:$0x3F9D] =	sst s3  }
0xc: {  	[smem:$0x3F9E] =	sst s4  }
0xd: {  	[smem:$0x3F9F] =	sst s5  }
0xe: {  	[smem:$0x3FA0] =	sst s6  }
0xf: {  	[smem:$0x3FA1] =	sst s7  }
0x10: {  	[smem:$0x3FA2] =	sst s8  }
0x11: {  	[smem:$0x3FA3] =	sst s9;
	s0 =	simm.s32 @!p0 $0x0  }
0x12: {  	s1 =	sld [smem:$0x3F89];
	s0 =	simm.s32 @p0 $0x1  }
0x13: {  	[smem:$0x3FA4] =	sst s0;
	s0 =	simm.s32 @!p1 $0x0  }
0x14: {  	s2 =	sld [smem:$0x3F88];
	s0 =	simm.s32 @p1 $0x1  }
0x15: {  	[smem:$0x3FA5] =	sst s0;
	s0 =	simm.s32 @!p2 $0x0  }
0x16: {  	s3 =	sld [smem:$0x3FDB];
	s0 =	simm.s32 @p2 $0x1  }
0x17: {  	s4 =	simm.s32 $0x1BF5;
	[smem:$0x3FA7] =	sst s0  }
0x18: {  	s0 =	sld [smem:$0x3F8A];
	_ =	swait.ge [sflag:s4], $0x0  }
0x19: {  	s7 =	sld [smem:$0x3F8B]  }
0x1a: {  	s8 =	sadd.s32 $0xFFFFE003, lr  }
0x1b: {  	s9 =	sadd.s32 $0xFFFFFEF7, lr;
	s5 =	simm.s32 $0xFFFFFFFF;
	p2 =	slt.u32 s8, $0xFFFFF086  }
0x1c: {  	p1 =	slt.u32 s9, $0xF7A;
	s5 =	simm.s32 @!p2 $0x0  }
0x1d: {  	s5 =	simm.s32 @p1 $0x1;
	p0 =	seq.s32 s7, s2  }
0x1e: {  	s7 =	smul.u32 @!p0 $0xF7A, s2;
	p2 =	seq.s32 @!p0 s5, $0x0  }
0x1f: {  	s9 =	smul.u32 $0xF7A, s1;
	s8 =	simm.s32 @!p0 $0x1BF5;
	p2 =	por !p2, p0  }
0x20: {  	[sflag:s8] =	ssyncset.s32 @!p0 $0xFFFFF086;
	s6 =	sadd.s32 @!p0 s3, s7;
	s7 =	simm.s32 @!p0 $0x108  }
0x21: {  	s3 =	sadd.s32 s3, s9;
	s6 =	sadd.s32 @!p0 $0x88, s6;
	s7 =	simm.s32 @p2 $0x1082  }
0x22: {  	[simem:s7], [sflag:s8] =	dma.local @!p0 [hbm:s6], $0xF7A  }
0x23: {  	s9 =	sor.u32 $0xD0000000, s2;
	s6 =	simm.s32 $0x108;
	_ =	swait.ge @!p0 [sflag:s8], $0x0  }
0x24: {  	s3 =	sadd.s32 $0x88, s3;
	s6 =	simm.s32 @!p1 $0x1082;
	[sflag:s4] =	ssyncset.s32 $0xFFFFF086  }
0x25: {  	[simem:s6], [sflag:s4] =	dma.local [hbm:s3], $0xF7A  }
0x26: {  	[smem:$0x3F8B] =	sst s1;
	(tag) =	ssettag s2;
	_ =	strace s9  }
0x27: {  	s1 =	sld [smem:$0x3F9B]  }
0x28: {  	s2 =	sld [smem:$0x3F9C]  }
0x29: {  	s4 =	sld [smem:$0x3F9E]  }
0x2a: {  	p0 =	seq.s32 s5, $0x0;
	s5 =	sld [smem:$0x3F9F]  }
0x2b: {  	s6 =	sld [smem:$0x3FA0]  }
0x2c: {  	s7 =	sld [smem:$0x3FA1]  }
0x2d: {  	s3 =	simm.s32 $0x108;
	s8 =	sld [smem:$0x3FA2]  }
0x2e: {  	s3 =	simm.s32 @!p0 $0x1082;
	s9 =	sld [smem:$0x3FA3]  }
0x2f: {  	lr =	sadd.s32 s0, s3;
	s0 =	sld [smem:$0x3F9A]  }
0x30: {  	s3 =	sld [smem:$0x3F9D]  }
0x31: {  	[smem:$0x3FA6] =	sst s10  }
0x32: {  	s10 =	sld [smem:$0x3FA4];
	_ =	sdelay $0x3  }
0x33: {  	p0 =	seq.s32 s10, $0x1;
	s10 =	sld [smem:$0x3FA6];
	_ =	sdelay $0x3  }
0x34: {  	[smem:$0x3FA6] =	sst s10  }
0x35: {  	s10 =	sld [smem:$0x3FA5];
	_ =	sdelay $0x3  }
0x36: {  	p1 =	seq.s32 s10, $0x1;
	s10 =	sld [smem:$0x3FA6];
	_ =	sdelay $0x3  }
0x37: {  	[smem:$0x3FA6] =	sst s10  }
0x38: {  	s10 =	sld [smem:$0x3FA7]  }
0x39: {  	_ = 	snop;
	(pc) =	sbr.ind lr, $3  }
0x3a: {  	_ = 	snop  }
0x3b: {  	_ = 	snop  }
0x3c: {  	p2 =	seq.s32 s10, $0x1;
	s10 =	sld [smem:$0x3FA6]  }
0x3d: {  	_ =	shalt  }
0x3e: {  	_ =	shalt  }
0x3f: {  	_ =	shalt  }
0x40: {  	_ =	shalt  }
0x41: {  	_ =	shalt  }
0x42: {  	_ =	shalt  }
0x43: {  	_ =	shalt  }
0x44: {  	_ =	shalt  }
0x45: {  	_ =	shalt  }
0x46: {  	_ =	shalt  }
0x47: {  	_ =	shalt  }
0x48: {  	_ =	shalt  }
0x49: {  	_ =	shalt  }
0x4a: {  	_ =	shalt  }
0x4b: {  	_ =	shalt  }
0x4c: {  	_ =	shalt  }
0x4d: {  	_ =	shalt  }
0x4e: {  	_ =	shalt  }
0x4f: {  	_ =	shalt  }
0x50: {  	_ =	shalt  }
0x51: {  	_ =	shalt  }
0x52: {  	_ =	shalt  }
0x53: {  	_ =	shalt  }
0x54: {  	_ =	shalt  }
0x55: {  	_ =	shalt  }
0x56: {  	_ =	shalt  }
0x57: {  	_ =	shalt  }
0x58: {  	_ =	shalt  }
0x59: {  	_ =	shalt  }
0x5a: {  	_ =	shalt  }
0x5b: {  	_ =	shalt  }
0x5c: {  	_ =	shalt  }
0x5d: {  	_ =	shalt  }
0x5e: {  	_ =	shalt  }
0x5f: {  	_ =	shalt  }
0x60: {  	_ =	shalt  }
0x61: {  	_ =	shalt  }
0x62: {  	_ =	shalt  }
0x63: {  	_ =	shalt  }
0x64: {  	_ =	shalt  }
0x65: {  	_ =	shalt  }
0x66: {  	_ =	shalt  }
0x67: {  	_ =	shalt  }
0x68: {  	_ =	shalt  }
0x69: {  	_ =	shalt  }
0x6a: {  	_ =	shalt  }
0x6b: {  	_ =	shalt  }
0x6c: {  	_ =	shalt  }
0x6d: {  	_ =	shalt  }
0x6e: {  	_ =	shalt  }
0x6f: {  	_ =	shalt  }
0x70: {  	_ =	shalt  }
0x71: {  	_ =	shalt  }
0x72: {  	_ =	shalt  }
0x73: {  	_ =	shalt  }
0x74: {  	_ =	shalt  }
0x75: {  	_ =	shalt  }
0x76: {  	_ =	shalt  }
0x77: {  	_ =	shalt  }
0x78: {  	_ =	shalt  }
0x79: {  	_ =	shalt  }
0x7a: {  	_ =	shalt  }
0x7b: {  	_ =	shalt  }
0x7c: {  	_ =	shalt  }
0x7d: {  	_ =	shalt  }
0x7e: {  	_ =	shalt  }
0x7f: {  	_ =	shalt  }
0x80: {  	_ =	shalt  }
0x81: {  	_ =	shalt  }
0x82: {  	_ =	shalt  }
0x83: {  	_ =	shalt  }
0x84: {  	_ =	shalt  }
0x85: {  	_ =	shalt  }
0x86: {  	_ =	shalt  }
0x87: {  	_ =	shalt  }
.Lfunc_end0:
.L_simem_size_0:
called_computation_lowered:
.L_overlay_start_0:
0x88: {  	s2 =	sld [smem:$0x3FD9]  }
0x89: {  	s3 =	sld [smem:$0x3FFE];
	_ =	sdelay $0x1  }
0x8a: {  	s1 =	srdreg.scid  }
0x8b: {  	s0 =	sand.u32 $0x1, s1  }
0x8c: {  	s14 =	sshll.u32 s0, $0xA;
	s2 =	sadd.s32 s3, s2  }
0x8d: {  	s2 =	sadd.s32 s2, s14  }
0x8e: {  	[smem:$0x3FB2] =	sst s2  }
0x8f: {  	_ = 	snop  }
0x90: {  	s2 =	sld [smem:$0x3FD0];
	_ =	sdelay $0x2  }
0x91: {  	s15 =	simm.s32 $0xA;
	s4 =	simm.s32 $0x10  }
0x92: {  	[smem:s4], [sflag:s15] =	dma.local [hbm:s2], $0x1  }
0x93: {  	_ =	swait.eq [sflag:s15], $0x1  }
0x94: {  	[sflag:s15] =	ssyncset.done $0x0  }
0x95: {  	[sflag:s15] =	ssyncadd.s32 $0xFFFFFFFF  }
0x96: {  	s16 =	sld [smem:$0x10];
	(tm) =	ssettm $0x1  }
0x97: {  	s17 =	sld [smem:$0x3FFB];
	_ =	sdelay $0x3  }
0x98: {  	_ =	strace s17  }
0x99: {  	s3 =	sld [smem:$0x3FFC];
	_ =	sdelay $0x3  }
0x9a: {  	_ =	strace s3  }
0x9b: {  	s3 =	sld [smem:$0x3FFD];
	_ =	sdelay $0x3  }
0x9c: {  	_ =	strace s3  }
0x9d: {  	_ =	strace $0x8FFFFFFF  }
0x9e: {  	s18 =	sld [smem:$0x3FDB];
	_ =	sdelay $0x1  }
0x9f: {  	s19 =	simm.s32 $_scs_section_size  }
0xa0: {  	s5 =	simm.s32 $_size__tile_overlayer_lowered;
	s6 =	simm.s32 $_tile_overlayer_lowered  }
0xa1: {  	s22 =	simm.s32 $0x1BFF;
	s21 =	sshll.u32 s6, $0x1;
	s3 =	sadd.s32 s19, s18  }
0xa2: {  	s7 =	simm.s32 $0x0;
	s20 =	sshll.u32 s5, $0x1;
	s5 =	sadd.s32 s21, s3  }
0xa3: {  	[timem:s7], [sflag:s22] =	dma.local [hbm:s5], s20  }
0xa4: {  	_ =	swait.ge [sflag:s22], s20  }
0xa5: {  	s4 =	ssub.s32 $0x0, s20;
	[sflag:s22] =	ssyncset.done $0x0  }
0xa6: {  	[sflag:s22] =	ssyncadd.s32 s4;
	_ =	sdelay $0x1  }
0xa7: {  	s23 =	simm.s32 $0x1B8B  }
0xa8: {  	_ =	swait.ge [sflag:s23], $0x1  }
0xa9: {  	[sflag:s23] =	ssyncset.done $0x0  }
0xaa: {  	s25 =	simm.s32 $0x1B8E;
	s24 =	sld [smem:$0x3FFE];
	[sflag:s23] =	ssyncadd.s32 $0xFFFFFFFF  }
0xab: {  	s26 =	simm.s32 $execute0_lowered;
	[smem:$0x3FD2] =	sst s25  }
0xac: {  	s5 =	sshll.u32 s26, $0x1;
	_ =	strace $0x80000046;
	[dreg:$0x1] =	wrdreg $0xFFFFFFFF  }
0xad: {  	s28 =	simm.s32 $_size_execute0_lowered;
	s3 =	sadd.s32 s3, s5;
	[dreg:$0x0] =	wrdreg $0x0  }
0xae: {  	s5 =	sshll.u32 s28, $0x1;
	[dreg:$0x2] =	wrdreg s3  }
0xaf: {  	[dreg:$0x3] =	wrdreg s5  }
0xb0: {  	[dreg:$0x4] =	wrdreg $0xC0  }
0xb1: {  	_ =	task [dreg:s7], $0x5FFFF  }
0xb2: {  	[dreg:$0x1] =	wrdreg $0xFFFFFFFF  }
0xb3: {  	[dreg:$0x0] =	wrdreg $0x60  }
0xb4: {  	[dreg:$0x2] =	wrdreg s16  }
0xb5: {  	[dreg:$0x3] =	wrdreg s24  }
0xb6: {  	[dreg:$0x4] =	wrdreg $0xA8000  }
0xb7: {  	[dreg:$0x5] =	wrdreg $0x9  }
0xb8: {  	_ =	task.clear_ibuf [dreg:s7], $0x6FFFF;
	_ =	strace $0x90000046  }
0xb9: {  	s29 =	simm.s32 $0x9;
	_ =	strace $0x80000048  }
0xba: {  	_ =	swait.ge [sflag:s29], $0x1  }
0xbb: {  	[sflag:s29] =	ssyncadd.s32 $0xFFFFFFFF  }
0xbc: {  	_ =	strace $0x90000048  }
0xbd: {  	_ =	sfence  }
0xbe: {  	s30 =	sld [smem:$0x0];
	_ =	sdelay $0x2  }
0xbf: {  	s31 =	sshll.u32 s1, $0xD;
	s1 =	sshrl.u32 s1, $0x2  }
0xc0: {  	s3 =	sand.u32 $0x4000, s31;
	s1 =	sadd.s32 s1, s30  }
0xc1: {  	s0 =	sor.u32 s3, s0;
	s1 =	sshll.u32 s1, $0x11  }
0xc2: {  	s0 =	sor.u32 s1, s0  }
0xc3: {  	s0 =	sadd.s32 $0x8F2B, s0  }
0xc4: {  	[sflag:s0] =	ssyncadd.remote.s32 $0x1  }
0xc5: {  	_ =	sfence.sel $0xFFFF  }
0xc6: {  	[dreg:$0x0] =	wrdreg $0xFFFFFFFF;
	(pc) =	sbr.abs _section_cstart, $3  }
0xc7: {  	[dreg:$0x1] =	wrdreg $0xFFFFFFFF  }
0xc8: {  	_ =	task.clear_ibuf [dreg:s7], $0x2FFFF;
	_ =	strace $0x9FFFFFFF  }
0xc9: {  	(tm) =	ssettm $0x7FFFFFFF  }
tec
execute0_lowered:
.L_overlay_start_1:
0x0: {  	(tag) =	ssettag $0x1  }
0x1: {  	s11 =	rddreg [dreg:$0x0]  }
0x2: {  	s4 =	rddreg [dreg:$0x1]  }
0x3: {  	s1 =	rddreg [dreg:$0x2]  }
0x4: {  	s0 =	rddreg [dreg:$0x3];
	s3 =	simm.s32 $0x0;
	s5 =	srdreg.scid  }
0x5: {  	s2 =	stileid.u32;
	s22 =	simm.s32 $0x80;
	[smem:$0x7FF] =	sst s3  }
0x6: {  	s7 =	sand.u32 $0x1, s5;
	s6 =	smul.u32 $0x50000, s2;
	s12 =	sadd.s32 $0x5200, s4  }
0x7: {  	s17 =	sadd.s32 $0x37200, s4;
	s13 =	smul.u32 $0x14000, s2;
	_ =	strace $0x80000047  }
0x8: {  	s5 =	ssub.s32 $0x2, s7;
	s8 =	sshll.u32 s7, $0x4;
	s21 =	smul.u32 $0x140000, s7  }
0x9: {  	s30 =	sshrl.u32 s5, $0x1;
	s6 =	sshrl.u32 s6, $0x2;
	s31 =	sor.u32 s2, s8  }
0xa: {  	s14 =	sadd.s32 $0x4000, s13;
	s15 =	sadd.s32 $0x8000, s13;
	s16 =	sadd.s32 $0xC000, s13  }
0xb: {  	s19 =	sadd.s32 $0x10000, s13;
	s18 =	ssub.s32 s5, s30;
	s4 =	sadd.s32 s6, s1  }
0xc: {  	s8 =	smul.u32 $0x2800, s31;
	s5 =	sadd.s32 s14, s1;
	s6 =	sadd.s32 s15, s1  }
0xd: {  	s7 =	sadd.s32 s16, s1;
	s13 =	sadd.s32 s13, s21;
	s14 =	sadd.s32 s21, s14  }
0xe: {  	s15 =	sadd.s32 s21, s15;
	s16 =	sadd.s32 s21, s16;
	s13 =	sshrl.u32 s13, $0x3  }
0xf: {  	s14 =	sshrl.u32 s14, $0x3;
	s15 =	sshrl.u32 s15, $0x3;
	s16 =	sshrl.u32 s16, $0x3  }
0x10: {  	s18 =	smax.u32 s18, $0x1;
	s20 =	sshrl.u32 s8, $0x3;
	s8 =	sadd.s32 s19, s1  }
0x11: {  	s13 =	sadd.s32 s17, s13;
	s14 =	sadd.s32 s17, s14;
	s19 =	sadd.s32 s21, s19  }
0x12: {  	s15 =	sadd.s32 s17, s15;
	s16 =	sadd.s32 s17, s16;
	s21 =	simm.s32 $0x1400  }
0x13: {  	s9 =	sadd.s32 s11, s20;
	s10 =	sadd.s32 s12, s20;
	s20 =	sadd.s32 $0x280, s20  }
0x14: {  	s19 =	sshrl.u32 s19, $0x3;
	s11 =	sadd.s32 s11, s20;
	s12 =	sadd.s32 s12, s20  }
0x15: {  	v0 =	vimm.f32 $0.0e+00;
	v1 =	vimm.f32 $1.000000000e+00;
	s17 =	sadd.s32 s17, s19;
	s19 =	simm.s32 $0x2800;
	s20 =	simm.s32 $0x1  }
.LBB2_1:
0x16: {  	s23 =	simm.s32 $0x0;
	s24 =	simm.s32 $0x200  }
.LBB2_2:
0x17: {  	p0 =	sne.s32 s24, $0xFE00;
	[tilespmem:s23+$0x2870] =	vst v0  }
0x18: {  	[tilespmem:s23+$0x2800] =	vst v0  }
0x19: {  	[tilespmem:s23+$0x2810] =	vst v0  }
.Ltmp0:
0x1a: {  	[tilespmem:s23+$0x2820] =	vst v0;
	(pc) =	sbr.rel @p0 .LBB2_2-.Ltmp0, $4  }
0x1b: {  	[tilespmem:s23+$0x2830] =	vst v0  }
0x1c: {  	[tilespmem:s23+$0x2840] =	vst v0  }
0x1d: {  	[tilespmem:s23+$0x2850] =	vst v0  }
0x1e: {  	[tilespmem:s23+$0x2860] =	vst v0;
	s23 =	sshra.s32 s24, $0x2;
	s24 =	sadd.s32 $0x200, s24  }
0x1f: {  	[tilespmem:s23+$0x2870] =	vst v0  }
0x20: {  	[tilespmem:s23+$0x2800] =	vst v0  }
0x21: {  	[tilespmem:s23+$0x2810] =	vst v0  }
0x22: {  	[tilespmem:s23+$0x2820] =	vst v0  }
0x23: {  	[tilespmem:s23+$0x2830] =	vst v0  }
0x24: {  	[tilespmem:s23+$0x2840] =	vst v0  }
0x25: {  	[tilespmem:s23+$0x2850] =	vst v0  }
0x26: {  	[tilespmem:s23+$0x2860] =	vst v0  }
0x27: {  	[spmem:s4] =	stream.linear.scatter [tilespmem:s19], [sflag:$0x1], $0x4000, $0x38;
	[tilespmem:$0x1E800] =	vst v63  }
0x28: {  	_ =	swait.ge [sflag:s20], $0x4000  }
0x29: {  	[sflag:s20] =	ssyncset.done $0x0  }
0x2a: {  	[sflag:s20] =	ssyncadd.s32 $0xFFFFC000  }
0x2b: {  	[spmem:s5] =	stream.linear.scatter [tilespmem:s19], [sflag:$0x1], $0x4000, $0x38;
	[tilespmem:$0x1E800] =	vst v63  }
0x2c: {  	_ =	swait.ge [sflag:s20], $0x4000  }
0x2d: {  	[sflag:s20] =	ssyncset.done $0x0  }
0x2e: {  	[sflag:s20] =	ssyncadd.s32 $0xFFFFC000  }
0x2f: {  	[spmem:s6] =	stream.linear.scatter [tilespmem:s19], [sflag:$0x1], $0x4000, $0x38;
	[tilespmem:$0x1E800] =	vst v63  }
0x30: {  	_ =	swait.ge [sflag:s20], $0x4000  }
0x31: {  	[sflag:s20] =	ssyncset.done $0x0  }
0x32: {  	[sflag:s20] =	ssyncadd.s32 $0xFFFFC000  }
0x33: {  	[spmem:s7] =	stream.linear.scatter [tilespmem:s19], [sflag:$0x1], $0x4000, $0x38;
	[tilespmem:$0x1E800] =	vst v63  }
0x34: {  	_ =	swait.ge [sflag:s20], $0x4000  }
0x35: {  	[sflag:s20] =	ssyncset.done $0x0  }
0x36: {  	[sflag:s20] =	ssyncadd.s32 $0xFFFFC000  }
0x37: {  	[spmem:s8] =	stream.linear.scatter [tilespmem:s19], [sflag:$0x1], $0x4000, $0x38;
	[tilespmem:$0x1E800] =	vst v63  }
0x38: {  	_ =	swait.ge [sflag:s20], $0x4000  }
0x39: {  	[sflag:s20] =	ssyncset.done $0x0  }
0x3a: {  	[sflag:s20] =	ssyncadd.s32 $0xFFFFC000  }
0x3b: {  	s23 =	simm.s32 $0x0;
	s24 =	simm.s32 $0x200;
	[bflag:$0x0] =	sbarrier.arrive $0xFFFF  }
.LBB2_4:
0x3c: {  	p0 =	sne.s32 s24, $0xFE00;
	[tilespmem:s23+$0x2870] =	vst v1  }
0x3d: {  	[tilespmem:s23+$0x2800] =	vst v1  }
0x3e: {  	[tilespmem:s23+$0x2810] =	vst v1  }
.Ltmp1:
0x3f: {  	[tilespmem:s23+$0x2820] =	vst v1;
	(pc) =	sbr.rel @p0 .LBB2_4-.Ltmp1, $4  }
0x40: {  	[tilespmem:s23+$0x2830] =	vst v1  }
0x41: {  	[tilespmem:s23+$0x2840] =	vst v1  }
0x42: {  	[tilespmem:s23+$0x2850] =	vst v1  }
0x43: {  	[tilespmem:s23+$0x2860] =	vst v1;
	s23 =	sshra.s32 s24, $0x2;
	s24 =	sadd.s32 $0x200, s24  }
0x44: {  	[tilespmem:s23+$0x2870] =	vst v1  }
0x45: {  	[tilespmem:s23+$0x2800] =	vst v1  }
0x46: {  	[tilespmem:s23+$0x2810] =	vst v1  }
0x47: {  	[tilespmem:s23+$0x2820] =	vst v1  }
0x48: {  	[tilespmem:s23+$0x2830] =	vst v1  }
0x49: {  	[tilespmem:s23+$0x2840] =	vst v1  }
0x4a: {  	[tilespmem:s23+$0x2850] =	vst v1  }
0x4b: {  	[tilespmem:s23+$0x2860] =	vst v1;
	s30 =	simm.s32 $0x0  }
0x4c: {  	[tilespmem:s30], [sflag:$0x1] =	stream.linear.gather [hbm4b:s9+s30], $0x1400, $0x38;
	[tilespmem:$0x1E800] =	vst v63  }
0x4d: {  	_ =	swait.ge [sflag:s20], $0x1400  }
0x4e: {  	[sflag:s20] =	ssyncset.done $0x0  }
0x4f: {  	[sflag:s20] =	ssyncadd.s32 $0xFFFFEC00  }
0x50: {  	[tilespmem:s21], [sflag:$0x1] =	stream.linear.gather [hbm4b:s10+s30], $0x1400, $0x38;
	[tilespmem:$0x1E800] =	vst v63  }
0x51: {  	_ =	swait.ge [sflag:s20], $0x1400  }
0x52: {  	[sflag:s20] =	ssyncset.done $0x0  }
0x53: {  	s31 =	simm.s32 $0x1400;
	[sflag:s20] =	ssyncadd.s32 $0xFFFFEC00  }
0x54: {  	[spmem:s1] =	stream.indirect.scatter.add.f32 [tilespmem:s19], [sflag:$0x1], $0x80, s31, s22, $0xb8;
	[tilespmem:$0x1E800] =	vst v63  }
0x55: {  	s23 =	simm.s32 $0x200;
	_ =	swait.ge [sflag:s20], $0x4000  }
.LBB2_6:
0x56: {  	s24 =	sshra.s32 s23, $0x2;
	[sflag:s20] =	ssyncset.done $0x0;
	p0 =	sne.s32 s23, $0x4E00  }
.Ltmp2:
0x57: {  	s24 =	sadd.s32 $0x1400, s24;
	[sflag:s20] =	ssyncadd.s32 $0xFFFFC000;
	(pc) =	sbr.rel @p0 .LBB2_6-.Ltmp2, $3  }
0x58: {  	[spmem:s1] =	stream.indirect.scatter.add.f32 [tilespmem:s19], [sflag:$0x1], $0x80, s24, s22, $0xb8;
	[tilespmem:$0x1E800] =	vst v63  }
0x59: {  	s23 =	sadd.s32 $0x200, s23;
	_ =	sdelay $0x1  }
0x5a: {  	_ =	swait.ge [sflag:s20], $0x4000  }
0x5b: {  	[sflag:s20] =	ssyncset.done $0x0  }
0x5c: {  	s23 =	simm.s32 $0x0;
	[sflag:s20] =	ssyncadd.s32 $0xFFFFC000  }
0x5d: {  	[tilespmem:s23], [sflag:$0x1] =	stream.linear.gather [hbm4b:s11+s23], $0x1400, $0x38;
	[tilespmem:$0x1E800] =	vst v63  }
0x5e: {  	_ =	swait.ge [sflag:s20], $0x1400  }
0x5f: {  	[sflag:s20] =	ssyncset.done $0x0  }
0x60: {  	[sflag:s20] =	ssyncadd.s32 $0xFFFFEC00  }
0x61: {  	[tilespmem:s21], [sflag:$0x1] =	stream.linear.gather [hbm4b:s12+s23], $0x1400, $0x38;
	[tilespmem:$0x1E800] =	vst v63  }
0x62: {  	_ =	swait.ge [sflag:s20], $0x1400  }
0x63: {  	[sflag:s20] =	ssyncset.done $0x0  }
0x64: {  	s31 =	simm.s32 $0x1400;
	[sflag:s20] =	ssyncadd.s32 $0xFFFFEC00  }
0x65: {  	[spmem:s1] =	stream.indirect.scatter.add.f32 [tilespmem:s19], [sflag:$0x1], $0x80, s31, s22, $0xb8;
	[tilespmem:$0x1E800] =	vst v63  }
0x66: {  	s23 =	simm.s32 $0x200;
	_ =	swait.ge [sflag:s20], $0x4000  }
.LBB2_8:
0x67: {  	s24 =	sshra.s32 s23, $0x2;
	[sflag:s20] =	ssyncset.done $0x0;
	p0 =	sne.s32 s23, $0x4E00  }
.Ltmp3:
0x68: {  	s24 =	sadd.s32 $0x1400, s24;
	[sflag:s20] =	ssyncadd.s32 $0xFFFFC000;
	(pc) =	sbr.rel @p0 .LBB2_8-.Ltmp3, $3  }
0x69: {  	[spmem:s1] =	stream.indirect.scatter.add.f32 [tilespmem:s19], [sflag:$0x1], $0x80, s24, s22, $0xb8;
	[tilespmem:$0x1E800] =	vst v63  }
0x6a: {  	s23 =	sadd.s32 $0x200, s23;
	_ =	sdelay $0x1  }
0x6b: {  	_ =	swait.ge [sflag:s20], $0x4000  }
0x6c: {  	[sflag:s20] =	ssyncset.done $0x0  }
0x6d: {  	s23 =	sshll.u32 s2, $0x6;
	[sflag:s20] =	ssyncadd.s32 $0xFFFFC000  }
0x6e: {  	s24 =	sshrl.u32 s4, $0x3;
	s23 =	sor.u32 $0x1C01, s23;
	[bflag:$0x0] =	sbarrier.arrive $0xFFFF  }
0x6f: {  	[hbm:s13], [sflag:s23] =	dma.local [spmem:s24], $0x800  }
0x70: {  	_ =	swait.ge [sflag:s20], $0x800  }
0x71: {  	[sflag:s20] =	ssyncset.done $0x0  }
0x72: {  	s28 =	sshrl.u32 s5, $0x3;
	[sflag:s20] =	ssyncadd.s32 $0xFFFFF800  }
0x73: {  	[hbm:s14], [sflag:s23] =	dma.local [spmem:s28], $0x800  }
0x74: {  	_ =	swait.ge [sflag:s20], $0x800  }
0x75: {  	[sflag:s20] =	ssyncset.done $0x0  }
0x76: {  	s29 =	sshrl.u32 s6, $0x3;
	[sflag:s20] =	ssyncadd.s32 $0xFFFFF800  }
0x77: {  	[hbm:s15], [sflag:s23] =	dma.local [spmem:s29], $0x800  }
0x78: {  	_ =	swait.ge [sflag:s20], $0x800  }
0x79: {  	[sflag:s20] =	ssyncset.done $0x0  }
0x7a: {  	s30 =	sshrl.u32 s7, $0x3;
	[sflag:s20] =	ssyncadd.s32 $0xFFFFF800  }
0x7b: {  	[hbm:s16], [sflag:s23] =	dma.local [spmem:s30], $0x800  }
0x7c: {  	s3 =	sadd.s32 $0x1, s3;
	_ =	swait.ge [sflag:s20], $0x800  }
0x7d: {  	p0 =	sne.s32 s3, s18;
	[sflag:s20] =	ssyncset.done $0x0  }
.Ltmp4:
0x7e: {  	s31 =	sshrl.u32 s8, $0x3;
	[sflag:s20] =	ssyncadd.s32 $0xFFFFF800;
	(pc) =	sbr.rel @p0 .LBB2_1-.Ltmp4, $4  }
0x7f: {  	[hbm:s17], [sflag:s23] =	dma.local [spmem:s31], $0x800  }
0x80: {  	_ =	swait.ge [sflag:s20], $0x800  }
0x81: {  	[sflag:s20] =	ssyncset.done $0x0  }
0x82: {  	[sflag:s20] =	ssyncadd.s32 $0xFFFFF800  }
0x83: {  	_ =	sfence.sel $0x180000  }
0x84: {  	[bflag:$0x0] =	sbarrier.arrive $0xFFFF  }
0x85: {  	p0 =	sne.s32 s2, $0x0;
	_ =	strace $0x90000047  }
0x86: {  	s0 =	sadd.s32 @!p0 $0x100000, s0;
	[bflag:$0x2] =	sbarrier.arrive $0xFFFF  }
0x87: {  	[sflag:s0] =	ssyncadd.tile.s32 @!p0 $0x1;
	_ =	shalt  }
.Lfunc_end2:
_tile_overlayer_lowered:
.L_overlay_start_2:
0x88: {  	(tag) =	ssettag $0x2  }
0x89: {  	s0 =	rddreg [dreg:$0x0];
	s2 =	stileid.u32  }
0x8a: {  	s1 =	rddreg [dreg:$0x1];
	p0 =	sne.s32 s2, $0x0  }
0x8b: {  	s3 =	rddreg [dreg:$0x2];
	[bflag:$0x3] =	sbarrier.arrive $0xFFFF;
	s2 =	simm.s32 @!p0 $0x1C01  }
0x8c: {  	[timem:s3], [sflag:s2] =	dma.local @!p0 [hbm:s0], s1  }
0x8d: {  	s0 =	simm.s32 @!p0 $0x1  }
0x8e: {  	_ =	swait.ge @!p0 [sflag:s0], s1  }
0x8f: {  	s1 =	ssub.s32 @!p0 $0x0, s1;
	[sflag:s0] =	ssyncset.done @!p0 $0x0  }
0x90: {  	[sflag:s0] =	ssyncadd.s32 @!p0 s1  }
0x91: {  	[bflag:$0x3] =	sbarrier.arrive $0xFFFF  }
0x92: {  	_ =	shalt  }

// kernel: kernel.13.cloned.1.call-start
scs
__scs_entry_jumppad:
0x0: {  	(pc) =	sbr.rel $0x88, $3  }
0x1: {  	(tag) =	ssettag $0x0;
	lr =	simm.s32 $0x1  }
0x2: {  	[smem:$0x3F8B] =	sst lr;
	_ =	strace $0xD0000000  }
0x3: {  	_ = 	snop  }
0x4: {  	_ = 	snop  }
0x5: {  	_ = 	snop  }
0x6: {  	_ = 	snop  }
0x7: {  	_ = 	snop  }
__scs_overlays_trampoline_lowered:
0x8: {  	[smem:$0x3F9A] =	sst s0  }
0x9: {  	[smem:$0x3F9B] =	sst s1  }
0xa: {  	[smem:$0x3F9C] =	sst s2  }
0xb: {  	[smem:$0x3F9D] =	sst s3  }
0xc: {  	[smem:$0x3F9E] =	sst s4  }
0xd: {  	[smem:$0x3F9F] =	sst s5  }
0xe: {  	[smem:$0x3FA0] =	sst s6  }
0xf: {  	[smem:$0x3FA1] =	sst s7  }
0x10: {  	[smem:$0x3FA2] =	sst s8  }
0x11: {  	[smem:$0x3FA3] =	sst s9;
	s0 =	simm.s32 @!p0 $0x0  }
0x12: {  	s1 =	sld [smem:$0x3F89];
	s0 =	simm.s32 @p0 $0x1  }
0x13: {  	[smem:$0x3FA4] =	sst s0;
	s0 =	simm.s32 @!p1 $0x0  }
0x14: {  	s2 =	sld [smem:$0x3F88];
	s0 =	simm.s32 @p1 $0x1  }
0x15: {  	[smem:$0x3FA5] =	sst s0;
	s0 =	simm.s32 @!p2 $0x0  }
0x16: {  	s3 =	sld [smem:$0x3FDB];
	s0 =	simm.s32 @p2 $0x1  }
0x17: {  	s4 =	simm.s32 $0x1BF5;
	[smem:$0x3FA7] =	sst s0  }
0x18: {  	s0 =	sld [smem:$0x3F8A];
	_ =	swait.ge [sflag:s4], $0x0  }
0x19: {  	s7 =	sld [smem:$0x3F8B]  }
0x1a: {  	s8 =	sadd.s32 $0xFFFFE003, lr  }
0x1b: {  	s9 =	sadd.s32 $0xFFFFFEF7, lr;
	s5 =	simm.s32 $0xFFFFFFFF;
	p2 =	slt.u32 s8, $0xFFFFF086  }
0x1c: {  	p1 =	slt.u32 s9, $0xF7A;
	s5 =	simm.s32 @!p2 $0x0  }
0x1d: {  	s5 =	simm.s32 @p1 $0x1;
	p0 =	seq.s32 s7, s2  }
0x1e: {  	s7 =	smul.u32 @!p0 $0xF7A, s2;
	p2 =	seq.s32 @!p0 s5, $0x0  }
0x1f: {  	s9 =	smul.u32 $0xF7A, s1;
	s8 =	simm.s32 @!p0 $0x1BF5;
	p2 =	por !p2, p0  }
0x20: {  	[sflag:s8] =	ssyncset.s32 @!p0 $0xFFFFF086;
	s6 =	sadd.s32 @!p0 s3, s7;
	s7 =	simm.s32 @!p0 $0x108  }
0x21: {  	s3 =	sadd.s32 s3, s9;
	s6 =	sadd.s32 @!p0 $0x88, s6;
	s7 =	simm.s32 @p2 $0x1082  }
0x22: {  	[simem:s7], [sflag:s8] =	dma.local @!p0 [hbm:s6], $0xF7A  }
0x23: {  	s9 =	sor.u32 $0xD0000000, s2;
	s6 =	simm.s32 $0x108;
	_ =	swait.ge @!p0 [sflag:s8], $0x0  }
0x24: {  	s3 =	sadd.s32 $0x88, s3;
	s6 =	simm.s32 @!p1 $0x1082;
	[sflag:s4] =	ssyncset.s32 $0xFFFFF086  }
0x25: {  	[simem:s6], [sflag:s4] =	dma.local [hbm:s3], $0xF7A  }
0x26: {  	[smem:$0x3F8B] =	sst s1;
	(tag) =	ssettag s2;
	_ =	strace s9  }
0x27: {  	s1 =	sld [smem:$0x3F9B]  }
0x28: {  	s2 =	sld [smem:$0x3F9C]  }
0x29: {  	s4 =	sld [smem:$0x3F9E]  }
0x2a: {  	p0 =	seq.s32 s5, $0x0;
	s5 =	sld [smem:$0x3F9F]  }
0x2b: {  	s6 =	sld [smem:$0x3FA0]  }
0x2c: {  	s7 =	sld [smem:$0x3FA1]  }
0x2d: {  	s3 =	simm.s32 $0x108;
	s8 =	sld [smem:$0x3FA2]  }
0x2e: {  	s3 =	simm.s32 @!p0 $0x1082;
	s9 =	sld [smem:$0x3FA3]  }
0x2f: {  	lr =	sadd.s32 s0, s3;
	s0 =	sld [smem:$0x3F9A]  }
0x30: {  	s3 =	sld [smem:$0x3F9D]  }
0x31: {  	[smem:$0x3FA6] =	sst s10  }
0x32: {  	s10 =	sld [smem:$0x3FA4];
	_ =	sdelay $0x3  }
0x33: {  	p0 =	seq.s32 s10, $0x1;
	s10 =	sld [smem:$0x3FA6];
	_ =	sdelay $0x3  }
0x34: {  	[smem:$0x3FA6] =	sst s10  }
0x35: {  	s10 =	sld [smem:$0x3FA5];
	_ =	sdelay $0x3  }
0x36: {  	p1 =	seq.s32 s10, $0x1;
	s10 =	sld [smem:$0x3FA6];
	_ =	sdelay $0x3  }
0x37: {  	[smem:$0x3FA6] =	sst s10  }
0x38: {  	s10 =	sld [smem:$0x3FA7]  }
0x39: {  	_ = 	snop;
	(pc) =	sbr.ind lr, $3  }
0x3a: {  	_ = 	snop  }
0x3b: {  	_ = 	snop  }
0x3c: {  	p2 =	seq.s32 s10, $0x1;
	s10 =	sld [smem:$0x3FA6]  }
0x3d: {  	_ =	shalt  }
0x3e: {  	_ =	shalt  }
0x3f: {  	_ =	shalt  }
0x40: {  	_ =	shalt  }
0x41: {  	_ =	shalt  }
0x42: {  	_ =	shalt  }
0x43: {  	_ =	shalt  }
0x44: {  	_ =	shalt  }
0x45: {  	_ =	shalt  }
0x46: {  	_ =	shalt  }
0x47: {  	_ =	shalt  }
0x48: {  	_ =	shalt  }
0x49: {  	_ =	shalt  }
0x4a: {  	_ =	shalt  }
0x4b: {  	_ =	shalt  }
0x4c: {  	_ =	shalt  }
0x4d: {  	_ =	shalt  }
0x4e: {  	_ =	shalt  }
0x4f: {  	_ =	shalt  }
0x50: {  	_ =	shalt  }
0x51: {  	_ =	shalt  }
0x52: {  	_ =	shalt  }
0x53: {  	_ =	shalt  }
0x54: {  	_ =	shalt  }
0x55: {  	_ =	shalt  }
0x56: {  	_ =	shalt  }
0x57: {  	_ =	shalt  }
0x58: {  	_ =	shalt  }
0x59: {  	_ =	shalt  }
0x5a: {  	_ =	shalt  }
0x5b: {  	_ =	shalt  }
0x5c: {  	_ =	shalt  }
0x5d: {  	_ =	shalt  }
0x5e: {  	_ =	shalt  }
0x5f: {  	_ =	shalt  }
0x60: {  	_ =	shalt  }
0x61: {  	_ =	shalt  }
0x62: {  	_ =	shalt  }
0x63: {  	_ =	shalt  }
0x64: {  	_ =	shalt  }
0x65: {  	_ =	shalt  }
0x66: {  	_ =	shalt  }
0x67: {  	_ =	shalt  }
0x68: {  	_ =	shalt  }
0x69: {  	_ =	shalt  }
0x6a: {  	_ =	shalt  }
0x6b: {  	_ =	shalt  }
0x6c: {  	_ =	shalt  }
0x6d: {  	_ =	shalt  }
0x6e: {  	_ =	shalt  }
0x6f: {  	_ =	shalt  }
0x70: {  	_ =	shalt  }
0x71: {  	_ =	shalt  }
0x72: {  	_ =	shalt  }
0x73: {  	_ =	shalt  }
0x74: {  	_ =	shalt  }
0x75: {  	_ =	shalt  }
0x76: {  	_ =	shalt  }
0x77: {  	_ =	shalt  }
0x78: {  	_ =	shalt  }
0x79: {  	_ =	shalt  }
0x7a: {  	_ =	shalt  }
0x7b: {  	_ =	shalt  }
0x7c: {  	_ =	shalt  }
0x7d: {  	_ =	shalt  }
0x7e: {  	_ =	shalt  }
0x7f: {  	_ =	shalt  }
0x80: {  	_ =	shalt  }
0x81: {  	_ =	shalt  }
0x82: {  	_ =	shalt  }
0x83: {  	_ =	shalt  }
0x84: {  	_ =	shalt  }
0x85: {  	_ =	shalt  }
0x86: {  	_ =	shalt  }
0x87: {  	_ =	shalt  }
.Lfunc_end0:
.L_simem_size_0:
called_computation.1_lowered:
.L_overlay_start_0:
0x88: {  	s2 =	sld [smem:$0x3FD9]  }
0x89: {  	s3 =	sld [smem:$0x3FFE];
	_ =	sdelay $0x1  }
0x8a: {  	s1 =	srdreg.scid  }
0x8b: {  	s0 =	sand.u32 $0x1, s1  }
0x8c: {  	s14 =	sshll.u32 s0, $0xA;
	s2 =	sadd.s32 s3, s2  }
0x8d: {  	s2 =	sadd.s32 s2, s14  }
0x8e: {  	[smem:$0x3FB2] =	sst s2  }
0x8f: {  	_ = 	snop  }
0x90: {  	s2 =	sld [smem:$0x3FD0];
	_ =	sdelay $0x2  }
0x91: {  	s15 =	simm.s32 $0xA;
	s4 =	simm.s32 $0x10  }
0x92: {  	[smem:s4], [sflag:s15] =	dma.local [hbm:s2], $0x1  }
0x93: {  	_ =	swait.eq [sflag:s15], $0x1  }
0x94: {  	[sflag:s15] =	ssyncset.done $0x0  }
0x95: {  	[sflag:s15] =	ssyncadd.s32 $0xFFFFFFFF  }
0x96: {  	s16 =	sld [smem:$0x10];
	(tm) =	ssettm $0x1  }
0x97: {  	s17 =	sld [smem:$0x3FFB];
	_ =	sdelay $0x3  }
0x98: {  	_ =	strace s17  }
0x99: {  	s3 =	sld [smem:$0x3FFC];
	_ =	sdelay $0x3  }
0x9a: {  	_ =	strace s3  }
0x9b: {  	s3 =	sld [smem:$0x3FFD];
	_ =	sdelay $0x3  }
0x9c: {  	_ =	strace s3  }
0x9d: {  	_ =	strace $0x8FFFFFFF  }
0x9e: {  	s18 =	sld [smem:$0x3FDB];
	_ =	sdelay $0x1  }
0x9f: {  	s19 =	simm.s32 $_scs_section_size  }
0xa0: {  	s5 =	simm.s32 $_size__tile_overlayer_lowered;
	s6 =	simm.s32 $_tile_overlayer_lowered  }
0xa1: {  	s22 =	simm.s32 $0x1BFF;
	s21 =	sshll.u32 s6, $0x1;
	s3 =	sadd.s32 s19, s18  }
0xa2: {  	s7 =	simm.s32 $0x0;
	s20 =	sshll.u32 s5, $0x1;
	s5 =	sadd.s32 s21, s3  }
0xa3: {  	[timem:s7], [sflag:s22] =	dma.local [hbm:s5], s20  }
0xa4: {  	_ =	swait.ge [sflag:s22], s20  }
0xa5: {  	s4 =	ssub.s32 $0x0, s20;
	[sflag:s22] =	ssyncset.done $0x0  }
0xa6: {  	[sflag:s22] =	ssyncadd.s32 s4;
	_ =	sdelay $0x1  }
0xa7: {  	s23 =	simm.s32 $0x1B8B  }
0xa8: {  	_ =	swait.ge [sflag:s23], $0x1  }
0xa9: {  	[sflag:s23] =	ssyncset.done $0x0  }
0xaa: {  	s25 =	simm.s32 $0x1B8E;
	s24 =	sld [smem:$0x3FFE];
	[sflag:s23] =	ssyncadd.s32 $0xFFFFFFFF  }
0xab: {  	s26 =	simm.s32 $execute0_lowered;
	[smem:$0x3FD2] =	sst s25  }
0xac: {  	s5 =	sshll.u32 s26, $0x1;
	_ =	strace $0x80000049;
	[dreg:$0x1] =	wrdreg $0xFFFFFFFF  }
0xad: {  	s28 =	simm.s32 $_size_execute0_lowered;
	s3 =	sadd.s32 s3, s5;
	[dreg:$0x0] =	wrdreg $0x0  }
0xae: {  	s5 =	sshll.u32 s28, $0x1;
	[dreg:$0x2] =	wrdreg s3  }
0xaf: {  	[dreg:$0x3] =	wrdreg s5  }
0xb0: {  	[dreg:$0x4] =	wrdreg $0xC0  }
0xb1: {  	_ =	task [dreg:s7], $0x5FFFF  }
0xb2: {  	[dreg:$0x1] =	wrdreg $0xFFFFFFFF  }
0xb3: {  	[dreg:$0x0] =	wrdreg $0x60  }
0xb4: {  	[dreg:$0x2] =	wrdreg s24  }
0xb5: {  	[dreg:$0x3] =	wrdreg s16  }
0xb6: {  	[dreg:$0x4] =	wrdreg $0xA8000  }
0xb7: {  	[dreg:$0x5] =	wrdreg $0x9  }
0xb8: {  	_ =	task.clear_ibuf [dreg:s7], $0x6FFFF;
	_ =	strace $0x90000049  }
0xb9: {  	s29 =	simm.s32 $0x9;
	_ =	strace $0x8000004B  }
0xba: {  	_ =	swait.ge [sflag:s29], $0x1  }
0xbb: {  	[sflag:s29] =	ssyncadd.s32 $0xFFFFFFFF  }
0xbc: {  	_ =	strace $0x9000004B  }
0xbd: {  	_ =	sfence  }
0xbe: {  	s30 =	sld [smem:$0x0];
	_ =	sdelay $0x2  }
0xbf: {  	s31 =	sshll.u32 s1, $0xD;
	s1 =	sshrl.u32 s1, $0x2  }
0xc0: {  	s3 =	sand.u32 $0x4000, s31;
	s1 =	sadd.s32 s1, s30  }
0xc1: {  	s0 =	sor.u32 s3, s0;
	s1 =	sshll.u32 s1, $0x11  }
0xc2: {  	s0 =	sor.u32 s1, s0  }
0xc3: {  	s0 =	sadd.s32 $0x8F2B, s0  }
0xc4: {  	[sflag:s0] =	ssyncadd.remote.s32 $0x1  }
0xc5: {  	_ =	sfence.sel $0xFFFF  }
0xc6: {  	[dreg:$0x0] =	wrdreg $0xFFFFFFFF;
	(pc) =	sbr.abs _section_cstart, $3  }
0xc7: {  	[dreg:$0x1] =	wrdreg $0xFFFFFFFF  }
0xc8: {  	_ =	task.clear_ibuf [dreg:s7], $0x2FFFF;
	_ =	strace $0x9FFFFFFF  }
0xc9: {  	(tm) =	ssettm $0x7FFFFFFF  }
tec
execute0_lowered:
.L_overlay_start_1:
0x0: {  	(tag) =	ssettag $0x1  }
0x1: {  	s0 =	rddreg [dreg:$0x0]  }
0x2: {  	s12 =	rddreg [dreg:$0x1]  }
0x3: {  	s1 =	rddreg [dreg:$0x2];
	s3 =	simm.s32 $0x0;
	s4 =	srdreg.scid  }
0x4: {  	s2 =	stileid.u32;
	s22 =	simm.s32 $0x1400;
	s23 =	simm.s32 $0x80  }
0x5: {  	s24 =	simm.s32 $0x6800;
	s28 =	simm.s32 $0x1380;
	s29 =	simm.s32 $0x2700  }
0x6: {  	s30 =	simm.s32 $0x2780;
	[smem:$0x7FF] =	sst s3;
	s8 =	sand.u32 $0x1, s4  }
0x7: {  	s4 =	sadd.s32 $0x87200, s0;
	s6 =	smul.u32 $0x50000, s2;
	s13 =	sadd.s32 $0x5200, s0  }
0x8: {  	s0 =	sadd.s32 $0xAF200, s0;
	s14 =	smul.u32 $0x14000, s2;
	_ =	strace $0x8000004A  }
0x9: {  	s5 =	ssub.s32 $0x2, s8;
	s9 =	sshll.u32 s8, $0x4;
	s21 =	smul.u32 $0x140000, s8  }
0xa: {  	s7 =	sshrl.u32 s5, $0x1;
	s6 =	sshrl.u32 s6, $0x2;
	s25 =	sor.u32 s2, s9  }
0xb: {  	s15 =	sadd.s32 $0x4000, s14;
	s16 =	sadd.s32 $0x8000, s14;
	s17 =	sadd.s32 $0xC000, s14  }
0xc: {  	s18 =	sadd.s32 $0x10000, s14;
	s19 =	ssub.s32 s5, s7;
	s5 =	sadd.s32 s6, s1  }
0xd: {  	s9 =	smul.u32 $0x2800, s25;
	s6 =	sadd.s32 s15, s1;
	s7 =	sadd.s32 s16, s1  }
0xe: {  	s8 =	sadd.s32 s17, s1;
	s14 =	sadd.s32 s14, s21;
	s15 =	sadd.s32 s21, s15  }
0xf: {  	s16 =	sadd.s32 s21, s16;
	s17 =	sadd.s32 s21, s17;
	s25 =	simm.s32 $0x1  }
0x10: {  	s14 =	sshrl.u32 s14, $0x3;
	s15 =	sshrl.u32 s15, $0x3;
	s16 =	sshrl.u32 s16, $0x3  }
0x11: {  	s17 =	sshrl.u32 s17, $0x3;
	s19 =	smax.u32 s19, $0x1;
	s20 =	sshrl.u32 s9, $0x3  }
0x12: {  	s9 =	sadd.s32 s18, s1;
	s14 =	sadd.s32 s0, s14;
	s15 =	sadd.s32 s0, s15  }
0x13: {  	s18 =	sadd.s32 s21, s18;
	s16 =	sadd.s32 s0, s16;
	s17 =	sadd.s32 s0, s17  }
0x14: {  	s21 =	simm.s32 $0x3;
	s26 =	sadd.s32 s12, s20;
	s31 =	sadd.s32 s13, s20  }
0x15: {  	s20 =	sadd.s32 $0x280, s20;
	s18 =	sshrl.u32 s18, $0x3;
	[dreg:$0x4] =	wrdreg s26  }
0x16: {  	[dreg:$0x5] =	wrdreg s31;
	s12 =	sadd.s32 s12, s20;
	s13 =	sadd.s32 s13, s20  }
0x17: {  	v0 =	vimm.f32 $0.0e+00;
	s18 =	sadd.s32 s0, s18;
	s20 =	simm.s32 $0x2800;
	s26 =	simm.s32 $0x2  }
.LBB2_1:
0x18: {  	s31 =	simm.s32 $0x0;
	s0 =	simm.s32 $0x200  }
.LBB2_2:
0x19: {  	p0 =	sne.s32 s0, $0xFE00;
	[tilespmem:s31+$0x2870] =	vst v0  }
0x1a: {  	[tilespmem:s31+$0x2800] =	vst v0  }
0x1b: {  	[tilespmem:s31+$0x2810] =	vst v0  }
.Ltmp0:
0x1c: {  	[tilespmem:s31+$0x2820] =	vst v0;
	(pc) =	sbr.rel @p0 .LBB2_2-.Ltmp0, $4  }
0x1d: {  	[tilespmem:s31+$0x2830] =	vst v0  }
0x1e: {  	[tilespmem:s31+$0x2840] =	vst v0  }
0x1f: {  	[tilespmem:s31+$0x2850] =	vst v0  }
0x20: {  	[tilespmem:s31+$0x2860] =	vst v0;
	s31 =	sshra.s32 s0, $0x2;
	s0 =	sadd.s32 $0x200, s0  }
0x21: {  	[tilespmem:s31+$0x2870] =	vst v0  }
0x22: {  	[tilespmem:s31+$0x2800] =	vst v0  }
0x23: {  	[tilespmem:s31+$0x2810] =	vst v0  }
0x24: {  	[tilespmem:s31+$0x2820] =	vst v0  }
0x25: {  	[tilespmem:s31+$0x2830] =	vst v0  }
0x26: {  	[tilespmem:s31+$0x2840] =	vst v0  }
0x27: {  	[tilespmem:s31+$0x2850] =	vst v0  }
0x28: {  	[tilespmem:s31+$0x2860] =	vst v0  }
0x29: {  	[spmem:s5] =	stream.linear.scatter [tilespmem:s20], [sflag:$0x3], $0x4000, $0x38;
	[tilespmem:$0x1E800] =	vst v63  }
0x2a: {  	_ =	swait.ge [sflag:s21], $0x4000  }
0x2b: {  	[sflag:s21] =	ssyncset.done $0x0  }
0x2c: {  	[sflag:s21] =	ssyncadd.s32 $0xFFFFC000  }
0x2d: {  	[spmem:s6] =	stream.linear.scatter [tilespmem:s20], [sflag:$0x3], $0x4000, $0x38;
	[tilespmem:$0x1E800] =	vst v63  }
0x2e: {  	_ =	swait.ge [sflag:s21], $0x4000  }
0x2f: {  	[sflag:s21] =	ssyncset.done $0x0  }
0x30: {  	[sflag:s21] =	ssyncadd.s32 $0xFFFFC000  }
0x31: {  	[spmem:s7] =	stream.linear.scatter [tilespmem:s20], [sflag:$0x3], $0x4000, $0x38;
	[tilespmem:$0x1E800] =	vst v63  }
0x32: {  	_ =	swait.ge [sflag:s21], $0x4000  }
0x33: {  	[sflag:s21] =	ssyncset.done $0x0  }
0x34: {  	[sflag:s21] =	ssyncadd.s32 $0xFFFFC000  }
0x35: {  	[spmem:s8] =	stream.linear.scatter [tilespmem:s20], [sflag:$0x3], $0x4000, $0x38;
	[tilespmem:$0x1E800] =	vst v63  }
0x36: {  	_ =	swait.ge [sflag:s21], $0x4000  }
0x37: {  	[sflag:s21] =	ssyncset.done $0x0  }
0x38: {  	[sflag:s21] =	ssyncadd.s32 $0xFFFFC000  }
0x39: {  	[spmem:s9] =	stream.linear.scatter [tilespmem:s20], [sflag:$0x3], $0x4000, $0x38;
	[tilespmem:$0x1E800] =	vst v63  }
0x3a: {  	_ =	swait.ge [sflag:s21], $0x4000  }
0x3b: {  	[sflag:s21] =	ssyncset.done $0x0  }
0x3c: {  	[sflag:s21] =	ssyncadd.s32 $0xFFFFC000  }
0x3d: {  	[bflag:$0x0] =	sbarrier.arrive $0xFFFF  }
0x3e: {  	s0 =	simm.s32 $0x0;
	s2 =	rddreg [dreg:$0x4]  }
0x3f: {  	[tilespmem:s0], [sflag:$0x3] =	stream.linear.gather [hbm4b:s2+s0], $0x1400, $0x38;
	[tilespmem:$0x1E800] =	vst v63  }
0x40: {  	_ =	swait.ge [sflag:s21], $0x1400  }
0x41: {  	[sflag:s21] =	ssyncset.done $0x0  }
0x42: {  	s10 =	rddreg [dreg:$0x5];
	[sflag:s21] =	ssyncadd.s32 $0xFFFFEC00  }
0x43: {  	[tilespmem:s22], [sflag:$0x3] =	stream.linear.gather [hbm4b:s10+s0], $0x1400, $0x38;
	[tilespmem:$0x1E800] =	vst v63  }
0x44: {  	_ =	swait.ge [sflag:s21], $0x1400  }
0x45: {  	[sflag:s21] =	ssyncset.done $0x0  }
0x46: {  	[sflag:s21] =	ssyncadd.s32 $0xFFFFEC00  }
0x47: {  	[tilespmem:s20], [sflag:$0x1] =	stream.indirect.gather [hbm4b:s4+s23], $0x80, s0, s23, $0xb8;
	[tilespmem:$0x1E800] =	vst v63  }
0x48: {  	s11 =	simm.s32 $0x80  }
0x49: {  	[tilespmem:s24], [sflag:$0x2] =	stream.indirect.gather [hbm4b:s4+s23], $0x80, s11, s23, $0xb8;
	[tilespmem:$0x1E800] =	vst v63  }
0x4a: {  	_ =	swait.ge [sflag:s25], $0x4000  }
0x4b: {  	[sflag:s25] =	ssyncset.done $0x0  }
0x4c: {  	s2 =	simm.s32 $0x1400;
	[sflag:s25] =	ssyncadd.s32 $0xFFFFC000  }
0x4d: {  	[spmem:s1] =	stream.indirect.scatter.add.f32 [tilespmem:s20], [sflag:$0x3], $0x80, s2, s23, $0xb8;
	[tilespmem:$0x1E800] =	vst v63  }
0x4e: {  	_ =	swait.ge [sflag:s21], $0x4000  }
0x4f: {  	[sflag:s21] =	ssyncset.done $0x0  }
0x50: {  	s10 =	simm.s32 $0x100;
	[sflag:s21] =	ssyncadd.s32 $0xFFFFC000  }
0x51: {  	[tilespmem:s20], [sflag:$0x1] =	stream.indirect.gather [hbm4b:s4+s23], $0x80, s10, s23, $0xb8;
	[tilespmem:$0x1E800] =	vst v63  }
0x52: {  	_ =	swait.ge [sflag:s26], $0x4000  }
0x53: {  	[sflag:s26] =	ssyncset.done $0x0  }
0x54: {  	s11 =	simm.s32 $0x1480;
	[sflag:s26] =	ssyncadd.s32 $0xFFFFC000  }
0x55: {  	[spmem:s1] =	stream.indirect.scatter.add.f32 [tilespmem:s24], [sflag:$0x3], $0x80, s11, s23, $0xb8;
	[tilespmem:$0x1E800] =	vst v63  }
0x56: {  	_ =	swait.ge [sflag:s21], $0x4000  }
0x57: {  	s31 =	simm.s32 $0x100;
	s0 =	simm.s32 $0x800;
	[sflag:s21] =	ssyncset.done $0x0  }
.LBB2_4:
0x58: {  	s2 =	sadd.s32 $0x80, s31  }
0x59: {  	[sflag:s21] =	ssyncadd.s32 $0xFFFFC000;
	s10 =	smov.u32 s0;
	s11 =	sadd.s32 $0x400, s0  }
0x5a: {  	[tilespmem:s24], [sflag:$0x2] =	stream.indirect.gather [hbm4b:s4+s23], $0x80, s2, s23, $0xb8;
	[tilespmem:$0x1E800] =	vst v63  }
0x5b: {  	p0 =	sne.s32 s0, $0x4800;
	_ =	swait.ge [sflag:s25], $0x4000  }
0x5c: {  	[sflag:s25] =	ssyncset.done $0x0  }
0x5d: {  	s0 =	sadd.s32 $0x1400, s31;
	[sflag:s25] =	ssyncadd.s32 $0xFFFFC000  }
0x5e: {  	[spmem:s1] =	stream.indirect.scatter.add.f32 [tilespmem:s20], [sflag:$0x3], $0x80, s0, s23, $0xb8;
	[tilespmem:$0x1E800] =	vst v63  }
0x5f: {  	_ =	swait.ge [sflag:s21], $0x4000  }
0x60: {  	[sflag:s21] =	ssyncset.done $0x0  }
0x61: {  	s0 =	sadd.s32 $0x100, s31;
	[sflag:s21] =	ssyncadd.s32 $0xFFFFC000  }
0x62: {  	[tilespmem:s20], [sflag:$0x1] =	stream.indirect.gather [hbm4b:s4+s23], $0x80, s0, s23, $0xb8;
	[tilespmem:$0x1E800] =	vst v63  }
0x63: {  	_ =	swait.ge [sflag:s26], $0x4000  }
.Ltmp1:
0x64: {  	[sflag:s26] =	ssyncset.done $0x0;
	(pc) =	sbr.rel @p0 .LBB2_4-.Ltmp1, $4  }
0x65: {  	s0 =	sadd.s32 $0x1480, s31;
	[sflag:s26] =	ssyncadd.s32 $0xFFFFC000  }
0x66: {  	[spmem:s1] =	stream.indirect.scatter.add.f32 [tilespmem:s24], [sflag:$0x3], $0x80, s0, s23, $0xb8;
	[tilespmem:$0x1E800] =	vst v63  }
0x67: {  	_ =	swait.ge [sflag:s21], $0x4000  }
0x68: {  	s31 =	sshra.s32 s10, $0x2;
	s0 =	smov.u32 s11;
	[sflag:s21] =	ssyncset.done $0x0  }
0x69: {  	s0 =	sadd.s32 $0x80, s31;
	[sflag:s21] =	ssyncadd.s32 $0xFFFFC000  }
0x6a: {  	[tilespmem:s24], [sflag:$0x2] =	stream.indirect.gather [hbm4b:s4+s23], $0x80, s0, s23, $0xb8;
	[tilespmem:$0x1E800] =	vst v63  }
0x6b: {  	_ =	swait.ge [sflag:s25], $0x4000  }
0x6c: {  	[sflag:s25] =	ssyncset.done $0x0  }
0x6d: {  	s10 =	sadd.s32 $0x1400, s31;
	[sflag:s25] =	ssyncadd.s32 $0xFFFFC000  }
0x6e: {  	[spmem:s1] =	stream.indirect.scatter.add.f32 [tilespmem:s20], [sflag:$0x3], $0x80, s10, s23, $0xb8;
	[tilespmem:$0x1E800] =	vst v63  }
0x6f: {  	_ =	swait.ge [sflag:s21], $0x4000  }
0x70: {  	[sflag:s21] =	ssyncset.done $0x0  }
0x71: {  	s11 =	sadd.s32 $0x100, s31;
	[sflag:s21] =	ssyncadd.s32 $0xFFFFC000  }
0x72: {  	[tilespmem:s20], [sflag:$0x1] =	stream.indirect.gather [hbm4b:s4+s23], $0x80, s11, s23, $0xb8;
	[tilespmem:$0x1E800] =	vst v63  }
0x73: {  	_ =	swait.ge [sflag:s26], $0x4000  }
0x74: {  	[sflag:s26] =	ssyncset.done $0x0  }
0x75: {  	s2 =	sadd.s32 $0x1480, s31;
	[sflag:s26] =	ssyncadd.s32 $0xFFFFC000  }
0x76: {  	[spmem:s1] =	stream.indirect.scatter.add.f32 [tilespmem:s24], [sflag:$0x3], $0x80, s2, s23, $0xb8;
	[tilespmem:$0x1E800] =	vst v63  }
0x77: {  	_ =	swait.ge [sflag:s21], $0x4000  }
0x78: {  	[sflag:s21] =	ssyncset.done $0x0  }
0x79: {  	[sflag:s21] =	ssyncadd.s32 $0xFFFFC000  }
0x7a: {  	[tilespmem:s24], [sflag:$0x2] =	stream.indirect.gather [hbm4b:s4+s23], $0x80, s28, s23, $0xb8;
	[tilespmem:$0x1E800] =	vst v63  }
0x7b: {  	_ =	swait.ge [sflag:s25], $0x4000  }
0x7c: {  	[sflag:s25] =	ssyncset.done $0x0  }
0x7d: {  	[sflag:s25] =	ssyncadd.s32 $0xFFFFC000  }
0x7e: {  	[spmem:s1] =	stream.indirect.scatter.add.f32 [tilespmem:s20], [sflag:$0x3], $0x80, s29, s23, $0xb8;
	[tilespmem:$0x1E800] =	vst v63  }
0x7f: {  	_ =	swait.ge [sflag:s21], $0x4000  }
0x80: {  	[sflag:s21] =	ssyncset.done $0x0  }
0x81: {  	[sflag:s21] =	ssyncadd.s32 $0xFFFFC000  }
0x82: {  	_ =	swait.ge [sflag:s26], $0x4000  }
0x83: {  	[sflag:s26] =	ssyncset.done $0x0  }
0x84: {  	[sflag:s26] =	ssyncadd.s32 $0xFFFFC000  }
0x85: {  	[spmem:s1] =	stream.indirect.scatter.add.f32 [tilespmem:s24], [sflag:$0x3], $0x80, s30, s23, $0xb8;
	[tilespmem:$0x1E800] =	vst v63  }
0x86: {  	_ =	swait.ge [sflag:s21], $0x4000  }
0x87: {  	[sflag:s21] =	ssyncset.done $0x0  }
0x88: {  	s10 =	simm.s32 $0x0;
	[sflag:s21] =	ssyncadd.s32 $0xFFFFC000  }
0x89: {  	[tilespmem:s10], [sflag:$0x3] =	stream.linear.gather [hbm4b:s12+s10], $0x1400, $0x38;
	[tilespmem:$0x1E800] =	vst v63  }
0x8a: {  	_ =	swait.ge [sflag:s21], $0x1400  }
0x8b: {  	[sflag:s21] =	ssyncset.done $0x0  }
0x8c: {  	[sflag:s21] =	ssyncadd.s32 $0xFFFFEC00  }
0x8d: {  	[tilespmem:s22], [sflag:$0x3] =	stream.linear.gather [hbm4b:s13+s10], $0x1400, $0x38;
	[tilespmem:$0x1E800] =	vst v63  }
0x8e: {  	_ =	swait.ge [sflag:s21], $0x1400  }
0x8f: {  	[sflag:s21] =	ssyncset.done $0x0  }
0x90: {  	[sflag:s21] =	ssyncadd.s32 $0xFFFFEC00  }
0x91: {  	[tilespmem:s20], [sflag:$0x1] =	stream.indirect.gather [hbm4b:s4+s23], $0x80, s10, s23, $0xb8;
	[tilespmem:$0x1E800] =	vst v63  }
0x92: {  	s11 =	simm.s32 $0x80  }
0x93: {  	[tilespmem:s24], [sflag:$0x2] =	stream.indirect.gather [hbm4b:s4+s23], $0x80, s11, s23, $0xb8;
	[tilespmem:$0x1E800] =	vst v63  }
0x94: {  	_ =	swait.ge [sflag:s25], $0x4000  }
0x95: {  	[sflag:s25] =	ssyncset.done $0x0  }
0x96: {  	s2 =	simm.s32 $0x1400;
	[sflag:s25] =	ssyncadd.s32 $0xFFFFC000  }
0x97: {  	[spmem:s1] =	stream.indirect.scatter.add.f32 [tilespmem:s20], [sflag:$0x3], $0x80, s2, s23, $0xb8;
	[tilespmem:$0x1E800] =	vst v63  }
0x98: {  	_ =	swait.ge [sflag:s21], $0x4000  }
0x99: {  	[sflag:s21] =	ssyncset.done $0x0  }
0x9a: {  	s10 =	simm.s32 $0x100;
	[sflag:s21] =	ssyncadd.s32 $0xFFFFC000  }
0x9b: {  	[tilespmem:s20], [sflag:$0x1] =	stream.indirect.gather [hbm4b:s4+s23], $0x80, s10, s23, $0xb8;
	[tilespmem:$0x1E800] =	vst v63  }
0x9c: {  	_ =	swait.ge [sflag:s26], $0x4000  }
0x9d: {  	[sflag:s26] =	ssyncset.done $0x0  }
0x9e: {  	s11 =	simm.s32 $0x1480;
	[sflag:s26] =	ssyncadd.s32 $0xFFFFC000  }
0x9f: {  	[spmem:s1] =	stream.indirect.scatter.add.f32 [tilespmem:s24], [sflag:$0x3], $0x80, s11, s23, $0xb8;
	[tilespmem:$0x1E800] =	vst v63  }
0xa0: {  	_ =	swait.ge [sflag:s21], $0x4000  }
0xa1: {  	s31 =	simm.s32 $0x100;
	s0 =	simm.s32 $0x800;
	[sflag:s21] =	ssyncset.done $0x0  }
.LBB2_6:
0xa2: {  	s2 =	sadd.s32 $0x80, s31  }
0xa3: {  	[sflag:s21] =	ssyncadd.s32 $0xFFFFC000;
	s10 =	smov.u32 s0;
	s11 =	sadd.s32 $0x400, s0  }
0xa4: {  	[tilespmem:s24], [sflag:$0x2] =	stream.indirect.gather [hbm4b:s4+s23], $0x80, s2, s23, $0xb8;
	[tilespmem:$0x1E800] =	vst v63  }
0xa5: {  	p0 =	sne.s32 s0, $0x4800;
	_ =	swait.ge [sflag:s25], $0x4000  }
0xa6: {  	[sflag:s25] =	ssyncset.done $0x0  }
0xa7: {  	s0 =	sadd.s32 $0x1400, s31;
	[sflag:s25] =	ssyncadd.s32 $0xFFFFC000  }
0xa8: {  	[spmem:s1] =	stream.indirect.scatter.add.f32 [tilespmem:s20], [sflag:$0x3], $0x80, s0, s23, $0xb8;
	[tilespmem:$0x1E800] =	vst v63  }
0xa9: {  	_ =	swait.ge [sflag:s21], $0x4000  }
0xaa: {  	[sflag:s21] =	ssyncset.done $0x0  }
0xab: {  	s0 =	sadd.s32 $0x100, s31;
	[sflag:s21] =	ssyncadd.s32 $0xFFFFC000  }
0xac: {  	[tilespmem:s20], [sflag:$0x1] =	stream.indirect.gather [hbm4b:s4+s23], $0x80, s0, s23, $0xb8;
	[tilespmem:$0x1E800] =	vst v63  }
0xad: {  	_ =	swait.ge [sflag:s26], $0x4000  }
.Ltmp2:
0xae: {  	[sflag:s26] =	ssyncset.done $0x0;
	(pc) =	sbr.rel @p0 .LBB2_6-.Ltmp2, $4  }
0xaf: {  	s0 =	sadd.s32 $0x1480, s31;
	[sflag:s26] =	ssyncadd.s32 $0xFFFFC000  }
0xb0: {  	[spmem:s1] =	stream.indirect.scatter.add.f32 [tilespmem:s24], [sflag:$0x3], $0x80, s0, s23, $0xb8;
	[tilespmem:$0x1E800] =	vst v63  }
0xb1: {  	_ =	swait.ge [sflag:s21], $0x4000  }
0xb2: {  	s31 =	sshra.s32 s10, $0x2;
	s0 =	smov.u32 s11;
	[sflag:s21] =	ssyncset.done $0x0  }
0xb3: {  	s0 =	sadd.s32 $0x80, s31;
	[sflag:s21] =	ssyncadd.s32 $0xFFFFC000  }
0xb4: {  	[tilespmem:s24], [sflag:$0x2] =	stream.indirect.gather [hbm4b:s4+s23], $0x80, s0, s23, $0xb8;
	[tilespmem:$0x1E800] =	vst v63  }
0xb5: {  	_ =	swait.ge [sflag:s25], $0x4000  }
0xb6: {  	[sflag:s25] =	ssyncset.done $0x0  }
0xb7: {  	s11 =	sadd.s32 $0x1400, s31;
	[sflag:s25] =	ssyncadd.s32 $0xFFFFC000  }
0xb8: {  	[spmem:s1] =	stream.indirect.scatter.add.f32 [tilespmem:s20], [sflag:$0x3], $0x80, s11, s23, $0xb8;
	[tilespmem:$0x1E800] =	vst v63  }
0xb9: {  	_ =	swait.ge [sflag:s21], $0x4000  }
0xba: {  	[sflag:s21] =	ssyncset.done $0x0  }
0xbb: {  	s2 =	sadd.s32 $0x100, s31;
	[sflag:s21] =	ssyncadd.s32 $0xFFFFC000  }
0xbc: {  	[tilespmem:s20], [sflag:$0x1] =	stream.indirect.gather [hbm4b:s4+s23], $0x80, s2, s23, $0xb8;
	[tilespmem:$0x1E800] =	vst v63  }
0xbd: {  	_ =	swait.ge [sflag:s26], $0x4000  }
0xbe: {  	[sflag:s26] =	ssyncset.done $0x0  }
0xbf: {  	s10 =	sadd.s32 $0x1480, s31;
	[sflag:s26] =	ssyncadd.s32 $0xFFFFC000  }
0xc0: {  	[spmem:s1] =	stream.indirect.scatter.add.f32 [tilespmem:s24], [sflag:$0x3], $0x80, s10, s23, $0xb8;
	[tilespmem:$0x1E800] =	vst v63  }
0xc1: {  	_ =	swait.ge [sflag:s21], $0x4000  }
0xc2: {  	[sflag:s21] =	ssyncset.done $0x0  }
0xc3: {  	[sflag:s21] =	ssyncadd.s32 $0xFFFFC000  }
0xc4: {  	[tilespmem:s24], [sflag:$0x2] =	stream.indirect.gather [hbm4b:s4+s23], $0x80, s28, s23, $0xb8;
	[tilespmem:$0x1E800] =	vst v63  }
0xc5: {  	_ =	swait.ge [sflag:s25], $0x4000  }
0xc6: {  	[sflag:s25] =	ssyncset.done $0x0  }
0xc7: {  	[sflag:s25] =	ssyncadd.s32 $0xFFFFC000  }
0xc8: {  	[spmem:s1] =	stream.indirect.scatter.add.f32 [tilespmem:s20], [sflag:$0x3], $0x80, s29, s23, $0xb8;
	[tilespmem:$0x1E800] =	vst v63  }
0xc9: {  	_ =	swait.ge [sflag:s21], $0x4000  }
0xca: {  	[sflag:s21] =	ssyncset.done $0x0  }
0xcb: {  	[sflag:s21] =	ssyncadd.s32 $0xFFFFC000  }
0xcc: {  	_ =	swait.ge [sflag:s26], $0x4000  }
0xcd: {  	[sflag:s26] =	ssyncset.done $0x0  }
0xce: {  	[sflag:s26] =	ssyncadd.s32 $0xFFFFC000  }
0xcf: {  	[spmem:s1] =	stream.indirect.scatter.add.f32 [tilespmem:s24], [sflag:$0x3], $0x80, s30, s23, $0xb8;
	[tilespmem:$0x1E800] =	vst v63  }
0xd0: {  	_ =	swait.ge [sflag:s21], $0x4000  }
0xd1: {  	s11 =	stileid.u32;
	[sflag:s21] =	ssyncset.done $0x0  }
0xd2: {  	s0 =	sshll.u32 s11, $0x6;
	[sflag:s21] =	ssyncadd.s32 $0xFFFFC000  }
0xd3: {  	s0 =	sor.u32 $0x1C03, s0;
	s2 =	sshrl.u32 s5, $0x3;
	[bflag:$0x0] =	sbarrier.arrive $0xFFFF  }
0xd4: {  	[hbm:s14], [sflag:s0] =	dma.local [spmem:s2], $0x800  }
0xd5: {  	_ =	swait.ge [sflag:s21], $0x800  }
0xd6: {  	[sflag:s21] =	ssyncset.done $0x0  }
0xd7: {  	s31 =	sshrl.u32 s6, $0x3;
	[sflag:s21] =	ssyncadd.s32 $0xFFFFF800  }
0xd8: {  	[hbm:s15], [sflag:s0] =	dma.local [spmem:s31], $0x800  }
0xd9: {  	_ =	swait.ge [sflag:s21], $0x800  }
0xda: {  	[sflag:s21] =	ssyncset.done $0x0  }
0xdb: {  	s10 =	sshrl.u32 s7, $0x3;
	[sflag:s21] =	ssyncadd.s32 $0xFFFFF800  }
0xdc: {  	[hbm:s16], [sflag:s0] =	dma.local [spmem:s10], $0x800  }
0xdd: {  	_ =	swait.ge [sflag:s21], $0x800  }
0xde: {  	[sflag:s21] =	ssyncset.done $0x0  }
0xdf: {  	s11 =	sshrl.u32 s8, $0x3;
	[sflag:s21] =	ssyncadd.s32 $0xFFFFF800  }
0xe0: {  	[hbm:s17], [sflag:s0] =	dma.local [spmem:s11], $0x800  }
0xe1: {  	s3 =	sadd.s32 $0x1, s3;
	_ =	swait.ge [sflag:s21], $0x800  }
0xe2: {  	p0 =	sne.s32 s3, s19;
	[sflag:s21] =	ssyncset.done $0x0  }
.Ltmp3:
0xe3: {  	s31 =	sshrl.u32 s9, $0x3;
	[sflag:s21] =	ssyncadd.s32 $0xFFFFF800;
	(pc) =	sbr.rel @p0 .LBB2_1-.Ltmp3, $4  }
0xe4: {  	[hbm:s18], [sflag:s0] =	dma.local [spmem:s31], $0x800  }
0xe5: {  	_ =	swait.ge [sflag:s21], $0x800  }
0xe6: {  	[sflag:s21] =	ssyncset.done $0x0  }
0xe7: {  	[sflag:s21] =	ssyncadd.s32 $0xFFFFF800  }
0xe8: {  	_ =	sfence.sel $0x180000  }
0xe9: {  	[bflag:$0x0] =	sbarrier.arrive $0xFFFF  }
0xea: {  	_ =	strace $0x9000004A  }
0xeb: {  	s0 =	stileid.u32;
	[bflag:$0x2] =	sbarrier.arrive $0xFFFF  }
0xec: {  	p0 =	sne.s32 s0, $0x0;
	s0 =	rddreg [dreg:$0x3]  }
0xed: {  	s0 =	sadd.s32 @!p0 $0x100000, s0  }
0xee: {  	[sflag:s0] =	ssyncadd.tile.s32 @!p0 $0x1;
	_ =	shalt  }
.Lfunc_end2:
_tile_overlayer_lowered:
.L_overlay_start_2:
0xef: {  	(tag) =	ssettag $0x2  }
0xf0: {  	s0 =	rddreg [dreg:$0x0];
	s2 =	stileid.u32  }
0xf1: {  	s1 =	rddreg [dreg:$0x1];
	p0 =	sne.s32 s2, $0x0  }
0xf2: {  	s3 =	rddreg [dreg:$0x2];
	[bflag:$0x3] =	sbarrier.arrive $0xFFFF;
	s2 =	simm.s32 @!p0 $0x1C03  }
0xf3: {  	[timem:s3], [sflag:s2] =	dma.local @!p0 [hbm:s0], s1  }
0xf4: {  	s0 =	simm.s32 @!p0 $0x3  }
0xf5: {  	_ =	swait.ge @!p0 [sflag:s0], s1  }
0xf6: {  	s1 =	ssub.s32 @!p0 $0x0, s1;
	[sflag:s0] =	ssyncset.done @!p0 $0x0  }
0xf7: {  	[sflag:s0] =	ssyncadd.s32 @!p0 s1  }
0xf8: {  	[bflag:$0x3] =	sbarrier.arrive $0xFFFF  }
0xf9: {  	_ =	shalt  }

// kernel: kernel.16.cloned.1.call-start
scs
__scs_entry_jumppad:
0x0: {  	(pc) =	sbr.rel $0x88, $3  }
0x1: {  	(tag) =	ssettag $0x0;
	lr =	simm.s32 $0x1  }
0x2: {  	[smem:$0x3F8B] =	sst lr;
	_ =	strace $0xD0000000  }
0x3: {  	_ = 	snop  }
0x4: {  	_ = 	snop  }
0x5: {  	_ = 	snop  }
0x6: {  	_ = 	snop  }
0x7: {  	_ = 	snop  }
__scs_overlays_trampoline_lowered:
0x8: {  	[smem:$0x3F9A] =	sst s0  }
0x9: {  	[smem:$0x3F9B] =	sst s1  }
0xa: {  	[smem:$0x3F9C] =	sst s2  }
0xb: {  	[smem:$0x3F9D] =	sst s3  }
0xc: {  	[smem:$0x3F9E] =	sst s4  }
0xd: {  	[smem:$0x3F9F] =	sst s5  }
0xe: {  	[smem:$0x3FA0] =	sst s6  }
0xf: {  	[smem:$0x3FA1] =	sst s7  }
0x10: {  	[smem:$0x3FA2] =	sst s8  }
0x11: {  	[smem:$0x3FA3] =	sst s9;
	s0 =	simm.s32 @!p0 $0x0  }
0x12: {  	s1 =	sld [smem:$0x3F89];
	s0 =	simm.s32 @p0 $0x1  }
0x13: {  	[smem:$0x3FA4] =	sst s0;
	s0 =	simm.s32 @!p1 $0x0  }
0x14: {  	s2 =	sld [smem:$0x3F88];
	s0 =	simm.s32 @p1 $0x1  }
0x15: {  	[smem:$0x3FA5] =	sst s0;
	s0 =	simm.s32 @!p2 $0x0  }
0x16: {  	s3 =	sld [smem:$0x3FDB];
	s0 =	simm.s32 @p2 $0x1  }
0x17: {  	s4 =	simm.s32 $0x1BF5;
	[smem:$0x3FA7] =	sst s0  }
0x18: {  	s0 =	sld [smem:$0x3F8A];
	_ =	swait.ge [sflag:s4], $0x0  }
0x19: {  	s7 =	sld [smem:$0x3F8B]  }
0x1a: {  	s8 =	sadd.s32 $0xFFFFE003, lr  }
0x1b: {  	s9 =	sadd.s32 $0xFFFFFEF7, lr;
	s5 =	simm.s32 $0xFFFFFFFF;
	p2 =	slt.u32 s8, $0xFFFFF086  }
0x1c: {  	p1 =	slt.u32 s9, $0xF7A;
	s5 =	simm.s32 @!p2 $0x0  }
0x1d: {  	s5 =	simm.s32 @p1 $0x1;
	p0 =	seq.s32 s7, s2  }
0x1e: {  	s7 =	smul.u32 @!p0 $0xF7A, s2;
	p2 =	seq.s32 @!p0 s5, $0x0  }
0x1f: {  	s9 =	smul.u32 $0xF7A, s1;
	s8 =	simm.s32 @!p0 $0x1BF5;
	p2 =	por !p2, p0  }
0x20: {  	[sflag:s8] =	ssyncset.s32 @!p0 $0xFFFFF086;
	s6 =	sadd.s32 @!p0 s3, s7;
	s7 =	simm.s32 @!p0 $0x108  }
0x21: {  	s3 =	sadd.s32 s3, s9;
	s6 =	sadd.s32 @!p0 $0x88, s6;
	s7 =	simm.s32 @p2 $0x1082  }
0x22: {  	[simem:s7], [sflag:s8] =	dma.local @!p0 [hbm:s6], $0xF7A  }
0x23: {  	s9 =	sor.u32 $0xD0000000, s2;
	s6 =	simm.s32 $0x108;
	_ =	swait.ge @!p0 [sflag:s8], $0x0  }
0x24: {  	s3 =	sadd.s32 $0x88, s3;
	s6 =	simm.s32 @!p1 $0x1082;
	[sflag:s4] =	ssyncset.s32 $0xFFFFF086  }
0x25: {  	[simem:s6], [sflag:s4] =	dma.local [hbm:s3], $0xF7A  }
0x26: {  	[smem:$0x3F8B] =	sst s1;
	(tag) =	ssettag s2;
	_ =	strace s9  }
0x27: {  	s1 =	sld [smem:$0x3F9B]  }
0x28: {  	s2 =	sld [smem:$0x3F9C]  }
0x29: {  	s4 =	sld [smem:$0x3F9E]  }
0x2a: {  	p0 =	seq.s32 s5, $0x0;
	s5 =	sld [smem:$0x3F9F]  }
0x2b: {  	s6 =	sld [smem:$0x3FA0]  }
0x2c: {  	s7 =	sld [smem:$0x3FA1]  }
0x2d: {  	s3 =	simm.s32 $0x108;
	s8 =	sld [smem:$0x3FA2]  }
0x2e: {  	s3 =	simm.s32 @!p0 $0x1082;
	s9 =	sld [smem:$0x3FA3]  }
0x2f: {  	lr =	sadd.s32 s0, s3;
	s0 =	sld [smem:$0x3F9A]  }
0x30: {  	s3 =	sld [smem:$0x3F9D]  }
0x31: {  	[smem:$0x3FA6] =	sst s10  }
0x32: {  	s10 =	sld [smem:$0x3FA4];
	_ =	sdelay $0x3  }
0x33: {  	p0 =	seq.s32 s10, $0x1;
	s10 =	sld [smem:$0x3FA6];
	_ =	sdelay $0x3  }
0x34: {  	[smem:$0x3FA6] =	sst s10  }
0x35: {  	s10 =	sld [smem:$0x3FA5];
	_ =	sdelay $0x3  }
0x36: {  	p1 =	seq.s32 s10, $0x1;
	s10 =	sld [smem:$0x3FA6];
	_ =	sdelay $0x3  }
0x37: {  	[smem:$0x3FA6] =	sst s10  }
0x38: {  	s10 =	sld [smem:$0x3FA7]  }
0x39: {  	_ = 	snop;
	(pc) =	sbr.ind lr, $3  }
0x3a: {  	_ = 	snop  }
0x3b: {  	_ = 	snop  }
0x3c: {  	p2 =	seq.s32 s10, $0x1;
	s10 =	sld [smem:$0x3FA6]  }
0x3d: {  	_ =	shalt  }
0x3e: {  	_ =	shalt  }
0x3f: {  	_ =	shalt  }
0x40: {  	_ =	shalt  }
0x41: {  	_ =	shalt  }
0x42: {  	_ =	shalt  }
0x43: {  	_ =	shalt  }
0x44: {  	_ =	shalt  }
0x45: {  	_ =	shalt  }
0x46: {  	_ =	shalt  }
0x47: {  	_ =	shalt  }
0x48: {  	_ =	shalt  }
0x49: {  	_ =	shalt  }
0x4a: {  	_ =	shalt  }
0x4b: {  	_ =	shalt  }
0x4c: {  	_ =	shalt  }
0x4d: {  	_ =	shalt  }
0x4e: {  	_ =	shalt  }
0x4f: {  	_ =	shalt  }
0x50: {  	_ =	shalt  }
0x51: {  	_ =	shalt  }
0x52: {  	_ =	shalt  }
0x53: {  	_ =	shalt  }
0x54: {  	_ =	shalt  }
0x55: {  	_ =	shalt  }
0x56: {  	_ =	shalt  }
0x57: {  	_ =	shalt  }
0x58: {  	_ =	shalt  }
0x59: {  	_ =	shalt  }
0x5a: {  	_ =	shalt  }
0x5b: {  	_ =	shalt  }
0x5c: {  	_ =	shalt  }
0x5d: {  	_ =	shalt  }
0x5e: {  	_ =	shalt  }
0x5f: {  	_ =	shalt  }
0x60: {  	_ =	shalt  }
0x61: {  	_ =	shalt  }
0x62: {  	_ =	shalt  }
0x63: {  	_ =	shalt  }
0x64: {  	_ =	shalt  }
0x65: {  	_ =	shalt  }
0x66: {  	_ =	shalt  }
0x67: {  	_ =	shalt  }
0x68: {  	_ =	shalt  }
0x69: {  	_ =	shalt  }
0x6a: {  	_ =	shalt  }
0x6b: {  	_ =	shalt  }
0x6c: {  	_ =	shalt  }
0x6d: {  	_ =	shalt  }
0x6e: {  	_ =	shalt  }
0x6f: {  	_ =	shalt  }
0x70: {  	_ =	shalt  }
0x71: {  	_ =	shalt  }
0x72: {  	_ =	shalt  }
0x73: {  	_ =	shalt  }
0x74: {  	_ =	shalt  }
0x75: {  	_ =	shalt  }
0x76: {  	_ =	shalt  }
0x77: {  	_ =	shalt  }
0x78: {  	_ =	shalt  }
0x79: {  	_ =	shalt  }
0x7a: {  	_ =	shalt  }
0x7b: {  	_ =	shalt  }
0x7c: {  	_ =	shalt  }
0x7d: {  	_ =	shalt  }
0x7e: {  	_ =	shalt  }
0x7f: {  	_ =	shalt  }
0x80: {  	_ =	shalt  }
0x81: {  	_ =	shalt  }
0x82: {  	_ =	shalt  }
0x83: {  	_ =	shalt  }
0x84: {  	_ =	shalt  }
0x85: {  	_ =	shalt  }
0x86: {  	_ =	shalt  }
0x87: {  	_ =	shalt  }
.Lfunc_end0:
.L_simem_size_0:
called_computation.2_lowered:
.L_overlay_start_0:
0x88: {  	s2 =	sld [smem:$0x3FD9]  }
0x89: {  	s3 =	sld [smem:$0x3FFE];
	_ =	sdelay $0x1  }
0x8a: {  	s1 =	srdreg.scid  }
0x8b: {  	s0 =	sand.u32 $0x1, s1  }
0x8c: {  	s14 =	sshll.u32 s0, $0xA;
	s2 =	sadd.s32 s3, s2  }
0x8d: {  	s2 =	sadd.s32 s2, s14  }
0x8e: {  	[smem:$0x3FB2] =	sst s2  }
0x8f: {  	_ = 	snop  }
0x90: {  	s2 =	sld [smem:$0x3FD0];
	_ =	sdelay $0x2  }
0x91: {  	s15 =	simm.s32 $0xA;
	s4 =	simm.s32 $0x10  }
0x92: {  	[smem:s4], [sflag:s15] =	dma.local [hbm:s2], $0x1  }
0x93: {  	_ =	swait.eq [sflag:s15], $0x1  }
0x94: {  	[sflag:s15] =	ssyncset.done $0x0  }
0x95: {  	[sflag:s15] =	ssyncadd.s32 $0xFFFFFFFF  }
0x96: {  	s16 =	sld [smem:$0x10];
	(tm) =	ssettm $0x1  }
0x97: {  	s17 =	sld [smem:$0x3FFB];
	_ =	sdelay $0x3  }
0x98: {  	_ =	strace s17  }
0x99: {  	s3 =	sld [smem:$0x3FFC];
	_ =	sdelay $0x3  }
0x9a: {  	_ =	strace s3  }
0x9b: {  	s3 =	sld [smem:$0x3FFD];
	_ =	sdelay $0x3  }
0x9c: {  	_ =	strace s3  }
0x9d: {  	_ =	strace $0x8FFFFFFF  }
0x9e: {  	s18 =	sld [smem:$0x3FDB];
	_ =	sdelay $0x1  }
0x9f: {  	s19 =	simm.s32 $_scs_section_size  }
0xa0: {  	s5 =	simm.s32 $_size__tile_overlayer_lowered;
	s6 =	simm.s32 $_tile_overlayer_lowered  }
0xa1: {  	s22 =	simm.s32 $0x1BFF;
	s21 =	sshll.u32 s6, $0x1;
	s3 =	sadd.s32 s19, s18  }
0xa2: {  	s7 =	simm.s32 $0x0;
	s20 =	sshll.u32 s5, $0x1;
	s5 =	sadd.s32 s21, s3  }
0xa3: {  	[timem:s7], [sflag:s22] =	dma.local [hbm:s5], s20  }
0xa4: {  	_ =	swait.ge [sflag:s22], s20  }
0xa5: {  	s4 =	ssub.s32 $0x0, s20;
	[sflag:s22] =	ssyncset.done $0x0  }
0xa6: {  	[sflag:s22] =	ssyncadd.s32 s4;
	_ =	sdelay $0x1  }
0xa7: {  	s23 =	simm.s32 $0x1B8B  }
0xa8: {  	_ =	swait.ge [sflag:s23], $0x1  }
0xa9: {  	[sflag:s23] =	ssyncset.done $0x0  }
0xaa: {  	s25 =	simm.s32 $0x1B8E;
	s24 =	sld [smem:$0x3FFE];
	[sflag:s23] =	ssyncadd.s32 $0xFFFFFFFF  }
0xab: {  	s26 =	simm.s32 $execute0_lowered;
	[smem:$0x3FD2] =	sst s25  }
0xac: {  	s5 =	sshll.u32 s26, $0x1;
	_ =	strace $0x8000004C;
	[dreg:$0x1] =	wrdreg $0xFFFFFFFF  }
0xad: {  	s28 =	simm.s32 $_size_execute0_lowered;
	s3 =	sadd.s32 s3, s5;
	[dreg:$0x0] =	wrdreg $0x0  }
0xae: {  	s5 =	sshll.u32 s28, $0x1;
	[dreg:$0x2] =	wrdreg s3  }
0xaf: {  	[dreg:$0x3] =	wrdreg s5  }
0xb0: {  	[dreg:$0x4] =	wrdreg $0xC0  }
0xb1: {  	_ =	task [dreg:s7], $0x5FFFF  }
0xb2: {  	[dreg:$0x1] =	wrdreg $0xFFFFFFFF  }
0xb3: {  	[dreg:$0x0] =	wrdreg $0x60  }
0xb4: {  	[dreg:$0x2] =	wrdreg s24  }
0xb5: {  	[dreg:$0x3] =	wrdreg s16  }
0xb6: {  	[dreg:$0x4] =	wrdreg $0xA8000  }
0xb7: {  	[dreg:$0x5] =	wrdreg $0x9  }
0xb8: {  	_ =	task.clear_ibuf [dreg:s7], $0x6FFFF;
	_ =	strace $0x9000004C  }
0xb9: {  	s29 =	simm.s32 $0x9;
	_ =	strace $0x8000004E  }
0xba: {  	_ =	swait.ge [sflag:s29], $0x1  }
0xbb: {  	[sflag:s29] =	ssyncadd.s32 $0xFFFFFFFF  }
0xbc: {  	_ =	strace $0x9000004E  }
0xbd: {  	_ =	sfence  }
0xbe: {  	s30 =	sld [smem:$0x0];
	_ =	sdelay $0x2  }
0xbf: {  	s31 =	sshll.u32 s1, $0xD;
	s1 =	sshrl.u32 s1, $0x2  }
0xc0: {  	s3 =	sand.u32 $0x4000, s31;
	s1 =	sadd.s32 s1, s30  }
0xc1: {  	s0 =	sor.u32 s3, s0;
	s1 =	sshll.u32 s1, $0x11  }
0xc2: {  	s0 =	sor.u32 s1, s0  }
0xc3: {  	s0 =	sadd.s32 $0x8F2B, s0  }
0xc4: {  	[sflag:s0] =	ssyncadd.remote.s32 $0x1  }
0xc5: {  	_ =	sfence.sel $0xFFFF  }
0xc6: {  	[dreg:$0x0] =	wrdreg $0xFFFFFFFF;
	(pc) =	sbr.abs _section_cstart, $3  }
0xc7: {  	[dreg:$0x1] =	wrdreg $0xFFFFFFFF  }
0xc8: {  	_ =	task.clear_ibuf [dreg:s7], $0x2FFFF;
	_ =	strace $0x9FFFFFFF  }
0xc9: {  	(tm) =	ssettm $0x7FFFFFFF  }
tec
execute0_lowered:
.L_overlay_start_1:
0x0: {  	(tag) =	ssettag $0x1  }
0x1: {  	s0 =	rddreg [dreg:$0x0]  }
0x2: {  	s12 =	rddreg [dreg:$0x1]  }
0x3: {  	s1 =	rddreg [dreg:$0x2];
	s3 =	simm.s32 $0x0;
	s4 =	srdreg.scid  }
0x4: {  	s2 =	stileid.u32;
	s22 =	simm.s32 $0x1400;
	s23 =	simm.s32 $0x80  }
0x5: {  	s24 =	simm.s32 $0x6800;
	s28 =	simm.s32 $0x1380;
	s29 =	simm.s32 $0x2700  }
0x6: {  	s30 =	simm.s32 $0x2780;
	[smem:$0x7FF] =	sst s3;
	s8 =	sand.u32 $0x1, s4  }
0x7: {  	s4 =	sadd.s32 $0xF200, s0;
	s6 =	smul.u32 $0x50000, s2;
	s13 =	sadd.s32 $0x5200, s0  }
0x8: {  	s0 =	sadd.s32 $0x87200, s0;
	s14 =	smul.u32 $0x14000, s2;
	_ =	strace $0x8000004D  }
0x9: {  	s5 =	ssub.s32 $0x2, s8;
	s9 =	sshll.u32 s8, $0x4;
	s21 =	smul.u32 $0x140000, s8  }
0xa: {  	s7 =	sshrl.u32 s5, $0x1;
	s6 =	sshrl.u32 s6, $0x2;
	s25 =	sor.u32 s2, s9  }
0xb: {  	s15 =	sadd.s32 $0x4000, s14;
	s16 =	sadd.s32 $0x8000, s14;
	s17 =	sadd.s32 $0xC000, s14  }
0xc: {  	s18 =	sadd.s32 $0x10000, s14;
	s19 =	ssub.s32 s5, s7;
	s5 =	sadd.s32 s6, s1  }
0xd: {  	s9 =	smul.u32 $0x2800, s25;
	s6 =	sadd.s32 s15, s1;
	s7 =	sadd.s32 s16, s1  }
0xe: {  	s8 =	sadd.s32 s17, s1;
	s14 =	sadd.s32 s14, s21;
	s15 =	sadd.s32 s21, s15  }
0xf: {  	s16 =	sadd.s32 s21, s16;
	s17 =	sadd.s32 s21, s17;
	s25 =	simm.s32 $0x1  }
0x10: {  	s14 =	sshrl.u32 s14, $0x3;
	s15 =	sshrl.u32 s15, $0x3;
	s16 =	sshrl.u32 s16, $0x3  }
0x11: {  	s17 =	sshrl.u32 s17, $0x3;
	s19 =	smax.u32 s19, $0x1;
	s20 =	sshrl.u32 s9, $0x3  }
0x12: {  	s9 =	sadd.s32 s18, s1;
	s14 =	sadd.s32 s0, s14;
	s15 =	sadd.s32 s0, s15  }
0x13: {  	s18 =	sadd.s32 s21, s18;
	s16 =	sadd.s32 s0, s16;
	s17 =	sadd.s32 s0, s17  }
0x14: {  	s21 =	simm.s32 $0x3;
	s26 =	sadd.s32 s12, s20;
	s31 =	sadd.s32 s13, s20  }
0x15: {  	s20 =	sadd.s32 $0x280, s20;
	s18 =	sshrl.u32 s18, $0x3;
	[dreg:$0x4] =	wrdreg s26  }
0x16: {  	[dreg:$0x5] =	wrdreg s31;
	s12 =	sadd.s32 s12, s20;
	s13 =	sadd.s32 s13, s20  }
0x17: {  	v0 =	vimm.f32 $0.0e+00;
	s18 =	sadd.s32 s0, s18;
	s20 =	simm.s32 $0x2800;
	s26 =	simm.s32 $0x2  }
.LBB2_1:
0x18: {  	s31 =	simm.s32 $0x0;
	s0 =	simm.s32 $0x200  }
.LBB2_2:
0x19: {  	p0 =	sne.s32 s0, $0xFE00;
	[tilespmem:s31+$0x2870] =	vst v0  }
0x1a: {  	[tilespmem:s31+$0x2800] =	vst v0  }
0x1b: {  	[tilespmem:s31+$0x2810] =	vst v0  }
.Ltmp0:
0x1c: {  	[tilespmem:s31+$0x2820] =	vst v0;
	(pc) =	sbr.rel @p0 .LBB2_2-.Ltmp0, $4  }
0x1d: {  	[tilespmem:s31+$0x2830] =	vst v0  }
0x1e: {  	[tilespmem:s31+$0x2840] =	vst v0  }
0x1f: {  	[tilespmem:s31+$0x2850] =	vst v0  }
0x20: {  	[tilespmem:s31+$0x2860] =	vst v0;
	s31 =	sshra.s32 s0, $0x2;
	s0 =	sadd.s32 $0x200, s0  }
0x21: {  	[tilespmem:s31+$0x2870] =	vst v0  }
0x22: {  	[tilespmem:s31+$0x2800] =	vst v0  }
0x23: {  	[tilespmem:s31+$0x2810] =	vst v0  }
0x24: {  	[tilespmem:s31+$0x2820] =	vst v0  }
0x25: {  	[tilespmem:s31+$0x2830] =	vst v0  }
0x26: {  	[tilespmem:s31+$0x2840] =	vst v0  }
0x27: {  	[tilespmem:s31+$0x2850] =	vst v0  }
0x28: {  	[tilespmem:s31+$0x2860] =	vst v0  }
0x29: {  	[spmem:s5] =	stream.linear.scatter [tilespmem:s20], [sflag:$0x3], $0x4000, $0x38;
	[tilespmem:$0x1E800] =	vst v63  }
0x2a: {  	_ =	swait.ge [sflag:s21], $0x4000  }
0x2b: {  	[sflag:s21] =	ssyncset.done $0x0  }
0x2c: {  	[sflag:s21] =	ssyncadd.s32 $0xFFFFC000  }
0x2d: {  	[spmem:s6] =	stream.linear.scatter [tilespmem:s20], [sflag:$0x3], $0x4000, $0x38;
	[tilespmem:$0x1E800] =	vst v63  }
0x2e: {  	_ =	swait.ge [sflag:s21], $0x4000  }
0x2f: {  	[sflag:s21] =	ssyncset.done $0x0  }
0x30: {  	[sflag:s21] =	ssyncadd.s32 $0xFFFFC000  }
0x31: {  	[spmem:s7] =	stream.linear.scatter [tilespmem:s20], [sflag:$0x3], $0x4000, $0x38;
	[tilespmem:$0x1E800] =	vst v63  }
0x32: {  	_ =	swait.ge [sflag:s21], $0x4000  }
0x33: {  	[sflag:s21] =	ssyncset.done $0x0  }
0x34: {  	[sflag:s21] =	ssyncadd.s32 $0xFFFFC000  }
0x35: {  	[spmem:s8] =	stream.linear.scatter [tilespmem:s20], [sflag:$0x3], $0x4000, $0x38;
	[tilespmem:$0x1E800] =	vst v63  }
0x36: {  	_ =	swait.ge [sflag:s21], $0x4000  }
0x37: {  	[sflag:s21] =	ssyncset.done $0x0  }
0x38: {  	[sflag:s21] =	ssyncadd.s32 $0xFFFFC000  }
0x39: {  	[spmem:s9] =	stream.linear.scatter [tilespmem:s20], [sflag:$0x3], $0x4000, $0x38;
	[tilespmem:$0x1E800] =	vst v63  }
0x3a: {  	_ =	swait.ge [sflag:s21], $0x4000  }
0x3b: {  	[sflag:s21] =	ssyncset.done $0x0  }
0x3c: {  	[sflag:s21] =	ssyncadd.s32 $0xFFFFC000  }
0x3d: {  	[bflag:$0x0] =	sbarrier.arrive $0xFFFF  }
0x3e: {  	s0 =	simm.s32 $0x0;
	s2 =	rddreg [dreg:$0x4]  }
0x3f: {  	[tilespmem:s0], [sflag:$0x3] =	stream.linear.gather [hbm4b:s2+s0], $0x1400, $0x38;
	[tilespmem:$0x1E800] =	vst v63  }
0x40: {  	_ =	swait.ge [sflag:s21], $0x1400  }
0x41: {  	[sflag:s21] =	ssyncset.done $0x0  }
0x42: {  	s10 =	rddreg [dreg:$0x5];
	[sflag:s21] =	ssyncadd.s32 $0xFFFFEC00  }
0x43: {  	[tilespmem:s22], [sflag:$0x3] =	stream.linear.gather [hbm4b:s10+s0], $0x1400, $0x38;
	[tilespmem:$0x1E800] =	vst v63  }
0x44: {  	_ =	swait.ge [sflag:s21], $0x1400  }
0x45: {  	[sflag:s21] =	ssyncset.done $0x0  }
0x46: {  	[sflag:s21] =	ssyncadd.s32 $0xFFFFEC00  }
0x47: {  	[tilespmem:s20], [sflag:$0x1] =	stream.indirect.gather [hbm4b:s4+s23], $0x80, s0, s23, $0xb8;
	[tilespmem:$0x1E800] =	vst v63  }
0x48: {  	s11 =	simm.s32 $0x80  }
0x49: {  	[tilespmem:s24], [sflag:$0x2] =	stream.indirect.gather [hbm4b:s4+s23], $0x80, s11, s23, $0xb8;
	[tilespmem:$0x1E800] =	vst v63  }
0x4a: {  	_ =	swait.ge [sflag:s25], $0x4000  }
0x4b: {  	[sflag:s25] =	ssyncset.done $0x0  }
0x4c: {  	s2 =	simm.s32 $0x1400;
	[sflag:s25] =	ssyncadd.s32 $0xFFFFC000  }
0x4d: {  	[spmem:s1] =	stream.indirect.scatter.add.f32 [tilespmem:s20], [sflag:$0x3], $0x80, s2, s23, $0xb8;
	[tilespmem:$0x1E800] =	vst v63  }
0x4e: {  	_ =	swait.ge [sflag:s21], $0x4000  }
0x4f: {  	[sflag:s21] =	ssyncset.done $0x0  }
0x50: {  	s10 =	simm.s32 $0x100;
	[sflag:s21] =	ssyncadd.s32 $0xFFFFC000  }
0x51: {  	[tilespmem:s20], [sflag:$0x1] =	stream.indirect.gather [hbm4b:s4+s23], $0x80, s10, s23, $0xb8;
	[tilespmem:$0x1E800] =	vst v63  }
0x52: {  	_ =	swait.ge [sflag:s26], $0x4000  }
0x53: {  	[sflag:s26] =	ssyncset.done $0x0  }
0x54: {  	s11 =	simm.s32 $0x1480;
	[sflag:s26] =	ssyncadd.s32 $0xFFFFC000  }
0x55: {  	[spmem:s1] =	stream.indirect.scatter.add.f32 [tilespmem:s24], [sflag:$0x3], $0x80, s11, s23, $0xb8;
	[tilespmem:$0x1E800] =	vst v63  }
0x56: {  	_ =	swait.ge [sflag:s21], $0x4000  }
0x57: {  	s31 =	simm.s32 $0x100;
	s0 =	simm.s32 $0x800;
	[sflag:s21] =	ssyncset.done $0x0  }
.LBB2_4:
0x58: {  	s2 =	sadd.s32 $0x80, s31  }
0x59: {  	[sflag:s21] =	ssyncadd.s32 $0xFFFFC000;
	s10 =	smov.u32 s0;
	s11 =	sadd.s32 $0x400, s0  }
0x5a: {  	[tilespmem:s24], [sflag:$0x2] =	stream.indirect.gather [hbm4b:s4+s23], $0x80, s2, s23, $0xb8;
	[tilespmem:$0x1E800] =	vst v63  }
0x5b: {  	p0 =	sne.s32 s0, $0x4800;
	_ =	swait.ge [sflag:s25], $0x4000  }
0x5c: {  	[sflag:s25] =	ssyncset.done $0x0  }
0x5d: {  	s0 =	sadd.s32 $0x1400, s31;
	[sflag:s25] =	ssyncadd.s32 $0xFFFFC000  }
0x5e: {  	[spmem:s1] =	stream.indirect.scatter.add.f32 [tilespmem:s20], [sflag:$0x3], $0x80, s0, s23, $0xb8;
	[tilespmem:$0x1E800] =	vst v63  }
0x5f: {  	_ =	swait.ge [sflag:s21], $0x4000  }
0x60: {  	[sflag:s21] =	ssyncset.done $0x0  }
0x61: {  	s0 =	sadd.s32 $0x100, s31;
	[sflag:s21] =	ssyncadd.s32 $0xFFFFC000  }
0x62: {  	[tilespmem:s20], [sflag:$0x1] =	stream.indirect.gather [hbm4b:s4+s23], $0x80, s0, s23, $0xb8;
	[tilespmem:$0x1E800] =	vst v63  }
0x63: {  	_ =	swait.ge [sflag:s26], $0x4000  }
.Ltmp1:
0x64: {  	[sflag:s26] =	ssyncset.done $0x0;
	(pc) =	sbr.rel @p0 .LBB2_4-.Ltmp1, $4  }
0x65: {  	s0 =	sadd.s32 $0x1480, s31;
	[sflag:s26] =	ssyncadd.s32 $0xFFFFC000  }
0x66: {  	[spmem:s1] =	stream.indirect.scatter.add.f32 [tilespmem:s24], [sflag:$0x3], $0x80, s0, s23, $0xb8;
	[tilespmem:$0x1E800] =	vst v63  }
0x67: {  	_ =	swait.ge [sflag:s21], $0x4000  }
0x68: {  	s31 =	sshra.s32 s10, $0x2;
	s0 =	smov.u32 s11;
	[sflag:s21] =	ssyncset.done $0x0  }
0x69: {  	s0 =	sadd.s32 $0x80, s31;
	[sflag:s21] =	ssyncadd.s32 $0xFFFFC000  }
0x6a: {  	[tilespmem:s24], [sflag:$0x2] =	stream.indirect.gather [hbm4b:s4+s23], $0x80, s0, s23, $0xb8;
	[tilespmem:$0x1E800] =	vst v63  }
0x6b: {  	_ =	swait.ge [sflag:s25], $0x4000  }
0x6c: {  	[sflag:s25] =	ssyncset.done $0x0  }
0x6d: {  	s10 =	sadd.s32 $0x1400, s31;
	[sflag:s25] =	ssyncadd.s32 $0xFFFFC000  }
0x6e: {  	[spmem:s1] =	stream.indirect.scatter.add.f32 [tilespmem:s20], [sflag:$0x3], $0x80, s10, s23, $0xb8;
	[tilespmem:$0x1E800] =	vst v63  }
0x6f: {  	_ =	swait.ge [sflag:s21], $0x4000  }
0x70: {  	[sflag:s21] =	ssyncset.done $0x0  }
0x71: {  	s11 =	sadd.s32 $0x100, s31;
	[sflag:s21] =	ssyncadd.s32 $0xFFFFC000  }
0x72: {  	[tilespmem:s20], [sflag:$0x1] =	stream.indirect.gather [hbm4b:s4+s23], $0x80, s11, s23, $0xb8;
	[tilespmem:$0x1E800] =	vst v63  }
0x73: {  	_ =	swait.ge [sflag:s26], $0x4000  }
0x74: {  	[sflag:s26] =	ssyncset.done $0x0  }
0x75: {  	s2 =	sadd.s32 $0x1480, s31;
	[sflag:s26] =	ssyncadd.s32 $0xFFFFC000  }
0x76: {  	[spmem:s1] =	stream.indirect.scatter.add.f32 [tilespmem:s24], [sflag:$0x3], $0x80, s2, s23, $0xb8;
	[tilespmem:$0x1E800] =	vst v63  }
0x77: {  	_ =	swait.ge [sflag:s21], $0x4000  }
0x78: {  	[sflag:s21] =	ssyncset.done $0x0  }
0x79: {  	[sflag:s21] =	ssyncadd.s32 $0xFFFFC000  }
0x7a: {  	[tilespmem:s24], [sflag:$0x2] =	stream.indirect.gather [hbm4b:s4+s23], $0x80, s28, s23, $0xb8;
	[tilespmem:$0x1E800] =	vst v63  }
0x7b: {  	_ =	swait.ge [sflag:s25], $0x4000  }
0x7c: {  	[sflag:s25] =	ssyncset.done $0x0  }
0x7d: {  	[sflag:s25] =	ssyncadd.s32 $0xFFFFC000  }
0x7e: {  	[spmem:s1] =	stream.indirect.scatter.add.f32 [tilespmem:s20], [sflag:$0x3], $0x80, s29, s23, $0xb8;
	[tilespmem:$0x1E800] =	vst v63  }
0x7f: {  	_ =	swait.ge [sflag:s21], $0x4000  }
0x80: {  	[sflag:s21] =	ssyncset.done $0x0  }
0x81: {  	[sflag:s21] =	ssyncadd.s32 $0xFFFFC000  }
0x82: {  	_ =	swait.ge [sflag:s26], $0x4000  }
0x83: {  	[sflag:s26] =	ssyncset.done $0x0  }
0x84: {  	[sflag:s26] =	ssyncadd.s32 $0xFFFFC000  }
0x85: {  	[spmem:s1] =	stream.indirect.scatter.add.f32 [tilespmem:s24], [sflag:$0x3], $0x80, s30, s23, $0xb8;
	[tilespmem:$0x1E800] =	vst v63  }
0x86: {  	_ =	swait.ge [sflag:s21], $0x4000  }
0x87: {  	[sflag:s21] =	ssyncset.done $0x0  }
0x88: {  	s10 =	simm.s32 $0x0;
	[sflag:s21] =	ssyncadd.s32 $0xFFFFC000  }
0x89: {  	[tilespmem:s10], [sflag:$0x3] =	stream.linear.gather [hbm4b:s12+s10], $0x1400, $0x38;
	[tilespmem:$0x1E800] =	vst v63  }
0x8a: {  	_ =	swait.ge [sflag:s21], $0x1400  }
0x8b: {  	[sflag:s21] =	ssyncset.done $0x0  }
0x8c: {  	[sflag:s21] =	ssyncadd.s32 $0xFFFFEC00  }
0x8d: {  	[tilespmem:s22], [sflag:$0x3] =	stream.linear.gather [hbm4b:s13+s10], $0x1400, $0x38;
	[tilespmem:$0x1E800] =	vst v63  }
0x8e: {  	_ =	swait.ge [sflag:s21], $0x1400  }
0x8f: {  	[sflag:s21] =	ssyncset.done $0x0  }
0x90: {  	[sflag:s21] =	ssyncadd.s32 $0xFFFFEC00  }
0x91: {  	[tilespmem:s20], [sflag:$0x1] =	stream.indirect.gather [hbm4b:s4+s23], $0x80, s10, s23, $0xb8;
	[tilespmem:$0x1E800] =	vst v63  }
0x92: {  	s11 =	simm.s32 $0x80  }
0x93: {  	[tilespmem:s24], [sflag:$0x2] =	stream.indirect.gather [hbm4b:s4+s23], $0x80, s11, s23, $0xb8;
	[tilespmem:$0x1E800] =	vst v63  }
0x94: {  	_ =	swait.ge [sflag:s25], $0x4000  }
0x95: {  	[sflag:s25] =	ssyncset.done $0x0  }
0x96: {  	s2 =	simm.s32 $0x1400;
	[sflag:s25] =	ssyncadd.s32 $0xFFFFC000  }
0x97: {  	[spmem:s1] =	stream.indirect.scatter.add.f32 [tilespmem:s20], [sflag:$0x3], $0x80, s2, s23, $0xb8;
	[tilespmem:$0x1E800] =	vst v63  }
0x98: {  	_ =	swait.ge [sflag:s21], $0x4000  }
0x99: {  	[sflag:s21] =	ssyncset.done $0x0  }
0x9a: {  	s10 =	simm.s32 $0x100;
	[sflag:s21] =	ssyncadd.s32 $0xFFFFC000  }
0x9b: {  	[tilespmem:s20], [sflag:$0x1] =	stream.indirect.gather [hbm4b:s4+s23], $0x80, s10, s23, $0xb8;
	[tilespmem:$0x1E800] =	vst v63  }
0x9c: {  	_ =	swait.ge [sflag:s26], $0x4000  }
0x9d: {  	[sflag:s26] =	ssyncset.done $0x0  }
0x9e: {  	s11 =	simm.s32 $0x1480;
	[sflag:s26] =	ssyncadd.s32 $0xFFFFC000  }
0x9f: {  	[spmem:s1] =	stream.indirect.scatter.add.f32 [tilespmem:s24], [sflag:$0x3], $0x80, s11, s23, $0xb8;
	[tilespmem:$0x1E800] =	vst v63  }
0xa0: {  	_ =	swait.ge [sflag:s21], $0x4000  }
0xa1: {  	s31 =	simm.s32 $0x100;
	s0 =	simm.s32 $0x800;
	[sflag:s21] =	ssyncset.done $0x0  }
.LBB2_6:
0xa2: {  	s2 =	sadd.s32 $0x80, s31  }
0xa3: {  	[sflag:s21] =	ssyncadd.s32 $0xFFFFC000;
	s10 =	smov.u32 s0;
	s11 =	sadd.s32 $0x400, s0  }
0xa4: {  	[tilespmem:s24], [sflag:$0x2] =	stream.indirect.gather [hbm4b:s4+s23], $0x80, s2, s23, $0xb8;
	[tilespmem:$0x1E800] =	vst v63  }
0xa5: {  	p0 =	sne.s32 s0, $0x4800;
	_ =	swait.ge [sflag:s25], $0x4000  }
0xa6: {  	[sflag:s25] =	ssyncset.done $0x0  }
0xa7: {  	s0 =	sadd.s32 $0x1400, s31;
	[sflag:s25] =	ssyncadd.s32 $0xFFFFC000  }
0xa8: {  	[spmem:s1] =	stream.indirect.scatter.add.f32 [tilespmem:s20], [sflag:$0x3], $0x80, s0, s23, $0xb8;
	[tilespmem:$0x1E800] =	vst v63  }
0xa9: {  	_ =	swait.ge [sflag:s21], $0x4000  }
0xaa: {  	[sflag:s21] =	ssyncset.done $0x0  }
0xab: {  	s0 =	sadd.s32 $0x100, s31;
	[sflag:s21] =	ssyncadd.s32 $0xFFFFC000  }
0xac: {  	[tilespmem:s20], [sflag:$0x1] =	stream.indirect.gather [hbm4b:s4+s23], $0x80, s0, s23, $0xb8;
	[tilespmem:$0x1E800] =	vst v63  }
0xad: {  	_ =	swait.ge [sflag:s26], $0x4000  }
.Ltmp2:
0xae: {  	[sflag:s26] =	ssyncset.done $0x0;
	(pc) =	sbr.rel @p0 .LBB2_6-.Ltmp2, $4  }
0xaf: {  	s0 =	sadd.s32 $0x1480, s31;
	[sflag:s26] =	ssyncadd.s32 $0xFFFFC000  }
0xb0: {  	[spmem:s1] =	stream.indirect.scatter.add.f32 [tilespmem:s24], [sflag:$0x3], $0x80, s0, s23, $0xb8;
	[tilespmem:$0x1E800] =	vst v63  }
0xb1: {  	_ =	swait.ge [sflag:s21], $0x4000  }
0xb2: {  	s31 =	sshra.s32 s10, $0x2;
	s0 =	smov.u32 s11;
	[sflag:s21] =	ssyncset.done $0x0  }
0xb3: {  	s0 =	sadd.s32 $0x80, s31;
	[sflag:s21] =	ssyncadd.s32 $0xFFFFC000  }
0xb4: {  	[tilespmem:s24], [sflag:$0x2] =	stream.indirect.gather [hbm4b:s4+s23], $0x80, s0, s23, $0xb8;
	[tilespmem:$0x1E800] =	vst v63  }
0xb5: {  	_ =	swait.ge [sflag:s25], $0x4000  }
0xb6: {  	[sflag:s25] =	ssyncset.done $0x0  }
0xb7: {  	s11 =	sadd.s32 $0x1400, s31;
	[sflag:s25] =	ssyncadd.s32 $0xFFFFC000  }
0xb8: {  	[spmem:s1] =	stream.indirect.scatter.add.f32 [tilespmem:s20], [sflag:$0x3], $0x80, s11, s23, $0xb8;
	[tilespmem:$0x1E800] =	vst v63  }
0xb9: {  	_ =	swait.ge [sflag:s21], $0x4000  }
0xba: {  	[sflag:s21] =	ssyncset.done $0x0  }
0xbb: {  	s2 =	sadd.s32 $0x100, s31;
	[sflag:s21] =	ssyncadd.s32 $0xFFFFC000  }
0xbc: {  	[tilespmem:s20], [sflag:$0x1] =	stream.indirect.gather [hbm4b:s4+s23], $0x80, s2, s23, $0xb8;
	[tilespmem:$0x1E800] =	vst v63  }
0xbd: {  	_ =	swait.ge [sflag:s26], $0x4000  }
0xbe: {  	[sflag:s26] =	ssyncset.done $0x0  }
0xbf: {  	s10 =	sadd.s32 $0x1480, s31;
	[sflag:s26] =	ssyncadd.s32 $0xFFFFC000  }
0xc0: {  	[spmem:s1] =	stream.indirect.scatter.add.f32 [tilespmem:s24], [sflag:$0x3], $0x80, s10, s23, $0xb8;
	[tilespmem:$0x1E800] =	vst v63  }
0xc1: {  	_ =	swait.ge [sflag:s21], $0x4000  }
0xc2: {  	[sflag:s21] =	ssyncset.done $0x0  }
0xc3: {  	[sflag:s21] =	ssyncadd.s32 $0xFFFFC000  }
0xc4: {  	[tilespmem:s24], [sflag:$0x2] =	stream.indirect.gather [hbm4b:s4+s23], $0x80, s28, s23, $0xb8;
	[tilespmem:$0x1E800] =	vst v63  }
0xc5: {  	_ =	swait.ge [sflag:s25], $0x4000  }
0xc6: {  	[sflag:s25] =	ssyncset.done $0x0  }
0xc7: {  	[sflag:s25] =	ssyncadd.s32 $0xFFFFC000  }
0xc8: {  	[spmem:s1] =	stream.indirect.scatter.add.f32 [tilespmem:s20], [sflag:$0x3], $0x80, s29, s23, $0xb8;
	[tilespmem:$0x1E800] =	vst v63  }
0xc9: {  	_ =	swait.ge [sflag:s21], $0x4000  }
0xca: {  	[sflag:s21] =	ssyncset.done $0x0  }
0xcb: {  	[sflag:s21] =	ssyncadd.s32 $0xFFFFC000  }
0xcc: {  	_ =	swait.ge [sflag:s26], $0x4000  }
0xcd: {  	[sflag:s26] =	ssyncset.done $0x0  }
0xce: {  	[sflag:s26] =	ssyncadd.s32 $0xFFFFC000  }
0xcf: {  	[spmem:s1] =	stream.indirect.scatter.add.f32 [tilespmem:s24], [sflag:$0x3], $0x80, s30, s23, $0xb8;
	[tilespmem:$0x1E800] =	vst v63  }
0xd0: {  	_ =	swait.ge [sflag:s21], $0x4000  }
0xd1: {  	s11 =	stileid.u32;
	[sflag:s21] =	ssyncset.done $0x0  }
0xd2: {  	s0 =	sshll.u32 s11, $0x6;
	[sflag:s21] =	ssyncadd.s32 $0xFFFFC000  }
0xd3: {  	s0 =	sor.u32 $0x1C03, s0;
	s2 =	sshrl.u32 s5, $0x3;
	[bflag:$0x0] =	sbarrier.arrive $0xFFFF  }
0xd4: {  	[hbm:s14], [sflag:s0] =	dma.local [spmem:s2], $0x800  }
0xd5: {  	_ =	swait.ge [sflag:s21], $0x800  }
0xd6: {  	[sflag:s21] =	ssyncset.done $0x0  }
0xd7: {  	s31 =	sshrl.u32 s6, $0x3;
	[sflag:s21] =	ssyncadd.s32 $0xFFFFF800  }
0xd8: {  	[hbm:s15], [sflag:s0] =	dma.local [spmem:s31], $0x800  }
0xd9: {  	_ =	swait.ge [sflag:s21], $0x800  }
0xda: {  	[sflag:s21] =	ssyncset.done $0x0  }
0xdb: {  	s10 =	sshrl.u32 s7, $0x3;
	[sflag:s21] =	ssyncadd.s32 $0xFFFFF800  }
0xdc: {  	[hbm:s16], [sflag:s0] =	dma.local [spmem:s10], $0x800  }
0xdd: {  	_ =	swait.ge [sflag:s21], $0x800  }
0xde: {  	[sflag:s21] =	ssyncset.done $0x0  }
0xdf: {  	s11 =	sshrl.u32 s8, $0x3;
	[sflag:s21] =	ssyncadd.s32 $0xFFFFF800  }
0xe0: {  	[hbm:s17], [sflag:s0] =	dma.local [spmem:s11], $0x800  }
0xe1: {  	s3 =	sadd.s32 $0x1, s3;
	_ =	swait.ge [sflag:s21], $0x800  }
0xe2: {  	p0 =	sne.s32 s3, s19;
	[sflag:s21] =	ssyncset.done $0x0  }
.Ltmp3:
0xe3: {  	s31 =	sshrl.u32 s9, $0x3;
	[sflag:s21] =	ssyncadd.s32 $0xFFFFF800;
	(pc) =	sbr.rel @p0 .LBB2_1-.Ltmp3, $4  }
0xe4: {  	[hbm:s18], [sflag:s0] =	dma.local [spmem:s31], $0x800  }
0xe5: {  	_ =	swait.ge [sflag:s21], $0x800  }
0xe6: {  	[sflag:s21] =	ssyncset.done $0x0  }
0xe7: {  	[sflag:s21] =	ssyncadd.s32 $0xFFFFF800  }
0xe8: {  	_ =	sfence.sel $0x180000  }
0xe9: {  	[bflag:$0x0] =	sbarrier.arrive $0xFFFF  }
0xea: {  	_ =	strace $0x9000004D  }
0xeb: {  	s0 =	stileid.u32;
	[bflag:$0x2] =	sbarrier.arrive $0xFFFF  }
0xec: {  	p0 =	sne.s32 s0, $0x0;
	s0 =	rddreg [dreg:$0x3]  }
0xed: {  	s0 =	sadd.s32 @!p0 $0x100000, s0  }
0xee: {  	[sflag:s0] =	ssyncadd.tile.s32 @!p0 $0x1;
	_ =	shalt  }
.Lfunc_end2:
_tile_overlayer_lowered:
.L_overlay_start_2:
0xef: {  	(tag) =	ssettag $0x2  }
0xf0: {  	s0 =	rddreg [dreg:$0x0];
	s2 =	stileid.u32  }
0xf1: {  	s1 =	rddreg [dreg:$0x1];
	p0 =	sne.s32 s2, $0x0  }
0xf2: {  	s3 =	rddreg [dreg:$0x2];
	[bflag:$0x3] =	sbarrier.arrive $0xFFFF;
	s2 =	simm.s32 @!p0 $0x1C03  }
0xf3: {  	[timem:s3], [sflag:s2] =	dma.local @!p0 [hbm:s0], s1  }
0xf4: {  	s0 =	simm.s32 @!p0 $0x3  }
0xf5: {  	_ =	swait.ge @!p0 [sflag:s0], s1  }
0xf6: {  	s1 =	ssub.s32 @!p0 $0x0, s1;
	[sflag:s0] =	ssyncset.done @!p0 $0x0  }
0xf7: {  	[sflag:s0] =	ssyncadd.s32 @!p0 s1  }
0xf8: {  	[bflag:$0x3] =	sbarrier.arrive $0xFFFF  }
0xf9: {  	_ =	shalt  }

// kernel: kernel.19.cloned.1.call-start
scs
__scs_entry_jumppad:
0x0: {  	(pc) =	sbr.rel $0x88, $3  }
0x1: {  	(tag) =	ssettag $0x0;
	lr =	simm.s32 $0x1  }
0x2: {  	[smem:$0x3F8B] =	sst lr;
	_ =	strace $0xD0000000  }
0x3: {  	_ = 	snop  }
0x4: {  	_ = 	snop  }
0x5: {  	_ = 	snop  }
0x6: {  	_ = 	snop  }
0x7: {  	_ = 	snop  }
__scs_overlays_trampoline_lowered:
0x8: {  	[smem:$0x3F9A] =	sst s0  }
0x9: {  	[smem:$0x3F9B] =	sst s1  }
0xa: {  	[smem:$0x3F9C] =	sst s2  }
0xb: {  	[smem:$0x3F9D] =	sst s3  }
0xc: {  	[smem:$0x3F9E] =	sst s4  }
0xd: {  	[smem:$0x3F9F] =	sst s5  }
0xe: {  	[smem:$0x3FA0] =	sst s6  }
0xf: {  	[smem:$0x3FA1] =	sst s7  }
0x10: {  	[smem:$0x3FA2] =	sst s8  }
0x11: {  	[smem:$0x3FA3] =	sst s9;
	s0 =	simm.s32 @!p0 $0x0  }
0x12: {  	s1 =	sld [smem:$0x3F89];
	s0 =	simm.s32 @p0 $0x1  }
0x13: {  	[smem:$0x3FA4] =	sst s0;
	s0 =	simm.s32 @!p1 $0x0  }
0x14: {  	s2 =	sld [smem:$0x3F88];
	s0 =	simm.s32 @p1 $0x1  }
0x15: {  	[smem:$0x3FA5] =	sst s0;
	s0 =	simm.s32 @!p2 $0x0  }
0x16: {  	s3 =	sld [smem:$0x3FDB];
	s0 =	simm.s32 @p2 $0x1  }
0x17: {  	s4 =	simm.s32 $0x1BF5;
	[smem:$0x3FA7] =	sst s0  }
0x18: {  	s0 =	sld [smem:$0x3F8A];
	_ =	swait.ge [sflag:s4], $0x0  }
0x19: {  	s7 =	sld [smem:$0x3F8B]  }
0x1a: {  	s8 =	sadd.s32 $0xFFFFE003, lr  }
0x1b: {  	s9 =	sadd.s32 $0xFFFFFEF7, lr;
	s5 =	simm.s32 $0xFFFFFFFF;
	p2 =	slt.u32 s8, $0xFFFFF086  }
0x1c: {  	p1 =	slt.u32 s9, $0xF7A;
	s5 =	simm.s32 @!p2 $0x0  }
0x1d: {  	s5 =	simm.s32 @p1 $0x1;
	p0 =	seq.s32 s7, s2  }
0x1e: {  	s7 =	smul.u32 @!p0 $0xF7A, s2;
	p2 =	seq.s32 @!p0 s5, $0x0  }
0x1f: {  	s9 =	smul.u32 $0xF7A, s1;
	s8 =	simm.s32 @!p0 $0x1BF5;
	p2 =	por !p2, p0  }
0x20: {  	[sflag:s8] =	ssyncset.s32 @!p0 $0xFFFFF086;
	s6 =	sadd.s32 @!p0 s3, s7;
	s7 =	simm.s32 @!p0 $0x108  }
0x21: {  	s3 =	sadd.s32 s3, s9;
	s6 =	sadd.s32 @!p0 $0x88, s6;
	s7 =	simm.s32 @p2 $0x1082  }
0x22: {  	[simem:s7], [sflag:s8] =	dma.local @!p0 [hbm:s6], $0xF7A  }
0x23: {  	s9 =	sor.u32 $0xD0000000, s2;
	s6 =	simm.s32 $0x108;
	_ =	swait.ge @!p0 [sflag:s8], $0x0  }
0x24: {  	s3 =	sadd.s32 $0x88, s3;
	s6 =	simm.s32 @!p1 $0x1082;
	[sflag:s4] =	ssyncset.s32 $0xFFFFF086  }
0x25: {  	[simem:s6], [sflag:s4] =	dma.local [hbm:s3], $0xF7A  }
0x26: {  	[smem:$0x3F8B] =	sst s1;
	(tag) =	ssettag s2;
	_ =	strace s9  }
0x27: {  	s1 =	sld [smem:$0x3F9B]  }
0x28: {  	s2 =	sld [smem:$0x3F9C]  }
0x29: {  	s4 =	sld [smem:$0x3F9E]  }
0x2a: {  	p0 =	seq.s32 s5, $0x0;
	s5 =	sld [smem:$0x3F9F]  }
0x2b: {  	s6 =	sld [smem:$0x3FA0]  }
0x2c: {  	s7 =	sld [smem:$0x3FA1]  }
0x2d: {  	s3 =	simm.s32 $0x108;
	s8 =	sld [smem:$0x3FA2]  }
0x2e: {  	s3 =	simm.s32 @!p0 $0x1082;
	s9 =	sld [smem:$0x3FA3]  }
0x2f: {  	lr =	sadd.s32 s0, s3;
	s0 =	sld [smem:$0x3F9A]  }
0x30: {  	s3 =	sld [smem:$0x3F9D]  }
0x31: {  	[smem:$0x3FA6] =	sst s10  }
0x32: {  	s10 =	sld [smem:$0x3FA4];
	_ =	sdelay $0x3  }
0x33: {  	p0 =	seq.s32 s10, $0x1;
	s10 =	sld [smem:$0x3FA6];
	_ =	sdelay $0x3  }
0x34: {  	[smem:$0x3FA6] =	sst s10  }
0x35: {  	s10 =	sld [smem:$0x3FA5];
	_ =	sdelay $0x3  }
0x36: {  	p1 =	seq.s32 s10, $0x1;
	s10 =	sld [smem:$0x3FA6];
	_ =	sdelay $0x3  }
0x37: {  	[smem:$0x3FA6] =	sst s10  }
0x38: {  	s10 =	sld [smem:$0x3FA7]  }
0x39: {  	_ = 	snop;
	(pc) =	sbr.ind lr, $3  }
0x3a: {  	_ = 	snop  }
0x3b: {  	_ = 	snop  }
0x3c: {  	p2 =	seq.s32 s10, $0x1;
	s10 =	sld [smem:$0x3FA6]  }
0x3d: {  	_ =	shalt  }
0x3e: {  	_ =	shalt  }
0x3f: {  	_ =	shalt  }
0x40: {  	_ =	shalt  }
0x41: {  	_ =	shalt  }
0x42: {  	_ =	shalt  }
0x43: {  	_ =	shalt  }
0x44: {  	_ =	shalt  }
0x45: {  	_ =	shalt  }
0x46: {  	_ =	shalt  }
0x47: {  	_ =	shalt  }
0x48: {  	_ =	shalt  }
0x49: {  	_ =	shalt  }
0x4a: {  	_ =	shalt  }
0x4b: {  	_ =	shalt  }
0x4c: {  	_ =	shalt  }
0x4d: {  	_ =	shalt  }
0x4e: {  	_ =	shalt  }
0x4f: {  	_ =	shalt  }
0x50: {  	_ =	shalt  }
0x51: {  	_ =	shalt  }
0x52: {  	_ =	shalt  }
0x53: {  	_ =	shalt  }
0x54: {  	_ =	shalt  }
0x55: {  	_ =	shalt  }
0x56: {  	_ =	shalt  }
0x57: {  	_ =	shalt  }
0x58: {  	_ =	shalt  }
0x59: {  	_ =	shalt  }
0x5a: {  	_ =	shalt  }
0x5b: {  	_ =	shalt  }
0x5c: {  	_ =	shalt  }
0x5d: {  	_ =	shalt  }
0x5e: {  	_ =	shalt  }
0x5f: {  	_ =	shalt  }
0x60: {  	_ =	shalt  }
0x61: {  	_ =	shalt  }
0x62: {  	_ =	shalt  }
0x63: {  	_ =	shalt  }
0x64: {  	_ =	shalt  }
0x65: {  	_ =	shalt  }
0x66: {  	_ =	shalt  }
0x67: {  	_ =	shalt  }
0x68: {  	_ =	shalt  }
0x69: {  	_ =	shalt  }
0x6a: {  	_ =	shalt  }
0x6b: {  	_ =	shalt  }
0x6c: {  	_ =	shalt  }
0x6d: {  	_ =	shalt  }
0x6e: {  	_ =	shalt  }
0x6f: {  	_ =	shalt  }
0x70: {  	_ =	shalt  }
0x71: {  	_ =	shalt  }
0x72: {  	_ =	shalt  }
0x73: {  	_ =	shalt  }
0x74: {  	_ =	shalt  }
0x75: {  	_ =	shalt  }
0x76: {  	_ =	shalt  }
0x77: {  	_ =	shalt  }
0x78: {  	_ =	shalt  }
0x79: {  	_ =	shalt  }
0x7a: {  	_ =	shalt  }
0x7b: {  	_ =	shalt  }
0x7c: {  	_ =	shalt  }
0x7d: {  	_ =	shalt  }
0x7e: {  	_ =	shalt  }
0x7f: {  	_ =	shalt  }
0x80: {  	_ =	shalt  }
0x81: {  	_ =	shalt  }
0x82: {  	_ =	shalt  }
0x83: {  	_ =	shalt  }
0x84: {  	_ =	shalt  }
0x85: {  	_ =	shalt  }
0x86: {  	_ =	shalt  }
0x87: {  	_ =	shalt  }
.Lfunc_end0:
.L_simem_size_0:
called_computation.3_lowered:
.L_overlay_start_0:
0x88: {  	s2 =	sld [smem:$0x3FD9]  }
0x89: {  	s3 =	sld [smem:$0x3FFE];
	_ =	sdelay $0x1  }
0x8a: {  	s1 =	srdreg.scid  }
0x8b: {  	s0 =	sand.u32 $0x1, s1  }
0x8c: {  	s14 =	sshll.u32 s0, $0xA;
	s2 =	sadd.s32 s3, s2  }
0x8d: {  	s2 =	sadd.s32 s2, s14  }
0x8e: {  	[smem:$0x3FB2] =	sst s2  }
0x8f: {  	_ = 	snop  }
0x90: {  	s2 =	sld [smem:$0x3FD0];
	_ =	sdelay $0x2  }
0x91: {  	s15 =	simm.s32 $0xA;
	s4 =	simm.s32 $0x10  }
0x92: {  	[smem:s4], [sflag:s15] =	dma.local [hbm:s2], $0x1  }
0x93: {  	_ =	swait.eq [sflag:s15], $0x1  }
0x94: {  	[sflag:s15] =	ssyncset.done $0x0  }
0x95: {  	[sflag:s15] =	ssyncadd.s32 $0xFFFFFFFF  }
0x96: {  	s16 =	sld [smem:$0x10];
	(tm) =	ssettm $0x1  }
0x97: {  	s17 =	sld [smem:$0x3FFB];
	_ =	sdelay $0x3  }
0x98: {  	_ =	strace s17  }
0x99: {  	s3 =	sld [smem:$0x3FFC];
	_ =	sdelay $0x3  }
0x9a: {  	_ =	strace s3  }
0x9b: {  	s3 =	sld [smem:$0x3FFD];
	_ =	sdelay $0x3  }
0x9c: {  	_ =	strace s3  }
0x9d: {  	_ =	strace $0x8FFFFFFF  }
0x9e: {  	s18 =	sld [smem:$0x3FDB];
	_ =	sdelay $0x1  }
0x9f: {  	s19 =	simm.s32 $_scs_section_size  }
0xa0: {  	s5 =	simm.s32 $_size__tile_overlayer_lowered;
	s6 =	simm.s32 $_tile_overlayer_lowered  }
0xa1: {  	s22 =	simm.s32 $0x1BFF;
	s21 =	sshll.u32 s6, $0x1;
	s3 =	sadd.s32 s19, s18  }
0xa2: {  	s7 =	simm.s32 $0x0;
	s20 =	sshll.u32 s5, $0x1;
	s5 =	sadd.s32 s21, s3  }
0xa3: {  	[timem:s7], [sflag:s22] =	dma.local [hbm:s5], s20  }
0xa4: {  	_ =	swait.ge [sflag:s22], s20  }
0xa5: {  	s4 =	ssub.s32 $0x0, s20;
	[sflag:s22] =	ssyncset.done $0x0  }
0xa6: {  	[sflag:s22] =	ssyncadd.s32 s4;
	_ =	sdelay $0x1  }
0xa7: {  	s23 =	simm.s32 $0x1B8B  }
0xa8: {  	_ =	swait.ge [sflag:s23], $0x1  }
0xa9: {  	[sflag:s23] =	ssyncset.done $0x0  }
0xaa: {  	s25 =	simm.s32 $0x1B8E;
	s24 =	sld [smem:$0x3FFE];
	[sflag:s23] =	ssyncadd.s32 $0xFFFFFFFF  }
0xab: {  	s26 =	simm.s32 $execute0_lowered;
	[smem:$0x3FD2] =	sst s25  }
0xac: {  	s5 =	sshll.u32 s26, $0x1;
	_ =	strace $0x8000004F;
	[dreg:$0x1] =	wrdreg $0xFFFFFFFF  }
0xad: {  	s28 =	simm.s32 $_size_execute0_lowered;
	s3 =	sadd.s32 s3, s5;
	[dreg:$0x0] =	wrdreg $0x0  }
0xae: {  	s5 =	sshll.u32 s28, $0x1;
	[dreg:$0x2] =	wrdreg s3  }
0xaf: {  	[dreg:$0x3] =	wrdreg s5  }
0xb0: {  	[dreg:$0x4] =	wrdreg $0xC0  }
0xb1: {  	_ =	task [dreg:s7], $0x5FFFF  }
0xb2: {  	[dreg:$0x1] =	wrdreg $0xFFFFFFFF  }
0xb3: {  	[dreg:$0x0] =	wrdreg $0x60  }
0xb4: {  	[dreg:$0x2] =	wrdreg s24  }
0xb5: {  	[dreg:$0x3] =	wrdreg s16  }
0xb6: {  	[dreg:$0x4] =	wrdreg $0xA8000  }
0xb7: {  	[dreg:$0x5] =	wrdreg $0x9  }
0xb8: {  	_ =	task.clear_ibuf [dreg:s7], $0x6FFFF;
	_ =	strace $0x9000004F  }
0xb9: {  	s29 =	simm.s32 $0x9;
	_ =	strace $0x80000051  }
0xba: {  	_ =	swait.ge [sflag:s29], $0x1  }
0xbb: {  	[sflag:s29] =	ssyncadd.s32 $0xFFFFFFFF  }
0xbc: {  	_ =	strace $0x90000051  }
0xbd: {  	_ =	sfence  }
0xbe: {  	s30 =	sld [smem:$0x0];
	_ =	sdelay $0x2  }
0xbf: {  	s31 =	sshll.u32 s1, $0xD;
	s1 =	sshrl.u32 s1, $0x2  }
0xc0: {  	s3 =	sand.u32 $0x4000, s31;
	s1 =	sadd.s32 s1, s30  }
0xc1: {  	s0 =	sor.u32 s3, s0;
	s1 =	sshll.u32 s1, $0x11  }
0xc2: {  	s0 =	sor.u32 s1, s0  }
0xc3: {  	s0 =	sadd.s32 $0x8F2B, s0  }
0xc4: {  	[sflag:s0] =	ssyncadd.remote.s32 $0x1  }
0xc5: {  	_ =	sfence.sel $0xFFFF  }
0xc6: {  	[dreg:$0x0] =	wrdreg $0xFFFFFFFF;
	(pc) =	sbr.abs _section_cstart, $3  }
0xc7: {  	[dreg:$0x1] =	wrdreg $0xFFFFFFFF  }
0xc8: {  	_ =	task.clear_ibuf [dreg:s7], $0x2FFFF;
	_ =	strace $0x9FFFFFFF  }
0xc9: {  	(tm) =	ssettm $0x7FFFFFFF  }
tec
execute0_lowered:
.L_overlay_start_1:
0x0: {  	(tag) =	ssettag $0x1  }
0x1: {  	s0 =	rddreg [dreg:$0x0]  }
0x2: {  	s12 =	rddreg [dreg:$0x1]  }
0x3: {  	s1 =	rddreg [dreg:$0x2];
	s3 =	simm.s32 $0x0;
	s4 =	srdreg.scid  }
0x4: {  	s2 =	stileid.u32;
	s22 =	simm.s32 $0x1400;
	s23 =	simm.s32 $0x80  }
0x5: {  	s24 =	simm.s32 $0x6800;
	s28 =	simm.s32 $0x1380;
	s29 =	simm.s32 $0x2700  }
0x6: {  	s30 =	simm.s32 $0x2780;
	[smem:$0x7FF] =	sst s3;
	s8 =	sand.u32 $0x1, s4  }
0x7: {  	s4 =	sadd.s32 $0xF200, s0;
	s6 =	smul.u32 $0x50000, s2;
	s13 =	sadd.s32 $0x5200, s0  }
0x8: {  	s0 =	sadd.s32 $0x87200, s0;
	s14 =	smul.u32 $0x14000, s2;
	_ =	strace $0x80000050  }
0x9: {  	s5 =	ssub.s32 $0x2, s8;
	s9 =	sshll.u32 s8, $0x4;
	s21 =	smul.u32 $0x140000, s8  }
0xa: {  	s7 =	sshrl.u32 s5, $0x1;
	s6 =	sshrl.u32 s6, $0x2;
	s25 =	sor.u32 s2, s9  }
0xb: {  	s15 =	sadd.s32 $0x4000, s14;
	s16 =	sadd.s32 $0x8000, s14;
	s17 =	sadd.s32 $0xC000, s14  }
0xc: {  	s18 =	sadd.s32 $0x10000, s14;
	s19 =	ssub.s32 s5, s7;
	s5 =	sadd.s32 s6, s1  }
0xd: {  	s9 =	smul.u32 $0x2800, s25;
	s6 =	sadd.s32 s15, s1;
	s7 =	sadd.s32 s16, s1  }
0xe: {  	s8 =	sadd.s32 s17, s1;
	s14 =	sadd.s32 s14, s21;
	s15 =	sadd.s32 s21, s15  }
0xf: {  	s16 =	sadd.s32 s21, s16;
	s17 =	sadd.s32 s21, s17;
	s25 =	simm.s32 $0x1  }
0x10: {  	s14 =	sshrl.u32 s14, $0x3;
	s15 =	sshrl.u32 s15, $0x3;
	s16 =	sshrl.u32 s16, $0x3  }
0x11: {  	s17 =	sshrl.u32 s17, $0x3;
	s19 =	smax.u32 s19, $0x1;
	s20 =	sshrl.u32 s9, $0x3  }
0x12: {  	s9 =	sadd.s32 s18, s1;
	s14 =	sadd.s32 s0, s14;
	s15 =	sadd.s32 s0, s15  }
0x13: {  	s18 =	sadd.s32 s21, s18;
	s16 =	sadd.s32 s0, s16;
	s17 =	sadd.s32 s0, s17  }
0x14: {  	s21 =	simm.s32 $0x3;
	s26 =	sadd.s32 s12, s20;
	s31 =	sadd.s32 s13, s20  }
0x15: {  	s20 =	sadd.s32 $0x280, s20;
	s18 =	sshrl.u32 s18, $0x3;
	[dreg:$0x4] =	wrdreg s26  }
0x16: {  	[dreg:$0x5] =	wrdreg s31;
	s12 =	sadd.s32 s12, s20;
	s13 =	sadd.s32 s13, s20  }
0x17: {  	v0 =	vimm.f32 $0.0e+00;
	s18 =	sadd.s32 s0, s18;
	s20 =	simm.s32 $0x2800;
	s26 =	simm.s32 $0x2  }
.LBB2_1:
0x18: {  	s31 =	simm.s32 $0x0;
	s0 =	simm.s32 $0x200  }
.LBB2_2:
0x19: {  	p0 =	sne.s32 s0, $0xFE00;
	[tilespmem:s31+$0x2870] =	vst v0  }
0x1a: {  	[tilespmem:s31+$0x2800] =	vst v0  }
0x1b: {  	[tilespmem:s31+$0x2810] =	vst v0  }
.Ltmp0:
0x1c: {  	[tilespmem:s31+$0x2820] =	vst v0;
	(pc) =	sbr.rel @p0 .LBB2_2-.Ltmp0, $4  }
0x1d: {  	[tilespmem:s31+$0x2830] =	vst v0  }
0x1e: {  	[tilespmem:s31+$0x2840] =	vst v0  }
0x1f: {  	[tilespmem:s31+$0x2850] =	vst v0  }
0x20: {  	[tilespmem:s31+$0x2860] =	vst v0;
	s31 =	sshra.s32 s0, $0x2;
	s0 =	sadd.s32 $0x200, s0  }
0x21: {  	[tilespmem:s31+$0x2870] =	vst v0  }
0x22: {  	[tilespmem:s31+$0x2800] =	vst v0  }
0x23: {  	[tilespmem:s31+$0x2810] =	vst v0  }
0x24: {  	[tilespmem:s31+$0x2820] =	vst v0  }
0x25: {  	[tilespmem:s31+$0x2830] =	vst v0  }
0x26: {  	[tilespmem:s31+$0x2840] =	vst v0  }
0x27: {  	[tilespmem:s31+$0x2850] =	vst v0  }
0x28: {  	[tilespmem:s31+$0x2860] =	vst v0  }
0x29: {  	[spmem:s5] =	stream.linear.scatter [tilespmem:s20], [sflag:$0x3], $0x4000, $0x38;
	[tilespmem:$0x1E800] =	vst v63  }
0x2a: {  	_ =	swait.ge [sflag:s21], $0x4000  }
0x2b: {  	[sflag:s21] =	ssyncset.done $0x0  }
0x2c: {  	[sflag:s21] =	ssyncadd.s32 $0xFFFFC000  }
0x2d: {  	[spmem:s6] =	stream.linear.scatter [tilespmem:s20], [sflag:$0x3], $0x4000, $0x38;
	[tilespmem:$0x1E800] =	vst v63  }
0x2e: {  	_ =	swait.ge [sflag:s21], $0x4000  }
0x2f: {  	[sflag:s21] =	ssyncset.done $0x0  }
0x30: {  	[sflag:s21] =	ssyncadd.s32 $0xFFFFC000  }
0x31: {  	[spmem:s7] =	stream.linear.scatter [tilespmem:s20], [sflag:$0x3], $0x4000, $0x38;
	[tilespmem:$0x1E800] =	vst v63  }
0x32: {  	_ =	swait.ge [sflag:s21], $0x4000  }
0x33: {  	[sflag:s21] =	ssyncset.done $0x0  }
0x34: {  	[sflag:s21] =	ssyncadd.s32 $0xFFFFC000  }
0x35: {  	[spmem:s8] =	stream.linear.scatter [tilespmem:s20], [sflag:$0x3], $0x4000, $0x38;
	[tilespmem:$0x1E800] =	vst v63  }
0x36: {  	_ =	swait.ge [sflag:s21], $0x4000  }
0x37: {  	[sflag:s21] =	ssyncset.done $0x0  }
0x38: {  	[sflag:s21] =	ssyncadd.s32 $0xFFFFC000  }
0x39: {  	[spmem:s9] =	stream.linear.scatter [tilespmem:s20], [sflag:$0x3], $0x4000, $0x38;
	[tilespmem:$0x1E800] =	vst v63  }
0x3a: {  	_ =	swait.ge [sflag:s21], $0x4000  }
0x3b: {  	[sflag:s21] =	ssyncset.done $0x0  }
0x3c: {  	[sflag:s21] =	ssyncadd.s32 $0xFFFFC000  }
0x3d: {  	[bflag:$0x0] =	sbarrier.arrive $0xFFFF  }
0x3e: {  	s0 =	simm.s32 $0x0;
	s2 =	rddreg [dreg:$0x4]  }
0x3f: {  	[tilespmem:s0], [sflag:$0x3] =	stream.linear.gather [hbm4b:s2+s0], $0x1400, $0x38;
	[tilespmem:$0x1E800] =	vst v63  }
0x40: {  	_ =	swait.ge [sflag:s21], $0x1400  }
0x41: {  	[sflag:s21] =	ssyncset.done $0x0  }
0x42: {  	s10 =	rddreg [dreg:$0x5];
	[sflag:s21] =	ssyncadd.s32 $0xFFFFEC00  }
0x43: {  	[tilespmem:s22], [sflag:$0x3] =	stream.linear.gather [hbm4b:s10+s0], $0x1400, $0x38;
	[tilespmem:$0x1E800] =	vst v63  }
0x44: {  	_ =	swait.ge [sflag:s21], $0x1400  }
0x45: {  	[sflag:s21] =	ssyncset.done $0x0  }
0x46: {  	[sflag:s21] =	ssyncadd.s32 $0xFFFFEC00  }
0x47: {  	[tilespmem:s20], [sflag:$0x1] =	stream.indirect.gather [hbm4b:s4+s23], $0x80, s0, s23, $0xb8;
	[tilespmem:$0x1E800] =	vst v63  }
0x48: {  	s11 =	simm.s32 $0x80  }
0x49: {  	[tilespmem:s24], [sflag:$0x2] =	stream.indirect.gather [hbm4b:s4+s23], $0x80, s11, s23, $0xb8;
	[tilespmem:$0x1E800] =	vst v63  }
0x4a: {  	_ =	swait.ge [sflag:s25], $0x4000  }
0x4b: {  	[sflag:s25] =	ssyncset.done $0x0  }
0x4c: {  	s2 =	simm.s32 $0x1400;
	[sflag:s25] =	ssyncadd.s32 $0xFFFFC000  }
0x4d: {  	[spmem:s1] =	stream.indirect.scatter.add.f32 [tilespmem:s20], [sflag:$0x3], $0x80, s2, s23, $0xb8;
	[tilespmem:$0x1E800] =	vst v63  }
0x4e: {  	_ =	swait.ge [sflag:s21], $0x4000  }
0x4f: {  	[sflag:s21] =	ssyncset.done $0x0  }
0x50: {  	s10 =	simm.s32 $0x100;
	[sflag:s21] =	ssyncadd.s32 $0xFFFFC000  }
0x51: {  	[tilespmem:s20], [sflag:$0x1] =	stream.indirect.gather [hbm4b:s4+s23], $0x80, s10, s23, $0xb8;
	[tilespmem:$0x1E800] =	vst v63  }
0x52: {  	_ =	swait.ge [sflag:s26], $0x4000  }
0x53: {  	[sflag:s26] =	ssyncset.done $0x0  }
0x54: {  	s11 =	simm.s32 $0x1480;
	[sflag:s26] =	ssyncadd.s32 $0xFFFFC000  }
0x55: {  	[spmem:s1] =	stream.indirect.scatter.add.f32 [tilespmem:s24], [sflag:$0x3], $0x80, s11, s23, $0xb8;
	[tilespmem:$0x1E800] =	vst v63  }
0x56: {  	_ =	swait.ge [sflag:s21], $0x4000  }
0x57: {  	s31 =	simm.s32 $0x100;
	s0 =	simm.s32 $0x800;
	[sflag:s21] =	ssyncset.done $0x0  }
.LBB2_4:
0x58: {  	s2 =	sadd.s32 $0x80, s31  }
0x59: {  	[sflag:s21] =	ssyncadd.s32 $0xFFFFC000;
	s10 =	smov.u32 s0;
	s11 =	sadd.s32 $0x400, s0  }
0x5a: {  	[tilespmem:s24], [sflag:$0x2] =	stream.indirect.gather [hbm4b:s4+s23], $0x80, s2, s23, $0xb8;
	[tilespmem:$0x1E800] =	vst v63  }
0x5b: {  	p0 =	sne.s32 s0, $0x4800;
	_ =	swait.ge [sflag:s25], $0x4000  }
0x5c: {  	[sflag:s25] =	ssyncset.done $0x0  }
0x5d: {  	s0 =	sadd.s32 $0x1400, s31;
	[sflag:s25] =	ssyncadd.s32 $0xFFFFC000  }
0x5e: {  	[spmem:s1] =	stream.indirect.scatter.add.f32 [tilespmem:s20], [sflag:$0x3], $0x80, s0, s23, $0xb8;
	[tilespmem:$0x1E800] =	vst v63  }
0x5f: {  	_ =	swait.ge [sflag:s21], $0x4000  }
0x60: {  	[sflag:s21] =	ssyncset.done $0x0  }
0x61: {  	s0 =	sadd.s32 $0x100, s31;
	[sflag:s21] =	ssyncadd.s32 $0xFFFFC000  }
0x62: {  	[tilespmem:s20], [sflag:$0x1] =	stream.indirect.gather [hbm4b:s4+s23], $0x80, s0, s23, $0xb8;
	[tilespmem:$0x1E800] =	vst v63  }
0x63: {  	_ =	swait.ge [sflag:s26], $0x4000  }
.Ltmp1:
0x64: {  	[sflag:s26] =	ssyncset.done $0x0;
	(pc) =	sbr.rel @p0 .LBB2_4-.Ltmp1, $4  }
0x65: {  	s0 =	sadd.s32 $0x1480, s31;
	[sflag:s26] =	ssyncadd.s32 $0xFFFFC000  }
0x66: {  	[spmem:s1] =	stream.indirect.scatter.add.f32 [tilespmem:s24], [sflag:$0x3], $0x80, s0, s23, $0xb8;
	[tilespmem:$0x1E800] =	vst v63  }
0x67: {  	_ =	swait.ge [sflag:s21], $0x4000  }
0x68: {  	s31 =	sshra.s32 s10, $0x2;
	s0 =	smov.u32 s11;
	[sflag:s21] =	ssyncset.done $0x0  }
0x69: {  	s0 =	sadd.s32 $0x80, s31;
	[sflag:s21] =	ssyncadd.s32 $0xFFFFC000  }
0x6a: {  	[tilespmem:s24], [sflag:$0x2] =	stream.indirect.gather [hbm4b:s4+s23], $0x80, s0, s23, $0xb8;
	[tilespmem:$0x1E800] =	vst v63  }
0x6b: {  	_ =	swait.ge [sflag:s25], $0x4000  }
0x6c: {  	[sflag:s25] =	ssyncset.done $0x0  }
0x6d: {  	s10 =	sadd.s32 $0x1400, s31;
	[sflag:s25] =	ssyncadd.s32 $0xFFFFC000  }
0x6e: {  	[spmem:s1] =	stream.indirect.scatter.add.f32 [tilespmem:s20], [sflag:$0x3], $0x80, s10, s23, $0xb8;
	[tilespmem:$0x1E800] =	vst v63  }
0x6f: {  	_ =	swait.ge [sflag:s21], $0x4000  }
0x70: {  	[sflag:s21] =	ssyncset.done $0x0  }
0x71: {  	s11 =	sadd.s32 $0x100, s31;
	[sflag:s21] =	ssyncadd.s32 $0xFFFFC000  }
0x72: {  	[tilespmem:s20], [sflag:$0x1] =	stream.indirect.gather [hbm4b:s4+s23], $0x80, s11, s23, $0xb8;
	[tilespmem:$0x1E800] =	vst v63  }
0x73: {  	_ =	swait.ge [sflag:s26], $0x4000  }
0x74: {  	[sflag:s26] =	ssyncset.done $0x0  }
0x75: {  	s2 =	sadd.s32 $0x1480, s31;
	[sflag:s26] =	ssyncadd.s32 $0xFFFFC000  }
0x76: {  	[spmem:s1] =	stream.indirect.scatter.add.f32 [tilespmem:s24], [sflag:$0x3], $0x80, s2, s23, $0xb8;
	[tilespmem:$0x1E800] =	vst v63  }
0x77: {  	_ =	swait.ge [sflag:s21], $0x4000  }
0x78: {  	[sflag:s21] =	ssyncset.done $0x0  }
0x79: {  	[sflag:s21] =	ssyncadd.s32 $0xFFFFC000  }
0x7a: {  	[tilespmem:s24], [sflag:$0x2] =	stream.indirect.gather [hbm4b:s4+s23], $0x80, s28, s23, $0xb8;
	[tilespmem:$0x1E800] =	vst v63  }
0x7b: {  	_ =	swait.ge [sflag:s25], $0x4000  }
0x7c: {  	[sflag:s25] =	ssyncset.done $0x0  }
0x7d: {  	[sflag:s25] =	ssyncadd.s32 $0xFFFFC000  }
0x7e: {  	[spmem:s1] =	stream.indirect.scatter.add.f32 [tilespmem:s20], [sflag:$0x3], $0x80, s29, s23, $0xb8;
	[tilespmem:$0x1E800] =	vst v63  }
0x7f: {  	_ =	swait.ge [sflag:s21], $0x4000  }
0x80: {  	[sflag:s21] =	ssyncset.done $0x0  }
0x81: {  	[sflag:s21] =	ssyncadd.s32 $0xFFFFC000  }
0x82: {  	_ =	swait.ge [sflag:s26], $0x4000  }
0x83: {  	[sflag:s26] =	ssyncset.done $0x0  }
0x84: {  	[sflag:s26] =	ssyncadd.s32 $0xFFFFC000  }
0x85: {  	[spmem:s1] =	stream.indirect.scatter.add.f32 [tilespmem:s24], [sflag:$0x3], $0x80, s30, s23, $0xb8;
	[tilespmem:$0x1E800] =	vst v63  }
0x86: {  	_ =	swait.ge [sflag:s21], $0x4000  }
0x87: {  	[sflag:s21] =	ssyncset.done $0x0  }
0x88: {  	s10 =	simm.s32 $0x0;
	[sflag:s21] =	ssyncadd.s32 $0xFFFFC000  }
0x89: {  	[tilespmem:s10], [sflag:$0x3] =	stream.linear.gather [hbm4b:s12+s10], $0x1400, $0x38;
	[tilespmem:$0x1E800] =	vst v63  }
0x8a: {  	_ =	swait.ge [sflag:s21], $0x1400  }
0x8b: {  	[sflag:s21] =	ssyncset.done $0x0  }
0x8c: {  	[sflag:s21] =	ssyncadd.s32 $0xFFFFEC00  }
0x8d: {  	[tilespmem:s22], [sflag:$0x3] =	stream.linear.gather [hbm4b:s13+s10], $0x1400, $0x38;
	[tilespmem:$0x1E800] =	vst v63  }
0x8e: {  	_ =	swait.ge [sflag:s21], $0x1400  }
0x8f: {  	[sflag:s21] =	ssyncset.done $0x0  }
0x90: {  	[sflag:s21] =	ssyncadd.s32 $0xFFFFEC00  }
0x91: {  	[tilespmem:s20], [sflag:$0x1] =	stream.indirect.gather [hbm4b:s4+s23], $0x80, s10, s23, $0xb8;
	[tilespmem:$0x1E800] =	vst v63  }
0x92: {  	s11 =	simm.s32 $0x80  }
0x93: {  	[tilespmem:s24], [sflag:$0x2] =	stream.indirect.gather [hbm4b:s4+s23], $0x80, s11, s23, $0xb8;
	[tilespmem:$0x1E800] =	vst v63  }
0x94: {  	_ =	swait.ge [sflag:s25], $0x4000  }
0x95: {  	[sflag:s25] =	ssyncset.done $0x0  }
0x96: {  	s2 =	simm.s32 $0x1400;
	[sflag:s25] =	ssyncadd.s32 $0xFFFFC000  }
0x97: {  	[spmem:s1] =	stream.indirect.scatter.add.f32 [tilespmem:s20], [sflag:$0x3], $0x80, s2, s23, $0xb8;
	[tilespmem:$0x1E800] =	vst v63  }
0x98: {  	_ =	swait.ge [sflag:s21], $0x4000  }
0x99: {  	[sflag:s21] =	ssyncset.done $0x0  }
0x9a: {  	s10 =	simm.s32 $0x100;
	[sflag:s21] =	ssyncadd.s32 $0xFFFFC000  }
0x9b: {  	[tilespmem:s20], [sflag:$0x1] =	stream.indirect.gather [hbm4b:s4+s23], $0x80, s10, s23, $0xb8;
	[tilespmem:$0x1E800] =	vst v63  }
0x9c: {  	_ =	swait.ge [sflag:s26], $0x4000  }
0x9d: {  	[sflag:s26] =	ssyncset.done $0x0  }
0x9e: {  	s11 =	simm.s32 $0x1480;
	[sflag:s26] =	ssyncadd.s32 $0xFFFFC000  }
0x9f: {  	[spmem:s1] =	stream.indirect.scatter.add.f32 [tilespmem:s24], [sflag:$0x3], $0x80, s11, s23, $0xb8;
	[tilespmem:$0x1E800] =	vst v63  }
0xa0: {  	_ =	swait.ge [sflag:s21], $0x4000  }
0xa1: {  	s31 =	simm.s32 $0x100;
	s0 =	simm.s32 $0x800;
	[sflag:s21] =	ssyncset.done $0x0  }
.LBB2_6:
0xa2: {  	s2 =	sadd.s32 $0x80, s31  }
0xa3: {  	[sflag:s21] =	ssyncadd.s32 $0xFFFFC000;
	s10 =	smov.u32 s0;
	s11 =	sadd.s32 $0x400, s0  }
0xa4: {  	[tilespmem:s24], [sflag:$0x2] =	stream.indirect.gather [hbm4b:s4+s23], $0x80, s2, s23, $0xb8;
	[tilespmem:$0x1E800] =	vst v63  }
0xa5: {  	p0 =	sne.s32 s0, $0x4800;
	_ =	swait.ge [sflag:s25], $0x4000  }
0xa6: {  	[sflag:s25] =	ssyncset.done $0x0  }
0xa7: {  	s0 =	sadd.s32 $0x1400, s31;
	[sflag:s25] =	ssyncadd.s32 $0xFFFFC000  }
0xa8: {  	[spmem:s1] =	stream.indirect.scatter.add.f32 [tilespmem:s20], [sflag:$0x3], $0x80, s0, s23, $0xb8;
	[tilespmem:$0x1E800] =	vst v63  }
0xa9: {  	_ =	swait.ge [sflag:s21], $0x4000  }
0xaa: {  	[sflag:s21] =	ssyncset.done $0x0  }
0xab: {  	s0 =	sadd.s32 $0x100, s31;
	[sflag:s21] =	ssyncadd.s32 $0xFFFFC000  }
0xac: {  	[tilespmem:s20], [sflag:$0x1] =	stream.indirect.gather [hbm4b:s4+s23], $0x80, s0, s23, $0xb8;
	[tilespmem:$0x1E800] =	vst v63  }
0xad: {  	_ =	swait.ge [sflag:s26], $0x4000  }
.Ltmp2:
0xae: {  	[sflag:s26] =	ssyncset.done $0x0;
	(pc) =	sbr.rel @p0 .LBB2_6-.Ltmp2, $4  }
0xaf: {  	s0 =	sadd.s32 $0x1480, s31;
	[sflag:s26] =	ssyncadd.s32 $0xFFFFC000  }
0xb0: {  	[spmem:s1] =	stream.indirect.scatter.add.f32 [tilespmem:s24], [sflag:$0x3], $0x80, s0, s23, $0xb8;
	[tilespmem:$0x1E800] =	vst v63  }
0xb1: {  	_ =	swait.ge [sflag:s21], $0x4000  }
0xb2: {  	s31 =	sshra.s32 s10, $0x2;
	s0 =	smov.u32 s11;
	[sflag:s21] =	ssyncset.done $0x0  }
0xb3: {  	s0 =	sadd.s32 $0x80, s31;
	[sflag:s21] =	ssyncadd.s32 $0xFFFFC000  }
0xb4: {  	[tilespmem:s24], [sflag:$0x2] =	stream.indirect.gather [hbm4b:s4+s23], $0x80, s0, s23, $0xb8;
	[tilespmem:$0x1E800] =	vst v63  }
0xb5: {  	_ =	swait.ge [sflag:s25], $0x4000  }
0xb6: {  	[sflag:s25] =	ssyncset.done $0x0  }
0xb7: {  	s11 =	sadd.s32 $0x1400, s31;
	[sflag:s25] =	ssyncadd.s32 $0xFFFFC000  }
0xb8: {  	[spmem:s1] =	stream.indirect.scatter.add.f32 [tilespmem:s20], [sflag:$0x3], $0x80, s11, s23, $0xb8;
	[tilespmem:$0x1E800] =	vst v63  }
0xb9: {  	_ =	swait.ge [sflag:s21], $0x4000  }
0xba: {  	[sflag:s21] =	ssyncset.done $0x0  }
0xbb: {  	s2 =	sadd.s32 $0x100, s31;
	[sflag:s21] =	ssyncadd.s32 $0xFFFFC000  }
0xbc: {  	[tilespmem:s20], [sflag:$0x1] =	stream.indirect.gather [hbm4b:s4+s23], $0x80, s2, s23, $0xb8;
	[tilespmem:$0x1E800] =	vst v63  }
0xbd: {  	_ =	swait.ge [sflag:s26], $0x4000  }
0xbe: {  	[sflag:s26] =	ssyncset.done $0x0  }
0xbf: {  	s10 =	sadd.s32 $0x1480, s31;
	[sflag:s26] =	ssyncadd.s32 $0xFFFFC000  }
0xc0: {  	[spmem:s1] =	stream.indirect.scatter.add.f32 [tilespmem:s24], [sflag:$0x3], $0x80, s10, s23, $0xb8;
	[tilespmem:$0x1E800] =	vst v63  }
0xc1: {  	_ =	swait.ge [sflag:s21], $0x4000  }
0xc2: {  	[sflag:s21] =	ssyncset.done $0x0  }
0xc3: {  	[sflag:s21] =	ssyncadd.s32 $0xFFFFC000  }
0xc4: {  	[tilespmem:s24], [sflag:$0x2] =	stream.indirect.gather [hbm4b:s4+s23], $0x80, s28, s23, $0xb8;
	[tilespmem:$0x1E800] =	vst v63  }
0xc5: {  	_ =	swait.ge [sflag:s25], $0x4000  }
0xc6: {  	[sflag:s25] =	ssyncset.done $0x0  }
0xc7: {  	[sflag:s25] =	ssyncadd.s32 $0xFFFFC000  }
0xc8: {  	[spmem:s1] =	stream.indirect.scatter.add.f32 [tilespmem:s20], [sflag:$0x3], $0x80, s29, s23, $0xb8;
	[tilespmem:$0x1E800] =	vst v63  }
0xc9: {  	_ =	swait.ge [sflag:s21], $0x4000  }
0xca: {  	[sflag:s21] =	ssyncset.done $0x0  }
0xcb: {  	[sflag:s21] =	ssyncadd.s32 $0xFFFFC000  }
0xcc: {  	_ =	swait.ge [sflag:s26], $0x4000  }
0xcd: {  	[sflag:s26] =	ssyncset.done $0x0  }
0xce: {  	[sflag:s26] =	ssyncadd.s32 $0xFFFFC000  }
0xcf: {  	[spmem:s1] =	stream.indirect.scatter.add.f32 [tilespmem:s24], [sflag:$0x3], $0x80, s30, s23, $0xb8;
	[tilespmem:$0x1E800] =	vst v63  }
0xd0: {  	_ =	swait.ge [sflag:s21], $0x4000  }
0xd1: {  	s11 =	stileid.u32;
	[sflag:s21] =	ssyncset.done $0x0  }
0xd2: {  	s0 =	sshll.u32 s11, $0x6;
	[sflag:s21] =	ssyncadd.s32 $0xFFFFC000  }
0xd3: {  	s0 =	sor.u32 $0x1C03, s0;
	s2 =	sshrl.u32 s5, $0x3;
	[bflag:$0x0] =	sbarrier.arrive $0xFFFF  }
0xd4: {  	[hbm:s14], [sflag:s0] =	dma.local [spmem:s2], $0x800  }
0xd5: {  	_ =	swait.ge [sflag:s21], $0x800  }
0xd6: {  	[sflag:s21] =	ssyncset.done $0x0  }
0xd7: {  	s31 =	sshrl.u32 s6, $0x3;
	[sflag:s21] =	ssyncadd.s32 $0xFFFFF800  }
0xd8: {  	[hbm:s15], [sflag:s0] =	dma.local [spmem:s31], $0x800  }
0xd9: {  	_ =	swait.ge [sflag:s21], $0x800  }
0xda: {  	[sflag:s21] =	ssyncset.done $0x0  }
0xdb: {  	s10 =	sshrl.u32 s7, $0x3;
	[sflag:s21] =	ssyncadd.s32 $0xFFFFF800  }
0xdc: {  	[hbm:s16], [sflag:s0] =	dma.local [spmem:s10], $0x800  }
0xdd: {  	_ =	swait.ge [sflag:s21], $0x800  }
0xde: {  	[sflag:s21] =	ssyncset.done $0x0  }
0xdf: {  	s11 =	sshrl.u32 s8, $0x3;
	[sflag:s21] =	ssyncadd.s32 $0xFFFFF800  }
0xe0: {  	[hbm:s17], [sflag:s0] =	dma.local [spmem:s11], $0x800  }
0xe1: {  	s3 =	sadd.s32 $0x1, s3;
	_ =	swait.ge [sflag:s21], $0x800  }
0xe2: {  	p0 =	sne.s32 s3, s19;
	[sflag:s21] =	ssyncset.done $0x0  }
.Ltmp3:
0xe3: {  	s31 =	sshrl.u32 s9, $0x3;
	[sflag:s21] =	ssyncadd.s32 $0xFFFFF800;
	(pc) =	sbr.rel @p0 .LBB2_1-.Ltmp3, $4  }
0xe4: {  	[hbm:s18], [sflag:s0] =	dma.local [spmem:s31], $0x800  }
0xe5: {  	_ =	swait.ge [sflag:s21], $0x800  }
0xe6: {  	[sflag:s21] =	ssyncset.done $0x0  }
0xe7: {  	[sflag:s21] =	ssyncadd.s32 $0xFFFFF800  }
0xe8: {  	_ =	sfence.sel $0x180000  }
0xe9: {  	[bflag:$0x0] =	sbarrier.arrive $0xFFFF  }
0xea: {  	_ =	strace $0x90000050  }
0xeb: {  	s0 =	stileid.u32;
	[bflag:$0x2] =	sbarrier.arrive $0xFFFF  }
0xec: {  	p0 =	sne.s32 s0, $0x0;
	s0 =	rddreg [dreg:$0x3]  }
0xed: {  	s0 =	sadd.s32 @!p0 $0x100000, s0  }
0xee: {  	[sflag:s0] =	ssyncadd.tile.s32 @!p0 $0x1;
	_ =	shalt  }
.Lfunc_end2:
_tile_overlayer_lowered:
.L_overlay_start_2:
0xef: {  	(tag) =	ssettag $0x2  }
0xf0: {  	s0 =	rddreg [dreg:$0x0];
	s2 =	stileid.u32  }
0xf1: {  	s1 =	rddreg [dreg:$0x1];
	p0 =	sne.s32 s2, $0x0  }
0xf2: {  	s3 =	rddreg [dreg:$0x2];
	[bflag:$0x3] =	sbarrier.arrive $0xFFFF;
	s2 =	simm.s32 @!p0 $0x1C03  }
0xf3: {  	[timem:s3], [sflag:s2] =	dma.local @!p0 [hbm:s0], s1  }
0xf4: {  	s0 =	simm.s32 @!p0 $0x3  }
0xf5: {  	_ =	swait.ge @!p0 [sflag:s0], s1  }
0xf6: {  	s1 =	ssub.s32 @!p0 $0x0, s1;
	[sflag:s0] =	ssyncset.done @!p0 $0x0  }
0xf7: {  	[sflag:s0] =	ssyncadd.s32 @!p0 s1  }
0xf8: {  	[bflag:$0x3] =	sbarrier.arrive $0xFFFF  }
0xf9: {  	_ =	shalt  }

</sc_bundles>
